<compile_context>
chip_gen: v7x
topology: tpu7x:2x2x1
jax: 0.10.2.dev20260603
libtpu: 0.0.44.dev20260713+nightly
codegen_flags: <defaults>
</compile_context>

<pallas_src>
import functools

import jax
import jax.numpy as jnp
from jax import lax
from jax.experimental import pallas as pl
from jax.experimental.pallas import tpu as pltpu
from jax.experimental.pallas import tpu_sc as plsc

NW = 32
C = 80
LANES = 16


def _sc_scores(table, idx_u, idx_v, n_chunks, per_worker, total_edges):
    D = table.shape[1]
    mesh = plsc.VectorSubcoreMesh(core_axis_name="c", subcore_axis_name="s")

    @functools.partial(
        pl.kernel,
        out_type=jax.ShapeDtypeStruct((total_edges,), jnp.float32),
        mesh=mesh,
        scratch_types=[
            pltpu.VMEM((n_chunks, C), jnp.int32),
            pltpu.VMEM((n_chunks, C), jnp.int32),
            pltpu.VMEM((C, D), jnp.float32),
            pltpu.VMEM((C, D), jnp.float32),
            pltpu.VMEM((C, D), jnp.float32),
            pltpu.VMEM((C, D), jnp.float32),
            pltpu.VMEM((per_worker,), jnp.float32),
            pltpu.SemaphoreType.DMA,
            pltpu.SemaphoreType.DMA,
            pltpu.SemaphoreType.DMA,
            pltpu.SemaphoreType.DMA,
        ],
    )
    def k(table_hbm, iu_hbm, iv_hbm, out_hbm,
          iu, iv, ub0, vb0, ub1, vb1, scores, su0, sv0, su1, sv1):
        wid = lax.axis_index("s") * 2 + lax.axis_index("c")
        bufs = ((ub0, vb0, su0, sv0), (ub1, vb1, su1, sv1))

        pltpu.sync_copy(iu_hbm.at[wid], iu)
        pltpu.sync_copy(iv_hbm.at[wid], iv)

        def fire(b, j):
            ub, vb, su, sv = bufs[b]
            pltpu.async_copy(table_hbm.at[iu.at[j]], ub, su)
            pltpu.async_copy(table_hbm.at[iv.at[j]], vb, sv)

        def wait(b, j):
            ub, vb, su, sv = bufs[b]
            pltpu.make_async_copy(table_hbm.at[iu.at[j]], ub, su).wait()
            pltpu.make_async_copy(table_hbm.at[iv.at[j]], vb, sv).wait()

        fire(0, 0)
        fire(1, 1)

        lane = lax.iota(jnp.int32, LANES)
        idx_even = (2 * lane) & (LANES - 1)
        idx_odd = (2 * lane + 1) & (LANES - 1)
        low_half = lane < (LANES // 2)

        def gtr(x, idx):
            return x.at[idx].get(mode="promise_in_bounds")

        def hadd(a, b):
            sa = gtr(a, idx_even) + gtr(a, idx_odd)
            sb = gtr(b, idx_even) + gtr(b, idx_odd)
            return jnp.where(low_half, sa, sb)

        def chunk_body(i, carry):
            j0 = 2 * i
            for b in range(2):
                j = j0 + b
                ub, vb = bufs[b][0], bufs[b][1]
                wait(b, j)

                def group_body(g, c2):
                    ps = []
                    for el in range(LANES):
                        e = g * LANES + el
                        acc = ub[e, pl.ds(0, LANES)] * vb[e, pl.ds(0, LANES)]
                        for d in range(1, D // LANES):
                            acc = acc + (ub[e, pl.ds(d * LANES, LANES)]
                                         * vb[e, pl.ds(d * LANES, LANES)])
                        ps.append(acc)
                    while len(ps) > 1:
                        ps = [hadd(ps[k], ps[k + 1]) for k in range(0, len(ps), 2)]
                    scores[pl.ds(j * C + g * LANES, LANES)] = ps[0]
                    return c2

                lax.fori_loop(0, C // LANES, group_body, 0)

                @pl.when(j + 2 < n_chunks)
                def _():
                    fire(b, j + 2)
            return carry

        lax.fori_loop(0, n_chunks // 2, chunk_body, 0)
        pltpu.sync_copy(scores, out_hbm.at[pl.ds(wid * per_worker, per_worker)])

    return k(table, idx_u, idx_v)


def _tc_loss(scores2d, n_edges):
    pos_rows = scores2d.shape[0] // 2

    def body(s_ref, out_ref):
        s = s_ref[...]
        row = lax.broadcasted_iota(jnp.int32, s.shape, 0)
        pos_m = row < pos_rows
        t = jnp.where(pos_m, s, -s)
        ls = jnp.minimum(t, 0.0) - jnp.log1p(jnp.exp(-jnp.abs(t)))
        pos_loss = -jnp.sum(jnp.where(pos_m, ls, 0.0)) / n_edges
        neg_loss = -jnp.sum(jnp.where(pos_m, 0.0, ls)) / n_edges
        out_ref[0] = pos_loss + neg_loss
        out_ref[1] = pos_loss
        out_ref[2] = neg_loss

    return pl.pallas_call(
        body,
        out_shape=jax.ShapeDtypeStruct((3,), jnp.float32),
        in_specs=[pl.BlockSpec(memory_space=pltpu.VMEM)],
        out_specs=pl.BlockSpec(memory_space=pltpu.SMEM),
    )(scores2d)


def kernel(block_outputs, pos_edge_index, neg_edge_index):
    E = pos_edge_index.shape[1]
    total = 2 * E
    per_worker = total // NW
    n_chunks = per_worker // C

    idx_u = jnp.concatenate(
        [pos_edge_index[0], neg_edge_index[0]]).reshape(NW, n_chunks, C)
    idx_v = jnp.concatenate(
        [pos_edge_index[1], neg_edge_index[1]]).reshape(NW, n_chunks, C)

    scores = _sc_scores(block_outputs, idx_u, idx_v, n_chunks, per_worker, total)
    out3 = _tc_loss(scores.reshape(-1, 128), E)
    return (out3[0], out3[1], out3[2])

# --- scband reference (transcript-rebuilt; emitter-appended) ---
"""Pipeline reference for scband-cross-entropy-loss-120259084828 (READ-ONLY COPY).

The authoritative reference and input builder live on the scoring server;
editing this copy changes nothing except your own understanding.
"""

import jax, jax.numpy as jnp
import numpy as np

N_NODES = 10000
D_FEAT = 128
N_EDGES = 320000


def setup_inputs(seed: int = 0) -> dict:
    key = jax.random.key(seed)
    k1, k2, k3 = jax.random.split(key, 3)
    block_outputs = jax.random.normal(k1, (N_NODES, D_FEAT), dtype=jnp.float32)
    pos_edge_index = jax.random.randint(k2, (2, N_EDGES), 0, N_NODES, dtype=jnp.int32)
    neg_edge_index = jax.random.randint(k3, (2, N_EDGES), 0, N_NODES, dtype=jnp.int32)
    return {
        "block_outputs": block_outputs,
        "pos_edge_index": pos_edge_index,
        "neg_edge_index": neg_edge_index,
    }


def reference(block_outputs, pos_edge_index, neg_edge_index):
    # DGL apply_edges(fn.u_mul_v('h','h','score')): per-edge elementwise product of
    # source and destination node embeddings -> edge score tensor [E, d].
    pos_u = jnp.take(block_outputs, pos_edge_index[0], axis=0)
    pos_v = jnp.take(block_outputs, pos_edge_index[1], axis=0)
    pos_score = jnp.sum(pos_u * pos_v, axis=-1)

    neg_u = jnp.take(block_outputs, neg_edge_index[0], axis=0)
    neg_v = jnp.take(block_outputs, neg_edge_index[1], axis=0)
    neg_score = jnp.sum(neg_u * neg_v, axis=-1)

    pos_loss = -jnp.mean(jax.nn.log_sigmoid(pos_score))
    neg_loss = -jnp.mean(jax.nn.log_sigmoid(-neg_score))
    loss = pos_loss + neg_loss
    return (loss, pos_loss, neg_loss)

if __name__ == "__main__":
    import jax
    _d = setup_inputs()
    print(jax.jit(kernel)(*tuple(_d.values())))

</pallas_src>

<mosaic_0001>
#map = affine_map<(d0, d1) -> (0, 0)>
#map1 = affine_map<(d0, d1) -> (0, 0, 0)>
#map2 = affine_map<(d0, d1) -> (0)>
module attributes {stable_mosaic.version = 14 : i64} {
  func.func @k(%arg0: i32, %arg1: i32, %arg2: memref<10000x128xf32, #tpu.memory_space<hbm>>, %arg3: memref<32x250x80xi32, #tpu.memory_space<hbm>>, %arg4: memref<32x250x80xi32, #tpu.memory_space<hbm>>, %arg5: memref<640000xf32, #tpu.memory_space<hbm>>, %arg6: memref<250x80xi32, #tpu.memory_space<vmem>>, %arg7: memref<250x80xi32, #tpu.memory_space<vmem>>, %arg8: memref<80x128xf32, #tpu.memory_space<vmem>>, %arg9: memref<80x128xf32, #tpu.memory_space<vmem>>, %arg10: memref<80x128xf32, #tpu.memory_space<vmem>>, %arg11: memref<80x128xf32, #tpu.memory_space<vmem>>, %arg12: memref<20000xf32, #tpu.memory_space<vmem>>, %arg13: memref<!tpu.dma_semaphore, #tpu.memory_space<semaphore_mem>>, %arg14: memref<!tpu.dma_semaphore, #tpu.memory_space<semaphore_mem>>, %arg15: memref<!tpu.dma_semaphore, #tpu.memory_space<semaphore_mem>>, %arg16: memref<!tpu.dma_semaphore, #tpu.memory_space<semaphore_mem>>) attributes {dimension_semantics = [#tpu.dimension_semantics<core_parallel>, #tpu.dimension_semantics<subcore_parallel>], iteration_bounds = array<i64: 2, 16>, scalar_prefetch = 0 : i64, scratch_operands = 11 : i64, tpu.core_type = #tpu.core_type<sc_vector_subcore>, window_params = [{transform_indices = #map}, {transform_indices = #map1}, {transform_indices = #map1}, {transform_indices = #map2}]} {
    %mul3A = arith.constant 2 : i32
    %mul3A_0 = arith.muli %arg1, %mul3A : i32
    %add3A = arith.addi %mul3A_0, %arg0 : i32
    "tpu.region"() ({
      %run_scoped3A = tpu.sem_alloc : memref<!tpu.dma_semaphore, #tpu.memory_space<semaphore_mem>>
      %dma_start3A_51 = arith.constant 0 : i32
      %dma_start3A_52 = arith.constant 0 : i32
      %dma_start3A_53 = tpu.memref_slice %arg3[%add3A, %dma_start3A_51, %dma_start3A_52] : memref<32x250x80xi32, #tpu.memory_space<hbm>> -> memref<1x250x80xi32, #tpu.memory_space<hbm>>
      %dma_start3A_54 = tpu.memref_squeeze %dma_start3A_53 : memref<1x250x80xi32, #tpu.memory_space<hbm>> -> memref<250x80xi32, #tpu.memory_space<hbm>>
      %dma_start3A_55 = arith.constant 0 : i32
      %dma_start3A_56 = arith.constant 0 : i32
      %dma_start3A_57 = tpu.memref_slice %arg3[%add3A, %dma_start3A_55, %dma_start3A_56] : memref<32x250x80xi32, #tpu.memory_space<hbm>> -> memref<1x250x80xi32, #tpu.memory_space<hbm>>
      %dma_start3A_58 = tpu.memref_squeeze %dma_start3A_57 : memref<1x250x80xi32, #tpu.memory_space<hbm>> -> memref<250x80xi32, #tpu.memory_space<hbm>>
      tpu.enqueue_dma source(%dma_start3A_58 : memref<250x80xi32, #tpu.memory_space<hbm>>) target(%arg6 : memref<250x80xi32, #tpu.memory_space<vmem>>) target_semaphore(%run_scoped3A : memref<!tpu.dma_semaphore, #tpu.memory_space<semaphore_mem>>)
      %dma_wait3A = arith.constant 0 : i32
      %dma_wait3A_59 = arith.constant 0 : i32
      %dma_wait3A_60 = tpu.memref_slice %arg3[%add3A, %dma_wait3A, %dma_wait3A_59] : memref<32x250x80xi32, #tpu.memory_space<hbm>> -> memref<1x250x80xi32, #tpu.memory_space<hbm>>
      %dma_wait3A_61 = tpu.memref_squeeze %dma_wait3A_60 : memref<1x250x80xi32, #tpu.memory_space<hbm>> -> memref<250x80xi32, #tpu.memory_space<hbm>>
      %dma_wait3A_62 = arith.constant 0 : i32
      %dma_wait3A_63 = arith.constant 0 : i32
      %dma_wait3A_64 = tpu.memref_slice %arg3[%add3A, %dma_wait3A_62, %dma_wait3A_63] : memref<32x250x80xi32, #tpu.memory_space<hbm>> -> memref<1x250x80xi32, #tpu.memory_space<hbm>>
      %dma_wait3A_65 = tpu.memref_squeeze %dma_wait3A_64 : memref<1x250x80xi32, #tpu.memory_space<hbm>> -> memref<250x80xi32, #tpu.memory_space<hbm>>
      tpu.wait_dma2 semaphore(%run_scoped3A : memref<!tpu.dma_semaphore, #tpu.memory_space<semaphore_mem>>) src(%dma_wait3A_65 : memref<250x80xi32, #tpu.memory_space<hbm>>) dst(%arg6 : memref<250x80xi32, #tpu.memory_space<vmem>>)
      tpu.yield
    }) : () -> ()
    "tpu.region"() ({
      %run_scoped3A = tpu.sem_alloc : memref<!tpu.dma_semaphore, #tpu.memory_space<semaphore_mem>>
      %dma_start3A_51 = arith.constant 0 : i32
      %dma_start3A_52 = arith.constant 0 : i32
      %dma_start3A_53 = tpu.memref_slice %arg4[%add3A, %dma_start3A_51, %dma_start3A_52] : memref<32x250x80xi32, #tpu.memory_space<hbm>> -> memref<1x250x80xi32, #tpu.memory_space<hbm>>
      %dma_start3A_54 = tpu.memref_squeeze %dma_start3A_53 : memref<1x250x80xi32, #tpu.memory_space<hbm>> -> memref<250x80xi32, #tpu.memory_space<hbm>>
      %dma_start3A_55 = arith.constant 0 : i32
      %dma_start3A_56 = arith.constant 0 : i32
      %dma_start3A_57 = tpu.memref_slice %arg4[%add3A, %dma_start3A_55, %dma_start3A_56] : memref<32x250x80xi32, #tpu.memory_space<hbm>> -> memref<1x250x80xi32, #tpu.memory_space<hbm>>
      %dma_start3A_58 = tpu.memref_squeeze %dma_start3A_57 : memref<1x250x80xi32, #tpu.memory_space<hbm>> -> memref<250x80xi32, #tpu.memory_space<hbm>>
      tpu.enqueue_dma source(%dma_start3A_58 : memref<250x80xi32, #tpu.memory_space<hbm>>) target(%arg7 : memref<250x80xi32, #tpu.memory_space<vmem>>) target_semaphore(%run_scoped3A : memref<!tpu.dma_semaphore, #tpu.memory_space<semaphore_mem>>)
      %dma_wait3A = arith.constant 0 : i32
      %dma_wait3A_59 = arith.constant 0 : i32
      %dma_wait3A_60 = tpu.memref_slice %arg4[%add3A, %dma_wait3A, %dma_wait3A_59] : memref<32x250x80xi32, #tpu.memory_space<hbm>> -> memref<1x250x80xi32, #tpu.memory_space<hbm>>
      %dma_wait3A_61 = tpu.memref_squeeze %dma_wait3A_60 : memref<1x250x80xi32, #tpu.memory_space<hbm>> -> memref<250x80xi32, #tpu.memory_space<hbm>>
      %dma_wait3A_62 = arith.constant 0 : i32
      %dma_wait3A_63 = arith.constant 0 : i32
      %dma_wait3A_64 = tpu.memref_slice %arg4[%add3A, %dma_wait3A_62, %dma_wait3A_63] : memref<32x250x80xi32, #tpu.memory_space<hbm>> -> memref<1x250x80xi32, #tpu.memory_space<hbm>>
      %dma_wait3A_65 = tpu.memref_squeeze %dma_wait3A_64 : memref<1x250x80xi32, #tpu.memory_space<hbm>> -> memref<250x80xi32, #tpu.memory_space<hbm>>
      tpu.wait_dma2 semaphore(%run_scoped3A : memref<!tpu.dma_semaphore, #tpu.memory_space<semaphore_mem>>) src(%dma_wait3A_65 : memref<250x80xi32, #tpu.memory_space<hbm>>) dst(%arg7 : memref<250x80xi32, #tpu.memory_space<vmem>>)
      tpu.yield
    }) : () -> ()
    %dma_start3A = arith.constant 0 : i32
    %dma_start3A_1 = arith.constant 0 : i32
    %dma_start3A_2 = tpu.memref_slice %arg6[%dma_start3A, %dma_start3A_1] : memref<250x80xi32, #tpu.memory_space<vmem>> -> memref<1x80xi32, #tpu.memory_space<vmem>>
    %dma_start3A_3 = tpu.memref_squeeze %dma_start3A_2 : memref<1x80xi32, #tpu.memory_space<vmem>> -> memref<80xi32, #tpu.memory_space<vmem>>
    %dma_start3A_4 = arith.constant 0 : i32
    %dma_start3A_5 = arith.constant 0 : i32
    %dma_start3A_6 = tpu.memref_slice %arg2[%dma_start3A_4, %dma_start3A_5] : memref<10000x128xf32, #tpu.memory_space<hbm>> -> memref<10000x128xf32, #tpu.memory_space<hbm>>
    tpu.enqueue_indirect_dma source(%dma_start3A_6 : memref<10000x128xf32, #tpu.memory_space<hbm>>) target(%arg8 : memref<80x128xf32, #tpu.memory_space<vmem>>) offsets(%dma_start3A_3 : memref<80xi32, #tpu.memory_space<vmem>>) semaphore(%arg13 : memref<!tpu.dma_semaphore, #tpu.memory_space<semaphore_mem>>)
    %dma_start3A_7 = arith.constant 0 : i32
    %dma_start3A_8 = arith.constant 0 : i32
    %dma_start3A_9 = tpu.memref_slice %arg7[%dma_start3A_7, %dma_start3A_8] : memref<250x80xi32, #tpu.memory_space<vmem>> -> memref<1x80xi32, #tpu.memory_space<vmem>>
    %dma_start3A_10 = tpu.memref_squeeze %dma_start3A_9 : memref<1x80xi32, #tpu.memory_space<vmem>> -> memref<80xi32, #tpu.memory_space<vmem>>
    %dma_start3A_11 = arith.constant 0 : i32
    %dma_start3A_12 = arith.constant 0 : i32
    %dma_start3A_13 = tpu.memref_slice %arg2[%dma_start3A_11, %dma_start3A_12] : memref<10000x128xf32, #tpu.memory_space<hbm>> -> memref<10000x128xf32, #tpu.memory_space<hbm>>
    tpu.enqueue_indirect_dma source(%dma_start3A_13 : memref<10000x128xf32, #tpu.memory_space<hbm>>) target(%arg9 : memref<80x128xf32, #tpu.memory_space<vmem>>) offsets(%dma_start3A_10 : memref<80xi32, #tpu.memory_space<vmem>>) semaphore(%arg14 : memref<!tpu.dma_semaphore, #tpu.memory_space<semaphore_mem>>)
    %dma_start3A_14 = arith.constant 1 : i32
    %dma_start3A_15 = arith.constant 0 : i32
    %dma_start3A_16 = tpu.memref_slice %arg6[%dma_start3A_14, %dma_start3A_15] : memref<250x80xi32, #tpu.memory_space<vmem>> -> memref<1x80xi32, #tpu.memory_space<vmem>>
    %dma_start3A_17 = tpu.memref_squeeze %dma_start3A_16 : memref<1x80xi32, #tpu.memory_space<vmem>> -> memref<80xi32, #tpu.memory_space<vmem>>
    %dma_start3A_18 = arith.constant 0 : i32
    %dma_start3A_19 = arith.constant 0 : i32
    %dma_start3A_20 = tpu.memref_slice %arg2[%dma_start3A_18, %dma_start3A_19] : memref<10000x128xf32, #tpu.memory_space<hbm>> -> memref<10000x128xf32, #tpu.memory_space<hbm>>
    tpu.enqueue_indirect_dma source(%dma_start3A_20 : memref<10000x128xf32, #tpu.memory_space<hbm>>) target(%arg10 : memref<80x128xf32, #tpu.memory_space<vmem>>) offsets(%dma_start3A_17 : memref<80xi32, #tpu.memory_space<vmem>>) semaphore(%arg15 : memref<!tpu.dma_semaphore, #tpu.memory_space<semaphore_mem>>)
    %dma_start3A_21 = arith.constant 1 : i32
    %dma_start3A_22 = arith.constant 0 : i32
    %dma_start3A_23 = tpu.memref_slice %arg7[%dma_start3A_21, %dma_start3A_22] : memref<250x80xi32, #tpu.memory_space<vmem>> -> memref<1x80xi32, #tpu.memory_space<vmem>>
    %dma_start3A_24 = tpu.memref_squeeze %dma_start3A_23 : memref<1x80xi32, #tpu.memory_space<vmem>> -> memref<80xi32, #tpu.memory_space<vmem>>
    %dma_start3A_25 = arith.constant 0 : i32
    %dma_start3A_26 = arith.constant 0 : i32
    %dma_start3A_27 = tpu.memref_slice %arg2[%dma_start3A_25, %dma_start3A_26] : memref<10000x128xf32, #tpu.memory_space<hbm>> -> memref<10000x128xf32, #tpu.memory_space<hbm>>
    tpu.enqueue_indirect_dma source(%dma_start3A_27 : memref<10000x128xf32, #tpu.memory_space<hbm>>) target(%arg11 : memref<80x128xf32, #tpu.memory_space<vmem>>) offsets(%dma_start3A_24 : memref<80xi32, #tpu.memory_space<vmem>>) semaphore(%arg16 : memref<!tpu.dma_semaphore, #tpu.memory_space<semaphore_mem>>)
    %iota3A = tpu.iota {dimensions = array<i32: 0>} : vector<16xi32>
    %mul3A_28 = arith.constant 2 : i32
    %mul3A_29 = vector.broadcast %mul3A_28 : i32 to vector<16xi32>
    %mul3A_30 = arith.muli %mul3A_29, %iota3A : vector<16xi32>
    %and3A = arith.constant 15 : i32
    %and3A_31 = vector.broadcast %and3A : i32 to vector<16xi32>
    %and3A_32 = arith.andi %mul3A_30, %and3A_31 : vector<16xi32>
    %mul3A_33 = arith.constant 2 : i32
    %mul3A_34 = vector.broadcast %mul3A_33 : i32 to vector<16xi32>
    %mul3A_35 = arith.muli %mul3A_34, %iota3A : vector<16xi32>
    %add3A_36 = arith.constant 1 : i32
    %add3A_37 = vector.broadcast %add3A_36 : i32 to vector<16xi32>
    %add3A_38 = arith.addi %mul3A_35, %add3A_37 : vector<16xi32>
    %and3A_39 = arith.constant 15 : i32
    %and3A_40 = vector.broadcast %and3A_39 : i32 to vector<16xi32>
    %and3A_41 = arith.andi %add3A_38, %and3A_40 : vector<16xi32>
    %lt3A = arith.constant 8 : i32
    %lt3A_42 = vector.broadcast %lt3A : i32 to vector<16xi32>
    %lt3A_43 = arith.cmpi slt, %iota3A, %lt3A_42 : vector<16xi32>
    %scan3A = arith.constant 0 : i32
    %scan3A_44 = arith.constant 0 : i32
    %scan3A_45 = arith.constant 125 : i32
    %scan3A_46 = arith.addi %scan3A_44, %scan3A_45 : i32
    %scan3A_47 = arith.constant 1 : i32
    scf.for %scan3A_51 = %scan3A_44 to %scan3A_46 step %scan3A_47  : i32 {
      %mul3A_52 = arith.constant 2 : i32
      %mul3A_53 = arith.muli %mul3A_52, %scan3A_51 : i32
      %add3A_54 = arith.constant 0 : i32
      %add3A_55 = arith.addi %mul3A_53, %add3A_54 : i32
      %dma_wait3A = arith.constant 0 : i32
      %dma_wait3A_56 = tpu.memref_slice %arg6[%add3A_55, %dma_wait3A] : memref<250x80xi32, #tpu.memory_space<vmem>> -> memref<1x80xi32, #tpu.memory_space<vmem>>
      %dma_wait3A_57 = tpu.memref_squeeze %dma_wait3A_56 : memref<1x80xi32, #tpu.memory_space<vmem>> -> memref<80xi32, #tpu.memory_space<vmem>>
      %dma_wait3A_58 = arith.constant 0 : i32
      %dma_wait3A_59 = arith.constant 0 : i32
      %dma_wait3A_60 = tpu.memref_slice %arg2[%dma_wait3A_58, %dma_wait3A_59] : memref<10000x128xf32, #tpu.memory_space<hbm>> -> memref<10000x128xf32, #tpu.memory_space<hbm>>
      tpu.wait_indirect_dma semaphore(%arg13 : memref<!tpu.dma_semaphore, #tpu.memory_space<semaphore_mem>>) src(%dma_wait3A_60 : memref<10000x128xf32, #tpu.memory_space<hbm>>) dst(%arg8 : memref<80x128xf32, #tpu.memory_space<vmem>>)
      %dma_wait3A_61 = arith.constant 0 : i32
      %dma_wait3A_62 = tpu.memref_slice %arg7[%add3A_55, %dma_wait3A_61] : memref<250x80xi32, #tpu.memory_space<vmem>> -> memref<1x80xi32, #tpu.memory_space<vmem>>
      %dma_wait3A_63 = tpu.memref_squeeze %dma_wait3A_62 : memref<1x80xi32, #tpu.memory_space<vmem>> -> memref<80xi32, #tpu.memory_space<vmem>>
      %dma_wait3A_64 = arith.constant 0 : i32
      %dma_wait3A_65 = arith.constant 0 : i32
      %dma_wait3A_66 = tpu.memref_slice %arg2[%dma_wait3A_64, %dma_wait3A_65] : memref<10000x128xf32, #tpu.memory_space<hbm>> -> memref<10000x128xf32, #tpu.memory_space<hbm>>
      tpu.wait_indirect_dma semaphore(%arg14 : memref<!tpu.dma_semaphore, #tpu.memory_space<semaphore_mem>>) src(%dma_wait3A_66 : memref<10000x128xf32, #tpu.memory_space<hbm>>) dst(%arg9 : memref<80x128xf32, #tpu.memory_space<vmem>>)
      %scan3A_67 = arith.constant 0 : i32
      %scan3A_68 = arith.constant 0 : i32
      %scan3A_69 = arith.constant 5 : i32
      %scan3A_70 = arith.addi %scan3A_68, %scan3A_69 : i32
      %scan3A_71 = arith.constant 1 : i32
      scf.for %scan3A_105 = %scan3A_68 to %scan3A_70 step %scan3A_71  : i32 {
        %mul3A_106 = arith.constant 16 : i32
        %mul3A_107 = arith.muli %scan3A_105, %mul3A_106 : i32
        %add3A_108 = arith.constant 0 : i32
        %add3A_109 = arith.addi %mul3A_107, %add3A_108 : i32
        %get3A = arith.index_cast %add3A_109 : i32 to index
        %get3A_110 = arith.constant 0 : index
        %get3A_111 = tpu.vector_load %arg8[%get3A, %get3A_110] {strides = array<i32>} : memref<80x128xf32, #tpu.memory_space<vmem>>, vector<1x16xf32>,
        %get3A_112 = vector.shape_cast %get3A_111 : vector<1x16xf32> to vector<16xf32>
        %get3A_113 = arith.index_cast %add3A_109 : i32 to index
        %get3A_114 = arith.constant 0 : index
        %get3A_115 = tpu.vector_load %arg9[%get3A_113, %get3A_114] {strides = array<i32>} : memref<80x128xf32, #tpu.memory_space<vmem>>, vector<1x16xf32>,
        %get3A_116 = vector.shape_cast %get3A_115 : vector<1x16xf32> to vector<16xf32>
        %mul3A_117 = arith.mulf %get3A_112, %get3A_116 : vector<16xf32>
        %get3A_118 = arith.index_cast %add3A_109 : i32 to index
        %get3A_119 = arith.constant 16 : index
        %get3A_120 = tpu.vector_load %arg8[%get3A_118, %get3A_119] {strides = array<i32>} : memref<80x128xf32, #tpu.memory_space<vmem>>, vector<1x16xf32>,
        %get3A_121 = vector.shape_cast %get3A_120 : vector<1x16xf32> to vector<16xf32>
        %get3A_122 = arith.index_cast %add3A_109 : i32 to index
        %get3A_123 = arith.constant 16 : index
        %get3A_124 = tpu.vector_load %arg9[%get3A_122, %get3A_123] {strides = array<i32>} : memref<80x128xf32, #tpu.memory_space<vmem>>, vector<1x16xf32>,
        %get3A_125 = vector.shape_cast %get3A_124 : vector<1x16xf32> to vector<16xf32>
        %mul3A_126 = arith.mulf %get3A_121, %get3A_125 : vector<16xf32>
        %add3A_127 = arith.addf %mul3A_117, %mul3A_126 : vector<16xf32>
        %get3A_128 = arith.index_cast %add3A_109 : i32 to index
        %get3A_129 = arith.constant 32 : index
        %get3A_130 = tpu.vector_load %arg8[%get3A_128, %get3A_129] {strides = array<i32>} : memref<80x128xf32, #tpu.memory_space<vmem>>, vector<1x16xf32>,
        %get3A_131 = vector.shape_cast %get3A_130 : vector<1x16xf32> to vector<16xf32>
        %get3A_132 = arith.index_cast %add3A_109 : i32 to index
        %get3A_133 = arith.constant 32 : index
        %get3A_134 = tpu.vector_load %arg9[%get3A_132, %get3A_133] {strides = array<i32>} : memref<80x128xf32, #tpu.memory_space<vmem>>, vector<1x16xf32>,
        %get3A_135 = vector.shape_cast %get3A_134 : vector<1x16xf32> to vector<16xf32>
        %mul3A_136 = arith.mulf %get3A_131, %get3A_135 : vector<16xf32>
        %add3A_137 = arith.addf %add3A_127, %mul3A_136 : vector<16xf32>
        %get3A_138 = arith.index_cast %add3A_109 : i32 to index
        %get3A_139 = arith.constant 48 : index
        %get3A_140 = tpu.vector_load %arg8[%get3A_138, %get3A_139] {strides = array<i32>} : memref<80x128xf32, #tpu.memory_space<vmem>>, vector<1x16xf32>,
        %get3A_141 = vector.shape_cast %get3A_140 : vector<1x16xf32> to vector<16xf32>
        %get3A_142 = arith.index_cast %add3A_109 : i32 to index
        %get3A_143 = arith.constant 48 : index
        %get3A_144 = tpu.vector_load %arg9[%get3A_142, %get3A_143] {strides = array<i32>} : memref<80x128xf32, #tpu.memory_space<vmem>>, vector<1x16xf32>,
        %get3A_145 = vector.shape_cast %get3A_144 : vector<1x16xf32> to vector<16xf32>
        %mul3A_146 = arith.mulf %get3A_141, %get3A_145 : vector<16xf32>
        %add3A_147 = arith.addf %add3A_137, %mul3A_146 : vector<16xf32>
        %get3A_148 = arith.index_cast %add3A_109 : i32 to index
        %get3A_149 = arith.constant 64 : index
        %get3A_150 = tpu.vector_load %arg8[%get3A_148, %get3A_149] {strides = array<i32>} : memref<80x128xf32, #tpu.memory_space<vmem>>, vector<1x16xf32>,
        %get3A_151 = vector.shape_cast %get3A_150 : vector<1x16xf32> to vector<16xf32>
        %get3A_152 = arith.index_cast %add3A_109 : i32 to index
        %get3A_153 = arith.constant 64 : index
        %get3A_154 = tpu.vector_load %arg9[%get3A_152, %get3A_153] {strides = array<i32>} : memref<80x128xf32, #tpu.memory_space<vmem>>, vector<1x16xf32>,
        %get3A_155 = vector.shape_cast %get3A_154 : vector<1x16xf32> to vector<16xf32>
        %mul3A_156 = arith.mulf %get3A_151, %get3A_155 : vector<16xf32>
        %add3A_157 = arith.addf %add3A_147, %mul3A_156 : vector<16xf32>
        %get3A_158 = arith.index_cast %add3A_109 : i32 to index
        %get3A_159 = arith.constant 80 : index
        %get3A_160 = tpu.vector_load %arg8[%get3A_158, %get3A_159] {strides = array<i32>} : memref<80x128xf32, #tpu.memory_space<vmem>>, vector<1x16xf32>,
        %get3A_161 = vector.shape_cast %get3A_160 : vector<1x16xf32> to vector<16xf32>
        %get3A_162 = arith.index_cast %add3A_109 : i32 to index
        %get3A_163 = arith.constant 80 : index
        %get3A_164 = tpu.vector_load %arg9[%get3A_162, %get3A_163] {strides = array<i32>} : memref<80x128xf32, #tpu.memory_space<vmem>>, vector<1x16xf32>,
        %get3A_165 = vector.shape_cast %get3A_164 : vector<1x16xf32> to vector<16xf32>
        %mul3A_166 = arith.mulf %get3A_161, %get3A_165 : vector<16xf32>
        %add3A_167 = arith.addf %add3A_157, %mul3A_166 : vector<16xf32>
        %get3A_168 = arith.index_cast %add3A_109 : i32 to index
        %get3A_169 = arith.constant 96 : index
        %get3A_170 = tpu.vector_load %arg8[%get3A_168, %get3A_169] {strides = array<i32>} : memref<80x128xf32, #tpu.memory_space<vmem>>, vector<1x16xf32>,
        %get3A_171 = vector.shape_cast %get3A_170 : vector<1x16xf32> to vector<16xf32>
        %get3A_172 = arith.index_cast %add3A_109 : i32 to index
        %get3A_173 = arith.constant 96 : index
        %get3A_174 = tpu.vector_load %arg9[%get3A_172, %get3A_173] {strides = array<i32>} : memref<80x128xf32, #tpu.memory_space<vmem>>, vector<1x16xf32>,
        %get3A_175 = vector.shape_cast %get3A_174 : vector<1x16xf32> to vector<16xf32>
        %mul3A_176 = arith.mulf %get3A_171, %get3A_175 : vector<16xf32>
        %add3A_177 = arith.addf %add3A_167, %mul3A_176 : vector<16xf32>
        %get3A_178 = arith.index_cast %add3A_109 : i32 to index
        %get3A_179 = arith.constant 112 : index
        %get3A_180 = tpu.vector_load %arg8[%get3A_178, %get3A_179] {strides = array<i32>} : memref<80x128xf32, #tpu.memory_space<vmem>>, vector<1x16xf32>,
        %get3A_181 = vector.shape_cast %get3A_180 : vector<1x16xf32> to vector<16xf32>
        %get3A_182 = arith.index_cast %add3A_109 : i32 to index
        %get3A_183 = arith.constant 112 : index
        %get3A_184 = tpu.vector_load %arg9[%get3A_182, %get3A_183] {strides = array<i32>} : memref<80x128xf32, #tpu.memory_space<vmem>>, vector<1x16xf32>,
        %get3A_185 = vector.shape_cast %get3A_184 : vector<1x16xf32> to vector<16xf32>
        %mul3A_186 = arith.mulf %get3A_181, %get3A_185 : vector<16xf32>
        %add3A_187 = arith.addf %add3A_177, %mul3A_186 : vector<16xf32>
        %mul3A_188 = arith.constant 16 : i32
        %mul3A_189 = arith.muli %scan3A_105, %mul3A_188 : i32
        %add3A_190 = arith.constant 1 : i32
        %add3A_191 = arith.addi %mul3A_189, %add3A_190 : i32
        %get3A_192 = arith.index_cast %add3A_191 : i32 to index
        %get3A_193 = arith.constant 0 : index
        %get3A_194 = tpu.vector_load %arg8[%get3A_192, %get3A_193] {strides = array<i32>} : memref<80x128xf32, #tpu.memory_space<vmem>>, vector<1x16xf32>,
        %get3A_195 = vector.shape_cast %get3A_194 : vector<1x16xf32> to vector<16xf32>
        %get3A_196 = arith.index_cast %add3A_191 : i32 to index
        %get3A_197 = arith.constant 0 : index
        %get3A_198 = tpu.vector_load %arg9[%get3A_196, %get3A_197] {strides = array<i32>} : memref<80x128xf32, #tpu.memory_space<vmem>>, vector<1x16xf32>,
        %get3A_199 = vector.shape_cast %get3A_198 : vector<1x16xf32> to vector<16xf32>
        %mul3A_200 = arith.mulf %get3A_195, %get3A_199 : vector<16xf32>
        %get3A_201 = arith.index_cast %add3A_191 : i32 to index
        %get3A_202 = arith.constant 16 : index
        %get3A_203 = tpu.vector_load %arg8[%get3A_201, %get3A_202] {strides = array<i32>} : memref<80x128xf32, #tpu.memory_space<vmem>>, vector<1x16xf32>,
        %get3A_204 = vector.shape_cast %get3A_203 : vector<1x16xf32> to vector<16xf32>
        %get3A_205 = arith.index_cast %add3A_191 : i32 to index
        %get3A_206 = arith.constant 16 : index
        %get3A_207 = tpu.vector_load %arg9[%get3A_205, %get3A_206] {strides = array<i32>} : memref<80x128xf32, #tpu.memory_space<vmem>>, vector<1x16xf32>,
        %get3A_208 = vector.shape_cast %get3A_207 : vector<1x16xf32> to vector<16xf32>
        %mul3A_209 = arith.mulf %get3A_204, %get3A_208 : vector<16xf32>
        %add3A_210 = arith.addf %mul3A_200, %mul3A_209 : vector<16xf32>
        %get3A_211 = arith.index_cast %add3A_191 : i32 to index
        %get3A_212 = arith.constant 32 : index
        %get3A_213 = tpu.vector_load %arg8[%get3A_211, %get3A_212] {strides = array<i32>} : memref<80x128xf32, #tpu.memory_space<vmem>>, vector<1x16xf32>,
        %get3A_214 = vector.shape_cast %get3A_213 : vector<1x16xf32> to vector<16xf32>
        %get3A_215 = arith.index_cast %add3A_191 : i32 to index
        %get3A_216 = arith.constant 32 : index
        %get3A_217 = tpu.vector_load %arg9[%get3A_215, %get3A_216] {strides = array<i32>} : memref<80x128xf32, #tpu.memory_space<vmem>>, vector<1x16xf32>,
        %get3A_218 = vector.shape_cast %get3A_217 : vector<1x16xf32> to vector<16xf32>
        %mul3A_219 = arith.mulf %get3A_214, %get3A_218 : vector<16xf32>
        %add3A_220 = arith.addf %add3A_210, %mul3A_219 : vector<16xf32>
        %get3A_221 = arith.index_cast %add3A_191 : i32 to index
        %get3A_222 = arith.constant 48 : index
        %get3A_223 = tpu.vector_load %arg8[%get3A_221, %get3A_222] {strides = array<i32>} : memref<80x128xf32, #tpu.memory_space<vmem>>, vector<1x16xf32>,
        %get3A_224 = vector.shape_cast %get3A_223 : vector<1x16xf32> to vector<16xf32>
        %get3A_225 = arith.index_cast %add3A_191 : i32 to index
        %get3A_226 = arith.constant 48 : index
        %get3A_227 = tpu.vector_load %arg9[%get3A_225, %get3A_226] {strides = array<i32>} : memref<80x128xf32, #tpu.memory_space<vmem>>, vector<1x16xf32>,
        %get3A_228 = vector.shape_cast %get3A_227 : vector<1x16xf32> to vector<16xf32>
        %mul3A_229 = arith.mulf %get3A_224, %get3A_228 : vector<16xf32>
        %add3A_230 = arith.addf %add3A_220, %mul3A_229 : vector<16xf32>
        %get3A_231 = arith.index_cast %add3A_191 : i32 to index
        %get3A_232 = arith.constant 64 : index
        %get3A_233 = tpu.vector_load %arg8[%get3A_231, %get3A_232] {strides = array<i32>} : memref<80x128xf32, #tpu.memory_space<vmem>>, vector<1x16xf32>,
        %get3A_234 = vector.shape_cast %get3A_233 : vector<1x16xf32> to vector<16xf32>
        %get3A_235 = arith.index_cast %add3A_191 : i32 to index
        %get3A_236 = arith.constant 64 : index
        %get3A_237 = tpu.vector_load %arg9[%get3A_235, %get3A_236] {strides = array<i32>} : memref<80x128xf32, #tpu.memory_space<vmem>>, vector<1x16xf32>,
        %get3A_238 = vector.shape_cast %get3A_237 : vector<1x16xf32> to vector<16xf32>
        %mul3A_239 = arith.mulf %get3A_234, %get3A_238 : vector<16xf32>
        %add3A_240 = arith.addf %add3A_230, %mul3A_239 : vector<16xf32>
        %get3A_241 = arith.index_cast %add3A_191 : i32 to index
        %get3A_242 = arith.constant 80 : index
        %get3A_243 = tpu.vector_load %arg8[%get3A_241, %get3A_242] {strides = array<i32>} : memref<80x128xf32, #tpu.memory_space<vmem>>, vector<1x16xf32>,
        %get3A_244 = vector.shape_cast %get3A_243 : vector<1x16xf32> to vector<16xf32>
        %get3A_245 = arith.index_cast %add3A_191 : i32 to index
        %get3A_246 = arith.constant 80 : index
        %get3A_247 = tpu.vector_load %arg9[%get3A_245, %get3A_246] {strides = array<i32>} : memref<80x128xf32, #tpu.memory_space<vmem>>, vector<1x16xf32>,
        %get3A_248 = vector.shape_cast %get3A_247 : vector<1x16xf32> to vector<16xf32>
        %mul3A_249 = arith.mulf %get3A_244, %get3A_248 : vector<16xf32>
        %add3A_250 = arith.addf %add3A_240, %mul3A_249 : vector<16xf32>
        %get3A_251 = arith.index_cast %add3A_191 : i32 to index
        %get3A_252 = arith.constant 96 : index
        %get3A_253 = tpu.vector_load %arg8[%get3A_251, %get3A_252] {strides = array<i32>} : memref<80x128xf32, #tpu.memory_space<vmem>>, vector<1x16xf32>,
        %get3A_254 = vector.shape_cast %get3A_253 : vector<1x16xf32> to vector<16xf32>
        %get3A_255 = arith.index_cast %add3A_191 : i32 to index
        %get3A_256 = arith.constant 96 : index
        %get3A_257 = tpu.vector_load %arg9[%get3A_255, %get3A_256] {strides = array<i32>} : memref<80x128xf32, #tpu.memory_space<vmem>>, vector<1x16xf32>,
        %get3A_258 = vector.shape_cast %get3A_257 : vector<1x16xf32> to vector<16xf32>
        %mul3A_259 = arith.mulf %get3A_254, %get3A_258 : vector<16xf32>
        %add3A_260 = arith.addf %add3A_250, %mul3A_259 : vector<16xf32>
        %get3A_261 = arith.index_cast %add3A_191 : i32 to index
        %get3A_262 = arith.constant 112 : index
        %get3A_263 = tpu.vector_load %arg8[%get3A_261, %get3A_262] {strides = array<i32>} : memref<80x128xf32, #tpu.memory_space<vmem>>, vector<1x16xf32>,
        %get3A_264 = vector.shape_cast %get3A_263 : vector<1x16xf32> to vector<16xf32>
        %get3A_265 = arith.index_cast %add3A_191 : i32 to index
        %get3A_266 = arith.constant 112 : index
        %get3A_267 = tpu.vector_load %arg9[%get3A_265, %get3A_266] {strides = array<i32>} : memref<80x128xf32, #tpu.memory_space<vmem>>, vector<1x16xf32>,
        %get3A_268 = vector.shape_cast %get3A_267 : vector<1x16xf32> to vector<16xf32>
        %mul3A_269 = arith.mulf %get3A_264, %get3A_268 : vector<16xf32>
        %add3A_270 = arith.addf %add3A_260, %mul3A_269 : vector<16xf32>
        %mul3A_271 = arith.constant 16 : i32
        %mul3A_272 = arith.muli %scan3A_105, %mul3A_271 : i32
        %add3A_273 = arith.constant 2 : i32
        %add3A_274 = arith.addi %mul3A_272, %add3A_273 : i32
        %get3A_275 = arith.index_cast %add3A_274 : i32 to index
        %get3A_276 = arith.constant 0 : index
        %get3A_277 = tpu.vector_load %arg8[%get3A_275, %get3A_276] {strides = array<i32>} : memref<80x128xf32, #tpu.memory_space<vmem>>, vector<1x16xf32>,
        %get3A_278 = vector.shape_cast %get3A_277 : vector<1x16xf32> to vector<16xf32>
        %get3A_279 = arith.index_cast %add3A_274 : i32 to index
        %get3A_280 = arith.constant 0 : index
        %get3A_281 = tpu.vector_load %arg9[%get3A_279, %get3A_280] {strides = array<i32>} : memref<80x128xf32, #tpu.memory_space<vmem>>, vector<1x16xf32>,
        %get3A_282 = vector.shape_cast %get3A_281 : vector<1x16xf32> to vector<16xf32>
        %mul3A_283 = arith.mulf %get3A_278, %get3A_282 : vector<16xf32>
        %get3A_284 = arith.index_cast %add3A_274 : i32 to index
        %get3A_285 = arith.constant 16 : index
        %get3A_286 = tpu.vector_load %arg8[%get3A_284, %get3A_285] {strides = array<i32>} : memref<80x128xf32, #tpu.memory_space<vmem>>, vector<1x16xf32>,
        %get3A_287 = vector.shape_cast %get3A_286 : vector<1x16xf32> to vector<16xf32>
        %get3A_288 = arith.index_cast %add3A_274 : i32 to index
        %get3A_289 = arith.constant 16 : index
        %get3A_290 = tpu.vector_load %arg9[%get3A_288, %get3A_289] {strides = array<i32>} : memref<80x128xf32, #tpu.memory_space<vmem>>, vector<1x16xf32>,
        %get3A_291 = vector.shape_cast %get3A_290 : vector<1x16xf32> to vector<16xf32>
        %mul3A_292 = arith.mulf %get3A_287, %get3A_291 : vector<16xf32>
        %add3A_293 = arith.addf %mul3A_283, %mul3A_292 : vector<16xf32>
        %get3A_294 = arith.index_cast %add3A_274 : i32 to index
        %get3A_295 = arith.constant 32 : index
        %get3A_296 = tpu.vector_load %arg8[%get3A_294, %get3A_295] {strides = array<i32>} : memref<80x128xf32, #tpu.memory_space<vmem>>, vector<1x16xf32>,
        %get3A_297 = vector.shape_cast %get3A_296 : vector<1x16xf32> to vector<16xf32>
        %get3A_298 = arith.index_cast %add3A_274 : i32 to index
        %get3A_299 = arith.constant 32 : index
        %get3A_300 = tpu.vector_load %arg9[%get3A_298, %get3A_299] {strides = array<i32>} : memref<80x128xf32, #tpu.memory_space<vmem>>, vector<1x16xf32>,
        %get3A_301 = vector.shape_cast %get3A_300 : vector<1x16xf32> to vector<16xf32>
        %mul3A_302 = arith.mulf %get3A_297, %get3A_301 : vector<16xf32>
        %add3A_303 = arith.addf %add3A_293, %mul3A_302 : vector<16xf32>
        %get3A_304 = arith.index_cast %add3A_274 : i32 to index
        %get3A_305 = arith.constant 48 : index
        %get3A_306 = tpu.vector_load %arg8[%get3A_304, %get3A_305] {strides = array<i32>} : memref<80x128xf32, #tpu.memory_space<vmem>>, vector<1x16xf32>,
        %get3A_307 = vector.shape_cast %get3A_306 : vector<1x16xf32> to vector<16xf32>
        %get3A_308 = arith.index_cast %add3A_274 : i32 to index
        %get3A_309 = arith.constant 48 : index
        %get3A_310 = tpu.vector_load %arg9[%get3A_308, %get3A_309] {strides = array<i32>} : memref<80x128xf32, #tpu.memory_space<vmem>>, vector<1x16xf32>,
        %get3A_311 = vector.shape_cast %get3A_310 : vector<1x16xf32> to vector<16xf32>
        %mul3A_312 = arith.mulf %get3A_307, %get3A_311 : vector<16xf32>
        %add3A_313 = arith.addf %add3A_303, %mul3A_312 : vector<16xf32>
        %get3A_314 = arith.index_cast %add3A_274 : i32 to index
        %get3A_315 = arith.constant 64 : index
        %get3A_316 = tpu.vector_load %arg8[%get3A_314, %get3A_315] {strides = array<i32>} : memref<80x128xf32, #tpu.memory_space<vmem>>, vector<1x16xf32>,
        %get3A_317 = vector.shape_cast %get3A_316 : vector<1x16xf32> to vector<16xf32>
        %get3A_318 = arith.index_cast %add3A_274 : i32 to index
        %get3A_319 = arith.constant 64 : index
        %get3A_320 = tpu.vector_load %arg9[%get3A_318, %get3A_319] {strides = array<i32>} : memref<80x128xf32, #tpu.memory_space<vmem>>, vector<1x16xf32>,
        %get3A_321 = vector.shape_cast %get3A_320 : vector<1x16xf32> to vector<16xf32>
        %mul3A_322 = arith.mulf %get3A_317, %get3A_321 : vector<16xf32>
        %add3A_323 = arith.addf %add3A_313, %mul3A_322 : vector<16xf32>
        %get3A_324 = arith.index_cast %add3A_274 : i32 to index
        %get3A_325 = arith.constant 80 : index
        %get3A_326 = tpu.vector_load %arg8[%get3A_324, %get3A_325] {strides = array<i32>} : memref<80x128xf32, #tpu.memory_space<vmem>>, vector<1x16xf32>,
        %get3A_327 = vector.shape_cast %get3A_326 : vector<1x16xf32> to vector<16xf32>
        %get3A_328 = arith.index_cast %add3A_274 : i32 to index
        %get3A_329 = arith.constant 80 : index
        %get3A_330 = tpu.vector_load %arg9[%get3A_328, %get3A_329] {strides = array<i32>} : memref<80x128xf32, #tpu.memory_space<vmem>>, vector<1x16xf32>,
        %get3A_331 = vector.shape_cast %get3A_330 : vector<1x16xf32> to vector<16xf32>
        %mul3A_332 = arith.mulf %get3A_327, %get3A_331 : vector<16xf32>
        %add3A_333 = arith.addf %add3A_323, %mul3A_332 : vector<16xf32>
        %get3A_334 = arith.index_cast %add3A_274 : i32 to index
        %get3A_335 = arith.constant 96 : index
        %get3A_336 = tpu.vector_load %arg8[%get3A_334, %get3A_335] {strides = array<i32>} : memref<80x128xf32, #tpu.memory_space<vmem>>, vector<1x16xf32>,
        %get3A_337 = vector.shape_cast %get3A_336 : vector<1x16xf32> to vector<16xf32>
        %get3A_338 = arith.index_cast %add3A_274 : i32 to index
        %get3A_339 = arith.constant 96 : index
        %get3A_340 = tpu.vector_load %arg9[%get3A_338, %get3A_339] {strides = array<i32>} : memref<80x128xf32, #tpu.memory_space<vmem>>, vector<1x16xf32>,
        %get3A_341 = vector.shape_cast %get3A_340 : vector<1x16xf32> to vector<16xf32>
        %mul3A_342 = arith.mulf %get3A_337, %get3A_341 : vector<16xf32>
        %add3A_343 = arith.addf %add3A_333, %mul3A_342 : vector<16xf32>
        %get3A_344 = arith.index_cast %add3A_274 : i32 to index
        %get3A_345 = arith.constant 112 : index
        %get3A_346 = tpu.vector_load %arg8[%get3A_344, %get3A_345] {strides = array<i32>} : memref<80x128xf32, #tpu.memory_space<vmem>>, vector<1x16xf32>,
        %get3A_347 = vector.shape_cast %get3A_346 : vector<1x16xf32> to vector<16xf32>
        %get3A_348 = arith.index_cast %add3A_274 : i32 to index
        %get3A_349 = arith.constant 112 : index
        %get3A_350 = tpu.vector_load %arg9[%get3A_348, %get3A_349] {strides = array<i32>} : memref<80x128xf32, #tpu.memory_space<vmem>>, vector<1x16xf32>,
        %get3A_351 = vector.shape_cast %get3A_350 : vector<1x16xf32> to vector<16xf32>
        %mul3A_352 = arith.mulf %get3A_347, %get3A_351 : vector<16xf32>
        %add3A_353 = arith.addf %add3A_343, %mul3A_352 : vector<16xf32>
        %mul3A_354 = arith.constant 16 : i32
        %mul3A_355 = arith.muli %scan3A_105, %mul3A_354 : i32
        %add3A_356 = arith.constant 3 : i32
        %add3A_357 = arith.addi %mul3A_355, %add3A_356 : i32
        %get3A_358 = arith.index_cast %add3A_357 : i32 to index
        %get3A_359 = arith.constant 0 : index
        %get3A_360 = tpu.vector_load %arg8[%get3A_358, %get3A_359] {strides = array<i32>} : memref<80x128xf32, #tpu.memory_space<vmem>>, vector<1x16xf32>,
        %get3A_361 = vector.shape_cast %get3A_360 : vector<1x16xf32> to vector<16xf32>
        %get3A_362 = arith.index_cast %add3A_357 : i32 to index
        %get3A_363 = arith.constant 0 : index
        %get3A_364 = tpu.vector_load %arg9[%get3A_362, %get3A_363] {strides = array<i32>} : memref<80x128xf32, #tpu.memory_space<vmem>>, vector<1x16xf32>,
        %get3A_365 = vector.shape_cast %get3A_364 : vector<1x16xf32> to vector<16xf32>
        %mul3A_366 = arith.mulf %get3A_361, %get3A_365 : vector<16xf32>
        %get3A_367 = arith.index_cast %add3A_357 : i32 to index
        %get3A_368 = arith.constant 16 : index
        %get3A_369 = tpu.vector_load %arg8[%get3A_367, %get3A_368] {strides = array<i32>} : memref<80x128xf32, #tpu.memory_space<vmem>>, vector<1x16xf32>,
        %get3A_370 = vector.shape_cast %get3A_369 : vector<1x16xf32> to vector<16xf32>
        %get3A_371 = arith.index_cast %add3A_357 : i32 to index
        %get3A_372 = arith.constant 16 : index
        %get3A_373 = tpu.vector_load %arg9[%get3A_371, %get3A_372] {strides = array<i32>} : memref<80x128xf32, #tpu.memory_space<vmem>>, vector<1x16xf32>,
        %get3A_374 = vector.shape_cast %get3A_373 : vector<1x16xf32> to vector<16xf32>
        %mul3A_375 = arith.mulf %get3A_370, %get3A_374 : vector<16xf32>
        %add3A_376 = arith.addf %mul3A_366, %mul3A_375 : vector<16xf32>
        %get3A_377 = arith.index_cast %add3A_357 : i32 to index
        %get3A_378 = arith.constant 32 : index
        %get3A_379 = tpu.vector_load %arg8[%get3A_377, %get3A_378] {strides = array<i32>} : memref<80x128xf32, #tpu.memory_space<vmem>>, vector<1x16xf32>,
        %get3A_380 = vector.shape_cast %get3A_379 : vector<1x16xf32> to vector<16xf32>
        %get3A_381 = arith.index_cast %add3A_357 : i32 to index
        %get3A_382 = arith.constant 32 : index
        %get3A_383 = tpu.vector_load %arg9[%get3A_381, %get3A_382] {strides = array<i32>} : memref<80x128xf32, #tpu.memory_space<vmem>>, vector<1x16xf32>,
        %get3A_384 = vector.shape_cast %get3A_383 : vector<1x16xf32> to vector<16xf32>
        %mul3A_385 = arith.mulf %get3A_380, %get3A_384 : vector<16xf32>
        %add3A_386 = arith.addf %add3A_376, %mul3A_385 : vector<16xf32>
        %get3A_387 = arith.index_cast %add3A_357 : i32 to index
        %get3A_388 = arith.constant 48 : index
        %get3A_389 = tpu.vector_load %arg8[%get3A_387, %get3A_388] {strides = array<i32>} : memref<80x128xf32, #tpu.memory_space<vmem>>, vector<1x16xf32>,
        %get3A_390 = vector.shape_cast %get3A_389 : vector<1x16xf32> to vector<16xf32>
        %get3A_391 = arith.index_cast %add3A_357 : i32 to index
        %get3A_392 = arith.constant 48 : index
        %get3A_393 = tpu.vector_load %arg9[%get3A_391, %get3A_392] {strides = array<i32>} : memref<80x128xf32, #tpu.memory_space<vmem>>, vector<1x16xf32>,
        %get3A_394 = vector.shape_cast %get3A_393 : vector<1x16xf32> to vector<16xf32>
        %mul3A_395 = arith.mulf %get3A_390, %get3A_394 : vector<16xf32>
        %add3A_396 = arith.addf %add3A_386, %mul3A_395 : vector<16xf32>
        %get3A_397 = arith.index_cast %add3A_357 : i32 to index
        %get3A_398 = arith.constant 64 : index
        %get3A_399 = tpu.vector_load %arg8[%get3A_397, %get3A_398] {strides = array<i32>} : memref<80x128xf32, #tpu.memory_space<vmem>>, vector<1x16xf32>,
        %get3A_400 = vector.shape_cast %get3A_399 : vector<1x16xf32> to vector<16xf32>
        %get3A_401 = arith.index_cast %add3A_357 : i32 to index
        %get3A_402 = arith.constant 64 : index
        %get3A_403 = tpu.vector_load %arg9[%get3A_401, %get3A_402] {strides = array<i32>} : memref<80x128xf32, #tpu.memory_space<vmem>>, vector<1x16xf32>,
        %get3A_404 = vector.shape_cast %get3A_403 : vector<1x16xf32> to vector<16xf32>
        %mul3A_405 = arith.mulf %get3A_400, %get3A_404 : vector<16xf32>
        %add3A_406 = arith.addf %add3A_396, %mul3A_405 : vector<16xf32>
        %get3A_407 = arith.index_cast %add3A_357 : i32 to index
        %get3A_408 = arith.constant 80 : index
        %get3A_409 = tpu.vector_load %arg8[%get3A_407, %get3A_408] {strides = array<i32>} : memref<80x128xf32, #tpu.memory_space<vmem>>, vector<1x16xf32>,
        %get3A_410 = vector.shape_cast %get3A_409 : vector<1x16xf32> to vector<16xf32>
        %get3A_411 = arith.index_cast %add3A_357 : i32 to index
        %get3A_412 = arith.constant 80 : index
        %get3A_413 = tpu.vector_load %arg9[%get3A_411, %get3A_412] {strides = array<i32>} : memref<80x128xf32, #tpu.memory_space<vmem>>, vector<1x16xf32>,
        %get3A_414 = vector.shape_cast %get3A_413 : vector<1x16xf32> to vector<16xf32>
        %mul3A_415 = arith.mulf %get3A_410, %get3A_414 : vector<16xf32>
        %add3A_416 = arith.addf %add3A_406, %mul3A_415 : vector<16xf32>
        %get3A_417 = arith.index_cast %add3A_357 : i32 to index
        %get3A_418 = arith.constant 96 : index
        %get3A_419 = tpu.vector_load %arg8[%get3A_417, %get3A_418] {strides = array<i32>} : memref<80x128xf32, #tpu.memory_space<vmem>>, vector<1x16xf32>,
        %get3A_420 = vector.shape_cast %get3A_419 : vector<1x16xf32> to vector<16xf32>
        %get3A_421 = arith.index_cast %add3A_357 : i32 to index
        %get3A_422 = arith.constant 96 : index
        %get3A_423 = tpu.vector_load %arg9[%get3A_421, %get3A_422] {strides = array<i32>} : memref<80x128xf32, #tpu.memory_space<vmem>>, vector<1x16xf32>,
        %get3A_424 = vector.shape_cast %get3A_423 : vector<1x16xf32> to vector<16xf32>
        %mul3A_425 = arith.mulf %get3A_420, %get3A_424 : vector<16xf32>
        %add3A_426 = arith.addf %add3A_416, %mul3A_425 : vector<16xf32>
        %get3A_427 = arith.index_cast %add3A_357 : i32 to index
        %get3A_428 = arith.constant 112 : index
        %get3A_429 = tpu.vector_load %arg8[%get3A_427, %get3A_428] {strides = array<i32>} : memref<80x128xf32, #tpu.memory_space<vmem>>, vector<1x16xf32>,
        %get3A_430 = vector.shape_cast %get3A_429 : vector<1x16xf32> to vector<16xf32>
        %get3A_431 = arith.index_cast %add3A_357 : i32 to index
        %get3A_432 = arith.constant 112 : index
        %get3A_433 = tpu.vector_load %arg9[%get3A_431, %get3A_432] {strides = array<i32>} : memref<80x128xf32, #tpu.memory_space<vmem>>, vector<1x16xf32>,
        %get3A_434 = vector.shape_cast %get3A_433 : vector<1x16xf32> to vector<16xf32>
        %mul3A_435 = arith.mulf %get3A_430, %get3A_434 : vector<16xf32>
        %add3A_436 = arith.addf %add3A_426, %mul3A_435 : vector<16xf32>
        %mul3A_437 = arith.constant 16 : i32
        %mul3A_438 = arith.muli %scan3A_105, %mul3A_437 : i32
        %add3A_439 = arith.constant 4 : i32
        %add3A_440 = arith.addi %mul3A_438, %add3A_439 : i32
        %get3A_441 = arith.index_cast %add3A_440 : i32 to index
        %get3A_442 = arith.constant 0 : index
        %get3A_443 = tpu.vector_load %arg8[%get3A_441, %get3A_442] {strides = array<i32>} : memref<80x128xf32, #tpu.memory_space<vmem>>, vector<1x16xf32>,
        %get3A_444 = vector.shape_cast %get3A_443 : vector<1x16xf32> to vector<16xf32>
        %get3A_445 = arith.index_cast %add3A_440 : i32 to index
        %get3A_446 = arith.constant 0 : index
        %get3A_447 = tpu.vector_load %arg9[%get3A_445, %get3A_446] {strides = array<i32>} : memref<80x128xf32, #tpu.memory_space<vmem>>, vector<1x16xf32>,
        %get3A_448 = vector.shape_cast %get3A_447 : vector<1x16xf32> to vector<16xf32>
        %mul3A_449 = arith.mulf %get3A_444, %get3A_448 : vector<16xf32>
        %get3A_450 = arith.index_cast %add3A_440 : i32 to index
        %get3A_451 = arith.constant 16 : index
        %get3A_452 = tpu.vector_load %arg8[%get3A_450, %get3A_451] {strides = array<i32>} : memref<80x128xf32, #tpu.memory_space<vmem>>, vector<1x16xf32>,
        %get3A_453 = vector.shape_cast %get3A_452 : vector<1x16xf32> to vector<16xf32>
        %get3A_454 = arith.index_cast %add3A_440 : i32 to index
        %get3A_455 = arith.constant 16 : index
        %get3A_456 = tpu.vector_load %arg9[%get3A_454, %get3A_455] {strides = array<i32>} : memref<80x128xf32, #tpu.memory_space<vmem>>, vector<1x16xf32>,
        %get3A_457 = vector.shape_cast %get3A_456 : vector<1x16xf32> to vector<16xf32>
        %mul3A_458 = arith.mulf %get3A_453, %get3A_457 : vector<16xf32>
        %add3A_459 = arith.addf %mul3A_449, %mul3A_458 : vector<16xf32>
        %get3A_460 = arith.index_cast %add3A_440 : i32 to index
        %get3A_461 = arith.constant 32 : index
        %get3A_462 = tpu.vector_load %arg8[%get3A_460, %get3A_461] {strides = array<i32>} : memref<80x128xf32, #tpu.memory_space<vmem>>, vector<1x16xf32>,
        %get3A_463 = vector.shape_cast %get3A_462 : vector<1x16xf32> to vector<16xf32>
        %get3A_464 = arith.index_cast %add3A_440 : i32 to index
        %get3A_465 = arith.constant 32 : index
        %get3A_466 = tpu.vector_load %arg9[%get3A_464, %get3A_465] {strides = array<i32>} : memref<80x128xf32, #tpu.memory_space<vmem>>, vector<1x16xf32>,
        %get3A_467 = vector.shape_cast %get3A_466 : vector<1x16xf32> to vector<16xf32>
        %mul3A_468 = arith.mulf %get3A_463, %get3A_467 : vector<16xf32>
        %add3A_469 = arith.addf %add3A_459, %mul3A_468 : vector<16xf32>
        %get3A_470 = arith.index_cast %add3A_440 : i32 to index
        %get3A_471 = arith.constant 48 : index
        %get3A_472 = tpu.vector_load %arg8[%get3A_470, %get3A_471] {strides = array<i32>} : memref<80x128xf32, #tpu.memory_space<vmem>>, vector<1x16xf32>,
        %get3A_473 = vector.shape_cast %get3A_472 : vector<1x16xf32> to vector<16xf32>
        %get3A_474 = arith.index_cast %add3A_440 : i32 to index
        %get3A_475 = arith.constant 48 : index
        %get3A_476 = tpu.vector_load %arg9[%get3A_474, %get3A_475] {strides = array<i32>} : memref<80x128xf32, #tpu.memory_space<vmem>>, vector<1x16xf32>,
        %get3A_477 = vector.shape_cast %get3A_476 : vector<1x16xf32> to vector<16xf32>
        %mul3A_478 = arith.mulf %get3A_473, %get3A_477 : vector<16xf32>
        %add3A_479 = arith.addf %add3A_469, %mul3A_478 : vector<16xf32>
        %get3A_480 = arith.index_cast %add3A_440 : i32 to index
        %get3A_481 = arith.constant 64 : index
        %get3A_482 = tpu.vector_load %arg8[%get3A_480, %get3A_481] {strides = array<i32>} : memref<80x128xf32, #tpu.memory_space<vmem>>, vector<1x16xf32>,
        %get3A_483 = vector.shape_cast %get3A_482 : vector<1x16xf32> to vector<16xf32>
        %get3A_484 = arith.index_cast %add3A_440 : i32 to index
        %get3A_485 = arith.constant 64 : index
        %get3A_486 = tpu.vector_load %arg9[%get3A_484, %get3A_485] {strides = array<i32>} : memref<80x128xf32, #tpu.memory_space<vmem>>, vector<1x16xf32>,
        %get3A_487 = vector.shape_cast %get3A_486 : vector<1x16xf32> to vector<16xf32>
        %mul3A_488 = arith.mulf %get3A_483, %get3A_487 : vector<16xf32>
        %add3A_489 = arith.addf %add3A_479, %mul3A_488 : vector<16xf32>
        %get3A_490 = arith.index_cast %add3A_440 : i32 to index
        %get3A_491 = arith.constant 80 : index
        %get3A_492 = tpu.vector_load %arg8[%get3A_490, %get3A_491] {strides = array<i32>} : memref<80x128xf32, #tpu.memory_space<vmem>>, vector<1x16xf32>,
        %get3A_493 = vector.shape_cast %get3A_492 : vector<1x16xf32> to vector<16xf32>
        %get3A_494 = arith.index_cast %add3A_440 : i32 to index
        %get3A_495 = arith.constant 80 : index
        %get3A_496 = tpu.vector_load %arg9[%get3A_494, %get3A_495] {strides = array<i32>} : memref<80x128xf32, #tpu.memory_space<vmem>>, vector<1x16xf32>,
        %get3A_497 = vector.shape_cast %get3A_496 : vector<1x16xf32> to vector<16xf32>
        %mul3A_498 = arith.mulf %get3A_493, %get3A_497 : vector<16xf32>
        %add3A_499 = arith.addf %add3A_489, %mul3A_498 : vector<16xf32>
        %get3A_500 = arith.index_cast %add3A_440 : i32 to index
        %get3A_501 = arith.constant 96 : index
        %get3A_502 = tpu.vector_load %arg8[%get3A_500, %get3A_501] {strides = array<i32>} : memref<80x128xf32, #tpu.memory_space<vmem>>, vector<1x16xf32>,
        %get3A_503 = vector.shape_cast %get3A_502 : vector<1x16xf32> to vector<16xf32>
        %get3A_504 = arith.index_cast %add3A_440 : i32 to index
        %get3A_505 = arith.constant 96 : index
        %get3A_506 = tpu.vector_load %arg9[%get3A_504, %get3A_505] {strides = array<i32>} : memref<80x128xf32, #tpu.memory_space<vmem>>, vector<1x16xf32>,
        %get3A_507 = vector.shape_cast %get3A_506 : vector<1x16xf32> to vector<16xf32>
        %mul3A_508 = arith.mulf %get3A_503, %get3A_507 : vector<16xf32>
        %add3A_509 = arith.addf %add3A_499, %mul3A_508 : vector<16xf32>
        %get3A_510 = arith.index_cast %add3A_440 : i32 to index
        %get3A_511 = arith.constant 112 : index
        %get3A_512 = tpu.vector_load %arg8[%get3A_510, %get3A_511] {strides = array<i32>} : memref<80x128xf32, #tpu.memory_space<vmem>>, vector<1x16xf32>,
        %get3A_513 = vector.shape_cast %get3A_512 : vector<1x16xf32> to vector<16xf32>
        %get3A_514 = arith.index_cast %add3A_440 : i32 to index
        %get3A_515 = arith.constant 112 : index
        %get3A_516 = tpu.vector_load %arg9[%get3A_514, %get3A_515] {strides = array<i32>} : memref<80x128xf32, #tpu.memory_space<vmem>>, vector<1x16xf32>,
        %get3A_517 = vector.shape_cast %get3A_516 : vector<1x16xf32> to vector<16xf32>
        %mul3A_518 = arith.mulf %get3A_513, %get3A_517 : vector<16xf32>
        %add3A_519 = arith.addf %add3A_509, %mul3A_518 : vector<16xf32>
        %mul3A_520 = arith.constant 16 : i32
        %mul3A_521 = arith.muli %scan3A_105, %mul3A_520 : i32
        %add3A_522 = arith.constant 5 : i32
        %add3A_523 = arith.addi %mul3A_521, %add3A_522 : i32
        %get3A_524 = arith.index_cast %add3A_523 : i32 to index
        %get3A_525 = arith.constant 0 : index
        %get3A_526 = tpu.vector_load %arg8[%get3A_524, %get3A_525] {strides = array<i32>} : memref<80x128xf32, #tpu.memory_space<vmem>>, vector<1x16xf32>,
        %get3A_527 = vector.shape_cast %get3A_526 : vector<1x16xf32> to vector<16xf32>
        %get3A_528 = arith.index_cast %add3A_523 : i32 to index
        %get3A_529 = arith.constant 0 : index
        %get3A_530 = tpu.vector_load %arg9[%get3A_528, %get3A_529] {strides = array<i32>} : memref<80x128xf32, #tpu.memory_space<vmem>>, vector<1x16xf32>,
        %get3A_531 = vector.shape_cast %get3A_530 : vector<1x16xf32> to vector<16xf32>
        %mul3A_532 = arith.mulf %get3A_527, %get3A_531 : vector<16xf32>
        %get3A_533 = arith.index_cast %add3A_523 : i32 to index
        %get3A_534 = arith.constant 16 : index
        %get3A_535 = tpu.vector_load %arg8[%get3A_533, %get3A_534] {strides = array<i32>} : memref<80x128xf32, #tpu.memory_space<vmem>>, vector<1x16xf32>,
        %get3A_536 = vector.shape_cast %get3A_535 : vector<1x16xf32> to vector<16xf32>
        %get3A_537 = arith.index_cast %add3A_523 : i32 to index
        %get3A_538 = arith.constant 16 : index
        %get3A_539 = tpu.vector_load %arg9[%get3A_537, %get3A_538] {strides = array<i32>} : memref<80x128xf32, #tpu.memory_space<vmem>>, vector<1x16xf32>,
        %get3A_540 = vector.shape_cast %get3A_539 : vector<1x16xf32> to vector<16xf32>
        %mul3A_541 = arith.mulf %get3A_536, %get3A_540 : vector<16xf32>
        %add3A_542 = arith.addf %mul3A_532, %mul3A_541 : vector<16xf32>
        %get3A_543 = arith.index_cast %add3A_523 : i32 to index
        %get3A_544 = arith.constant 32 : index
        %get3A_545 = tpu.vector_load %arg8[%get3A_543, %get3A_544] {strides = array<i32>} : memref<80x128xf32, #tpu.memory_space<vmem>>, vector<1x16xf32>,
        %get3A_546 = vector.shape_cast %get3A_545 : vector<1x16xf32> to vector<16xf32>
        %get3A_547 = arith.index_cast %add3A_523 : i32 to index
        %get3A_548 = arith.constant 32 : index
        %get3A_549 = tpu.vector_load %arg9[%get3A_547, %get3A_548] {strides = array<i32>} : memref<80x128xf32, #tpu.memory_space<vmem>>, vector<1x16xf32>,
        %get3A_550 = vector.shape_cast %get3A_549 : vector<1x16xf32> to vector<16xf32>
        %mul3A_551 = arith.mulf %get3A_546, %get3A_550 : vector<16xf32>
        %add3A_552 = arith.addf %add3A_542, %mul3A_551 : vector<16xf32>
        %get3A_553 = arith.index_cast %add3A_523 : i32 to index
        %get3A_554 = arith.constant 48 : index
        %get3A_555 = tpu.vector_load %arg8[%get3A_553, %get3A_554] {strides = array<i32>} : memref<80x128xf32, #tpu.memory_space<vmem>>, vector<1x16xf32>,
        %get3A_556 = vector.shape_cast %get3A_555 : vector<1x16xf32> to vector<16xf32>
        %get3A_557 = arith.index_cast %add3A_523 : i32 to index
        %get3A_558 = arith.constant 48 : index
        %get3A_559 = tpu.vector_load %arg9[%get3A_557, %get3A_558] {strides = array<i32>} : memref<80x128xf32, #tpu.memory_space<vmem>>, vector<1x16xf32>,
        %get3A_560 = vector.shape_cast %get3A_559 : vector<1x16xf32> to vector<16xf32>
        %mul3A_561 = arith.mulf %get3A_556, %get3A_560 : vector<16xf32>
        %add3A_562 = arith.addf %add3A_552, %mul3A_561 : vector<16xf32>
        %get3A_563 = arith.index_cast %add3A_523 : i32 to index
        %get3A_564 = arith.constant 64 : index
        %get3A_565 = tpu.vector_load %arg8[%get3A_563, %get3A_564] {strides = array<i32>} : memref<80x128xf32, #tpu.memory_space<vmem>>, vector<1x16xf32>,
        %get3A_566 = vector.shape_cast %get3A_565 : vector<1x16xf32> to vector<16xf32>
        %get3A_567 = arith.index_cast %add3A_523 : i32 to index
        %get3A_568 = arith.constant 64 : index
        %get3A_569 = tpu.vector_load %arg9[%get3A_567, %get3A_568] {strides = array<i32>} : memref<80x128xf32, #tpu.memory_space<vmem>>, vector<1x16xf32>,
        %get3A_570 = vector.shape_cast %get3A_569 : vector<1x16xf32> to vector<16xf32>
        %mul3A_571 = arith.mulf %get3A_566, %get3A_570 : vector<16xf32>
        %add3A_572 = arith.addf %add3A_562, %mul3A_571 : vector<16xf32>
        %get3A_573 = arith.index_cast %add3A_523 : i32 to index
        %get3A_574 = arith.constant 80 : index
        %get3A_575 = tpu.vector_load %arg8[%get3A_573, %get3A_574] {strides = array<i32>} : memref<80x128xf32, #tpu.memory_space<vmem>>, vector<1x16xf32>,
        %get3A_576 = vector.shape_cast %get3A_575 : vector<1x16xf32> to vector<16xf32>
        %get3A_577 = arith.index_cast %add3A_523 : i32 to index
        %get3A_578 = arith.constant 80 : index
        %get3A_579 = tpu.vector_load %arg9[%get3A_577, %get3A_578] {strides = array<i32>} : memref<80x128xf32, #tpu.memory_space<vmem>>, vector<1x16xf32>,
        %get3A_580 = vector.shape_cast %get3A_579 : vector<1x16xf32> to vector<16xf32>
        %mul3A_581 = arith.mulf %get3A_576, %get3A_580 : vector<16xf32>
        %add3A_582 = arith.addf %add3A_572, %mul3A_581 : vector<16xf32>
        %get3A_583 = arith.index_cast %add3A_523 : i32 to index
        %get3A_584 = arith.constant 96 : index
        %get3A_585 = tpu.vector_load %arg8[%get3A_583, %get3A_584] {strides = array<i32>} : memref<80x128xf32, #tpu.memory_space<vmem>>, vector<1x16xf32>,
        %get3A_586 = vector.shape_cast %get3A_585 : vector<1x16xf32> to vector<16xf32>
        %get3A_587 = arith.index_cast %add3A_523 : i32 to index
        %get3A_588 = arith.constant 96 : index
        %get3A_589 = tpu.vector_load %arg9[%get3A_587, %get3A_588] {strides = array<i32>} : memref<80x128xf32, #tpu.memory_space<vmem>>, vector<1x16xf32>,
        %get3A_590 = vector.shape_cast %get3A_589 : vector<1x16xf32> to vector<16xf32>
        %mul3A_591 = arith.mulf %get3A_586, %get3A_590 : vector<16xf32>
        %add3A_592 = arith.addf %add3A_582, %mul3A_591 : vector<16xf32>
        %get3A_593 = arith.index_cast %add3A_523 : i32 to index
        %get3A_594 = arith.constant 112 : index
        %get3A_595 = tpu.vector_load %arg8[%get3A_593, %get3A_594] {strides = array<i32>} : memref<80x128xf32, #tpu.memory_space<vmem>>, vector<1x16xf32>,
        %get3A_596 = vector.shape_cast %get3A_595 : vector<1x16xf32> to vector<16xf32>
        %get3A_597 = arith.index_cast %add3A_523 : i32 to index
        %get3A_598 = arith.constant 112 : index
        %get3A_599 = tpu.vector_load %arg9[%get3A_597, %get3A_598] {strides = array<i32>} : memref<80x128xf32, #tpu.memory_space<vmem>>, vector<1x16xf32>,
        %get3A_600 = vector.shape_cast %get3A_599 : vector<1x16xf32> to vector<16xf32>
        %mul3A_601 = arith.mulf %get3A_596, %get3A_600 : vector<16xf32>
        %add3A_602 = arith.addf %add3A_592, %mul3A_601 : vector<16xf32>
        %mul3A_603 = arith.constant 16 : i32
        %mul3A_604 = arith.muli %scan3A_105, %mul3A_603 : i32
        %add3A_605 = arith.constant 6 : i32
        %add3A_606 = arith.addi %mul3A_604, %add3A_605 : i32
        %get3A_607 = arith.index_cast %add3A_606 : i32 to index
        %get3A_608 = arith.constant 0 : index
        %get3A_609 = tpu.vector_load %arg8[%get3A_607, %get3A_608] {strides = array<i32>} : memref<80x128xf32, #tpu.memory_space<vmem>>, vector<1x16xf32>,
        %get3A_610 = vector.shape_cast %get3A_609 : vector<1x16xf32> to vector<16xf32>
        %get3A_611 = arith.index_cast %add3A_606 : i32 to index
        %get3A_612 = arith.constant 0 : index
        %get3A_613 = tpu.vector_load %arg9[%get3A_611, %get3A_612] {strides = array<i32>} : memref<80x128xf32, #tpu.memory_space<vmem>>, vector<1x16xf32>,
        %get3A_614 = vector.shape_cast %get3A_613 : vector<1x16xf32> to vector<16xf32>
        %mul3A_615 = arith.mulf %get3A_610, %get3A_614 : vector<16xf32>
        %get3A_616 = arith.index_cast %add3A_606 : i32 to index
        %get3A_617 = arith.constant 16 : index
        %get3A_618 = tpu.vector_load %arg8[%get3A_616, %get3A_617] {strides = array<i32>} : memref<80x128xf32, #tpu.memory_space<vmem>>, vector<1x16xf32>,
        %get3A_619 = vector.shape_cast %get3A_618 : vector<1x16xf32> to vector<16xf32>
        %get3A_620 = arith.index_cast %add3A_606 : i32 to index
        %get3A_621 = arith.constant 16 : index
        %get3A_622 = tpu.vector_load %arg9[%get3A_620, %get3A_621] {strides = array<i32>} : memref<80x128xf32, #tpu.memory_space<vmem>>, vector<1x16xf32>,
        %get3A_623 = vector.shape_cast %get3A_622 : vector<1x16xf32> to vector<16xf32>
        %mul3A_624 = arith.mulf %get3A_619, %get3A_623 : vector<16xf32>
        %add3A_625 = arith.addf %mul3A_615, %mul3A_624 : vector<16xf32>
        %get3A_626 = arith.index_cast %add3A_606 : i32 to index
        %get3A_627 = arith.constant 32 : index
        %get3A_628 = tpu.vector_load %arg8[%get3A_626, %get3A_627] {strides = array<i32>} : memref<80x128xf32, #tpu.memory_space<vmem>>, vector<1x16xf32>,
        %get3A_629 = vector.shape_cast %get3A_628 : vector<1x16xf32> to vector<16xf32>
        %get3A_630 = arith.index_cast %add3A_606 : i32 to index
        %get3A_631 = arith.constant 32 : index
        %get3A_632 = tpu.vector_load %arg9[%get3A_630, %get3A_631] {strides = array<i32>} : memref<80x128xf32, #tpu.memory_space<vmem>>, vector<1x16xf32>,
        %get3A_633 = vector.shape_cast %get3A_632 : vector<1x16xf32> to vector<16xf32>
        %mul3A_634 = arith.mulf %get3A_629, %get3A_633 : vector<16xf32>
        %add3A_635 = arith.addf %add3A_625, %mul3A_634 : vector<16xf32>
        %get3A_636 = arith.index_cast %add3A_606 : i32 to index
        %get3A_637 = arith.constant 48 : index
        %get3A_638 = tpu.vector_load %arg8[%get3A_636, %get3A_637] {strides = array<i32>} : memref<80x128xf32, #tpu.memory_space<vmem>>, vector<1x16xf32>,
        %get3A_639 = vector.shape_cast %get3A_638 : vector<1x16xf32> to vector<16xf32>
        %get3A_640 = arith.index_cast %add3A_606 : i32 to index
        %get3A_641 = arith.constant 48 : index
        %get3A_642 = tpu.vector_load %arg9[%get3A_640, %get3A_641] {strides = array<i32>} : memref<80x128xf32, #tpu.memory_space<vmem>>, vector<1x16xf32>,
        %get3A_643 = vector.shape_cast %get3A_642 : vector<1x16xf32> to vector<16xf32>
        %mul3A_644 = arith.mulf %get3A_639, %get3A_643 : vector<16xf32>
        %add3A_645 = arith.addf %add3A_635, %mul3A_644 : vector<16xf32>
        %get3A_646 = arith.index_cast %add3A_606 : i32 to index
        %get3A_647 = arith.constant 64 : index
        %get3A_648 = tpu.vector_load %arg8[%get3A_646, %get3A_647] {strides = array<i32>} : memref<80x128xf32, #tpu.memory_space<vmem>>, vector<1x16xf32>,
        %get3A_649 = vector.shape_cast %get3A_648 : vector<1x16xf32> to vector<16xf32>
        %get3A_650 = arith.index_cast %add3A_606 : i32 to index
        %get3A_651 = arith.constant 64 : index
        %get3A_652 = tpu.vector_load %arg9[%get3A_650, %get3A_651] {strides = array<i32>} : memref<80x128xf32, #tpu.memory_space<vmem>>, vector<1x16xf32>,
        %get3A_653 = vector.shape_cast %get3A_652 : vector<1x16xf32> to vector<16xf32>
        %mul3A_654 = arith.mulf %get3A_649, %get3A_653 : vector<16xf32>
        %add3A_655 = arith.addf %add3A_645, %mul3A_654 : vector<16xf32>
        %get3A_656 = arith.index_cast %add3A_606 : i32 to index
        %get3A_657 = arith.constant 80 : index
        %get3A_658 = tpu.vector_load %arg8[%get3A_656, %get3A_657] {strides = array<i32>} : memref<80x128xf32, #tpu.memory_space<vmem>>, vector<1x16xf32>,
        %get3A_659 = vector.shape_cast %get3A_658 : vector<1x16xf32> to vector<16xf32>
        %get3A_660 = arith.index_cast %add3A_606 : i32 to index
        %get3A_661 = arith.constant 80 : index
        %get3A_662 = tpu.vector_load %arg9[%get3A_660, %get3A_661] {strides = array<i32>} : memref<80x128xf32, #tpu.memory_space<vmem>>, vector<1x16xf32>,
        %get3A_663 = vector.shape_cast %get3A_662 : vector<1x16xf32> to vector<16xf32>
        %mul3A_664 = arith.mulf %get3A_659, %get3A_663 : vector<16xf32>
        %add3A_665 = arith.addf %add3A_655, %mul3A_664 : vector<16xf32>
        %get3A_666 = arith.index_cast %add3A_606 : i32 to index
        %get3A_667 = arith.constant 96 : index
        %get3A_668 = tpu.vector_load %arg8[%get3A_666, %get3A_667] {strides = array<i32>} : memref<80x128xf32, #tpu.memory_space<vmem>>, vector<1x16xf32>,
        %get3A_669 = vector.shape_cast %get3A_668 : vector<1x16xf32> to vector<16xf32>
        %get3A_670 = arith.index_cast %add3A_606 : i32 to index
        %get3A_671 = arith.constant 96 : index
        %get3A_672 = tpu.vector_load %arg9[%get3A_670, %get3A_671] {strides = array<i32>} : memref<80x128xf32, #tpu.memory_space<vmem>>, vector<1x16xf32>,
        %get3A_673 = vector.shape_cast %get3A_672 : vector<1x16xf32> to vector<16xf32>
        %mul3A_674 = arith.mulf %get3A_669, %get3A_673 : vector<16xf32>
        %add3A_675 = arith.addf %add3A_665, %mul3A_674 : vector<16xf32>
        %get3A_676 = arith.index_cast %add3A_606 : i32 to index
        %get3A_677 = arith.constant 112 : index
        %get3A_678 = tpu.vector_load %arg8[%get3A_676, %get3A_677] {strides = array<i32>} : memref<80x128xf32, #tpu.memory_space<vmem>>, vector<1x16xf32>,
        %get3A_679 = vector.shape_cast %get3A_678 : vector<1x16xf32> to vector<16xf32>
        %get3A_680 = arith.index_cast %add3A_606 : i32 to index
        %get3A_681 = arith.constant 112 : index
        %get3A_682 = tpu.vector_load %arg9[%get3A_680, %get3A_681] {strides = array<i32>} : memref<80x128xf32, #tpu.memory_space<vmem>>, vector<1x16xf32>,
        %get3A_683 = vector.shape_cast %get3A_682 : vector<1x16xf32> to vector<16xf32>
        %mul3A_684 = arith.mulf %get3A_679, %get3A_683 : vector<16xf32>
        %add3A_685 = arith.addf %add3A_675, %mul3A_684 : vector<16xf32>
        %mul3A_686 = arith.constant 16 : i32
        %mul3A_687 = arith.muli %scan3A_105, %mul3A_686 : i32
        %add3A_688 = arith.constant 7 : i32
        %add3A_689 = arith.addi %mul3A_687, %add3A_688 : i32
        %get3A_690 = arith.index_cast %add3A_689 : i32 to index
        %get3A_691 = arith.constant 0 : index
        %get3A_692 = tpu.vector_load %arg8[%get3A_690, %get3A_691] {strides = array<i32>} : memref<80x128xf32, #tpu.memory_space<vmem>>, vector<1x16xf32>,
        %get3A_693 = vector.shape_cast %get3A_692 : vector<1x16xf32> to vector<16xf32>
        %get3A_694 = arith.index_cast %add3A_689 : i32 to index
        %get3A_695 = arith.constant 0 : index
        %get3A_696 = tpu.vector_load %arg9[%get3A_694, %get3A_695] {strides = array<i32>} : memref<80x128xf32, #tpu.memory_space<vmem>>, vector<1x16xf32>,
        %get3A_697 = vector.shape_cast %get3A_696 : vector<1x16xf32> to vector<16xf32>
        %mul3A_698 = arith.mulf %get3A_693, %get3A_697 : vector<16xf32>
        %get3A_699 = arith.index_cast %add3A_689 : i32 to index
        %get3A_700 = arith.constant 16 : index
        %get3A_701 = tpu.vector_load %arg8[%get3A_699, %get3A_700] {strides = array<i32>} : memref<80x128xf32, #tpu.memory_space<vmem>>, vector<1x16xf32>,
        %get3A_702 = vector.shape_cast %get3A_701 : vector<1x16xf32> to vector<16xf32>
        %get3A_703 = arith.index_cast %add3A_689 : i32 to index
        %get3A_704 = arith.constant 16 : index
        %get3A_705 = tpu.vector_load %arg9[%get3A_703, %get3A_704] {strides = array<i32>} : memref<80x128xf32, #tpu.memory_space<vmem>>, vector<1x16xf32>,
        %get3A_706 = vector.shape_cast %get3A_705 : vector<1x16xf32> to vector<16xf32>
        %mul3A_707 = arith.mulf %get3A_702, %get3A_706 : vector<16xf32>
        %add3A_708 = arith.addf %mul3A_698, %mul3A_707 : vector<16xf32>
        %get3A_709 = arith.index_cast %add3A_689 : i32 to index
        %get3A_710 = arith.constant 32 : index
        %get3A_711 = tpu.vector_load %arg8[%get3A_709, %get3A_710] {strides = array<i32>} : memref<80x128xf32, #tpu.memory_space<vmem>>, vector<1x16xf32>,
        %get3A_712 = vector.shape_cast %get3A_711 : vector<1x16xf32> to vector<16xf32>
        %get3A_713 = arith.index_cast %add3A_689 : i32 to index
        %get3A_714 = arith.constant 32 : index
        %get3A_715 = tpu.vector_load %arg9[%get3A_713, %get3A_714] {strides = array<i32>} : memref<80x128xf32, #tpu.memory_space<vmem>>, vector<1x16xf32>,
        %get3A_716 = vector.shape_cast %get3A_715 : vector<1x16xf32> to vector<16xf32>
        %mul3A_717 = arith.mulf %get3A_712, %get3A_716 : vector<16xf32>
        %add3A_718 = arith.addf %add3A_708, %mul3A_717 : vector<16xf32>
        %get3A_719 = arith.index_cast %add3A_689 : i32 to index
        %get3A_720 = arith.constant 48 : index
        %get3A_721 = tpu.vector_load %arg8[%get3A_719, %get3A_720] {strides = array<i32>} : memref<80x128xf32, #tpu.memory_space<vmem>>, vector<1x16xf32>,
        %get3A_722 = vector.shape_cast %get3A_721 : vector<1x16xf32> to vector<16xf32>
        %get3A_723 = arith.index_cast %add3A_689 : i32 to index
        %get3A_724 = arith.constant 48 : index
        %get3A_725 = tpu.vector_load %arg9[%get3A_723, %get3A_724] {strides = array<i32>} : memref<80x128xf32, #tpu.memory_space<vmem>>, vector<1x16xf32>,
        %get3A_726 = vector.shape_cast %get3A_725 : vector<1x16xf32> to vector<16xf32>
        %mul3A_727 = arith.mulf %get3A_722, %get3A_726 : vector<16xf32>
        %add3A_728 = arith.addf %add3A_718, %mul3A_727 : vector<16xf32>
        %get3A_729 = arith.index_cast %add3A_689 : i32 to index
        %get3A_730 = arith.constant 64 : index
        %get3A_731 = tpu.vector_load %arg8[%get3A_729, %get3A_730] {strides = array<i32>} : memref<80x128xf32, #tpu.memory_space<vmem>>, vector<1x16xf32>,
        %get3A_732 = vector.shape_cast %get3A_731 : vector<1x16xf32> to vector<16xf32>
        %get3A_733 = arith.index_cast %add3A_689 : i32 to index
        %get3A_734 = arith.constant 64 : index
        %get3A_735 = tpu.vector_load %arg9[%get3A_733, %get3A_734] {strides = array<i32>} : memref<80x128xf32, #tpu.memory_space<vmem>>, vector<1x16xf32>,
        %get3A_736 = vector.shape_cast %get3A_735 : vector<1x16xf32> to vector<16xf32>
        %mul3A_737 = arith.mulf %get3A_732, %get3A_736 : vector<16xf32>
        %add3A_738 = arith.addf %add3A_728, %mul3A_737 : vector<16xf32>
        %get3A_739 = arith.index_cast %add3A_689 : i32 to index
        %get3A_740 = arith.constant 80 : index
        %get3A_741 = tpu.vector_load %arg8[%get3A_739, %get3A_740] {strides = array<i32>} : memref<80x128xf32, #tpu.memory_space<vmem>>, vector<1x16xf32>,
        %get3A_742 = vector.shape_cast %get3A_741 : vector<1x16xf32> to vector<16xf32>
        %get3A_743 = arith.index_cast %add3A_689 : i32 to index
        %get3A_744 = arith.constant 80 : index
        %get3A_745 = tpu.vector_load %arg9[%get3A_743, %get3A_744] {strides = array<i32>} : memref<80x128xf32, #tpu.memory_space<vmem>>, vector<1x16xf32>,
        %get3A_746 = vector.shape_cast %get3A_745 : vector<1x16xf32> to vector<16xf32>
        %mul3A_747 = arith.mulf %get3A_742, %get3A_746 : vector<16xf32>
        %add3A_748 = arith.addf %add3A_738, %mul3A_747 : vector<16xf32>
        %get3A_749 = arith.index_cast %add3A_689 : i32 to index
        %get3A_750 = arith.constant 96 : index
        %get3A_751 = tpu.vector_load %arg8[%get3A_749, %get3A_750] {strides = array<i32>} : memref<80x128xf32, #tpu.memory_space<vmem>>, vector<1x16xf32>,
        %get3A_752 = vector.shape_cast %get3A_751 : vector<1x16xf32> to vector<16xf32>
        %get3A_753 = arith.index_cast %add3A_689 : i32 to index
        %get3A_754 = arith.constant 96 : index
        %get3A_755 = tpu.vector_load %arg9[%get3A_753, %get3A_754] {strides = array<i32>} : memref<80x128xf32, #tpu.memory_space<vmem>>, vector<1x16xf32>,
        %get3A_756 = vector.shape_cast %get3A_755 : vector<1x16xf32> to vector<16xf32>
        %mul3A_757 = arith.mulf %get3A_752, %get3A_756 : vector<16xf32>
        %add3A_758 = arith.addf %add3A_748, %mul3A_757 : vector<16xf32>
        %get3A_759 = arith.index_cast %add3A_689 : i32 to index
        %get3A_760 = arith.constant 112 : index
        %get3A_761 = tpu.vector_load %arg8[%get3A_759, %get3A_760] {strides = array<i32>} : memref<80x128xf32, #tpu.memory_space<vmem>>, vector<1x16xf32>,
        %get3A_762 = vector.shape_cast %get3A_761 : vector<1x16xf32> to vector<16xf32>
        %get3A_763 = arith.index_cast %add3A_689 : i32 to index
        %get3A_764 = arith.constant 112 : index
        %get3A_765 = tpu.vector_load %arg9[%get3A_763, %get3A_764] {strides = array<i32>} : memref<80x128xf32, #tpu.memory_space<vmem>>, vector<1x16xf32>,
        %get3A_766 = vector.shape_cast %get3A_765 : vector<1x16xf32> to vector<16xf32>
        %mul3A_767 = arith.mulf %get3A_762, %get3A_766 : vector<16xf32>
        %add3A_768 = arith.addf %add3A_758, %mul3A_767 : vector<16xf32>
        %mul3A_769 = arith.constant 16 : i32
        %mul3A_770 = arith.muli %scan3A_105, %mul3A_769 : i32
        %add3A_771 = arith.constant 8 : i32
        %add3A_772 = arith.addi %mul3A_770, %add3A_771 : i32
        %get3A_773 = arith.index_cast %add3A_772 : i32 to index
        %get3A_774 = arith.constant 0 : index
        %get3A_775 = tpu.vector_load %arg8[%get3A_773, %get3A_774] {strides = array<i32>} : memref<80x128xf32, #tpu.memory_space<vmem>>, vector<1x16xf32>,
        %get3A_776 = vector.shape_cast %get3A_775 : vector<1x16xf32> to vector<16xf32>
        %get3A_777 = arith.index_cast %add3A_772 : i32 to index
        %get3A_778 = arith.constant 0 : index
        %get3A_779 = tpu.vector_load %arg9[%get3A_777, %get3A_778] {strides = array<i32>} : memref<80x128xf32, #tpu.memory_space<vmem>>, vector<1x16xf32>,
        %get3A_780 = vector.shape_cast %get3A_779 : vector<1x16xf32> to vector<16xf32>
        %mul3A_781 = arith.mulf %get3A_776, %get3A_780 : vector<16xf32>
        %get3A_782 = arith.index_cast %add3A_772 : i32 to index
        %get3A_783 = arith.constant 16 : index
        %get3A_784 = tpu.vector_load %arg8[%get3A_782, %get3A_783] {strides = array<i32>} : memref<80x128xf32, #tpu.memory_space<vmem>>, vector<1x16xf32>,
        %get3A_785 = vector.shape_cast %get3A_784 : vector<1x16xf32> to vector<16xf32>
        %get3A_786 = arith.index_cast %add3A_772 : i32 to index
        %get3A_787 = arith.constant 16 : index
        %get3A_788 = tpu.vector_load %arg9[%get3A_786, %get3A_787] {strides = array<i32>} : memref<80x128xf32, #tpu.memory_space<vmem>>, vector<1x16xf32>,
        %get3A_789 = vector.shape_cast %get3A_788 : vector<1x16xf32> to vector<16xf32>
        %mul3A_790 = arith.mulf %get3A_785, %get3A_789 : vector<16xf32>
        %add3A_791 = arith.addf %mul3A_781, %mul3A_790 : vector<16xf32>
        %get3A_792 = arith.index_cast %add3A_772 : i32 to index
        %get3A_793 = arith.constant 32 : index
        %get3A_794 = tpu.vector_load %arg8[%get3A_792, %get3A_793] {strides = array<i32>} : memref<80x128xf32, #tpu.memory_space<vmem>>, vector<1x16xf32>,
        %get3A_795 = vector.shape_cast %get3A_794 : vector<1x16xf32> to vector<16xf32>
        %get3A_796 = arith.index_cast %add3A_772 : i32 to index
        %get3A_797 = arith.constant 32 : index
        %get3A_798 = tpu.vector_load %arg9[%get3A_796, %get3A_797] {strides = array<i32>} : memref<80x128xf32, #tpu.memory_space<vmem>>, vector<1x16xf32>,
        %get3A_799 = vector.shape_cast %get3A_798 : vector<1x16xf32> to vector<16xf32>
        %mul3A_800 = arith.mulf %get3A_795, %get3A_799 : vector<16xf32>
        %add3A_801 = arith.addf %add3A_791, %mul3A_800 : vector<16xf32>
        %get3A_802 = arith.index_cast %add3A_772 : i32 to index
        %get3A_803 = arith.constant 48 : index
        %get3A_804 = tpu.vector_load %arg8[%get3A_802, %get3A_803] {strides = array<i32>} : memref<80x128xf32, #tpu.memory_space<vmem>>, vector<1x16xf32>,
        %get3A_805 = vector.shape_cast %get3A_804 : vector<1x16xf32> to vector<16xf32>
        %get3A_806 = arith.index_cast %add3A_772 : i32 to index
        %get3A_807 = arith.constant 48 : index
        %get3A_808 = tpu.vector_load %arg9[%get3A_806, %get3A_807] {strides = array<i32>} : memref<80x128xf32, #tpu.memory_space<vmem>>, vector<1x16xf32>,
        %get3A_809 = vector.shape_cast %get3A_808 : vector<1x16xf32> to vector<16xf32>
        %mul3A_810 = arith.mulf %get3A_805, %get3A_809 : vector<16xf32>
        %add3A_811 = arith.addf %add3A_801, %mul3A_810 : vector<16xf32>
        %get3A_812 = arith.index_cast %add3A_772 : i32 to index
        %get3A_813 = arith.constant 64 : index
        %get3A_814 = tpu.vector_load %arg8[%get3A_812, %get3A_813] {strides = array<i32>} : memref<80x128xf32, #tpu.memory_space<vmem>>, vector<1x16xf32>,
        %get3A_815 = vector.shape_cast %get3A_814 : vector<1x16xf32> to vector<16xf32>
        %get3A_816 = arith.index_cast %add3A_772 : i32 to index
        %get3A_817 = arith.constant 64 : index
        %get3A_818 = tpu.vector_load %arg9[%get3A_816, %get3A_817] {strides = array<i32>} : memref<80x128xf32, #tpu.memory_space<vmem>>, vector<1x16xf32>,
        %get3A_819 = vector.shape_cast %get3A_818 : vector<1x16xf32> to vector<16xf32>
        %mul3A_820 = arith.mulf %get3A_815, %get3A_819 : vector<16xf32>
        %add3A_821 = arith.addf %add3A_811, %mul3A_820 : vector<16xf32>
        %get3A_822 = arith.index_cast %add3A_772 : i32 to index
        %get3A_823 = arith.constant 80 : index
        %get3A_824 = tpu.vector_load %arg8[%get3A_822, %get3A_823] {strides = array<i32>} : memref<80x128xf32, #tpu.memory_space<vmem>>, vector<1x16xf32>,
        %get3A_825 = vector.shape_cast %get3A_824 : vector<1x16xf32> to vector<16xf32>
        %get3A_826 = arith.index_cast %add3A_772 : i32 to index
        %get3A_827 = arith.constant 80 : index
        %get3A_828 = tpu.vector_load %arg9[%get3A_826, %get3A_827] {strides = array<i32>} : memref<80x128xf32, #tpu.memory_space<vmem>>, vector<1x16xf32>,
        %get3A_829 = vector.shape_cast %get3A_828 : vector<1x16xf32> to vector<16xf32>
        %mul3A_830 = arith.mulf %get3A_825, %get3A_829 : vector<16xf32>
        %add3A_831 = arith.addf %add3A_821, %mul3A_830 : vector<16xf32>
        %get3A_832 = arith.index_cast %add3A_772 : i32 to index
        %get3A_833 = arith.constant 96 : index
        %get3A_834 = tpu.vector_load %arg8[%get3A_832, %get3A_833] {strides = array<i32>} : memref<80x128xf32, #tpu.memory_space<vmem>>, vector<1x16xf32>,
        %get3A_835 = vector.shape_cast %get3A_834 : vector<1x16xf32> to vector<16xf32>
        %get3A_836 = arith.index_cast %add3A_772 : i32 to index
        %get3A_837 = arith.constant 96 : index
        %get3A_838 = tpu.vector_load %arg9[%get3A_836, %get3A_837] {strides = array<i32>} : memref<80x128xf32, #tpu.memory_space<vmem>>, vector<1x16xf32>,
        %get3A_839 = vector.shape_cast %get3A_838 : vector<1x16xf32> to vector<16xf32>
        %mul3A_840 = arith.mulf %get3A_835, %get3A_839 : vector<16xf32>
        %add3A_841 = arith.addf %add3A_831, %mul3A_840 : vector<16xf32>
        %get3A_842 = arith.index_cast %add3A_772 : i32 to index
        %get3A_843 = arith.constant 112 : index
        %get3A_844 = tpu.vector_load %arg8[%get3A_842, %get3A_843] {strides = array<i32>} : memref<80x128xf32, #tpu.memory_space<vmem>>, vector<1x16xf32>,
        %get3A_845 = vector.shape_cast %get3A_844 : vector<1x16xf32> to vector<16xf32>
        %get3A_846 = arith.index_cast %add3A_772 : i32 to index
        %get3A_847 = arith.constant 112 : index
        %get3A_848 = tpu.vector_load %arg9[%get3A_846, %get3A_847] {strides = array<i32>} : memref<80x128xf32, #tpu.memory_space<vmem>>, vector<1x16xf32>,
        %get3A_849 = vector.shape_cast %get3A_848 : vector<1x16xf32> to vector<16xf32>
        %mul3A_850 = arith.mulf %get3A_845, %get3A_849 : vector<16xf32>
        %add3A_851 = arith.addf %add3A_841, %mul3A_850 : vector<16xf32>
        %mul3A_852 = arith.constant 16 : i32
        %mul3A_853 = arith.muli %scan3A_105, %mul3A_852 : i32
        %add3A_854 = arith.constant 9 : i32
        %add3A_855 = arith.addi %mul3A_853, %add3A_854 : i32
        %get3A_856 = arith.index_cast %add3A_855 : i32 to index
        %get3A_857 = arith.constant 0 : index
        %get3A_858 = tpu.vector_load %arg8[%get3A_856, %get3A_857] {strides = array<i32>} : memref<80x128xf32, #tpu.memory_space<vmem>>, vector<1x16xf32>,
        %get3A_859 = vector.shape_cast %get3A_858 : vector<1x16xf32> to vector<16xf32>
        %get3A_860 = arith.index_cast %add3A_855 : i32 to index
        %get3A_861 = arith.constant 0 : index
        %get3A_862 = tpu.vector_load %arg9[%get3A_860, %get3A_861] {strides = array<i32>} : memref<80x128xf32, #tpu.memory_space<vmem>>, vector<1x16xf32>,
        %get3A_863 = vector.shape_cast %get3A_862 : vector<1x16xf32> to vector<16xf32>
        %mul3A_864 = arith.mulf %get3A_859, %get3A_863 : vector<16xf32>
        %get3A_865 = arith.index_cast %add3A_855 : i32 to index
        %get3A_866 = arith.constant 16 : index
        %get3A_867 = tpu.vector_load %arg8[%get3A_865, %get3A_866] {strides = array<i32>} : memref<80x128xf32, #tpu.memory_space<vmem>>, vector<1x16xf32>,
        %get3A_868 = vector.shape_cast %get3A_867 : vector<1x16xf32> to vector<16xf32>
        %get3A_869 = arith.index_cast %add3A_855 : i32 to index
        %get3A_870 = arith.constant 16 : index
        %get3A_871 = tpu.vector_load %arg9[%get3A_869, %get3A_870] {strides = array<i32>} : memref<80x128xf32, #tpu.memory_space<vmem>>, vector<1x16xf32>,
        %get3A_872 = vector.shape_cast %get3A_871 : vector<1x16xf32> to vector<16xf32>
        %mul3A_873 = arith.mulf %get3A_868, %get3A_872 : vector<16xf32>
        %add3A_874 = arith.addf %mul3A_864, %mul3A_873 : vector<16xf32>
        %get3A_875 = arith.index_cast %add3A_855 : i32 to index
        %get3A_876 = arith.constant 32 : index
        %get3A_877 = tpu.vector_load %arg8[%get3A_875, %get3A_876] {strides = array<i32>} : memref<80x128xf32, #tpu.memory_space<vmem>>, vector<1x16xf32>,
        %get3A_878 = vector.shape_cast %get3A_877 : vector<1x16xf32> to vector<16xf32>
        %get3A_879 = arith.index_cast %add3A_855 : i32 to index
        %get3A_880 = arith.constant 32 : index
        %get3A_881 = tpu.vector_load %arg9[%get3A_879, %get3A_880] {strides = array<i32>} : memref<80x128xf32, #tpu.memory_space<vmem>>, vector<1x16xf32>,
        %get3A_882 = vector.shape_cast %get3A_881 : vector<1x16xf32> to vector<16xf32>
        %mul3A_883 = arith.mulf %get3A_878, %get3A_882 : vector<16xf32>
        %add3A_884 = arith.addf %add3A_874, %mul3A_883 : vector<16xf32>
        %get3A_885 = arith.index_cast %add3A_855 : i32 to index
        %get3A_886 = arith.constant 48 : index
        %get3A_887 = tpu.vector_load %arg8[%get3A_885, %get3A_886] {strides = array<i32>} : memref<80x128xf32, #tpu.memory_space<vmem>>, vector<1x16xf32>,
        %get3A_888 = vector.shape_cast %get3A_887 : vector<1x16xf32> to vector<16xf32>
        %get3A_889 = arith.index_cast %add3A_855 : i32 to index
        %get3A_890 = arith.constant 48 : index
        %get3A_891 = tpu.vector_load %arg9[%get3A_889, %get3A_890] {strides = array<i32>} : memref<80x128xf32, #tpu.memory_space<vmem>>, vector<1x16xf32>,
        %get3A_892 = vector.shape_cast %get3A_891 : vector<1x16xf32> to vector<16xf32>
        %mul3A_893 = arith.mulf %get3A_888, %get3A_892 : vector<16xf32>
        %add3A_894 = arith.addf %add3A_884, %mul3A_893 : vector<16xf32>
        %get3A_895 = arith.index_cast %add3A_855 : i32 to index
        %get3A_896 = arith.constant 64 : index
        %get3A_897 = tpu.vector_load %arg8[%get3A_895, %get3A_896] {strides = array<i32>} : memref<80x128xf32, #tpu.memory_space<vmem>>, vector<1x16xf32>,
        %get3A_898 = vector.shape_cast %get3A_897 : vector<1x16xf32> to vector<16xf32>
        %get3A_899 = arith.index_cast %add3A_855 : i32 to index
        %get3A_900 = arith.constant 64 : index
        %get3A_901 = tpu.vector_load %arg9[%get3A_899, %get3A_900] {strides = array<i32>} : memref<80x128xf32, #tpu.memory_space<vmem>>, vector<1x16xf32>,
        %get3A_902 = vector.shape_cast %get3A_901 : vector<1x16xf32> to vector<16xf32>
        %mul3A_903 = arith.mulf %get3A_898, %get3A_902 : vector<16xf32>
        %add3A_904 = arith.addf %add3A_894, %mul3A_903 : vector<16xf32>
        %get3A_905 = arith.index_cast %add3A_855 : i32 to index
        %get3A_906 = arith.constant 80 : index
        %get3A_907 = tpu.vector_load %arg8[%get3A_905, %get3A_906] {strides = array<i32>} : memref<80x128xf32, #tpu.memory_space<vmem>>, vector<1x16xf32>,
        %get3A_908 = vector.shape_cast %get3A_907 : vector<1x16xf32> to vector<16xf32>
        %get3A_909 = arith.index_cast %add3A_855 : i32 to index
        %get3A_910 = arith.constant 80 : index
        %get3A_911 = tpu.vector_load %arg9[%get3A_909, %get3A_910] {strides = array<i32>} : memref<80x128xf32, #tpu.memory_space<vmem>>, vector<1x16xf32>,
        %get3A_912 = vector.shape_cast %get3A_911 : vector<1x16xf32> to vector<16xf32>
        %mul3A_913 = arith.mulf %get3A_908, %get3A_912 : vector<16xf32>
        %add3A_914 = arith.addf %add3A_904, %mul3A_913 : vector<16xf32>
        %get3A_915 = arith.index_cast %add3A_855 : i32 to index
        %get3A_916 = arith.constant 96 : index
        %get3A_917 = tpu.vector_load %arg8[%get3A_915, %get3A_916] {strides = array<i32>} : memref<80x128xf32, #tpu.memory_space<vmem>>, vector<1x16xf32>,
        %get3A_918 = vector.shape_cast %get3A_917 : vector<1x16xf32> to vector<16xf32>
        %get3A_919 = arith.index_cast %add3A_855 : i32 to index
        %get3A_920 = arith.constant 96 : index
        %get3A_921 = tpu.vector_load %arg9[%get3A_919, %get3A_920] {strides = array<i32>} : memref<80x128xf32, #tpu.memory_space<vmem>>, vector<1x16xf32>,
        %get3A_922 = vector.shape_cast %get3A_921 : vector<1x16xf32> to vector<16xf32>
        %mul3A_923 = arith.mulf %get3A_918, %get3A_922 : vector<16xf32>
        %add3A_924 = arith.addf %add3A_914, %mul3A_923 : vector<16xf32>
        %get3A_925 = arith.index_cast %add3A_855 : i32 to index
        %get3A_926 = arith.constant 112 : index
        %get3A_927 = tpu.vector_load %arg8[%get3A_925, %get3A_926] {strides = array<i32>} : memref<80x128xf32, #tpu.memory_space<vmem>>, vector<1x16xf32>,
        %get3A_928 = vector.shape_cast %get3A_927 : vector<1x16xf32> to vector<16xf32>
        %get3A_929 = arith.index_cast %add3A_855 : i32 to index
        %get3A_930 = arith.constant 112 : index
        %get3A_931 = tpu.vector_load %arg9[%get3A_929, %get3A_930] {strides = array<i32>} : memref<80x128xf32, #tpu.memory_space<vmem>>, vector<1x16xf32>,
        %get3A_932 = vector.shape_cast %get3A_931 : vector<1x16xf32> to vector<16xf32>
        %mul3A_933 = arith.mulf %get3A_928, %get3A_932 : vector<16xf32>
        %add3A_934 = arith.addf %add3A_924, %mul3A_933 : vector<16xf32>
        %mul3A_935 = arith.constant 16 : i32
        %mul3A_936 = arith.muli %scan3A_105, %mul3A_935 : i32
        %add3A_937 = arith.constant 10 : i32
        %add3A_938 = arith.addi %mul3A_936, %add3A_937 : i32
        %get3A_939 = arith.index_cast %add3A_938 : i32 to index
        %get3A_940 = arith.constant 0 : index
        %get3A_941 = tpu.vector_load %arg8[%get3A_939, %get3A_940] {strides = array<i32>} : memref<80x128xf32, #tpu.memory_space<vmem>>, vector<1x16xf32>,
        %get3A_942 = vector.shape_cast %get3A_941 : vector<1x16xf32> to vector<16xf32>
        %get3A_943 = arith.index_cast %add3A_938 : i32 to index
        %get3A_944 = arith.constant 0 : index
        %get3A_945 = tpu.vector_load %arg9[%get3A_943, %get3A_944] {strides = array<i32>} : memref<80x128xf32, #tpu.memory_space<vmem>>, vector<1x16xf32>,
        %get3A_946 = vector.shape_cast %get3A_945 : vector<1x16xf32> to vector<16xf32>
        %mul3A_947 = arith.mulf %get3A_942, %get3A_946 : vector<16xf32>
        %get3A_948 = arith.index_cast %add3A_938 : i32 to index
        %get3A_949 = arith.constant 16 : index
        %get3A_950 = tpu.vector_load %arg8[%get3A_948, %get3A_949] {strides = array<i32>} : memref<80x128xf32, #tpu.memory_space<vmem>>, vector<1x16xf32>,
        %get3A_951 = vector.shape_cast %get3A_950 : vector<1x16xf32> to vector<16xf32>
        %get3A_952 = arith.index_cast %add3A_938 : i32 to index
        %get3A_953 = arith.constant 16 : index
        %get3A_954 = tpu.vector_load %arg9[%get3A_952, %get3A_953] {strides = array<i32>} : memref<80x128xf32, #tpu.memory_space<vmem>>, vector<1x16xf32>,
        %get3A_955 = vector.shape_cast %get3A_954 : vector<1x16xf32> to vector<16xf32>
        %mul3A_956 = arith.mulf %get3A_951, %get3A_955 : vector<16xf32>
        %add3A_957 = arith.addf %mul3A_947, %mul3A_956 : vector<16xf32>
        %get3A_958 = arith.index_cast %add3A_938 : i32 to index
        %get3A_959 = arith.constant 32 : index
        %get3A_960 = tpu.vector_load %arg8[%get3A_958, %get3A_959] {strides = array<i32>} : memref<80x128xf32, #tpu.memory_space<vmem>>, vector<1x16xf32>,
        %get3A_961 = vector.shape_cast %get3A_960 : vector<1x16xf32> to vector<16xf32>
        %get3A_962 = arith.index_cast %add3A_938 : i32 to index
        %get3A_963 = arith.constant 32 : index
        %get3A_964 = tpu.vector_load %arg9[%get3A_962, %get3A_963] {strides = array<i32>} : memref<80x128xf32, #tpu.memory_space<vmem>>, vector<1x16xf32>,
        %get3A_965 = vector.shape_cast %get3A_964 : vector<1x16xf32> to vector<16xf32>
        %mul3A_966 = arith.mulf %get3A_961, %get3A_965 : vector<16xf32>
        %add3A_967 = arith.addf %add3A_957, %mul3A_966 : vector<16xf32>
        %get3A_968 = arith.index_cast %add3A_938 : i32 to index
        %get3A_969 = arith.constant 48 : index
        %get3A_970 = tpu.vector_load %arg8[%get3A_968, %get3A_969] {strides = array<i32>} : memref<80x128xf32, #tpu.memory_space<vmem>>, vector<1x16xf32>,
        %get3A_971 = vector.shape_cast %get3A_970 : vector<1x16xf32> to vector<16xf32>
        %get3A_972 = arith.index_cast %add3A_938 : i32 to index
        %get3A_973 = arith.constant 48 : index
        %get3A_974 = tpu.vector_load %arg9[%get3A_972, %get3A_973] {strides = array<i32>} : memref<80x128xf32, #tpu.memory_space<vmem>>, vector<1x16xf32>,
        %get3A_975 = vector.shape_cast %get3A_974 : vector<1x16xf32> to vector<16xf32>
        %mul3A_976 = arith.mulf %get3A_971, %get3A_975 : vector<16xf32>
        %add3A_977 = arith.addf %add3A_967, %mul3A_976 : vector<16xf32>
        %get3A_978 = arith.index_cast %add3A_938 : i32 to index
        %get3A_979 = arith.constant 64 : index
        %get3A_980 = tpu.vector_load %arg8[%get3A_978, %get3A_979] {strides = array<i32>} : memref<80x128xf32, #tpu.memory_space<vmem>>, vector<1x16xf32>,
        %get3A_981 = vector.shape_cast %get3A_980 : vector<1x16xf32> to vector<16xf32>
        %get3A_982 = arith.index_cast %add3A_938 : i32 to index
        %get3A_983 = arith.constant 64 : index
        %get3A_984 = tpu.vector_load %arg9[%get3A_982, %get3A_983] {strides = array<i32>} : memref<80x128xf32, #tpu.memory_space<vmem>>, vector<1x16xf32>,
        %get3A_985 = vector.shape_cast %get3A_984 : vector<1x16xf32> to vector<16xf32>
        %mul3A_986 = arith.mulf %get3A_981, %get3A_985 : vector<16xf32>
        %add3A_987 = arith.addf %add3A_977, %mul3A_986 : vector<16xf32>
        %get3A_988 = arith.index_cast %add3A_938 : i32 to index
        %get3A_989 = arith.constant 80 : index
        %get3A_990 = tpu.vector_load %arg8[%get3A_988, %get3A_989] {strides = array<i32>} : memref<80x128xf32, #tpu.memory_space<vmem>>, vector<1x16xf32>,
        %get3A_991 = vector.shape_cast %get3A_990 : vector<1x16xf32> to vector<16xf32>
        %get3A_992 = arith.index_cast %add3A_938 : i32 to index
        %get3A_993 = arith.constant 80 : index
        %get3A_994 = tpu.vector_load %arg9[%get3A_992, %get3A_993] {strides = array<i32>} : memref<80x128xf32, #tpu.memory_space<vmem>>, vector<1x16xf32>,
        %get3A_995 = vector.shape_cast %get3A_994 : vector<1x16xf32> to vector<16xf32>
        %mul3A_996 = arith.mulf %get3A_991, %get3A_995 : vector<16xf32>
        %add3A_997 = arith.addf %add3A_987, %mul3A_996 : vector<16xf32>
        %get3A_998 = arith.index_cast %add3A_938 : i32 to index
        %get3A_999 = arith.constant 96 : index
        %get3A_1000 = tpu.vector_load %arg8[%get3A_998, %get3A_999] {strides = array<i32>} : memref<80x128xf32, #tpu.memory_space<vmem>>, vector<1x16xf32>,
        %get3A_1001 = vector.shape_cast %get3A_1000 : vector<1x16xf32> to vector<16xf32>
        %get3A_1002 = arith.index_cast %add3A_938 : i32 to index
        %get3A_1003 = arith.constant 96 : index
        %get3A_1004 = tpu.vector_load %arg9[%get3A_1002, %get3A_1003] {strides = array<i32>} : memref<80x128xf32, #tpu.memory_space<vmem>>, vector<1x16xf32>,
        %get3A_1005 = vector.shape_cast %get3A_1004 : vector<1x16xf32> to vector<16xf32>
        %mul3A_1006 = arith.mulf %get3A_1001, %get3A_1005 : vector<16xf32>
        %add3A_1007 = arith.addf %add3A_997, %mul3A_1006 : vector<16xf32>
        %get3A_1008 = arith.index_cast %add3A_938 : i32 to index
        %get3A_1009 = arith.constant 112 : index
        %get3A_1010 = tpu.vector_load %arg8[%get3A_1008, %get3A_1009] {strides = array<i32>} : memref<80x128xf32, #tpu.memory_space<vmem>>, vector<1x16xf32>,
        %get3A_1011 = vector.shape_cast %get3A_1010 : vector<1x16xf32> to vector<16xf32>
        %get3A_1012 = arith.index_cast %add3A_938 : i32 to index
        %get3A_1013 = arith.constant 112 : index
        %get3A_1014 = tpu.vector_load %arg9[%get3A_1012, %get3A_1013] {strides = array<i32>} : memref<80x128xf32, #tpu.memory_space<vmem>>, vector<1x16xf32>,
        %get3A_1015 = vector.shape_cast %get3A_1014 : vector<1x16xf32> to vector<16xf32>
        %mul3A_1016 = arith.mulf %get3A_1011, %get3A_1015 : vector<16xf32>
        %add3A_1017 = arith.addf %add3A_1007, %mul3A_1016 : vector<16xf32>
        %mul3A_1018 = arith.constant 16 : i32
        %mul3A_1019 = arith.muli %scan3A_105, %mul3A_1018 : i32
        %add3A_1020 = arith.constant 11 : i32
        %add3A_1021 = arith.addi %mul3A_1019, %add3A_1020 : i32
        %get3A_1022 = arith.index_cast %add3A_1021 : i32 to index
        %get3A_1023 = arith.constant 0 : index
        %get3A_1024 = tpu.vector_load %arg8[%get3A_1022, %get3A_1023] {strides = array<i32>} : memref<80x128xf32, #tpu.memory_space<vmem>>, vector<1x16xf32>,
        %get3A_1025 = vector.shape_cast %get3A_1024 : vector<1x16xf32> to vector<16xf32>
        %get3A_1026 = arith.index_cast %add3A_1021 : i32 to index
        %get3A_1027 = arith.constant 0 : index
        %get3A_1028 = tpu.vector_load %arg9[%get3A_1026, %get3A_1027] {strides = array<i32>} : memref<80x128xf32, #tpu.memory_space<vmem>>, vector<1x16xf32>,
        %get3A_1029 = vector.shape_cast %get3A_1028 : vector<1x16xf32> to vector<16xf32>
        %mul3A_1030 = arith.mulf %get3A_1025, %get3A_1029 : vector<16xf32>
        %get3A_1031 = arith.index_cast %add3A_1021 : i32 to index
        %get3A_1032 = arith.constant 16 : index
        %get3A_1033 = tpu.vector_load %arg8[%get3A_1031, %get3A_1032] {strides = array<i32>} : memref<80x128xf32, #tpu.memory_space<vmem>>, vector<1x16xf32>,
        %get3A_1034 = vector.shape_cast %get3A_1033 : vector<1x16xf32> to vector<16xf32>
        %get3A_1035 = arith.index_cast %add3A_1021 : i32 to index
        %get3A_1036 = arith.constant 16 : index
        %get3A_1037 = tpu.vector_load %arg9[%get3A_1035, %get3A_1036] {strides = array<i32>} : memref<80x128xf32, #tpu.memory_space<vmem>>, vector<1x16xf32>,
        %get3A_1038 = vector.shape_cast %get3A_1037 : vector<1x16xf32> to vector<16xf32>
        %mul3A_1039 = arith.mulf %get3A_1034, %get3A_1038 : vector<16xf32>
        %add3A_1040 = arith.addf %mul3A_1030, %mul3A_1039 : vector<16xf32>
        %get3A_1041 = arith.index_cast %add3A_1021 : i32 to index
        %get3A_1042 = arith.constant 32 : index
        %get3A_1043 = tpu.vector_load %arg8[%get3A_1041, %get3A_1042] {strides = array<i32>} : memref<80x128xf32, #tpu.memory_space<vmem>>, vector<1x16xf32>,
        %get3A_1044 = vector.shape_cast %get3A_1043 : vector<1x16xf32> to vector<16xf32>
        %get3A_1045 = arith.index_cast %add3A_1021 : i32 to index
        %get3A_1046 = arith.constant 32 : index
        %get3A_1047 = tpu.vector_load %arg9[%get3A_1045, %get3A_1046] {strides = array<i32>} : memref<80x128xf32, #tpu.memory_space<vmem>>, vector<1x16xf32>,
        %get3A_1048 = vector.shape_cast %get3A_1047 : vector<1x16xf32> to vector<16xf32>
        %mul3A_1049 = arith.mulf %get3A_1044, %get3A_1048 : vector<16xf32>
        %add3A_1050 = arith.addf %add3A_1040, %mul3A_1049 : vector<16xf32>
        %get3A_1051 = arith.index_cast %add3A_1021 : i32 to index
        %get3A_1052 = arith.constant 48 : index
        %get3A_1053 = tpu.vector_load %arg8[%get3A_1051, %get3A_1052] {strides = array<i32>} : memref<80x128xf32, #tpu.memory_space<vmem>>, vector<1x16xf32>,
        %get3A_1054 = vector.shape_cast %get3A_1053 : vector<1x16xf32> to vector<16xf32>
        %get3A_1055 = arith.index_cast %add3A_1021 : i32 to index
        %get3A_1056 = arith.constant 48 : index
        %get3A_1057 = tpu.vector_load %arg9[%get3A_1055, %get3A_1056] {strides = array<i32>} : memref<80x128xf32, #tpu.memory_space<vmem>>, vector<1x16xf32>,
        %get3A_1058 = vector.shape_cast %get3A_1057 : vector<1x16xf32> to vector<16xf32>
        %mul3A_1059 = arith.mulf %get3A_1054, %get3A_1058 : vector<16xf32>
        %add3A_1060 = arith.addf %add3A_1050, %mul3A_1059 : vector<16xf32>
        %get3A_1061 = arith.index_cast %add3A_1021 : i32 to index
        %get3A_1062 = arith.constant 64 : index
        %get3A_1063 = tpu.vector_load %arg8[%get3A_1061, %get3A_1062] {strides = array<i32>} : memref<80x128xf32, #tpu.memory_space<vmem>>, vector<1x16xf32>,
        %get3A_1064 = vector.shape_cast %get3A_1063 : vector<1x16xf32> to vector<16xf32>
        %get3A_1065 = arith.index_cast %add3A_1021 : i32 to index
        %get3A_1066 = arith.constant 64 : index
        %get3A_1067 = tpu.vector_load %arg9[%get3A_1065, %get3A_1066] {strides = array<i32>} : memref<80x128xf32, #tpu.memory_space<vmem>>, vector<1x16xf32>,
        %get3A_1068 = vector.shape_cast %get3A_1067 : vector<1x16xf32> to vector<16xf32>
        %mul3A_1069 = arith.mulf %get3A_1064, %get3A_1068 : vector<16xf32>
        %add3A_1070 = arith.addf %add3A_1060, %mul3A_1069 : vector<16xf32>
        %get3A_1071 = arith.index_cast %add3A_1021 : i32 to index
        %get3A_1072 = arith.constant 80 : index
        %get3A_1073 = tpu.vector_load %arg8[%get3A_1071, %get3A_1072] {strides = array<i32>} : memref<80x128xf32, #tpu.memory_space<vmem>>, vector<1x16xf32>,
        %get3A_1074 = vector.shape_cast %get3A_1073 : vector<1x16xf32> to vector<16xf32>
        %get3A_1075 = arith.index_cast %add3A_1021 : i32 to index
        %get3A_1076 = arith.constant 80 : index
        %get3A_1077 = tpu.vector_load %arg9[%get3A_1075, %get3A_1076] {strides = array<i32>} : memref<80x128xf32, #tpu.memory_space<vmem>>, vector<1x16xf32>,
        %get3A_1078 = vector.shape_cast %get3A_1077 : vector<1x16xf32> to vector<16xf32>
        %mul3A_1079 = arith.mulf %get3A_1074, %get3A_1078 : vector<16xf32>
        %add3A_1080 = arith.addf %add3A_1070, %mul3A_1079 : vector<16xf32>
        %get3A_1081 = arith.index_cast %add3A_1021 : i32 to index
        %get3A_1082 = arith.constant 96 : index
        %get3A_1083 = tpu.vector_load %arg8[%get3A_1081, %get3A_1082] {strides = array<i32>} : memref<80x128xf32, #tpu.memory_space<vmem>>, vector<1x16xf32>,
        %get3A_1084 = vector.shape_cast %get3A_1083 : vector<1x16xf32> to vector<16xf32>
        %get3A_1085 = arith.index_cast %add3A_1021 : i32 to index
        %get3A_1086 = arith.constant 96 : index
        %get3A_1087 = tpu.vector_load %arg9[%get3A_1085, %get3A_1086] {strides = array<i32>} : memref<80x128xf32, #tpu.memory_space<vmem>>, vector<1x16xf32>,
        %get3A_1088 = vector.shape_cast %get3A_1087 : vector<1x16xf32> to vector<16xf32>
        %mul3A_1089 = arith.mulf %get3A_1084, %get3A_1088 : vector<16xf32>
        %add3A_1090 = arith.addf %add3A_1080, %mul3A_1089 : vector<16xf32>
        %get3A_1091 = arith.index_cast %add3A_1021 : i32 to index
        %get3A_1092 = arith.constant 112 : index
        %get3A_1093 = tpu.vector_load %arg8[%get3A_1091, %get3A_1092] {strides = array<i32>} : memref<80x128xf32, #tpu.memory_space<vmem>>, vector<1x16xf32>,
        %get3A_1094 = vector.shape_cast %get3A_1093 : vector<1x16xf32> to vector<16xf32>
        %get3A_1095 = arith.index_cast %add3A_1021 : i32 to index
        %get3A_1096 = arith.constant 112 : index
        %get3A_1097 = tpu.vector_load %arg9[%get3A_1095, %get3A_1096] {strides = array<i32>} : memref<80x128xf32, #tpu.memory_space<vmem>>, vector<1x16xf32>,
        %get3A_1098 = vector.shape_cast %get3A_1097 : vector<1x16xf32> to vector<16xf32>
        %mul3A_1099 = arith.mulf %get3A_1094, %get3A_1098 : vector<16xf32>
        %add3A_1100 = arith.addf %add3A_1090, %mul3A_1099 : vector<16xf32>
        %mul3A_1101 = arith.constant 16 : i32
        %mul3A_1102 = arith.muli %scan3A_105, %mul3A_1101 : i32
        %add3A_1103 = arith.constant 12 : i32
        %add3A_1104 = arith.addi %mul3A_1102, %add3A_1103 : i32
        %get3A_1105 = arith.index_cast %add3A_1104 : i32 to index
        %get3A_1106 = arith.constant 0 : index
        %get3A_1107 = tpu.vector_load %arg8[%get3A_1105, %get3A_1106] {strides = array<i32>} : memref<80x128xf32, #tpu.memory_space<vmem>>, vector<1x16xf32>,
        %get3A_1108 = vector.shape_cast %get3A_1107 : vector<1x16xf32> to vector<16xf32>
        %get3A_1109 = arith.index_cast %add3A_1104 : i32 to index
        %get3A_1110 = arith.constant 0 : index
        %get3A_1111 = tpu.vector_load %arg9[%get3A_1109, %get3A_1110] {strides = array<i32>} : memref<80x128xf32, #tpu.memory_space<vmem>>, vector<1x16xf32>,
        %get3A_1112 = vector.shape_cast %get3A_1111 : vector<1x16xf32> to vector<16xf32>
        %mul3A_1113 = arith.mulf %get3A_1108, %get3A_1112 : vector<16xf32>
        %get3A_1114 = arith.index_cast %add3A_1104 : i32 to index
        %get3A_1115 = arith.constant 16 : index
        %get3A_1116 = tpu.vector_load %arg8[%get3A_1114, %get3A_1115] {strides = array<i32>} : memref<80x128xf32, #tpu.memory_space<vmem>>, vector<1x16xf32>,
        %get3A_1117 = vector.shape_cast %get3A_1116 : vector<1x16xf32> to vector<16xf32>
        %get3A_1118 = arith.index_cast %add3A_1104 : i32 to index
        %get3A_1119 = arith.constant 16 : index
        %get3A_1120 = tpu.vector_load %arg9[%get3A_1118, %get3A_1119] {strides = array<i32>} : memref<80x128xf32, #tpu.memory_space<vmem>>, vector<1x16xf32>,
        %get3A_1121 = vector.shape_cast %get3A_1120 : vector<1x16xf32> to vector<16xf32>
        %mul3A_1122 = arith.mulf %get3A_1117, %get3A_1121 : vector<16xf32>
        %add3A_1123 = arith.addf %mul3A_1113, %mul3A_1122 : vector<16xf32>
        %get3A_1124 = arith.index_cast %add3A_1104 : i32 to index
        %get3A_1125 = arith.constant 32 : index
        %get3A_1126 = tpu.vector_load %arg8[%get3A_1124, %get3A_1125] {strides = array<i32>} : memref<80x128xf32, #tpu.memory_space<vmem>>, vector<1x16xf32>,
        %get3A_1127 = vector.shape_cast %get3A_1126 : vector<1x16xf32> to vector<16xf32>
        %get3A_1128 = arith.index_cast %add3A_1104 : i32 to index
        %get3A_1129 = arith.constant 32 : index
        %get3A_1130 = tpu.vector_load %arg9[%get3A_1128, %get3A_1129] {strides = array<i32>} : memref<80x128xf32, #tpu.memory_space<vmem>>, vector<1x16xf32>,
        %get3A_1131 = vector.shape_cast %get3A_1130 : vector<1x16xf32> to vector<16xf32>
        %mul3A_1132 = arith.mulf %get3A_1127, %get3A_1131 : vector<16xf32>
        %add3A_1133 = arith.addf %add3A_1123, %mul3A_1132 : vector<16xf32>
        %get3A_1134 = arith.index_cast %add3A_1104 : i32 to index
        %get3A_1135 = arith.constant 48 : index
        %get3A_1136 = tpu.vector_load %arg8[%get3A_1134, %get3A_1135] {strides = array<i32>} : memref<80x128xf32, #tpu.memory_space<vmem>>, vector<1x16xf32>,
        %get3A_1137 = vector.shape_cast %get3A_1136 : vector<1x16xf32> to vector<16xf32>
        %get3A_1138 = arith.index_cast %add3A_1104 : i32 to index
        %get3A_1139 = arith.constant 48 : index
        %get3A_1140 = tpu.vector_load %arg9[%get3A_1138, %get3A_1139] {strides = array<i32>} : memref<80x128xf32, #tpu.memory_space<vmem>>, vector<1x16xf32>,
        %get3A_1141 = vector.shape_cast %get3A_1140 : vector<1x16xf32> to vector<16xf32>
        %mul3A_1142 = arith.mulf %get3A_1137, %get3A_1141 : vector<16xf32>
        %add3A_1143 = arith.addf %add3A_1133, %mul3A_1142 : vector<16xf32>
        %get3A_1144 = arith.index_cast %add3A_1104 : i32 to index
        %get3A_1145 = arith.constant 64 : index
        %get3A_1146 = tpu.vector_load %arg8[%get3A_1144, %get3A_1145] {strides = array<i32>} : memref<80x128xf32, #tpu.memory_space<vmem>>, vector<1x16xf32>,
        %get3A_1147 = vector.shape_cast %get3A_1146 : vector<1x16xf32> to vector<16xf32>
        %get3A_1148 = arith.index_cast %add3A_1104 : i32 to index
        %get3A_1149 = arith.constant 64 : index
        %get3A_1150 = tpu.vector_load %arg9[%get3A_1148, %get3A_1149] {strides = array<i32>} : memref<80x128xf32, #tpu.memory_space<vmem>>, vector<1x16xf32>,
        %get3A_1151 = vector.shape_cast %get3A_1150 : vector<1x16xf32> to vector<16xf32>
        %mul3A_1152 = arith.mulf %get3A_1147, %get3A_1151 : vector<16xf32>
        %add3A_1153 = arith.addf %add3A_1143, %mul3A_1152 : vector<16xf32>
        %get3A_1154 = arith.index_cast %add3A_1104 : i32 to index
        %get3A_1155 = arith.constant 80 : index
        %get3A_1156 = tpu.vector_load %arg8[%get3A_1154, %get3A_1155] {strides = array<i32>} : memref<80x128xf32, #tpu.memory_space<vmem>>, vector<1x16xf32>,
        %get3A_1157 = vector.shape_cast %get3A_1156 : vector<1x16xf32> to vector<16xf32>
        %get3A_1158 = arith.index_cast %add3A_1104 : i32 to index
        %get3A_1159 = arith.constant 80 : index
        %get3A_1160 = tpu.vector_load %arg9[%get3A_1158, %get3A_1159] {strides = array<i32>} : memref<80x128xf32, #tpu.memory_space<vmem>>, vector<1x16xf32>,
        %get3A_1161 = vector.shape_cast %get3A_1160 : vector<1x16xf32> to vector<16xf32>
        %mul3A_1162 = arith.mulf %get3A_1157, %get3A_1161 : vector<16xf32>
        %add3A_1163 = arith.addf %add3A_1153, %mul3A_1162 : vector<16xf32>
        %get3A_1164 = arith.index_cast %add3A_1104 : i32 to index
        %get3A_1165 = arith.constant 96 : index
        %get3A_1166 = tpu.vector_load %arg8[%get3A_1164, %get3A_1165] {strides = array<i32>} : memref<80x128xf32, #tpu.memory_space<vmem>>, vector<1x16xf32>,
        %get3A_1167 = vector.shape_cast %get3A_1166 : vector<1x16xf32> to vector<16xf32>
        %get3A_1168 = arith.index_cast %add3A_1104 : i32 to index
        %get3A_1169 = arith.constant 96 : index
        %get3A_1170 = tpu.vector_load %arg9[%get3A_1168, %get3A_1169] {strides = array<i32>} : memref<80x128xf32, #tpu.memory_space<vmem>>, vector<1x16xf32>,
        %get3A_1171 = vector.shape_cast %get3A_1170 : vector<1x16xf32> to vector<16xf32>
        %mul3A_1172 = arith.mulf %get3A_1167, %get3A_1171 : vector<16xf32>
        %add3A_1173 = arith.addf %add3A_1163, %mul3A_1172 : vector<16xf32>
        %get3A_1174 = arith.index_cast %add3A_1104 : i32 to index
        %get3A_1175 = arith.constant 112 : index
        %get3A_1176 = tpu.vector_load %arg8[%get3A_1174, %get3A_1175] {strides = array<i32>} : memref<80x128xf32, #tpu.memory_space<vmem>>, vector<1x16xf32>,
        %get3A_1177 = vector.shape_cast %get3A_1176 : vector<1x16xf32> to vector<16xf32>
        %get3A_1178 = arith.index_cast %add3A_1104 : i32 to index
        %get3A_1179 = arith.constant 112 : index
        %get3A_1180 = tpu.vector_load %arg9[%get3A_1178, %get3A_1179] {strides = array<i32>} : memref<80x128xf32, #tpu.memory_space<vmem>>, vector<1x16xf32>,
        %get3A_1181 = vector.shape_cast %get3A_1180 : vector<1x16xf32> to vector<16xf32>
        %mul3A_1182 = arith.mulf %get3A_1177, %get3A_1181 : vector<16xf32>
        %add3A_1183 = arith.addf %add3A_1173, %mul3A_1182 : vector<16xf32>
        %mul3A_1184 = arith.constant 16 : i32
        %mul3A_1185 = arith.muli %scan3A_105, %mul3A_1184 : i32
        %add3A_1186 = arith.constant 13 : i32
        %add3A_1187 = arith.addi %mul3A_1185, %add3A_1186 : i32
        %get3A_1188 = arith.index_cast %add3A_1187 : i32 to index
        %get3A_1189 = arith.constant 0 : index
        %get3A_1190 = tpu.vector_load %arg8[%get3A_1188, %get3A_1189] {strides = array<i32>} : memref<80x128xf32, #tpu.memory_space<vmem>>, vector<1x16xf32>,
        %get3A_1191 = vector.shape_cast %get3A_1190 : vector<1x16xf32> to vector<16xf32>
        %get3A_1192 = arith.index_cast %add3A_1187 : i32 to index
        %get3A_1193 = arith.constant 0 : index
        %get3A_1194 = tpu.vector_load %arg9[%get3A_1192, %get3A_1193] {strides = array<i32>} : memref<80x128xf32, #tpu.memory_space<vmem>>, vector<1x16xf32>,
        %get3A_1195 = vector.shape_cast %get3A_1194 : vector<1x16xf32> to vector<16xf32>
        %mul3A_1196 = arith.mulf %get3A_1191, %get3A_1195 : vector<16xf32>
        %get3A_1197 = arith.index_cast %add3A_1187 : i32 to index
        %get3A_1198 = arith.constant 16 : index
        %get3A_1199 = tpu.vector_load %arg8[%get3A_1197, %get3A_1198] {strides = array<i32>} : memref<80x128xf32, #tpu.memory_space<vmem>>, vector<1x16xf32>,
        %get3A_1200 = vector.shape_cast %get3A_1199 : vector<1x16xf32> to vector<16xf32>
        %get3A_1201 = arith.index_cast %add3A_1187 : i32 to index
        %get3A_1202 = arith.constant 16 : index
        %get3A_1203 = tpu.vector_load %arg9[%get3A_1201, %get3A_1202] {strides = array<i32>} : memref<80x128xf32, #tpu.memory_space<vmem>>, vector<1x16xf32>,
        %get3A_1204 = vector.shape_cast %get3A_1203 : vector<1x16xf32> to vector<16xf32>
        %mul3A_1205 = arith.mulf %get3A_1200, %get3A_1204 : vector<16xf32>
        %add3A_1206 = arith.addf %mul3A_1196, %mul3A_1205 : vector<16xf32>
        %get3A_1207 = arith.index_cast %add3A_1187 : i32 to index
        %get3A_1208 = arith.constant 32 : index
        %get3A_1209 = tpu.vector_load %arg8[%get3A_1207, %get3A_1208] {strides = array<i32>} : memref<80x128xf32, #tpu.memory_space<vmem>>, vector<1x16xf32>,
        %get3A_1210 = vector.shape_cast %get3A_1209 : vector<1x16xf32> to vector<16xf32>
        %get3A_1211 = arith.index_cast %add3A_1187 : i32 to index
        %get3A_1212 = arith.constant 32 : index
        %get3A_1213 = tpu.vector_load %arg9[%get3A_1211, %get3A_1212] {strides = array<i32>} : memref<80x128xf32, #tpu.memory_space<vmem>>, vector<1x16xf32>,
        %get3A_1214 = vector.shape_cast %get3A_1213 : vector<1x16xf32> to vector<16xf32>
        %mul3A_1215 = arith.mulf %get3A_1210, %get3A_1214 : vector<16xf32>
        %add3A_1216 = arith.addf %add3A_1206, %mul3A_1215 : vector<16xf32>
        %get3A_1217 = arith.index_cast %add3A_1187 : i32 to index
        %get3A_1218 = arith.constant 48 : index
        %get3A_1219 = tpu.vector_load %arg8[%get3A_1217, %get3A_1218] {strides = array<i32>} : memref<80x128xf32, #tpu.memory_space<vmem>>, vector<1x16xf32>,
        %get3A_1220 = vector.shape_cast %get3A_1219 : vector<1x16xf32> to vector<16xf32>
        %get3A_1221 = arith.index_cast %add3A_1187 : i32 to index
        %get3A_1222 = arith.constant 48 : index
        %get3A_1223 = tpu.vector_load %arg9[%get3A_1221, %get3A_1222] {strides = array<i32>} : memref<80x128xf32, #tpu.memory_space<vmem>>, vector<1x16xf32>,
        %get3A_1224 = vector.shape_cast %get3A_1223 : vector<1x16xf32> to vector<16xf32>
        %mul3A_1225 = arith.mulf %get3A_1220, %get3A_1224 : vector<16xf32>
        %add3A_1226 = arith.addf %add3A_1216, %mul3A_1225 : vector<16xf32>
        %get3A_1227 = arith.index_cast %add3A_1187 : i32 to index
        %get3A_1228 = arith.constant 64 : index
        %get3A_1229 = tpu.vector_load %arg8[%get3A_1227, %get3A_1228] {strides = array<i32>} : memref<80x128xf32, #tpu.memory_space<vmem>>, vector<1x16xf32>,
        %get3A_1230 = vector.shape_cast %get3A_1229 : vector<1x16xf32> to vector<16xf32>
        %get3A_1231 = arith.index_cast %add3A_1187 : i32 to index
        %get3A_1232 = arith.constant 64 : index
        %get3A_1233 = tpu.vector_load %arg9[%get3A_1231, %get3A_1232] {strides = array<i32>} : memref<80x128xf32, #tpu.memory_space<vmem>>, vector<1x16xf32>,
        %get3A_1234 = vector.shape_cast %get3A_1233 : vector<1x16xf32> to vector<16xf32>
        %mul3A_1235 = arith.mulf %get3A_1230, %get3A_1234 : vector<16xf32>
        %add3A_1236 = arith.addf %add3A_1226, %mul3A_1235 : vector<16xf32>
        %get3A_1237 = arith.index_cast %add3A_1187 : i32 to index
        %get3A_1238 = arith.constant 80 : index
        %get3A_1239 = tpu.vector_load %arg8[%get3A_1237, %get3A_1238] {strides = array<i32>} : memref<80x128xf32, #tpu.memory_space<vmem>>, vector<1x16xf32>,
        %get3A_1240 = vector.shape_cast %get3A_1239 : vector<1x16xf32> to vector<16xf32>
        %get3A_1241 = arith.index_cast %add3A_1187 : i32 to index
        %get3A_1242 = arith.constant 80 : index
        %get3A_1243 = tpu.vector_load %arg9[%get3A_1241, %get3A_1242] {strides = array<i32>} : memref<80x128xf32, #tpu.memory_space<vmem>>, vector<1x16xf32>,
        %get3A_1244 = vector.shape_cast %get3A_1243 : vector<1x16xf32> to vector<16xf32>
        %mul3A_1245 = arith.mulf %get3A_1240, %get3A_1244 : vector<16xf32>
        %add3A_1246 = arith.addf %add3A_1236, %mul3A_1245 : vector<16xf32>
        %get3A_1247 = arith.index_cast %add3A_1187 : i32 to index
        %get3A_1248 = arith.constant 96 : index
        %get3A_1249 = tpu.vector_load %arg8[%get3A_1247, %get3A_1248] {strides = array<i32>} : memref<80x128xf32, #tpu.memory_space<vmem>>, vector<1x16xf32>,
        %get3A_1250 = vector.shape_cast %get3A_1249 : vector<1x16xf32> to vector<16xf32>
        %get3A_1251 = arith.index_cast %add3A_1187 : i32 to index
        %get3A_1252 = arith.constant 96 : index
        %get3A_1253 = tpu.vector_load %arg9[%get3A_1251, %get3A_1252] {strides = array<i32>} : memref<80x128xf32, #tpu.memory_space<vmem>>, vector<1x16xf32>,
        %get3A_1254 = vector.shape_cast %get3A_1253 : vector<1x16xf32> to vector<16xf32>
        %mul3A_1255 = arith.mulf %get3A_1250, %get3A_1254 : vector<16xf32>
        %add3A_1256 = arith.addf %add3A_1246, %mul3A_1255 : vector<16xf32>
        %get3A_1257 = arith.index_cast %add3A_1187 : i32 to index
        %get3A_1258 = arith.constant 112 : index
        %get3A_1259 = tpu.vector_load %arg8[%get3A_1257, %get3A_1258] {strides = array<i32>} : memref<80x128xf32, #tpu.memory_space<vmem>>, vector<1x16xf32>,
        %get3A_1260 = vector.shape_cast %get3A_1259 : vector<1x16xf32> to vector<16xf32>
        %get3A_1261 = arith.index_cast %add3A_1187 : i32 to index
        %get3A_1262 = arith.constant 112 : index
        %get3A_1263 = tpu.vector_load %arg9[%get3A_1261, %get3A_1262] {strides = array<i32>} : memref<80x128xf32, #tpu.memory_space<vmem>>, vector<1x16xf32>,
        %get3A_1264 = vector.shape_cast %get3A_1263 : vector<1x16xf32> to vector<16xf32>
        %mul3A_1265 = arith.mulf %get3A_1260, %get3A_1264 : vector<16xf32>
        %add3A_1266 = arith.addf %add3A_1256, %mul3A_1265 : vector<16xf32>
        %mul3A_1267 = arith.constant 16 : i32
        %mul3A_1268 = arith.muli %scan3A_105, %mul3A_1267 : i32
        %add3A_1269 = arith.constant 14 : i32
        %add3A_1270 = arith.addi %mul3A_1268, %add3A_1269 : i32
        %get3A_1271 = arith.index_cast %add3A_1270 : i32 to index
        %get3A_1272 = arith.constant 0 : index
        %get3A_1273 = tpu.vector_load %arg8[%get3A_1271, %get3A_1272] {strides = array<i32>} : memref<80x128xf32, #tpu.memory_space<vmem>>, vector<1x16xf32>,
        %get3A_1274 = vector.shape_cast %get3A_1273 : vector<1x16xf32> to vector<16xf32>
        %get3A_1275 = arith.index_cast %add3A_1270 : i32 to index
        %get3A_1276 = arith.constant 0 : index
        %get3A_1277 = tpu.vector_load %arg9[%get3A_1275, %get3A_1276] {strides = array<i32>} : memref<80x128xf32, #tpu.memory_space<vmem>>, vector<1x16xf32>,
        %get3A_1278 = vector.shape_cast %get3A_1277 : vector<1x16xf32> to vector<16xf32>
        %mul3A_1279 = arith.mulf %get3A_1274, %get3A_1278 : vector<16xf32>
        %get3A_1280 = arith.index_cast %add3A_1270 : i32 to index
        %get3A_1281 = arith.constant 16 : index
        %get3A_1282 = tpu.vector_load %arg8[%get3A_1280, %get3A_1281] {strides = array<i32>} : memref<80x128xf32, #tpu.memory_space<vmem>>, vector<1x16xf32>,
        %get3A_1283 = vector.shape_cast %get3A_1282 : vector<1x16xf32> to vector<16xf32>
        %get3A_1284 = arith.index_cast %add3A_1270 : i32 to index
        %get3A_1285 = arith.constant 16 : index
        %get3A_1286 = tpu.vector_load %arg9[%get3A_1284, %get3A_1285] {strides = array<i32>} : memref<80x128xf32, #tpu.memory_space<vmem>>, vector<1x16xf32>,
        %get3A_1287 = vector.shape_cast %get3A_1286 : vector<1x16xf32> to vector<16xf32>
        %mul3A_1288 = arith.mulf %get3A_1283, %get3A_1287 : vector<16xf32>
        %add3A_1289 = arith.addf %mul3A_1279, %mul3A_1288 : vector<16xf32>
        %get3A_1290 = arith.index_cast %add3A_1270 : i32 to index
        %get3A_1291 = arith.constant 32 : index
        %get3A_1292 = tpu.vector_load %arg8[%get3A_1290, %get3A_1291] {strides = array<i32>} : memref<80x128xf32, #tpu.memory_space<vmem>>, vector<1x16xf32>,
        %get3A_1293 = vector.shape_cast %get3A_1292 : vector<1x16xf32> to vector<16xf32>
        %get3A_1294 = arith.index_cast %add3A_1270 : i32 to index
        %get3A_1295 = arith.constant 32 : index
        %get3A_1296 = tpu.vector_load %arg9[%get3A_1294, %get3A_1295] {strides = array<i32>} : memref<80x128xf32, #tpu.memory_space<vmem>>, vector<1x16xf32>,
        %get3A_1297 = vector.shape_cast %get3A_1296 : vector<1x16xf32> to vector<16xf32>
        %mul3A_1298 = arith.mulf %get3A_1293, %get3A_1297 : vector<16xf32>
        %add3A_1299 = arith.addf %add3A_1289, %mul3A_1298 : vector<16xf32>
        %get3A_1300 = arith.index_cast %add3A_1270 : i32 to index
        %get3A_1301 = arith.constant 48 : index
        %get3A_1302 = tpu.vector_load %arg8[%get3A_1300, %get3A_1301] {strides = array<i32>} : memref<80x128xf32, #tpu.memory_space<vmem>>, vector<1x16xf32>,
        %get3A_1303 = vector.shape_cast %get3A_1302 : vector<1x16xf32> to vector<16xf32>
        %get3A_1304 = arith.index_cast %add3A_1270 : i32 to index
        %get3A_1305 = arith.constant 48 : index
        %get3A_1306 = tpu.vector_load %arg9[%get3A_1304, %get3A_1305] {strides = array<i32>} : memref<80x128xf32, #tpu.memory_space<vmem>>, vector<1x16xf32>,
        %get3A_1307 = vector.shape_cast %get3A_1306 : vector<1x16xf32> to vector<16xf32>
        %mul3A_1308 = arith.mulf %get3A_1303, %get3A_1307 : vector<16xf32>
        %add3A_1309 = arith.addf %add3A_1299, %mul3A_1308 : vector<16xf32>
        %get3A_1310 = arith.index_cast %add3A_1270 : i32 to index
        %get3A_1311 = arith.constant 64 : index
        %get3A_1312 = tpu.vector_load %arg8[%get3A_1310, %get3A_1311] {strides = array<i32>} : memref<80x128xf32, #tpu.memory_space<vmem>>, vector<1x16xf32>,
        %get3A_1313 = vector.shape_cast %get3A_1312 : vector<1x16xf32> to vector<16xf32>
        %get3A_1314 = arith.index_cast %add3A_1270 : i32 to index
        %get3A_1315 = arith.constant 64 : index
        %get3A_1316 = tpu.vector_load %arg9[%get3A_1314, %get3A_1315] {strides = array<i32>} : memref<80x128xf32, #tpu.memory_space<vmem>>, vector<1x16xf32>,
        %get3A_1317 = vector.shape_cast %get3A_1316 : vector<1x16xf32> to vector<16xf32>
        %mul3A_1318 = arith.mulf %get3A_1313, %get3A_1317 : vector<16xf32>
        %add3A_1319 = arith.addf %add3A_1309, %mul3A_1318 : vector<16xf32>
        %get3A_1320 = arith.index_cast %add3A_1270 : i32 to index
        %get3A_1321 = arith.constant 80 : index
        %get3A_1322 = tpu.vector_load %arg8[%get3A_1320, %get3A_1321] {strides = array<i32>} : memref<80x128xf32, #tpu.memory_space<vmem>>, vector<1x16xf32>,
        %get3A_1323 = vector.shape_cast %get3A_1322 : vector<1x16xf32> to vector<16xf32>
        %get3A_1324 = arith.index_cast %add3A_1270 : i32 to index
        %get3A_1325 = arith.constant 80 : index
        %get3A_1326 = tpu.vector_load %arg9[%get3A_1324, %get3A_1325] {strides = array<i32>} : memref<80x128xf32, #tpu.memory_space<vmem>>, vector<1x16xf32>,
        %get3A_1327 = vector.shape_cast %get3A_1326 : vector<1x16xf32> to vector<16xf32>
        %mul3A_1328 = arith.mulf %get3A_1323, %get3A_1327 : vector<16xf32>
        %add3A_1329 = arith.addf %add3A_1319, %mul3A_1328 : vector<16xf32>
        %get3A_1330 = arith.index_cast %add3A_1270 : i32 to index
        %get3A_1331 = arith.constant 96 : index
        %get3A_1332 = tpu.vector_load %arg8[%get3A_1330, %get3A_1331] {strides = array<i32>} : memref<80x128xf32, #tpu.memory_space<vmem>>, vector<1x16xf32>,
        %get3A_1333 = vector.shape_cast %get3A_1332 : vector<1x16xf32> to vector<16xf32>
        %get3A_1334 = arith.index_cast %add3A_1270 : i32 to index
        %get3A_1335 = arith.constant 96 : index
        %get3A_1336 = tpu.vector_load %arg9[%get3A_1334, %get3A_1335] {strides = array<i32>} : memref<80x128xf32, #tpu.memory_space<vmem>>, vector<1x16xf32>,
        %get3A_1337 = vector.shape_cast %get3A_1336 : vector<1x16xf32> to vector<16xf32>
        %mul3A_1338 = arith.mulf %get3A_1333, %get3A_1337 : vector<16xf32>
        %add3A_1339 = arith.addf %add3A_1329, %mul3A_1338 : vector<16xf32>
        %get3A_1340 = arith.index_cast %add3A_1270 : i32 to index
        %get3A_1341 = arith.constant 112 : index
        %get3A_1342 = tpu.vector_load %arg8[%get3A_1340, %get3A_1341] {strides = array<i32>} : memref<80x128xf32, #tpu.memory_space<vmem>>, vector<1x16xf32>,
        %get3A_1343 = vector.shape_cast %get3A_1342 : vector<1x16xf32> to vector<16xf32>
        %get3A_1344 = arith.index_cast %add3A_1270 : i32 to index
        %get3A_1345 = arith.constant 112 : index
        %get3A_1346 = tpu.vector_load %arg9[%get3A_1344, %get3A_1345] {strides = array<i32>} : memref<80x128xf32, #tpu.memory_space<vmem>>, vector<1x16xf32>,
        %get3A_1347 = vector.shape_cast %get3A_1346 : vector<1x16xf32> to vector<16xf32>
        %mul3A_1348 = arith.mulf %get3A_1343, %get3A_1347 : vector<16xf32>
        %add3A_1349 = arith.addf %add3A_1339, %mul3A_1348 : vector<16xf32>
        %mul3A_1350 = arith.constant 16 : i32
        %mul3A_1351 = arith.muli %scan3A_105, %mul3A_1350 : i32
        %add3A_1352 = arith.constant 15 : i32
        %add3A_1353 = arith.addi %mul3A_1351, %add3A_1352 : i32
        %get3A_1354 = arith.index_cast %add3A_1353 : i32 to index
        %get3A_1355 = arith.constant 0 : index
        %get3A_1356 = tpu.vector_load %arg8[%get3A_1354, %get3A_1355] {strides = array<i32>} : memref<80x128xf32, #tpu.memory_space<vmem>>, vector<1x16xf32>,
        %get3A_1357 = vector.shape_cast %get3A_1356 : vector<1x16xf32> to vector<16xf32>
        %get3A_1358 = arith.index_cast %add3A_1353 : i32 to index
        %get3A_1359 = arith.constant 0 : index
        %get3A_1360 = tpu.vector_load %arg9[%get3A_1358, %get3A_1359] {strides = array<i32>} : memref<80x128xf32, #tpu.memory_space<vmem>>, vector<1x16xf32>,
        %get3A_1361 = vector.shape_cast %get3A_1360 : vector<1x16xf32> to vector<16xf32>
        %mul3A_1362 = arith.mulf %get3A_1357, %get3A_1361 : vector<16xf32>
        %get3A_1363 = arith.index_cast %add3A_1353 : i32 to index
        %get3A_1364 = arith.constant 16 : index
        %get3A_1365 = tpu.vector_load %arg8[%get3A_1363, %get3A_1364] {strides = array<i32>} : memref<80x128xf32, #tpu.memory_space<vmem>>, vector<1x16xf32>,
        %get3A_1366 = vector.shape_cast %get3A_1365 : vector<1x16xf32> to vector<16xf32>
        %get3A_1367 = arith.index_cast %add3A_1353 : i32 to index
        %get3A_1368 = arith.constant 16 : index
        %get3A_1369 = tpu.vector_load %arg9[%get3A_1367, %get3A_1368] {strides = array<i32>} : memref<80x128xf32, #tpu.memory_space<vmem>>, vector<1x16xf32>,
        %get3A_1370 = vector.shape_cast %get3A_1369 : vector<1x16xf32> to vector<16xf32>
        %mul3A_1371 = arith.mulf %get3A_1366, %get3A_1370 : vector<16xf32>
        %add3A_1372 = arith.addf %mul3A_1362, %mul3A_1371 : vector<16xf32>
        %get3A_1373 = arith.index_cast %add3A_1353 : i32 to index
        %get3A_1374 = arith.constant 32 : index
        %get3A_1375 = tpu.vector_load %arg8[%get3A_1373, %get3A_1374] {strides = array<i32>} : memref<80x128xf32, #tpu.memory_space<vmem>>, vector<1x16xf32>,
        %get3A_1376 = vector.shape_cast %get3A_1375 : vector<1x16xf32> to vector<16xf32>
        %get3A_1377 = arith.index_cast %add3A_1353 : i32 to index
        %get3A_1378 = arith.constant 32 : index
        %get3A_1379 = tpu.vector_load %arg9[%get3A_1377, %get3A_1378] {strides = array<i32>} : memref<80x128xf32, #tpu.memory_space<vmem>>, vector<1x16xf32>,
        %get3A_1380 = vector.shape_cast %get3A_1379 : vector<1x16xf32> to vector<16xf32>
        %mul3A_1381 = arith.mulf %get3A_1376, %get3A_1380 : vector<16xf32>
        %add3A_1382 = arith.addf %add3A_1372, %mul3A_1381 : vector<16xf32>
        %get3A_1383 = arith.index_cast %add3A_1353 : i32 to index
        %get3A_1384 = arith.constant 48 : index
        %get3A_1385 = tpu.vector_load %arg8[%get3A_1383, %get3A_1384] {strides = array<i32>} : memref<80x128xf32, #tpu.memory_space<vmem>>, vector<1x16xf32>,
        %get3A_1386 = vector.shape_cast %get3A_1385 : vector<1x16xf32> to vector<16xf32>
        %get3A_1387 = arith.index_cast %add3A_1353 : i32 to index
        %get3A_1388 = arith.constant 48 : index
        %get3A_1389 = tpu.vector_load %arg9[%get3A_1387, %get3A_1388] {strides = array<i32>} : memref<80x128xf32, #tpu.memory_space<vmem>>, vector<1x16xf32>,
        %get3A_1390 = vector.shape_cast %get3A_1389 : vector<1x16xf32> to vector<16xf32>
        %mul3A_1391 = arith.mulf %get3A_1386, %get3A_1390 : vector<16xf32>
        %add3A_1392 = arith.addf %add3A_1382, %mul3A_1391 : vector<16xf32>
        %get3A_1393 = arith.index_cast %add3A_1353 : i32 to index
        %get3A_1394 = arith.constant 64 : index
        %get3A_1395 = tpu.vector_load %arg8[%get3A_1393, %get3A_1394] {strides = array<i32>} : memref<80x128xf32, #tpu.memory_space<vmem>>, vector<1x16xf32>,
        %get3A_1396 = vector.shape_cast %get3A_1395 : vector<1x16xf32> to vector<16xf32>
        %get3A_1397 = arith.index_cast %add3A_1353 : i32 to index
        %get3A_1398 = arith.constant 64 : index
        %get3A_1399 = tpu.vector_load %arg9[%get3A_1397, %get3A_1398] {strides = array<i32>} : memref<80x128xf32, #tpu.memory_space<vmem>>, vector<1x16xf32>,
        %get3A_1400 = vector.shape_cast %get3A_1399 : vector<1x16xf32> to vector<16xf32>
        %mul3A_1401 = arith.mulf %get3A_1396, %get3A_1400 : vector<16xf32>
        %add3A_1402 = arith.addf %add3A_1392, %mul3A_1401 : vector<16xf32>
        %get3A_1403 = arith.index_cast %add3A_1353 : i32 to index
        %get3A_1404 = arith.constant 80 : index
        %get3A_1405 = tpu.vector_load %arg8[%get3A_1403, %get3A_1404] {strides = array<i32>} : memref<80x128xf32, #tpu.memory_space<vmem>>, vector<1x16xf32>,
        %get3A_1406 = vector.shape_cast %get3A_1405 : vector<1x16xf32> to vector<16xf32>
        %get3A_1407 = arith.index_cast %add3A_1353 : i32 to index
        %get3A_1408 = arith.constant 80 : index
        %get3A_1409 = tpu.vector_load %arg9[%get3A_1407, %get3A_1408] {strides = array<i32>} : memref<80x128xf32, #tpu.memory_space<vmem>>, vector<1x16xf32>,
        %get3A_1410 = vector.shape_cast %get3A_1409 : vector<1x16xf32> to vector<16xf32>
        %mul3A_1411 = arith.mulf %get3A_1406, %get3A_1410 : vector<16xf32>
        %add3A_1412 = arith.addf %add3A_1402, %mul3A_1411 : vector<16xf32>
        %get3A_1413 = arith.index_cast %add3A_1353 : i32 to index
        %get3A_1414 = arith.constant 96 : index
        %get3A_1415 = tpu.vector_load %arg8[%get3A_1413, %get3A_1414] {strides = array<i32>} : memref<80x128xf32, #tpu.memory_space<vmem>>, vector<1x16xf32>,
        %get3A_1416 = vector.shape_cast %get3A_1415 : vector<1x16xf32> to vector<16xf32>
        %get3A_1417 = arith.index_cast %add3A_1353 : i32 to index
        %get3A_1418 = arith.constant 96 : index
        %get3A_1419 = tpu.vector_load %arg9[%get3A_1417, %get3A_1418] {strides = array<i32>} : memref<80x128xf32, #tpu.memory_space<vmem>>, vector<1x16xf32>,
        %get3A_1420 = vector.shape_cast %get3A_1419 : vector<1x16xf32> to vector<16xf32>
        %mul3A_1421 = arith.mulf %get3A_1416, %get3A_1420 : vector<16xf32>
        %add3A_1422 = arith.addf %add3A_1412, %mul3A_1421 : vector<16xf32>
        %get3A_1423 = arith.index_cast %add3A_1353 : i32 to index
        %get3A_1424 = arith.constant 112 : index
        %get3A_1425 = tpu.vector_load %arg8[%get3A_1423, %get3A_1424] {strides = array<i32>} : memref<80x128xf32, #tpu.memory_space<vmem>>, vector<1x16xf32>,
        %get3A_1426 = vector.shape_cast %get3A_1425 : vector<1x16xf32> to vector<16xf32>
        %get3A_1427 = arith.index_cast %add3A_1353 : i32 to index
        %get3A_1428 = arith.constant 112 : index
        %get3A_1429 = tpu.vector_load %arg9[%get3A_1427, %get3A_1428] {strides = array<i32>} : memref<80x128xf32, #tpu.memory_space<vmem>>, vector<1x16xf32>,
        %get3A_1430 = vector.shape_cast %get3A_1429 : vector<1x16xf32> to vector<16xf32>
        %mul3A_1431 = arith.mulf %get3A_1426, %get3A_1430 : vector<16xf32>
        %add3A_1432 = arith.addf %add3A_1422, %mul3A_1431 : vector<16xf32>
        %lt3A_1433 = arith.constant 0 : i32
        %lt3A_1434 = vector.broadcast %lt3A_1433 : i32 to vector<16xi32>
        %lt3A_1435 = arith.cmpi slt, %and3A_32, %lt3A_1434 : vector<16xi32>
        %add3A_1436 = arith.constant 16 : i32
        %add3A_1437 = vector.broadcast %add3A_1436 : i32 to vector<16xi32>
        %add3A_1438 = arith.addi %and3A_32, %add3A_1437 : vector<16xi32>
        %select_n3A = arith.select %lt3A_1435, %add3A_1438, %and3A_32 : vector<16xi1>, vector<16xi32>
        %broadcast_in_dim3A = vector.shape_cast %select_n3A : vector<16xi32> to vector<16x1xi32>
        %gather3A = vector.shape_cast %broadcast_in_dim3A : vector<16x1xi32> to vector<16xi32>
        %gather3A_1439 = tpu.dynamic_gather %add3A_187[%gather3A] in [0] : vector<16xf32>, vector<16xi32> -> vector<16xf32>
        %lt3A_1440 = arith.constant 0 : i32
        %lt3A_1441 = vector.broadcast %lt3A_1440 : i32 to vector<16xi32>
        %lt3A_1442 = arith.cmpi slt, %and3A_41, %lt3A_1441 : vector<16xi32>
        %add3A_1443 = arith.constant 16 : i32
        %add3A_1444 = vector.broadcast %add3A_1443 : i32 to vector<16xi32>
        %add3A_1445 = arith.addi %and3A_41, %add3A_1444 : vector<16xi32>
        %select_n3A_1446 = arith.select %lt3A_1442, %add3A_1445, %and3A_41 : vector<16xi1>, vector<16xi32>
        %broadcast_in_dim3A_1447 = vector.shape_cast %select_n3A_1446 : vector<16xi32> to vector<16x1xi32>
        %gather3A_1448 = vector.shape_cast %broadcast_in_dim3A_1447 : vector<16x1xi32> to vector<16xi32>
        %gather3A_1449 = tpu.dynamic_gather %add3A_187[%gather3A_1448] in [0] : vector<16xf32>, vector<16xi32> -> vector<16xf32>
        %add3A_1450 = arith.addf %gather3A_1439, %gather3A_1449 : vector<16xf32>
        %lt3A_1451 = arith.constant 0 : i32
        %lt3A_1452 = vector.broadcast %lt3A_1451 : i32 to vector<16xi32>
        %lt3A_1453 = arith.cmpi slt, %and3A_32, %lt3A_1452 : vector<16xi32>
        %add3A_1454 = arith.constant 16 : i32
        %add3A_1455 = vector.broadcast %add3A_1454 : i32 to vector<16xi32>
        %add3A_1456 = arith.addi %and3A_32, %add3A_1455 : vector<16xi32>
        %select_n3A_1457 = arith.select %lt3A_1453, %add3A_1456, %and3A_32 : vector<16xi1>, vector<16xi32>
        %broadcast_in_dim3A_1458 = vector.shape_cast %select_n3A_1457 : vector<16xi32> to vector<16x1xi32>
        %gather3A_1459 = vector.shape_cast %broadcast_in_dim3A_1458 : vector<16x1xi32> to vector<16xi32>
        %gather3A_1460 = tpu.dynamic_gather %add3A_270[%gather3A_1459] in [0] : vector<16xf32>, vector<16xi32> -> vector<16xf32>
        %lt3A_1461 = arith.constant 0 : i32
        %lt3A_1462 = vector.broadcast %lt3A_1461 : i32 to vector<16xi32>
        %lt3A_1463 = arith.cmpi slt, %and3A_41, %lt3A_1462 : vector<16xi32>
        %add3A_1464 = arith.constant 16 : i32
        %add3A_1465 = vector.broadcast %add3A_1464 : i32 to vector<16xi32>
        %add3A_1466 = arith.addi %and3A_41, %add3A_1465 : vector<16xi32>
        %select_n3A_1467 = arith.select %lt3A_1463, %add3A_1466, %and3A_41 : vector<16xi1>, vector<16xi32>
        %broadcast_in_dim3A_1468 = vector.shape_cast %select_n3A_1467 : vector<16xi32> to vector<16x1xi32>
        %gather3A_1469 = vector.shape_cast %broadcast_in_dim3A_1468 : vector<16x1xi32> to vector<16xi32>
        %gather3A_1470 = tpu.dynamic_gather %add3A_270[%gather3A_1469] in [0] : vector<16xf32>, vector<16xi32> -> vector<16xf32>
        %add3A_1471 = arith.addf %gather3A_1460, %gather3A_1470 : vector<16xf32>
        %select_n3A_1472 = arith.select %lt3A_43, %add3A_1450, %add3A_1471 : vector<16xi1>, vector<16xf32>
        %lt3A_1473 = arith.constant 0 : i32
        %lt3A_1474 = vector.broadcast %lt3A_1473 : i32 to vector<16xi32>
        %lt3A_1475 = arith.cmpi slt, %and3A_32, %lt3A_1474 : vector<16xi32>
        %add3A_1476 = arith.constant 16 : i32
        %add3A_1477 = vector.broadcast %add3A_1476 : i32 to vector<16xi32>
        %add3A_1478 = arith.addi %and3A_32, %add3A_1477 : vector<16xi32>
        %select_n3A_1479 = arith.select %lt3A_1475, %add3A_1478, %and3A_32 : vector<16xi1>, vector<16xi32>
        %broadcast_in_dim3A_1480 = vector.shape_cast %select_n3A_1479 : vector<16xi32> to vector<16x1xi32>
        %gather3A_1481 = vector.shape_cast %broadcast_in_dim3A_1480 : vector<16x1xi32> to vector<16xi32>
        %gather3A_1482 = tpu.dynamic_gather %add3A_353[%gather3A_1481] in [0] : vector<16xf32>, vector<16xi32> -> vector<16xf32>
        %lt3A_1483 = arith.constant 0 : i32
        %lt3A_1484 = vector.broadcast %lt3A_1483 : i32 to vector<16xi32>
        %lt3A_1485 = arith.cmpi slt, %and3A_41, %lt3A_1484 : vector<16xi32>
        %add3A_1486 = arith.constant 16 : i32
        %add3A_1487 = vector.broadcast %add3A_1486 : i32 to vector<16xi32>
        %add3A_1488 = arith.addi %and3A_41, %add3A_1487 : vector<16xi32>
        %select_n3A_1489 = arith.select %lt3A_1485, %add3A_1488, %and3A_41 : vector<16xi1>, vector<16xi32>
        %broadcast_in_dim3A_1490 = vector.shape_cast %select_n3A_1489 : vector<16xi32> to vector<16x1xi32>
        %gather3A_1491 = vector.shape_cast %broadcast_in_dim3A_1490 : vector<16x1xi32> to vector<16xi32>
        %gather3A_1492 = tpu.dynamic_gather %add3A_353[%gather3A_1491] in [0] : vector<16xf32>, vector<16xi32> -> vector<16xf32>
        %add3A_1493 = arith.addf %gather3A_1482, %gather3A_1492 : vector<16xf32>
        %lt3A_1494 = arith.constant 0 : i32
        %lt3A_1495 = vector.broadcast %lt3A_1494 : i32 to vector<16xi32>
        %lt3A_1496 = arith.cmpi slt, %and3A_32, %lt3A_1495 : vector<16xi32>
        %add3A_1497 = arith.constant 16 : i32
        %add3A_1498 = vector.broadcast %add3A_1497 : i32 to vector<16xi32>
        %add3A_1499 = arith.addi %and3A_32, %add3A_1498 : vector<16xi32>
        %select_n3A_1500 = arith.select %lt3A_1496, %add3A_1499, %and3A_32 : vector<16xi1>, vector<16xi32>
        %broadcast_in_dim3A_1501 = vector.shape_cast %select_n3A_1500 : vector<16xi32> to vector<16x1xi32>
        %gather3A_1502 = vector.shape_cast %broadcast_in_dim3A_1501 : vector<16x1xi32> to vector<16xi32>
        %gather3A_1503 = tpu.dynamic_gather %add3A_436[%gather3A_1502] in [0] : vector<16xf32>, vector<16xi32> -> vector<16xf32>
        %lt3A_1504 = arith.constant 0 : i32
        %lt3A_1505 = vector.broadcast %lt3A_1504 : i32 to vector<16xi32>
        %lt3A_1506 = arith.cmpi slt, %and3A_41, %lt3A_1505 : vector<16xi32>
        %add3A_1507 = arith.constant 16 : i32
        %add3A_1508 = vector.broadcast %add3A_1507 : i32 to vector<16xi32>
        %add3A_1509 = arith.addi %and3A_41, %add3A_1508 : vector<16xi32>
        %select_n3A_1510 = arith.select %lt3A_1506, %add3A_1509, %and3A_41 : vector<16xi1>, vector<16xi32>
        %broadcast_in_dim3A_1511 = vector.shape_cast %select_n3A_1510 : vector<16xi32> to vector<16x1xi32>
        %gather3A_1512 = vector.shape_cast %broadcast_in_dim3A_1511 : vector<16x1xi32> to vector<16xi32>
        %gather3A_1513 = tpu.dynamic_gather %add3A_436[%gather3A_1512] in [0] : vector<16xf32>, vector<16xi32> -> vector<16xf32>
        %add3A_1514 = arith.addf %gather3A_1503, %gather3A_1513 : vector<16xf32>
        %select_n3A_1515 = arith.select %lt3A_43, %add3A_1493, %add3A_1514 : vector<16xi1>, vector<16xf32>
        %lt3A_1516 = arith.constant 0 : i32
        %lt3A_1517 = vector.broadcast %lt3A_1516 : i32 to vector<16xi32>
        %lt3A_1518 = arith.cmpi slt, %and3A_32, %lt3A_1517 : vector<16xi32>
        %add3A_1519 = arith.constant 16 : i32
        %add3A_1520 = vector.broadcast %add3A_1519 : i32 to vector<16xi32>
        %add3A_1521 = arith.addi %and3A_32, %add3A_1520 : vector<16xi32>
        %select_n3A_1522 = arith.select %lt3A_1518, %add3A_1521, %and3A_32 : vector<16xi1>, vector<16xi32>
        %broadcast_in_dim3A_1523 = vector.shape_cast %select_n3A_1522 : vector<16xi32> to vector<16x1xi32>
        %gather3A_1524 = vector.shape_cast %broadcast_in_dim3A_1523 : vector<16x1xi32> to vector<16xi32>
        %gather3A_1525 = tpu.dynamic_gather %add3A_519[%gather3A_1524] in [0] : vector<16xf32>, vector<16xi32> -> vector<16xf32>
        %lt3A_1526 = arith.constant 0 : i32
        %lt3A_1527 = vector.broadcast %lt3A_1526 : i32 to vector<16xi32>
        %lt3A_1528 = arith.cmpi slt, %and3A_41, %lt3A_1527 : vector<16xi32>
        %add3A_1529 = arith.constant 16 : i32
        %add3A_1530 = vector.broadcast %add3A_1529 : i32 to vector<16xi32>
        %add3A_1531 = arith.addi %and3A_41, %add3A_1530 : vector<16xi32>
        %select_n3A_1532 = arith.select %lt3A_1528, %add3A_1531, %and3A_41 : vector<16xi1>, vector<16xi32>
        %broadcast_in_dim3A_1533 = vector.shape_cast %select_n3A_1532 : vector<16xi32> to vector<16x1xi32>
        %gather3A_1534 = vector.shape_cast %broadcast_in_dim3A_1533 : vector<16x1xi32> to vector<16xi32>
        %gather3A_1535 = tpu.dynamic_gather %add3A_519[%gather3A_1534] in [0] : vector<16xf32>, vector<16xi32> -> vector<16xf32>
        %add3A_1536 = arith.addf %gather3A_1525, %gather3A_1535 : vector<16xf32>
        %lt3A_1537 = arith.constant 0 : i32
        %lt3A_1538 = vector.broadcast %lt3A_1537 : i32 to vector<16xi32>
        %lt3A_1539 = arith.cmpi slt, %and3A_32, %lt3A_1538 : vector<16xi32>
        %add3A_1540 = arith.constant 16 : i32
        %add3A_1541 = vector.broadcast %add3A_1540 : i32 to vector<16xi32>
        %add3A_1542 = arith.addi %and3A_32, %add3A_1541 : vector<16xi32>
        %select_n3A_1543 = arith.select %lt3A_1539, %add3A_1542, %and3A_32 : vector<16xi1>, vector<16xi32>
        %broadcast_in_dim3A_1544 = vector.shape_cast %select_n3A_1543 : vector<16xi32> to vector<16x1xi32>
        %gather3A_1545 = vector.shape_cast %broadcast_in_dim3A_1544 : vector<16x1xi32> to vector<16xi32>
        %gather3A_1546 = tpu.dynamic_gather %add3A_602[%gather3A_1545] in [0] : vector<16xf32>, vector<16xi32> -> vector<16xf32>
        %lt3A_1547 = arith.constant 0 : i32
        %lt3A_1548 = vector.broadcast %lt3A_1547 : i32 to vector<16xi32>
        %lt3A_1549 = arith.cmpi slt, %and3A_41, %lt3A_1548 : vector<16xi32>
        %add3A_1550 = arith.constant 16 : i32
        %add3A_1551 = vector.broadcast %add3A_1550 : i32 to vector<16xi32>
        %add3A_1552 = arith.addi %and3A_41, %add3A_1551 : vector<16xi32>
        %select_n3A_1553 = arith.select %lt3A_1549, %add3A_1552, %and3A_41 : vector<16xi1>, vector<16xi32>
        %broadcast_in_dim3A_1554 = vector.shape_cast %select_n3A_1553 : vector<16xi32> to vector<16x1xi32>
        %gather3A_1555 = vector.shape_cast %broadcast_in_dim3A_1554 : vector<16x1xi32> to vector<16xi32>
        %gather3A_1556 = tpu.dynamic_gather %add3A_602[%gather3A_1555] in [0] : vector<16xf32>, vector<16xi32> -> vector<16xf32>
        %add3A_1557 = arith.addf %gather3A_1546, %gather3A_1556 : vector<16xf32>
        %select_n3A_1558 = arith.select %lt3A_43, %add3A_1536, %add3A_1557 : vector<16xi1>, vector<16xf32>
        %lt3A_1559 = arith.constant 0 : i32
        %lt3A_1560 = vector.broadcast %lt3A_1559 : i32 to vector<16xi32>
        %lt3A_1561 = arith.cmpi slt, %and3A_32, %lt3A_1560 : vector<16xi32>
        %add3A_1562 = arith.constant 16 : i32
        %add3A_1563 = vector.broadcast %add3A_1562 : i32 to vector<16xi32>
        %add3A_1564 = arith.addi %and3A_32, %add3A_1563 : vector<16xi32>
        %select_n3A_1565 = arith.select %lt3A_1561, %add3A_1564, %and3A_32 : vector<16xi1>, vector<16xi32>
        %broadcast_in_dim3A_1566 = vector.shape_cast %select_n3A_1565 : vector<16xi32> to vector<16x1xi32>
        %gather3A_1567 = vector.shape_cast %broadcast_in_dim3A_1566 : vector<16x1xi32> to vector<16xi32>
        %gather3A_1568 = tpu.dynamic_gather %add3A_685[%gather3A_1567] in [0] : vector<16xf32>, vector<16xi32> -> vector<16xf32>
        %lt3A_1569 = arith.constant 0 : i32
        %lt3A_1570 = vector.broadcast %lt3A_1569 : i32 to vector<16xi32>
        %lt3A_1571 = arith.cmpi slt, %and3A_41, %lt3A_1570 : vector<16xi32>
        %add3A_1572 = arith.constant 16 : i32
        %add3A_1573 = vector.broadcast %add3A_1572 : i32 to vector<16xi32>
        %add3A_1574 = arith.addi %and3A_41, %add3A_1573 : vector<16xi32>
        %select_n3A_1575 = arith.select %lt3A_1571, %add3A_1574, %and3A_41 : vector<16xi1>, vector<16xi32>
        %broadcast_in_dim3A_1576 = vector.shape_cast %select_n3A_1575 : vector<16xi32> to vector<16x1xi32>
        %gather3A_1577 = vector.shape_cast %broadcast_in_dim3A_1576 : vector<16x1xi32> to vector<16xi32>
        %gather3A_1578 = tpu.dynamic_gather %add3A_685[%gather3A_1577] in [0] : vector<16xf32>, vector<16xi32> -> vector<16xf32>
        %add3A_1579 = arith.addf %gather3A_1568, %gather3A_1578 : vector<16xf32>
        %lt3A_1580 = arith.constant 0 : i32
        %lt3A_1581 = vector.broadcast %lt3A_1580 : i32 to vector<16xi32>
        %lt3A_1582 = arith.cmpi slt, %and3A_32, %lt3A_1581 : vector<16xi32>
        %add3A_1583 = arith.constant 16 : i32
        %add3A_1584 = vector.broadcast %add3A_1583 : i32 to vector<16xi32>
        %add3A_1585 = arith.addi %and3A_32, %add3A_1584 : vector<16xi32>
        %select_n3A_1586 = arith.select %lt3A_1582, %add3A_1585, %and3A_32 : vector<16xi1>, vector<16xi32>
        %broadcast_in_dim3A_1587 = vector.shape_cast %select_n3A_1586 : vector<16xi32> to vector<16x1xi32>
        %gather3A_1588 = vector.shape_cast %broadcast_in_dim3A_1587 : vector<16x1xi32> to vector<16xi32>
        %gather3A_1589 = tpu.dynamic_gather %add3A_768[%gather3A_1588] in [0] : vector<16xf32>, vector<16xi32> -> vector<16xf32>
        %lt3A_1590 = arith.constant 0 : i32
        %lt3A_1591 = vector.broadcast %lt3A_1590 : i32 to vector<16xi32>
        %lt3A_1592 = arith.cmpi slt, %and3A_41, %lt3A_1591 : vector<16xi32>
        %add3A_1593 = arith.constant 16 : i32
        %add3A_1594 = vector.broadcast %add3A_1593 : i32 to vector<16xi32>
        %add3A_1595 = arith.addi %and3A_41, %add3A_1594 : vector<16xi32>
        %select_n3A_1596 = arith.select %lt3A_1592, %add3A_1595, %and3A_41 : vector<16xi1>, vector<16xi32>
        %broadcast_in_dim3A_1597 = vector.shape_cast %select_n3A_1596 : vector<16xi32> to vector<16x1xi32>
        %gather3A_1598 = vector.shape_cast %broadcast_in_dim3A_1597 : vector<16x1xi32> to vector<16xi32>
        %gather3A_1599 = tpu.dynamic_gather %add3A_768[%gather3A_1598] in [0] : vector<16xf32>, vector<16xi32> -> vector<16xf32>
        %add3A_1600 = arith.addf %gather3A_1589, %gather3A_1599 : vector<16xf32>
        %select_n3A_1601 = arith.select %lt3A_43, %add3A_1579, %add3A_1600 : vector<16xi1>, vector<16xf32>
        %lt3A_1602 = arith.constant 0 : i32
        %lt3A_1603 = vector.broadcast %lt3A_1602 : i32 to vector<16xi32>
        %lt3A_1604 = arith.cmpi slt, %and3A_32, %lt3A_1603 : vector<16xi32>
        %add3A_1605 = arith.constant 16 : i32
        %add3A_1606 = vector.broadcast %add3A_1605 : i32 to vector<16xi32>
        %add3A_1607 = arith.addi %and3A_32, %add3A_1606 : vector<16xi32>
        %select_n3A_1608 = arith.select %lt3A_1604, %add3A_1607, %and3A_32 : vector<16xi1>, vector<16xi32>
        %broadcast_in_dim3A_1609 = vector.shape_cast %select_n3A_1608 : vector<16xi32> to vector<16x1xi32>
        %gather3A_1610 = vector.shape_cast %broadcast_in_dim3A_1609 : vector<16x1xi32> to vector<16xi32>
        %gather3A_1611 = tpu.dynamic_gather %add3A_851[%gather3A_1610] in [0] : vector<16xf32>, vector<16xi32> -> vector<16xf32>
        %lt3A_1612 = arith.constant 0 : i32
        %lt3A_1613 = vector.broadcast %lt3A_1612 : i32 to vector<16xi32>
        %lt3A_1614 = arith.cmpi slt, %and3A_41, %lt3A_1613 : vector<16xi32>
        %add3A_1615 = arith.constant 16 : i32
        %add3A_1616 = vector.broadcast %add3A_1615 : i32 to vector<16xi32>
        %add3A_1617 = arith.addi %and3A_41, %add3A_1616 : vector<16xi32>
        %select_n3A_1618 = arith.select %lt3A_1614, %add3A_1617, %and3A_41 : vector<16xi1>, vector<16xi32>
        %broadcast_in_dim3A_1619 = vector.shape_cast %select_n3A_1618 : vector<16xi32> to vector<16x1xi32>
        %gather3A_1620 = vector.shape_cast %broadcast_in_dim3A_1619 : vector<16x1xi32> to vector<16xi32>
        %gather3A_1621 = tpu.dynamic_gather %add3A_851[%gather3A_1620] in [0] : vector<16xf32>, vector<16xi32> -> vector<16xf32>
        %add3A_1622 = arith.addf %gather3A_1611, %gather3A_1621 : vector<16xf32>
        %lt3A_1623 = arith.constant 0 : i32
        %lt3A_1624 = vector.broadcast %lt3A_1623 : i32 to vector<16xi32>
        %lt3A_1625 = arith.cmpi slt, %and3A_32, %lt3A_1624 : vector<16xi32>
        %add3A_1626 = arith.constant 16 : i32
        %add3A_1627 = vector.broadcast %add3A_1626 : i32 to vector<16xi32>
        %add3A_1628 = arith.addi %and3A_32, %add3A_1627 : vector<16xi32>
        %select_n3A_1629 = arith.select %lt3A_1625, %add3A_1628, %and3A_32 : vector<16xi1>, vector<16xi32>
        %broadcast_in_dim3A_1630 = vector.shape_cast %select_n3A_1629 : vector<16xi32> to vector<16x1xi32>
        %gather3A_1631 = vector.shape_cast %broadcast_in_dim3A_1630 : vector<16x1xi32> to vector<16xi32>
        %gather3A_1632 = tpu.dynamic_gather %add3A_934[%gather3A_1631] in [0] : vector<16xf32>, vector<16xi32> -> vector<16xf32>
        %lt3A_1633 = arith.constant 0 : i32
        %lt3A_1634 = vector.broadcast %lt3A_1633 : i32 to vector<16xi32>
        %lt3A_1635 = arith.cmpi slt, %and3A_41, %lt3A_1634 : vector<16xi32>
        %add3A_1636 = arith.constant 16 : i32
        %add3A_1637 = vector.broadcast %add3A_1636 : i32 to vector<16xi32>
        %add3A_1638 = arith.addi %and3A_41, %add3A_1637 : vector<16xi32>
        %select_n3A_1639 = arith.select %lt3A_1635, %add3A_1638, %and3A_41 : vector<16xi1>, vector<16xi32>
        %broadcast_in_dim3A_1640 = vector.shape_cast %select_n3A_1639 : vector<16xi32> to vector<16x1xi32>
        %gather3A_1641 = vector.shape_cast %broadcast_in_dim3A_1640 : vector<16x1xi32> to vector<16xi32>
        %gather3A_1642 = tpu.dynamic_gather %add3A_934[%gather3A_1641] in [0] : vector<16xf32>, vector<16xi32> -> vector<16xf32>
        %add3A_1643 = arith.addf %gather3A_1632, %gather3A_1642 : vector<16xf32>
        %select_n3A_1644 = arith.select %lt3A_43, %add3A_1622, %add3A_1643 : vector<16xi1>, vector<16xf32>
        %lt3A_1645 = arith.constant 0 : i32
        %lt3A_1646 = vector.broadcast %lt3A_1645 : i32 to vector<16xi32>
        %lt3A_1647 = arith.cmpi slt, %and3A_32, %lt3A_1646 : vector<16xi32>
        %add3A_1648 = arith.constant 16 : i32
        %add3A_1649 = vector.broadcast %add3A_1648 : i32 to vector<16xi32>
        %add3A_1650 = arith.addi %and3A_32, %add3A_1649 : vector<16xi32>
        %select_n3A_1651 = arith.select %lt3A_1647, %add3A_1650, %and3A_32 : vector<16xi1>, vector<16xi32>
        %broadcast_in_dim3A_1652 = vector.shape_cast %select_n3A_1651 : vector<16xi32> to vector<16x1xi32>
        %gather3A_1653 = vector.shape_cast %broadcast_in_dim3A_1652 : vector<16x1xi32> to vector<16xi32>
        %gather3A_1654 = tpu.dynamic_gather %add3A_1017[%gather3A_1653] in [0] : vector<16xf32>, vector<16xi32> -> vector<16xf32>
        %lt3A_1655 = arith.constant 0 : i32
        %lt3A_1656 = vector.broadcast %lt3A_1655 : i32 to vector<16xi32>
        %lt3A_1657 = arith.cmpi slt, %and3A_41, %lt3A_1656 : vector<16xi32>
        %add3A_1658 = arith.constant 16 : i32
        %add3A_1659 = vector.broadcast %add3A_1658 : i32 to vector<16xi32>
        %add3A_1660 = arith.addi %and3A_41, %add3A_1659 : vector<16xi32>
        %select_n3A_1661 = arith.select %lt3A_1657, %add3A_1660, %and3A_41 : vector<16xi1>, vector<16xi32>
        %broadcast_in_dim3A_1662 = vector.shape_cast %select_n3A_1661 : vector<16xi32> to vector<16x1xi32>
        %gather3A_1663 = vector.shape_cast %broadcast_in_dim3A_1662 : vector<16x1xi32> to vector<16xi32>
        %gather3A_1664 = tpu.dynamic_gather %add3A_1017[%gather3A_1663] in [0] : vector<16xf32>, vector<16xi32> -> vector<16xf32>
        %add3A_1665 = arith.addf %gather3A_1654, %gather3A_1664 : vector<16xf32>
        %lt3A_1666 = arith.constant 0 : i32
        %lt3A_1667 = vector.broadcast %lt3A_1666 : i32 to vector<16xi32>
        %lt3A_1668 = arith.cmpi slt, %and3A_32, %lt3A_1667 : vector<16xi32>
        %add3A_1669 = arith.constant 16 : i32
        %add3A_1670 = vector.broadcast %add3A_1669 : i32 to vector<16xi32>
        %add3A_1671 = arith.addi %and3A_32, %add3A_1670 : vector<16xi32>
        %select_n3A_1672 = arith.select %lt3A_1668, %add3A_1671, %and3A_32 : vector<16xi1>, vector<16xi32>
        %broadcast_in_dim3A_1673 = vector.shape_cast %select_n3A_1672 : vector<16xi32> to vector<16x1xi32>
        %gather3A_1674 = vector.shape_cast %broadcast_in_dim3A_1673 : vector<16x1xi32> to vector<16xi32>
        %gather3A_1675 = tpu.dynamic_gather %add3A_1100[%gather3A_1674] in [0] : vector<16xf32>, vector<16xi32> -> vector<16xf32>
        %lt3A_1676 = arith.constant 0 : i32
        %lt3A_1677 = vector.broadcast %lt3A_1676 : i32 to vector<16xi32>
        %lt3A_1678 = arith.cmpi slt, %and3A_41, %lt3A_1677 : vector<16xi32>
        %add3A_1679 = arith.constant 16 : i32
        %add3A_1680 = vector.broadcast %add3A_1679 : i32 to vector<16xi32>
        %add3A_1681 = arith.addi %and3A_41, %add3A_1680 : vector<16xi32>
        %select_n3A_1682 = arith.select %lt3A_1678, %add3A_1681, %and3A_41 : vector<16xi1>, vector<16xi32>
        %broadcast_in_dim3A_1683 = vector.shape_cast %select_n3A_1682 : vector<16xi32> to vector<16x1xi32>
        %gather3A_1684 = vector.shape_cast %broadcast_in_dim3A_1683 : vector<16x1xi32> to vector<16xi32>
        %gather3A_1685 = tpu.dynamic_gather %add3A_1100[%gather3A_1684] in [0] : vector<16xf32>, vector<16xi32> -> vector<16xf32>
        %add3A_1686 = arith.addf %gather3A_1675, %gather3A_1685 : vector<16xf32>
        %select_n3A_1687 = arith.select %lt3A_43, %add3A_1665, %add3A_1686 : vector<16xi1>, vector<16xf32>
        %lt3A_1688 = arith.constant 0 : i32
        %lt3A_1689 = vector.broadcast %lt3A_1688 : i32 to vector<16xi32>
        %lt3A_1690 = arith.cmpi slt, %and3A_32, %lt3A_1689 : vector<16xi32>
        %add3A_1691 = arith.constant 16 : i32
        %add3A_1692 = vector.broadcast %add3A_1691 : i32 to vector<16xi32>
        %add3A_1693 = arith.addi %and3A_32, %add3A_1692 : vector<16xi32>
        %select_n3A_1694 = arith.select %lt3A_1690, %add3A_1693, %and3A_32 : vector<16xi1>, vector<16xi32>
        %broadcast_in_dim3A_1695 = vector.shape_cast %select_n3A_1694 : vector<16xi32> to vector<16x1xi32>
        %gather3A_1696 = vector.shape_cast %broadcast_in_dim3A_1695 : vector<16x1xi32> to vector<16xi32>
        %gather3A_1697 = tpu.dynamic_gather %add3A_1183[%gather3A_1696] in [0] : vector<16xf32>, vector<16xi32> -> vector<16xf32>
        %lt3A_1698 = arith.constant 0 : i32
        %lt3A_1699 = vector.broadcast %lt3A_1698 : i32 to vector<16xi32>
        %lt3A_1700 = arith.cmpi slt, %and3A_41, %lt3A_1699 : vector<16xi32>
        %add3A_1701 = arith.constant 16 : i32
        %add3A_1702 = vector.broadcast %add3A_1701 : i32 to vector<16xi32>
        %add3A_1703 = arith.addi %and3A_41, %add3A_1702 : vector<16xi32>
        %select_n3A_1704 = arith.select %lt3A_1700, %add3A_1703, %and3A_41 : vector<16xi1>, vector<16xi32>
        %broadcast_in_dim3A_1705 = vector.shape_cast %select_n3A_1704 : vector<16xi32> to vector<16x1xi32>
        %gather3A_1706 = vector.shape_cast %broadcast_in_dim3A_1705 : vector<16x1xi32> to vector<16xi32>
        %gather3A_1707 = tpu.dynamic_gather %add3A_1183[%gather3A_1706] in [0] : vector<16xf32>, vector<16xi32> -> vector<16xf32>
        %add3A_1708 = arith.addf %gather3A_1697, %gather3A_1707 : vector<16xf32>
        %lt3A_1709 = arith.constant 0 : i32
        %lt3A_1710 = vector.broadcast %lt3A_1709 : i32 to vector<16xi32>
        %lt3A_1711 = arith.cmpi slt, %and3A_32, %lt3A_1710 : vector<16xi32>
        %add3A_1712 = arith.constant 16 : i32
        %add3A_1713 = vector.broadcast %add3A_1712 : i32 to vector<16xi32>
        %add3A_1714 = arith.addi %and3A_32, %add3A_1713 : vector<16xi32>
        %select_n3A_1715 = arith.select %lt3A_1711, %add3A_1714, %and3A_32 : vector<16xi1>, vector<16xi32>
        %broadcast_in_dim3A_1716 = vector.shape_cast %select_n3A_1715 : vector<16xi32> to vector<16x1xi32>
        %gather3A_1717 = vector.shape_cast %broadcast_in_dim3A_1716 : vector<16x1xi32> to vector<16xi32>
        %gather3A_1718 = tpu.dynamic_gather %add3A_1266[%gather3A_1717] in [0] : vector<16xf32>, vector<16xi32> -> vector<16xf32>
        %lt3A_1719 = arith.constant 0 : i32
        %lt3A_1720 = vector.broadcast %lt3A_1719 : i32 to vector<16xi32>
        %lt3A_1721 = arith.cmpi slt, %and3A_41, %lt3A_1720 : vector<16xi32>
        %add3A_1722 = arith.constant 16 : i32
        %add3A_1723 = vector.broadcast %add3A_1722 : i32 to vector<16xi32>
        %add3A_1724 = arith.addi %and3A_41, %add3A_1723 : vector<16xi32>
        %select_n3A_1725 = arith.select %lt3A_1721, %add3A_1724, %and3A_41 : vector<16xi1>, vector<16xi32>
        %broadcast_in_dim3A_1726 = vector.shape_cast %select_n3A_1725 : vector<16xi32> to vector<16x1xi32>
        %gather3A_1727 = vector.shape_cast %broadcast_in_dim3A_1726 : vector<16x1xi32> to vector<16xi32>
        %gather3A_1728 = tpu.dynamic_gather %add3A_1266[%gather3A_1727] in [0] : vector<16xf32>, vector<16xi32> -> vector<16xf32>
        %add3A_1729 = arith.addf %gather3A_1718, %gather3A_1728 : vector<16xf32>
        %select_n3A_1730 = arith.select %lt3A_43, %add3A_1708, %add3A_1729 : vector<16xi1>, vector<16xf32>
        %lt3A_1731 = arith.constant 0 : i32
        %lt3A_1732 = vector.broadcast %lt3A_1731 : i32 to vector<16xi32>
        %lt3A_1733 = arith.cmpi slt, %and3A_32, %lt3A_1732 : vector<16xi32>
        %add3A_1734 = arith.constant 16 : i32
        %add3A_1735 = vector.broadcast %add3A_1734 : i32 to vector<16xi32>
        %add3A_1736 = arith.addi %and3A_32, %add3A_1735 : vector<16xi32>
        %select_n3A_1737 = arith.select %lt3A_1733, %add3A_1736, %and3A_32 : vector<16xi1>, vector<16xi32>
        %broadcast_in_dim3A_1738 = vector.shape_cast %select_n3A_1737 : vector<16xi32> to vector<16x1xi32>
        %gather3A_1739 = vector.shape_cast %broadcast_in_dim3A_1738 : vector<16x1xi32> to vector<16xi32>
        %gather3A_1740 = tpu.dynamic_gather %add3A_1349[%gather3A_1739] in [0] : vector<16xf32>, vector<16xi32> -> vector<16xf32>
        %lt3A_1741 = arith.constant 0 : i32
        %lt3A_1742 = vector.broadcast %lt3A_1741 : i32 to vector<16xi32>
        %lt3A_1743 = arith.cmpi slt, %and3A_41, %lt3A_1742 : vector<16xi32>
        %add3A_1744 = arith.constant 16 : i32
        %add3A_1745 = vector.broadcast %add3A_1744 : i32 to vector<16xi32>
        %add3A_1746 = arith.addi %and3A_41, %add3A_1745 : vector<16xi32>
        %select_n3A_1747 = arith.select %lt3A_1743, %add3A_1746, %and3A_41 : vector<16xi1>, vector<16xi32>
        %broadcast_in_dim3A_1748 = vector.shape_cast %select_n3A_1747 : vector<16xi32> to vector<16x1xi32>
        %gather3A_1749 = vector.shape_cast %broadcast_in_dim3A_1748 : vector<16x1xi32> to vector<16xi32>
        %gather3A_1750 = tpu.dynamic_gather %add3A_1349[%gather3A_1749] in [0] : vector<16xf32>, vector<16xi32> -> vector<16xf32>
        %add3A_1751 = arith.addf %gather3A_1740, %gather3A_1750 : vector<16xf32>
        %lt3A_1752 = arith.constant 0 : i32
        %lt3A_1753 = vector.broadcast %lt3A_1752 : i32 to vector<16xi32>
        %lt3A_1754 = arith.cmpi slt, %and3A_32, %lt3A_1753 : vector<16xi32>
        %add3A_1755 = arith.constant 16 : i32
        %add3A_1756 = vector.broadcast %add3A_1755 : i32 to vector<16xi32>
        %add3A_1757 = arith.addi %and3A_32, %add3A_1756 : vector<16xi32>
        %select_n3A_1758 = arith.select %lt3A_1754, %add3A_1757, %and3A_32 : vector<16xi1>, vector<16xi32>
        %broadcast_in_dim3A_1759 = vector.shape_cast %select_n3A_1758 : vector<16xi32> to vector<16x1xi32>
        %gather3A_1760 = vector.shape_cast %broadcast_in_dim3A_1759 : vector<16x1xi32> to vector<16xi32>
        %gather3A_1761 = tpu.dynamic_gather %add3A_1432[%gather3A_1760] in [0] : vector<16xf32>, vector<16xi32> -> vector<16xf32>
        %lt3A_1762 = arith.constant 0 : i32
        %lt3A_1763 = vector.broadcast %lt3A_1762 : i32 to vector<16xi32>
        %lt3A_1764 = arith.cmpi slt, %and3A_41, %lt3A_1763 : vector<16xi32>
        %add3A_1765 = arith.constant 16 : i32
        %add3A_1766 = vector.broadcast %add3A_1765 : i32 to vector<16xi32>
        %add3A_1767 = arith.addi %and3A_41, %add3A_1766 : vector<16xi32>
        %select_n3A_1768 = arith.select %lt3A_1764, %add3A_1767, %and3A_41 : vector<16xi1>, vector<16xi32>
        %broadcast_in_dim3A_1769 = vector.shape_cast %select_n3A_1768 : vector<16xi32> to vector<16x1xi32>
        %gather3A_1770 = vector.shape_cast %broadcast_in_dim3A_1769 : vector<16x1xi32> to vector<16xi32>
        %gather3A_1771 = tpu.dynamic_gather %add3A_1432[%gather3A_1770] in [0] : vector<16xf32>, vector<16xi32> -> vector<16xf32>
        %add3A_1772 = arith.addf %gather3A_1761, %gather3A_1771 : vector<16xf32>
        %select_n3A_1773 = arith.select %lt3A_43, %add3A_1751, %add3A_1772 : vector<16xi1>, vector<16xf32>
        %lt3A_1774 = arith.constant 0 : i32
        %lt3A_1775 = vector.broadcast %lt3A_1774 : i32 to vector<16xi32>
        %lt3A_1776 = arith.cmpi slt, %and3A_32, %lt3A_1775 : vector<16xi32>
        %add3A_1777 = arith.constant 16 : i32
        %add3A_1778 = vector.broadcast %add3A_1777 : i32 to vector<16xi32>
        %add3A_1779 = arith.addi %and3A_32, %add3A_1778 : vector<16xi32>
        %select_n3A_1780 = arith.select %lt3A_1776, %add3A_1779, %and3A_32 : vector<16xi1>, vector<16xi32>
        %broadcast_in_dim3A_1781 = vector.shape_cast %select_n3A_1780 : vector<16xi32> to vector<16x1xi32>
        %gather3A_1782 = vector.shape_cast %broadcast_in_dim3A_1781 : vector<16x1xi32> to vector<16xi32>
        %gather3A_1783 = tpu.dynamic_gather %select_n3A_1472[%gather3A_1782] in [0] : vector<16xf32>, vector<16xi32> -> vector<16xf32>
        %lt3A_1784 = arith.constant 0 : i32
        %lt3A_1785 = vector.broadcast %lt3A_1784 : i32 to vector<16xi32>
        %lt3A_1786 = arith.cmpi slt, %and3A_41, %lt3A_1785 : vector<16xi32>
        %add3A_1787 = arith.constant 16 : i32
        %add3A_1788 = vector.broadcast %add3A_1787 : i32 to vector<16xi32>
        %add3A_1789 = arith.addi %and3A_41, %add3A_1788 : vector<16xi32>
        %select_n3A_1790 = arith.select %lt3A_1786, %add3A_1789, %and3A_41 : vector<16xi1>, vector<16xi32>
        %broadcast_in_dim3A_1791 = vector.shape_cast %select_n3A_1790 : vector<16xi32> to vector<16x1xi32>
        %gather3A_1792 = vector.shape_cast %broadcast_in_dim3A_1791 : vector<16x1xi32> to vector<16xi32>
        %gather3A_1793 = tpu.dynamic_gather %select_n3A_1472[%gather3A_1792] in [0] : vector<16xf32>, vector<16xi32> -> vector<16xf32>
        %add3A_1794 = arith.addf %gather3A_1783, %gather3A_1793 : vector<16xf32>
        %lt3A_1795 = arith.constant 0 : i32
        %lt3A_1796 = vector.broadcast %lt3A_1795 : i32 to vector<16xi32>
        %lt3A_1797 = arith.cmpi slt, %and3A_32, %lt3A_1796 : vector<16xi32>
        %add3A_1798 = arith.constant 16 : i32
        %add3A_1799 = vector.broadcast %add3A_1798 : i32 to vector<16xi32>
        %add3A_1800 = arith.addi %and3A_32, %add3A_1799 : vector<16xi32>
        %select_n3A_1801 = arith.select %lt3A_1797, %add3A_1800, %and3A_32 : vector<16xi1>, vector<16xi32>
        %broadcast_in_dim3A_1802 = vector.shape_cast %select_n3A_1801 : vector<16xi32> to vector<16x1xi32>
        %gather3A_1803 = vector.shape_cast %broadcast_in_dim3A_1802 : vector<16x1xi32> to vector<16xi32>
        %gather3A_1804 = tpu.dynamic_gather %select_n3A_1515[%gather3A_1803] in [0] : vector<16xf32>, vector<16xi32> -> vector<16xf32>
        %lt3A_1805 = arith.constant 0 : i32
        %lt3A_1806 = vector.broadcast %lt3A_1805 : i32 to vector<16xi32>
        %lt3A_1807 = arith.cmpi slt, %and3A_41, %lt3A_1806 : vector<16xi32>
        %add3A_1808 = arith.constant 16 : i32
        %add3A_1809 = vector.broadcast %add3A_1808 : i32 to vector<16xi32>
        %add3A_1810 = arith.addi %and3A_41, %add3A_1809 : vector<16xi32>
        %select_n3A_1811 = arith.select %lt3A_1807, %add3A_1810, %and3A_41 : vector<16xi1>, vector<16xi32>
        %broadcast_in_dim3A_1812 = vector.shape_cast %select_n3A_1811 : vector<16xi32> to vector<16x1xi32>
        %gather3A_1813 = vector.shape_cast %broadcast_in_dim3A_1812 : vector<16x1xi32> to vector<16xi32>
        %gather3A_1814 = tpu.dynamic_gather %select_n3A_1515[%gather3A_1813] in [0] : vector<16xf32>, vector<16xi32> -> vector<16xf32>
        %add3A_1815 = arith.addf %gather3A_1804, %gather3A_1814 : vector<16xf32>
        %select_n3A_1816 = arith.select %lt3A_43, %add3A_1794, %add3A_1815 : vector<16xi1>, vector<16xf32>
        %lt3A_1817 = arith.constant 0 : i32
        %lt3A_1818 = vector.broadcast %lt3A_1817 : i32 to vector<16xi32>
        %lt3A_1819 = arith.cmpi slt, %and3A_32, %lt3A_1818 : vector<16xi32>
        %add3A_1820 = arith.constant 16 : i32
        %add3A_1821 = vector.broadcast %add3A_1820 : i32 to vector<16xi32>
        %add3A_1822 = arith.addi %and3A_32, %add3A_1821 : vector<16xi32>
        %select_n3A_1823 = arith.select %lt3A_1819, %add3A_1822, %and3A_32 : vector<16xi1>, vector<16xi32>
        %broadcast_in_dim3A_1824 = vector.shape_cast %select_n3A_1823 : vector<16xi32> to vector<16x1xi32>
        %gather3A_1825 = vector.shape_cast %broadcast_in_dim3A_1824 : vector<16x1xi32> to vector<16xi32>
        %gather3A_1826 = tpu.dynamic_gather %select_n3A_1558[%gather3A_1825] in [0] : vector<16xf32>, vector<16xi32> -> vector<16xf32>
        %lt3A_1827 = arith.constant 0 : i32
        %lt3A_1828 = vector.broadcast %lt3A_1827 : i32 to vector<16xi32>
        %lt3A_1829 = arith.cmpi slt, %and3A_41, %lt3A_1828 : vector<16xi32>
        %add3A_1830 = arith.constant 16 : i32
        %add3A_1831 = vector.broadcast %add3A_1830 : i32 to vector<16xi32>
        %add3A_1832 = arith.addi %and3A_41, %add3A_1831 : vector<16xi32>
        %select_n3A_1833 = arith.select %lt3A_1829, %add3A_1832, %and3A_41 : vector<16xi1>, vector<16xi32>
        %broadcast_in_dim3A_1834 = vector.shape_cast %select_n3A_1833 : vector<16xi32> to vector<16x1xi32>
        %gather3A_1835 = vector.shape_cast %broadcast_in_dim3A_1834 : vector<16x1xi32> to vector<16xi32>
        %gather3A_1836 = tpu.dynamic_gather %select_n3A_1558[%gather3A_1835] in [0] : vector<16xf32>, vector<16xi32> -> vector<16xf32>
        %add3A_1837 = arith.addf %gather3A_1826, %gather3A_1836 : vector<16xf32>
        %lt3A_1838 = arith.constant 0 : i32
        %lt3A_1839 = vector.broadcast %lt3A_1838 : i32 to vector<16xi32>
        %lt3A_1840 = arith.cmpi slt, %and3A_32, %lt3A_1839 : vector<16xi32>
        %add3A_1841 = arith.constant 16 : i32
        %add3A_1842 = vector.broadcast %add3A_1841 : i32 to vector<16xi32>
        %add3A_1843 = arith.addi %and3A_32, %add3A_1842 : vector<16xi32>
        %select_n3A_1844 = arith.select %lt3A_1840, %add3A_1843, %and3A_32 : vector<16xi1>, vector<16xi32>
        %broadcast_in_dim3A_1845 = vector.shape_cast %select_n3A_1844 : vector<16xi32> to vector<16x1xi32>
        %gather3A_1846 = vector.shape_cast %broadcast_in_dim3A_1845 : vector<16x1xi32> to vector<16xi32>
        %gather3A_1847 = tpu.dynamic_gather %select_n3A_1601[%gather3A_1846] in [0] : vector<16xf32>, vector<16xi32> -> vector<16xf32>
        %lt3A_1848 = arith.constant 0 : i32
        %lt3A_1849 = vector.broadcast %lt3A_1848 : i32 to vector<16xi32>
        %lt3A_1850 = arith.cmpi slt, %and3A_41, %lt3A_1849 : vector<16xi32>
        %add3A_1851 = arith.constant 16 : i32
        %add3A_1852 = vector.broadcast %add3A_1851 : i32 to vector<16xi32>
        %add3A_1853 = arith.addi %and3A_41, %add3A_1852 : vector<16xi32>
        %select_n3A_1854 = arith.select %lt3A_1850, %add3A_1853, %and3A_41 : vector<16xi1>, vector<16xi32>
        %broadcast_in_dim3A_1855 = vector.shape_cast %select_n3A_1854 : vector<16xi32> to vector<16x1xi32>
        %gather3A_1856 = vector.shape_cast %broadcast_in_dim3A_1855 : vector<16x1xi32> to vector<16xi32>
        %gather3A_1857 = tpu.dynamic_gather %select_n3A_1601[%gather3A_1856] in [0] : vector<16xf32>, vector<16xi32> -> vector<16xf32>
        %add3A_1858 = arith.addf %gather3A_1847, %gather3A_1857 : vector<16xf32>
        %select_n3A_1859 = arith.select %lt3A_43, %add3A_1837, %add3A_1858 : vector<16xi1>, vector<16xf32>
        %lt3A_1860 = arith.constant 0 : i32
        %lt3A_1861 = vector.broadcast %lt3A_1860 : i32 to vector<16xi32>
        %lt3A_1862 = arith.cmpi slt, %and3A_32, %lt3A_1861 : vector<16xi32>
        %add3A_1863 = arith.constant 16 : i32
        %add3A_1864 = vector.broadcast %add3A_1863 : i32 to vector<16xi32>
        %add3A_1865 = arith.addi %and3A_32, %add3A_1864 : vector<16xi32>
        %select_n3A_1866 = arith.select %lt3A_1862, %add3A_1865, %and3A_32 : vector<16xi1>, vector<16xi32>
        %broadcast_in_dim3A_1867 = vector.shape_cast %select_n3A_1866 : vector<16xi32> to vector<16x1xi32>
        %gather3A_1868 = vector.shape_cast %broadcast_in_dim3A_1867 : vector<16x1xi32> to vector<16xi32>
        %gather3A_1869 = tpu.dynamic_gather %select_n3A_1644[%gather3A_1868] in [0] : vector<16xf32>, vector<16xi32> -> vector<16xf32>
        %lt3A_1870 = arith.constant 0 : i32
        %lt3A_1871 = vector.broadcast %lt3A_1870 : i32 to vector<16xi32>
        %lt3A_1872 = arith.cmpi slt, %and3A_41, %lt3A_1871 : vector<16xi32>
        %add3A_1873 = arith.constant 16 : i32
        %add3A_1874 = vector.broadcast %add3A_1873 : i32 to vector<16xi32>
        %add3A_1875 = arith.addi %and3A_41, %add3A_1874 : vector<16xi32>
        %select_n3A_1876 = arith.select %lt3A_1872, %add3A_1875, %and3A_41 : vector<16xi1>, vector<16xi32>
        %broadcast_in_dim3A_1877 = vector.shape_cast %select_n3A_1876 : vector<16xi32> to vector<16x1xi32>
        %gather3A_1878 = vector.shape_cast %broadcast_in_dim3A_1877 : vector<16x1xi32> to vector<16xi32>
        %gather3A_1879 = tpu.dynamic_gather %select_n3A_1644[%gather3A_1878] in [0] : vector<16xf32>, vector<16xi32> -> vector<16xf32>
        %add3A_1880 = arith.addf %gather3A_1869, %gather3A_1879 : vector<16xf32>
        %lt3A_1881 = arith.constant 0 : i32
        %lt3A_1882 = vector.broadcast %lt3A_1881 : i32 to vector<16xi32>
        %lt3A_1883 = arith.cmpi slt, %and3A_32, %lt3A_1882 : vector<16xi32>
        %add3A_1884 = arith.constant 16 : i32
        %add3A_1885 = vector.broadcast %add3A_1884 : i32 to vector<16xi32>
        %add3A_1886 = arith.addi %and3A_32, %add3A_1885 : vector<16xi32>
        %select_n3A_1887 = arith.select %lt3A_1883, %add3A_1886, %and3A_32 : vector<16xi1>, vector<16xi32>
        %broadcast_in_dim3A_1888 = vector.shape_cast %select_n3A_1887 : vector<16xi32> to vector<16x1xi32>
        %gather3A_1889 = vector.shape_cast %broadcast_in_dim3A_1888 : vector<16x1xi32> to vector<16xi32>
        %gather3A_1890 = tpu.dynamic_gather %select_n3A_1687[%gather3A_1889] in [0] : vector<16xf32>, vector<16xi32> -> vector<16xf32>
        %lt3A_1891 = arith.constant 0 : i32
        %lt3A_1892 = vector.broadcast %lt3A_1891 : i32 to vector<16xi32>
        %lt3A_1893 = arith.cmpi slt, %and3A_41, %lt3A_1892 : vector<16xi32>
        %add3A_1894 = arith.constant 16 : i32
        %add3A_1895 = vector.broadcast %add3A_1894 : i32 to vector<16xi32>
        %add3A_1896 = arith.addi %and3A_41, %add3A_1895 : vector<16xi32>
        %select_n3A_1897 = arith.select %lt3A_1893, %add3A_1896, %and3A_41 : vector<16xi1>, vector<16xi32>
        %broadcast_in_dim3A_1898 = vector.shape_cast %select_n3A_1897 : vector<16xi32> to vector<16x1xi32>
        %gather3A_1899 = vector.shape_cast %broadcast_in_dim3A_1898 : vector<16x1xi32> to vector<16xi32>
        %gather3A_1900 = tpu.dynamic_gather %select_n3A_1687[%gather3A_1899] in [0] : vector<16xf32>, vector<16xi32> -> vector<16xf32>
        %add3A_1901 = arith.addf %gather3A_1890, %gather3A_1900 : vector<16xf32>
        %select_n3A_1902 = arith.select %lt3A_43, %add3A_1880, %add3A_1901 : vector<16xi1>, vector<16xf32>
        %lt3A_1903 = arith.constant 0 : i32
        %lt3A_1904 = vector.broadcast %lt3A_1903 : i32 to vector<16xi32>
        %lt3A_1905 = arith.cmpi slt, %and3A_32, %lt3A_1904 : vector<16xi32>
        %add3A_1906 = arith.constant 16 : i32
        %add3A_1907 = vector.broadcast %add3A_1906 : i32 to vector<16xi32>
        %add3A_1908 = arith.addi %and3A_32, %add3A_1907 : vector<16xi32>
        %select_n3A_1909 = arith.select %lt3A_1905, %add3A_1908, %and3A_32 : vector<16xi1>, vector<16xi32>
        %broadcast_in_dim3A_1910 = vector.shape_cast %select_n3A_1909 : vector<16xi32> to vector<16x1xi32>
        %gather3A_1911 = vector.shape_cast %broadcast_in_dim3A_1910 : vector<16x1xi32> to vector<16xi32>
        %gather3A_1912 = tpu.dynamic_gather %select_n3A_1730[%gather3A_1911] in [0] : vector<16xf32>, vector<16xi32> -> vector<16xf32>
        %lt3A_1913 = arith.constant 0 : i32
        %lt3A_1914 = vector.broadcast %lt3A_1913 : i32 to vector<16xi32>
        %lt3A_1915 = arith.cmpi slt, %and3A_41, %lt3A_1914 : vector<16xi32>
        %add3A_1916 = arith.constant 16 : i32
        %add3A_1917 = vector.broadcast %add3A_1916 : i32 to vector<16xi32>
        %add3A_1918 = arith.addi %and3A_41, %add3A_1917 : vector<16xi32>
        %select_n3A_1919 = arith.select %lt3A_1915, %add3A_1918, %and3A_41 : vector<16xi1>, vector<16xi32>
        %broadcast_in_dim3A_1920 = vector.shape_cast %select_n3A_1919 : vector<16xi32> to vector<16x1xi32>
        %gather3A_1921 = vector.shape_cast %broadcast_in_dim3A_1920 : vector<16x1xi32> to vector<16xi32>
        %gather3A_1922 = tpu.dynamic_gather %select_n3A_1730[%gather3A_1921] in [0] : vector<16xf32>, vector<16xi32> -> vector<16xf32>
        %add3A_1923 = arith.addf %gather3A_1912, %gather3A_1922 : vector<16xf32>
        %lt3A_1924 = arith.constant 0 : i32
        %lt3A_1925 = vector.broadcast %lt3A_1924 : i32 to vector<16xi32>
        %lt3A_1926 = arith.cmpi slt, %and3A_32, %lt3A_1925 : vector<16xi32>
        %add3A_1927 = arith.constant 16 : i32
        %add3A_1928 = vector.broadcast %add3A_1927 : i32 to vector<16xi32>
        %add3A_1929 = arith.addi %and3A_32, %add3A_1928 : vector<16xi32>
        %select_n3A_1930 = arith.select %lt3A_1926, %add3A_1929, %and3A_32 : vector<16xi1>, vector<16xi32>
        %broadcast_in_dim3A_1931 = vector.shape_cast %select_n3A_1930 : vector<16xi32> to vector<16x1xi32>
        %gather3A_1932 = vector.shape_cast %broadcast_in_dim3A_1931 : vector<16x1xi32> to vector<16xi32>
        %gather3A_1933 = tpu.dynamic_gather %select_n3A_1773[%gather3A_1932] in [0] : vector<16xf32>, vector<16xi32> -> vector<16xf32>
        %lt3A_1934 = arith.constant 0 : i32
        %lt3A_1935 = vector.broadcast %lt3A_1934 : i32 to vector<16xi32>
        %lt3A_1936 = arith.cmpi slt, %and3A_41, %lt3A_1935 : vector<16xi32>
        %add3A_1937 = arith.constant 16 : i32
        %add3A_1938 = vector.broadcast %add3A_1937 : i32 to vector<16xi32>
        %add3A_1939 = arith.addi %and3A_41, %add3A_1938 : vector<16xi32>
        %select_n3A_1940 = arith.select %lt3A_1936, %add3A_1939, %and3A_41 : vector<16xi1>, vector<16xi32>
        %broadcast_in_dim3A_1941 = vector.shape_cast %select_n3A_1940 : vector<16xi32> to vector<16x1xi32>
        %gather3A_1942 = vector.shape_cast %broadcast_in_dim3A_1941 : vector<16x1xi32> to vector<16xi32>
        %gather3A_1943 = tpu.dynamic_gather %select_n3A_1773[%gather3A_1942] in [0] : vector<16xf32>, vector<16xi32> -> vector<16xf32>
        %add3A_1944 = arith.addf %gather3A_1933, %gather3A_1943 : vector<16xf32>
        %select_n3A_1945 = arith.select %lt3A_43, %add3A_1923, %add3A_1944 : vector<16xi1>, vector<16xf32>
        %lt3A_1946 = arith.constant 0 : i32
        %lt3A_1947 = vector.broadcast %lt3A_1946 : i32 to vector<16xi32>
        %lt3A_1948 = arith.cmpi slt, %and3A_32, %lt3A_1947 : vector<16xi32>
        %add3A_1949 = arith.constant 16 : i32
        %add3A_1950 = vector.broadcast %add3A_1949 : i32 to vector<16xi32>
        %add3A_1951 = arith.addi %and3A_32, %add3A_1950 : vector<16xi32>
        %select_n3A_1952 = arith.select %lt3A_1948, %add3A_1951, %and3A_32 : vector<16xi1>, vector<16xi32>
        %broadcast_in_dim3A_1953 = vector.shape_cast %select_n3A_1952 : vector<16xi32> to vector<16x1xi32>
        %gather3A_1954 = vector.shape_cast %broadcast_in_dim3A_1953 : vector<16x1xi32> to vector<16xi32>
        %gather3A_1955 = tpu.dynamic_gather %select_n3A_1816[%gather3A_1954] in [0] : vector<16xf32>, vector<16xi32> -> vector<16xf32>
        %lt3A_1956 = arith.constant 0 : i32
        %lt3A_1957 = vector.broadcast %lt3A_1956 : i32 to vector<16xi32>
        %lt3A_1958 = arith.cmpi slt, %and3A_41, %lt3A_1957 : vector<16xi32>
        %add3A_1959 = arith.constant 16 : i32
        %add3A_1960 = vector.broadcast %add3A_1959 : i32 to vector<16xi32>
        %add3A_1961 = arith.addi %and3A_41, %add3A_1960 : vector<16xi32>
        %select_n3A_1962 = arith.select %lt3A_1958, %add3A_1961, %and3A_41 : vector<16xi1>, vector<16xi32>
        %broadcast_in_dim3A_1963 = vector.shape_cast %select_n3A_1962 : vector<16xi32> to vector<16x1xi32>
        %gather3A_1964 = vector.shape_cast %broadcast_in_dim3A_1963 : vector<16x1xi32> to vector<16xi32>
        %gather3A_1965 = tpu.dynamic_gather %select_n3A_1816[%gather3A_1964] in [0] : vector<16xf32>, vector<16xi32> -> vector<16xf32>
        %add3A_1966 = arith.addf %gather3A_1955, %gather3A_1965 : vector<16xf32>
        %lt3A_1967 = arith.constant 0 : i32
        %lt3A_1968 = vector.broadcast %lt3A_1967 : i32 to vector<16xi32>
        %lt3A_1969 = arith.cmpi slt, %and3A_32, %lt3A_1968 : vector<16xi32>
        %add3A_1970 = arith.constant 16 : i32
        %add3A_1971 = vector.broadcast %add3A_1970 : i32 to vector<16xi32>
        %add3A_1972 = arith.addi %and3A_32, %add3A_1971 : vector<16xi32>
        %select_n3A_1973 = arith.select %lt3A_1969, %add3A_1972, %and3A_32 : vector<16xi1>, vector<16xi32>
        %broadcast_in_dim3A_1974 = vector.shape_cast %select_n3A_1973 : vector<16xi32> to vector<16x1xi32>
        %gather3A_1975 = vector.shape_cast %broadcast_in_dim3A_1974 : vector<16x1xi32> to vector<16xi32>
        %gather3A_1976 = tpu.dynamic_gather %select_n3A_1859[%gather3A_1975] in [0] : vector<16xf32>, vector<16xi32> -> vector<16xf32>
        %lt3A_1977 = arith.constant 0 : i32
        %lt3A_1978 = vector.broadcast %lt3A_1977 : i32 to vector<16xi32>
        %lt3A_1979 = arith.cmpi slt, %and3A_41, %lt3A_1978 : vector<16xi32>
        %add3A_1980 = arith.constant 16 : i32
        %add3A_1981 = vector.broadcast %add3A_1980 : i32 to vector<16xi32>
        %add3A_1982 = arith.addi %and3A_41, %add3A_1981 : vector<16xi32>
        %select_n3A_1983 = arith.select %lt3A_1979, %add3A_1982, %and3A_41 : vector<16xi1>, vector<16xi32>
        %broadcast_in_dim3A_1984 = vector.shape_cast %select_n3A_1983 : vector<16xi32> to vector<16x1xi32>
        %gather3A_1985 = vector.shape_cast %broadcast_in_dim3A_1984 : vector<16x1xi32> to vector<16xi32>
        %gather3A_1986 = tpu.dynamic_gather %select_n3A_1859[%gather3A_1985] in [0] : vector<16xf32>, vector<16xi32> -> vector<16xf32>
        %add3A_1987 = arith.addf %gather3A_1976, %gather3A_1986 : vector<16xf32>
        %select_n3A_1988 = arith.select %lt3A_43, %add3A_1966, %add3A_1987 : vector<16xi1>, vector<16xf32>
        %lt3A_1989 = arith.constant 0 : i32
        %lt3A_1990 = vector.broadcast %lt3A_1989 : i32 to vector<16xi32>
        %lt3A_1991 = arith.cmpi slt, %and3A_32, %lt3A_1990 : vector<16xi32>
        %add3A_1992 = arith.constant 16 : i32
        %add3A_1993 = vector.broadcast %add3A_1992 : i32 to vector<16xi32>
        %add3A_1994 = arith.addi %and3A_32, %add3A_1993 : vector<16xi32>
        %select_n3A_1995 = arith.select %lt3A_1991, %add3A_1994, %and3A_32 : vector<16xi1>, vector<16xi32>
        %broadcast_in_dim3A_1996 = vector.shape_cast %select_n3A_1995 : vector<16xi32> to vector<16x1xi32>
        %gather3A_1997 = vector.shape_cast %broadcast_in_dim3A_1996 : vector<16x1xi32> to vector<16xi32>
        %gather3A_1998 = tpu.dynamic_gather %select_n3A_1902[%gather3A_1997] in [0] : vector<16xf32>, vector<16xi32> -> vector<16xf32>
        %lt3A_1999 = arith.constant 0 : i32
        %lt3A_2000 = vector.broadcast %lt3A_1999 : i32 to vector<16xi32>
        %lt3A_2001 = arith.cmpi slt, %and3A_41, %lt3A_2000 : vector<16xi32>
        %add3A_2002 = arith.constant 16 : i32
        %add3A_2003 = vector.broadcast %add3A_2002 : i32 to vector<16xi32>
        %add3A_2004 = arith.addi %and3A_41, %add3A_2003 : vector<16xi32>
        %select_n3A_2005 = arith.select %lt3A_2001, %add3A_2004, %and3A_41 : vector<16xi1>, vector<16xi32>
        %broadcast_in_dim3A_2006 = vector.shape_cast %select_n3A_2005 : vector<16xi32> to vector<16x1xi32>
        %gather3A_2007 = vector.shape_cast %broadcast_in_dim3A_2006 : vector<16x1xi32> to vector<16xi32>
        %gather3A_2008 = tpu.dynamic_gather %select_n3A_1902[%gather3A_2007] in [0] : vector<16xf32>, vector<16xi32> -> vector<16xf32>
        %add3A_2009 = arith.addf %gather3A_1998, %gather3A_2008 : vector<16xf32>
        %lt3A_2010 = arith.constant 0 : i32
        %lt3A_2011 = vector.broadcast %lt3A_2010 : i32 to vector<16xi32>
        %lt3A_2012 = arith.cmpi slt, %and3A_32, %lt3A_2011 : vector<16xi32>
        %add3A_2013 = arith.constant 16 : i32
        %add3A_2014 = vector.broadcast %add3A_2013 : i32 to vector<16xi32>
        %add3A_2015 = arith.addi %and3A_32, %add3A_2014 : vector<16xi32>
        %select_n3A_2016 = arith.select %lt3A_2012, %add3A_2015, %and3A_32 : vector<16xi1>, vector<16xi32>
        %broadcast_in_dim3A_2017 = vector.shape_cast %select_n3A_2016 : vector<16xi32> to vector<16x1xi32>
        %gather3A_2018 = vector.shape_cast %broadcast_in_dim3A_2017 : vector<16x1xi32> to vector<16xi32>
        %gather3A_2019 = tpu.dynamic_gather %select_n3A_1945[%gather3A_2018] in [0] : vector<16xf32>, vector<16xi32> -> vector<16xf32>
        %lt3A_2020 = arith.constant 0 : i32
        %lt3A_2021 = vector.broadcast %lt3A_2020 : i32 to vector<16xi32>
        %lt3A_2022 = arith.cmpi slt, %and3A_41, %lt3A_2021 : vector<16xi32>
        %add3A_2023 = arith.constant 16 : i32
        %add3A_2024 = vector.broadcast %add3A_2023 : i32 to vector<16xi32>
        %add3A_2025 = arith.addi %and3A_41, %add3A_2024 : vector<16xi32>
        %select_n3A_2026 = arith.select %lt3A_2022, %add3A_2025, %and3A_41 : vector<16xi1>, vector<16xi32>
        %broadcast_in_dim3A_2027 = vector.shape_cast %select_n3A_2026 : vector<16xi32> to vector<16x1xi32>
        %gather3A_2028 = vector.shape_cast %broadcast_in_dim3A_2027 : vector<16x1xi32> to vector<16xi32>
        %gather3A_2029 = tpu.dynamic_gather %select_n3A_1945[%gather3A_2028] in [0] : vector<16xf32>, vector<16xi32> -> vector<16xf32>
        %add3A_2030 = arith.addf %gather3A_2019, %gather3A_2029 : vector<16xf32>
        %select_n3A_2031 = arith.select %lt3A_43, %add3A_2009, %add3A_2030 : vector<16xi1>, vector<16xf32>
        %lt3A_2032 = arith.constant 0 : i32
        %lt3A_2033 = vector.broadcast %lt3A_2032 : i32 to vector<16xi32>
        %lt3A_2034 = arith.cmpi slt, %and3A_32, %lt3A_2033 : vector<16xi32>
        %add3A_2035 = arith.constant 16 : i32
        %add3A_2036 = vector.broadcast %add3A_2035 : i32 to vector<16xi32>
        %add3A_2037 = arith.addi %and3A_32, %add3A_2036 : vector<16xi32>
        %select_n3A_2038 = arith.select %lt3A_2034, %add3A_2037, %and3A_32 : vector<16xi1>, vector<16xi32>
        %broadcast_in_dim3A_2039 = vector.shape_cast %select_n3A_2038 : vector<16xi32> to vector<16x1xi32>
        %gather3A_2040 = vector.shape_cast %broadcast_in_dim3A_2039 : vector<16x1xi32> to vector<16xi32>
        %gather3A_2041 = tpu.dynamic_gather %select_n3A_1988[%gather3A_2040] in [0] : vector<16xf32>, vector<16xi32> -> vector<16xf32>
        %lt3A_2042 = arith.constant 0 : i32
        %lt3A_2043 = vector.broadcast %lt3A_2042 : i32 to vector<16xi32>
        %lt3A_2044 = arith.cmpi slt, %and3A_41, %lt3A_2043 : vector<16xi32>
        %add3A_2045 = arith.constant 16 : i32
        %add3A_2046 = vector.broadcast %add3A_2045 : i32 to vector<16xi32>
        %add3A_2047 = arith.addi %and3A_41, %add3A_2046 : vector<16xi32>
        %select_n3A_2048 = arith.select %lt3A_2044, %add3A_2047, %and3A_41 : vector<16xi1>, vector<16xi32>
        %broadcast_in_dim3A_2049 = vector.shape_cast %select_n3A_2048 : vector<16xi32> to vector<16x1xi32>
        %gather3A_2050 = vector.shape_cast %broadcast_in_dim3A_2049 : vector<16x1xi32> to vector<16xi32>
        %gather3A_2051 = tpu.dynamic_gather %select_n3A_1988[%gather3A_2050] in [0] : vector<16xf32>, vector<16xi32> -> vector<16xf32>
        %add3A_2052 = arith.addf %gather3A_2041, %gather3A_2051 : vector<16xf32>
        %lt3A_2053 = arith.constant 0 : i32
        %lt3A_2054 = vector.broadcast %lt3A_2053 : i32 to vector<16xi32>
        %lt3A_2055 = arith.cmpi slt, %and3A_32, %lt3A_2054 : vector<16xi32>
        %add3A_2056 = arith.constant 16 : i32
        %add3A_2057 = vector.broadcast %add3A_2056 : i32 to vector<16xi32>
        %add3A_2058 = arith.addi %and3A_32, %add3A_2057 : vector<16xi32>
        %select_n3A_2059 = arith.select %lt3A_2055, %add3A_2058, %and3A_32 : vector<16xi1>, vector<16xi32>
        %broadcast_in_dim3A_2060 = vector.shape_cast %select_n3A_2059 : vector<16xi32> to vector<16x1xi32>
        %gather3A_2061 = vector.shape_cast %broadcast_in_dim3A_2060 : vector<16x1xi32> to vector<16xi32>
        %gather3A_2062 = tpu.dynamic_gather %select_n3A_2031[%gather3A_2061] in [0] : vector<16xf32>, vector<16xi32> -> vector<16xf32>
        %lt3A_2063 = arith.constant 0 : i32
        %lt3A_2064 = vector.broadcast %lt3A_2063 : i32 to vector<16xi32>
        %lt3A_2065 = arith.cmpi slt, %and3A_41, %lt3A_2064 : vector<16xi32>
        %add3A_2066 = arith.constant 16 : i32
        %add3A_2067 = vector.broadcast %add3A_2066 : i32 to vector<16xi32>
        %add3A_2068 = arith.addi %and3A_41, %add3A_2067 : vector<16xi32>
        %select_n3A_2069 = arith.select %lt3A_2065, %add3A_2068, %and3A_41 : vector<16xi1>, vector<16xi32>
        %broadcast_in_dim3A_2070 = vector.shape_cast %select_n3A_2069 : vector<16xi32> to vector<16x1xi32>
        %gather3A_2071 = vector.shape_cast %broadcast_in_dim3A_2070 : vector<16x1xi32> to vector<16xi32>
        %gather3A_2072 = tpu.dynamic_gather %select_n3A_2031[%gather3A_2071] in [0] : vector<16xf32>, vector<16xi32> -> vector<16xf32>
        %add3A_2073 = arith.addf %gather3A_2062, %gather3A_2072 : vector<16xf32>
        %select_n3A_2074 = arith.select %lt3A_43, %add3A_2052, %add3A_2073 : vector<16xi1>, vector<16xf32>
        %mul3A_2075 = arith.constant 80 : i32
        %mul3A_2076 = arith.muli %add3A_55, %mul3A_2075 : i32
        %mul3A_2077 = arith.constant 16 : i32
        %mul3A_2078 = arith.muli %scan3A_105, %mul3A_2077 : i32
        %add3A_2079 = arith.addi %mul3A_2076, %mul3A_2078 : i32
        %swap3A = arith.index_cast %add3A_2079 : i32 to index
        %swap3A_2080 = tpu.vector_load %arg12[%swap3A] {strides = array<i32>} : memref<20000xf32, #tpu.memory_space<vmem>>, vector<16xf32>,
        %swap3A_2081 = vector.shape_cast %swap3A_2080 : vector<16xf32> to vector<16xf32>
        %swap3A_2082 = vector.shape_cast %select_n3A_2074 : vector<16xf32> to vector<16xf32>
        tpu.vector_store %arg12[%swap3A], %swap3A_2082 {strides = array<i32>} : memref<20000xf32, #tpu.memory_space<vmem>>, vector<16xf32>,
      }
      %scan3A_72 = arith.constant 5 : i32
      %add3A_73 = arith.constant 2 : i32
      %add3A_74 = arith.addi %add3A_55, %add3A_73 : i32
      %lt3A_75 = arith.constant 250 : i32
      %lt3A_76 = arith.cmpi slt, %add3A_74, %lt3A_75 : i32
      %convert_element_type3A = arith.extui %lt3A_76 : i1 to i32
      %cond3A = arith.constant 0 : i32
      %cond3A_77 = arith.cmpi ne, %convert_element_type3A, %cond3A : i32
      scf.if %cond3A_77 {
        %add3A_105 = arith.constant 2 : i32
        %add3A_106 = arith.addi %add3A_55, %add3A_105 : i32
        %dma_start3A_107 = arith.constant 0 : i32
        %dma_start3A_108 = tpu.memref_slice %arg6[%add3A_106, %dma_start3A_107] : memref<250x80xi32, #tpu.memory_space<vmem>> -> memref<1x80xi32, #tpu.memory_space<vmem>>
        %dma_start3A_109 = tpu.memref_squeeze %dma_start3A_108 : memref<1x80xi32, #tpu.memory_space<vmem>> -> memref<80xi32, #tpu.memory_space<vmem>>
        %dma_start3A_110 = arith.constant 0 : i32
        %dma_start3A_111 = arith.constant 0 : i32
        %dma_start3A_112 = tpu.memref_slice %arg2[%dma_start3A_110, %dma_start3A_111] : memref<10000x128xf32, #tpu.memory_space<hbm>> -> memref<10000x128xf32, #tpu.memory_space<hbm>>
        tpu.enqueue_indirect_dma source(%dma_start3A_112 : memref<10000x128xf32, #tpu.memory_space<hbm>>) target(%arg8 : memref<80x128xf32, #tpu.memory_space<vmem>>) offsets(%dma_start3A_109 : memref<80xi32, #tpu.memory_space<vmem>>) semaphore(%arg13 : memref<!tpu.dma_semaphore, #tpu.memory_space<semaphore_mem>>)
        %dma_start3A_113 = arith.constant 0 : i32
        %dma_start3A_114 = tpu.memref_slice %arg7[%add3A_106, %dma_start3A_113] : memref<250x80xi32, #tpu.memory_space<vmem>> -> memref<1x80xi32, #tpu.memory_space<vmem>>
        %dma_start3A_115 = tpu.memref_squeeze %dma_start3A_114 : memref<1x80xi32, #tpu.memory_space<vmem>> -> memref<80xi32, #tpu.memory_space<vmem>>
        %dma_start3A_116 = arith.constant 0 : i32
        %dma_start3A_117 = arith.constant 0 : i32
        %dma_start3A_118 = tpu.memref_slice %arg2[%dma_start3A_116, %dma_start3A_117] : memref<10000x128xf32, #tpu.memory_space<hbm>> -> memref<10000x128xf32, #tpu.memory_space<hbm>>
        tpu.enqueue_indirect_dma source(%dma_start3A_118 : memref<10000x128xf32, #tpu.memory_space<hbm>>) target(%arg9 : memref<80x128xf32, #tpu.memory_space<vmem>>) offsets(%dma_start3A_115 : memref<80xi32, #tpu.memory_space<vmem>>) semaphore(%arg14 : memref<!tpu.dma_semaphore, #tpu.memory_space<semaphore_mem>>)
      } else {
      }
      %add3A_78 = arith.constant 1 : i32
      %add3A_79 = arith.addi %mul3A_53, %add3A_78 : i32
      %dma_wait3A_80 = arith.constant 0 : i32
      %dma_wait3A_81 = tpu.memref_slice %arg6[%add3A_79, %dma_wait3A_80] : memref<250x80xi32, #tpu.memory_space<vmem>> -> memref<1x80xi32, #tpu.memory_space<vmem>>
      %dma_wait3A_82 = tpu.memref_squeeze %dma_wait3A_81 : memref<1x80xi32, #tpu.memory_space<vmem>> -> memref<80xi32, #tpu.memory_space<vmem>>
      %dma_wait3A_83 = arith.constant 0 : i32
      %dma_wait3A_84 = arith.constant 0 : i32
      %dma_wait3A_85 = tpu.memref_slice %arg2[%dma_wait3A_83, %dma_wait3A_84] : memref<10000x128xf32, #tpu.memory_space<hbm>> -> memref<10000x128xf32, #tpu.memory_space<hbm>>
      tpu.wait_indirect_dma semaphore(%arg15 : memref<!tpu.dma_semaphore, #tpu.memory_space<semaphore_mem>>) src(%dma_wait3A_85 : memref<10000x128xf32, #tpu.memory_space<hbm>>) dst(%arg10 : memref<80x128xf32, #tpu.memory_space<vmem>>)
      %dma_wait3A_86 = arith.constant 0 : i32
      %dma_wait3A_87 = tpu.memref_slice %arg7[%add3A_79, %dma_wait3A_86] : memref<250x80xi32, #tpu.memory_space<vmem>> -> memref<1x80xi32, #tpu.memory_space<vmem>>
      %dma_wait3A_88 = tpu.memref_squeeze %dma_wait3A_87 : memref<1x80xi32, #tpu.memory_space<vmem>> -> memref<80xi32, #tpu.memory_space<vmem>>
      %dma_wait3A_89 = arith.constant 0 : i32
      %dma_wait3A_90 = arith.constant 0 : i32
      %dma_wait3A_91 = tpu.memref_slice %arg2[%dma_wait3A_89, %dma_wait3A_90] : memref<10000x128xf32, #tpu.memory_space<hbm>> -> memref<10000x128xf32, #tpu.memory_space<hbm>>
      tpu.wait_indirect_dma semaphore(%arg16 : memref<!tpu.dma_semaphore, #tpu.memory_space<semaphore_mem>>) src(%dma_wait3A_91 : memref<10000x128xf32, #tpu.memory_space<hbm>>) dst(%arg11 : memref<80x128xf32, #tpu.memory_space<vmem>>)
      %scan3A_92 = arith.constant 0 : i32
      %scan3A_93 = arith.constant 0 : i32
      %scan3A_94 = arith.constant 5 : i32
      %scan3A_95 = arith.addi %scan3A_93, %scan3A_94 : i32
      %scan3A_96 = arith.constant 1 : i32
      scf.for %scan3A_105 = %scan3A_93 to %scan3A_95 step %scan3A_96  : i32 {
        %mul3A_106 = arith.constant 16 : i32
        %mul3A_107 = arith.muli %scan3A_105, %mul3A_106 : i32
        %add3A_108 = arith.constant 0 : i32
        %add3A_109 = arith.addi %mul3A_107, %add3A_108 : i32
        %get3A = arith.index_cast %add3A_109 : i32 to index
        %get3A_110 = arith.constant 0 : index
        %get3A_111 = tpu.vector_load %arg10[%get3A, %get3A_110] {strides = array<i32>} : memref<80x128xf32, #tpu.memory_space<vmem>>, vector<1x16xf32>,
        %get3A_112 = vector.shape_cast %get3A_111 : vector<1x16xf32> to vector<16xf32>
        %get3A_113 = arith.index_cast %add3A_109 : i32 to index
        %get3A_114 = arith.constant 0 : index
        %get3A_115 = tpu.vector_load %arg11[%get3A_113, %get3A_114] {strides = array<i32>} : memref<80x128xf32, #tpu.memory_space<vmem>>, vector<1x16xf32>,
        %get3A_116 = vector.shape_cast %get3A_115 : vector<1x16xf32> to vector<16xf32>
        %mul3A_117 = arith.mulf %get3A_112, %get3A_116 : vector<16xf32>
        %get3A_118 = arith.index_cast %add3A_109 : i32 to index
        %get3A_119 = arith.constant 16 : index
        %get3A_120 = tpu.vector_load %arg10[%get3A_118, %get3A_119] {strides = array<i32>} : memref<80x128xf32, #tpu.memory_space<vmem>>, vector<1x16xf32>,
        %get3A_121 = vector.shape_cast %get3A_120 : vector<1x16xf32> to vector<16xf32>
        %get3A_122 = arith.index_cast %add3A_109 : i32 to index
        %get3A_123 = arith.constant 16 : index
        %get3A_124 = tpu.vector_load %arg11[%get3A_122, %get3A_123] {strides = array<i32>} : memref<80x128xf32, #tpu.memory_space<vmem>>, vector<1x16xf32>,
        %get3A_125 = vector.shape_cast %get3A_124 : vector<1x16xf32> to vector<16xf32>
        %mul3A_126 = arith.mulf %get3A_121, %get3A_125 : vector<16xf32>
        %add3A_127 = arith.addf %mul3A_117, %mul3A_126 : vector<16xf32>
        %get3A_128 = arith.index_cast %add3A_109 : i32 to index
        %get3A_129 = arith.constant 32 : index
        %get3A_130 = tpu.vector_load %arg10[%get3A_128, %get3A_129] {strides = array<i32>} : memref<80x128xf32, #tpu.memory_space<vmem>>, vector<1x16xf32>,
        %get3A_131 = vector.shape_cast %get3A_130 : vector<1x16xf32> to vector<16xf32>
        %get3A_132 = arith.index_cast %add3A_109 : i32 to index
        %get3A_133 = arith.constant 32 : index
        %get3A_134 = tpu.vector_load %arg11[%get3A_132, %get3A_133] {strides = array<i32>} : memref<80x128xf32, #tpu.memory_space<vmem>>, vector<1x16xf32>,
        %get3A_135 = vector.shape_cast %get3A_134 : vector<1x16xf32> to vector<16xf32>
        %mul3A_136 = arith.mulf %get3A_131, %get3A_135 : vector<16xf32>
        %add3A_137 = arith.addf %add3A_127, %mul3A_136 : vector<16xf32>
        %get3A_138 = arith.index_cast %add3A_109 : i32 to index
        %get3A_139 = arith.constant 48 : index
        %get3A_140 = tpu.vector_load %arg10[%get3A_138, %get3A_139] {strides = array<i32>} : memref<80x128xf32, #tpu.memory_space<vmem>>, vector<1x16xf32>,
        %get3A_141 = vector.shape_cast %get3A_140 : vector<1x16xf32> to vector<16xf32>
        %get3A_142 = arith.index_cast %add3A_109 : i32 to index
        %get3A_143 = arith.constant 48 : index
        %get3A_144 = tpu.vector_load %arg11[%get3A_142, %get3A_143] {strides = array<i32>} : memref<80x128xf32, #tpu.memory_space<vmem>>, vector<1x16xf32>,
        %get3A_145 = vector.shape_cast %get3A_144 : vector<1x16xf32> to vector<16xf32>
        %mul3A_146 = arith.mulf %get3A_141, %get3A_145 : vector<16xf32>
        %add3A_147 = arith.addf %add3A_137, %mul3A_146 : vector<16xf32>
        %get3A_148 = arith.index_cast %add3A_109 : i32 to index
        %get3A_149 = arith.constant 64 : index
        %get3A_150 = tpu.vector_load %arg10[%get3A_148, %get3A_149] {strides = array<i32>} : memref<80x128xf32, #tpu.memory_space<vmem>>, vector<1x16xf32>,
        %get3A_151 = vector.shape_cast %get3A_150 : vector<1x16xf32> to vector<16xf32>
        %get3A_152 = arith.index_cast %add3A_109 : i32 to index
        %get3A_153 = arith.constant 64 : index
        %get3A_154 = tpu.vector_load %arg11[%get3A_152, %get3A_153] {strides = array<i32>} : memref<80x128xf32, #tpu.memory_space<vmem>>, vector<1x16xf32>,
        %get3A_155 = vector.shape_cast %get3A_154 : vector<1x16xf32> to vector<16xf32>
        %mul3A_156 = arith.mulf %get3A_151, %get3A_155 : vector<16xf32>
        %add3A_157 = arith.addf %add3A_147, %mul3A_156 : vector<16xf32>
        %get3A_158 = arith.index_cast %add3A_109 : i32 to index
        %get3A_159 = arith.constant 80 : index
        %get3A_160 = tpu.vector_load %arg10[%get3A_158, %get3A_159] {strides = array<i32>} : memref<80x128xf32, #tpu.memory_space<vmem>>, vector<1x16xf32>,
        %get3A_161 = vector.shape_cast %get3A_160 : vector<1x16xf32> to vector<16xf32>
        %get3A_162 = arith.index_cast %add3A_109 : i32 to index
        %get3A_163 = arith.constant 80 : index
        %get3A_164 = tpu.vector_load %arg11[%get3A_162, %get3A_163] {strides = array<i32>} : memref<80x128xf32, #tpu.memory_space<vmem>>, vector<1x16xf32>,
        %get3A_165 = vector.shape_cast %get3A_164 : vector<1x16xf32> to vector<16xf32>
        %mul3A_166 = arith.mulf %get3A_161, %get3A_165 : vector<16xf32>
        %add3A_167 = arith.addf %add3A_157, %mul3A_166 : vector<16xf32>
        %get3A_168 = arith.index_cast %add3A_109 : i32 to index
        %get3A_169 = arith.constant 96 : index
        %get3A_170 = tpu.vector_load %arg10[%get3A_168, %get3A_169] {strides = array<i32>} : memref<80x128xf32, #tpu.memory_space<vmem>>, vector<1x16xf32>,
        %get3A_171 = vector.shape_cast %get3A_170 : vector<1x16xf32> to vector<16xf32>
        %get3A_172 = arith.index_cast %add3A_109 : i32 to index
        %get3A_173 = arith.constant 96 : index
        %get3A_174 = tpu.vector_load %arg11[%get3A_172, %get3A_173] {strides = array<i32>} : memref<80x128xf32, #tpu.memory_space<vmem>>, vector<1x16xf32>,
        %get3A_175 = vector.shape_cast %get3A_174 : vector<1x16xf32> to vector<16xf32>
        %mul3A_176 = arith.mulf %get3A_171, %get3A_175 : vector<16xf32>
        %add3A_177 = arith.addf %add3A_167, %mul3A_176 : vector<16xf32>
        %get3A_178 = arith.index_cast %add3A_109 : i32 to index
        %get3A_179 = arith.constant 112 : index
        %get3A_180 = tpu.vector_load %arg10[%get3A_178, %get3A_179] {strides = array<i32>} : memref<80x128xf32, #tpu.memory_space<vmem>>, vector<1x16xf32>,
        %get3A_181 = vector.shape_cast %get3A_180 : vector<1x16xf32> to vector<16xf32>
        %get3A_182 = arith.index_cast %add3A_109 : i32 to index
        %get3A_183 = arith.constant 112 : index
        %get3A_184 = tpu.vector_load %arg11[%get3A_182, %get3A_183] {strides = array<i32>} : memref<80x128xf32, #tpu.memory_space<vmem>>, vector<1x16xf32>,
        %get3A_185 = vector.shape_cast %get3A_184 : vector<1x16xf32> to vector<16xf32>
        %mul3A_186 = arith.mulf %get3A_181, %get3A_185 : vector<16xf32>
        %add3A_187 = arith.addf %add3A_177, %mul3A_186 : vector<16xf32>
        %mul3A_188 = arith.constant 16 : i32
        %mul3A_189 = arith.muli %scan3A_105, %mul3A_188 : i32
        %add3A_190 = arith.constant 1 : i32
        %add3A_191 = arith.addi %mul3A_189, %add3A_190 : i32
        %get3A_192 = arith.index_cast %add3A_191 : i32 to index
        %get3A_193 = arith.constant 0 : index
        %get3A_194 = tpu.vector_load %arg10[%get3A_192, %get3A_193] {strides = array<i32>} : memref<80x128xf32, #tpu.memory_space<vmem>>, vector<1x16xf32>,
        %get3A_195 = vector.shape_cast %get3A_194 : vector<1x16xf32> to vector<16xf32>
        %get3A_196 = arith.index_cast %add3A_191 : i32 to index
        %get3A_197 = arith.constant 0 : index
        %get3A_198 = tpu.vector_load %arg11[%get3A_196, %get3A_197] {strides = array<i32>} : memref<80x128xf32, #tpu.memory_space<vmem>>, vector<1x16xf32>,
        %get3A_199 = vector.shape_cast %get3A_198 : vector<1x16xf32> to vector<16xf32>
        %mul3A_200 = arith.mulf %get3A_195, %get3A_199 : vector<16xf32>
        %get3A_201 = arith.index_cast %add3A_191 : i32 to index
        %get3A_202 = arith.constant 16 : index
        %get3A_203 = tpu.vector_load %arg10[%get3A_201, %get3A_202] {strides = array<i32>} : memref<80x128xf32, #tpu.memory_space<vmem>>, vector<1x16xf32>,
        %get3A_204 = vector.shape_cast %get3A_203 : vector<1x16xf32> to vector<16xf32>
        %get3A_205 = arith.index_cast %add3A_191 : i32 to index
        %get3A_206 = arith.constant 16 : index
        %get3A_207 = tpu.vector_load %arg11[%get3A_205, %get3A_206] {strides = array<i32>} : memref<80x128xf32, #tpu.memory_space<vmem>>, vector<1x16xf32>,
        %get3A_208 = vector.shape_cast %get3A_207 : vector<1x16xf32> to vector<16xf32>
        %mul3A_209 = arith.mulf %get3A_204, %get3A_208 : vector<16xf32>
        %add3A_210 = arith.addf %mul3A_200, %mul3A_209 : vector<16xf32>
        %get3A_211 = arith.index_cast %add3A_191 : i32 to index
        %get3A_212 = arith.constant 32 : index
        %get3A_213 = tpu.vector_load %arg10[%get3A_211, %get3A_212] {strides = array<i32>} : memref<80x128xf32, #tpu.memory_space<vmem>>, vector<1x16xf32>,
        %get3A_214 = vector.shape_cast %get3A_213 : vector<1x16xf32> to vector<16xf32>
        %get3A_215 = arith.index_cast %add3A_191 : i32 to index
        %get3A_216 = arith.constant 32 : index
        %get3A_217 = tpu.vector_load %arg11[%get3A_215, %get3A_216] {strides = array<i32>} : memref<80x128xf32, #tpu.memory_space<vmem>>, vector<1x16xf32>,
        %get3A_218 = vector.shape_cast %get3A_217 : vector<1x16xf32> to vector<16xf32>
        %mul3A_219 = arith.mulf %get3A_214, %get3A_218 : vector<16xf32>
        %add3A_220 = arith.addf %add3A_210, %mul3A_219 : vector<16xf32>
        %get3A_221 = arith.index_cast %add3A_191 : i32 to index
        %get3A_222 = arith.constant 48 : index
        %get3A_223 = tpu.vector_load %arg10[%get3A_221, %get3A_222] {strides = array<i32>} : memref<80x128xf32, #tpu.memory_space<vmem>>, vector<1x16xf32>,
        %get3A_224 = vector.shape_cast %get3A_223 : vector<1x16xf32> to vector<16xf32>
        %get3A_225 = arith.index_cast %add3A_191 : i32 to index
        %get3A_226 = arith.constant 48 : index
        %get3A_227 = tpu.vector_load %arg11[%get3A_225, %get3A_226] {strides = array<i32>} : memref<80x128xf32, #tpu.memory_space<vmem>>, vector<1x16xf32>,
        %get3A_228 = vector.shape_cast %get3A_227 : vector<1x16xf32> to vector<16xf32>
        %mul3A_229 = arith.mulf %get3A_224, %get3A_228 : vector<16xf32>
        %add3A_230 = arith.addf %add3A_220, %mul3A_229 : vector<16xf32>
        %get3A_231 = arith.index_cast %add3A_191 : i32 to index
        %get3A_232 = arith.constant 64 : index
        %get3A_233 = tpu.vector_load %arg10[%get3A_231, %get3A_232] {strides = array<i32>} : memref<80x128xf32, #tpu.memory_space<vmem>>, vector<1x16xf32>,
        %get3A_234 = vector.shape_cast %get3A_233 : vector<1x16xf32> to vector<16xf32>
        %get3A_235 = arith.index_cast %add3A_191 : i32 to index
        %get3A_236 = arith.constant 64 : index
        %get3A_237 = tpu.vector_load %arg11[%get3A_235, %get3A_236] {strides = array<i32>} : memref<80x128xf32, #tpu.memory_space<vmem>>, vector<1x16xf32>,
        %get3A_238 = vector.shape_cast %get3A_237 : vector<1x16xf32> to vector<16xf32>
        %mul3A_239 = arith.mulf %get3A_234, %get3A_238 : vector<16xf32>
        %add3A_240 = arith.addf %add3A_230, %mul3A_239 : vector<16xf32>
        %get3A_241 = arith.index_cast %add3A_191 : i32 to index
        %get3A_242 = arith.constant 80 : index
        %get3A_243 = tpu.vector_load %arg10[%get3A_241, %get3A_242] {strides = array<i32>} : memref<80x128xf32, #tpu.memory_space<vmem>>, vector<1x16xf32>,
        %get3A_244 = vector.shape_cast %get3A_243 : vector<1x16xf32> to vector<16xf32>
        %get3A_245 = arith.index_cast %add3A_191 : i32 to index
        %get3A_246 = arith.constant 80 : index
        %get3A_247 = tpu.vector_load %arg11[%get3A_245, %get3A_246] {strides = array<i32>} : memref<80x128xf32, #tpu.memory_space<vmem>>, vector<1x16xf32>,
        %get3A_248 = vector.shape_cast %get3A_247 : vector<1x16xf32> to vector<16xf32>
        %mul3A_249 = arith.mulf %get3A_244, %get3A_248 : vector<16xf32>
        %add3A_250 = arith.addf %add3A_240, %mul3A_249 : vector<16xf32>
        %get3A_251 = arith.index_cast %add3A_191 : i32 to index
        %get3A_252 = arith.constant 96 : index
        %get3A_253 = tpu.vector_load %arg10[%get3A_251, %get3A_252] {strides = array<i32>} : memref<80x128xf32, #tpu.memory_space<vmem>>, vector<1x16xf32>,
        %get3A_254 = vector.shape_cast %get3A_253 : vector<1x16xf32> to vector<16xf32>
        %get3A_255 = arith.index_cast %add3A_191 : i32 to index
        %get3A_256 = arith.constant 96 : index
        %get3A_257 = tpu.vector_load %arg11[%get3A_255, %get3A_256] {strides = array<i32>} : memref<80x128xf32, #tpu.memory_space<vmem>>, vector<1x16xf32>,
        %get3A_258 = vector.shape_cast %get3A_257 : vector<1x16xf32> to vector<16xf32>
        %mul3A_259 = arith.mulf %get3A_254, %get3A_258 : vector<16xf32>
        %add3A_260 = arith.addf %add3A_250, %mul3A_259 : vector<16xf32>
        %get3A_261 = arith.index_cast %add3A_191 : i32 to index
        %get3A_262 = arith.constant 112 : index
        %get3A_263 = tpu.vector_load %arg10[%get3A_261, %get3A_262] {strides = array<i32>} : memref<80x128xf32, #tpu.memory_space<vmem>>, vector<1x16xf32>,
        %get3A_264 = vector.shape_cast %get3A_263 : vector<1x16xf32> to vector<16xf32>
        %get3A_265 = arith.index_cast %add3A_191 : i32 to index
        %get3A_266 = arith.constant 112 : index
        %get3A_267 = tpu.vector_load %arg11[%get3A_265, %get3A_266] {strides = array<i32>} : memref<80x128xf32, #tpu.memory_space<vmem>>, vector<1x16xf32>,
        %get3A_268 = vector.shape_cast %get3A_267 : vector<1x16xf32> to vector<16xf32>
        %mul3A_269 = arith.mulf %get3A_264, %get3A_268 : vector<16xf32>
        %add3A_270 = arith.addf %add3A_260, %mul3A_269 : vector<16xf32>
        %mul3A_271 = arith.constant 16 : i32
        %mul3A_272 = arith.muli %scan3A_105, %mul3A_271 : i32
        %add3A_273 = arith.constant 2 : i32
        %add3A_274 = arith.addi %mul3A_272, %add3A_273 : i32
        %get3A_275 = arith.index_cast %add3A_274 : i32 to index
        %get3A_276 = arith.constant 0 : index
        %get3A_277 = tpu.vector_load %arg10[%get3A_275, %get3A_276] {strides = array<i32>} : memref<80x128xf32, #tpu.memory_space<vmem>>, vector<1x16xf32>,
        %get3A_278 = vector.shape_cast %get3A_277 : vector<1x16xf32> to vector<16xf32>
        %get3A_279 = arith.index_cast %add3A_274 : i32 to index
        %get3A_280 = arith.constant 0 : index
        %get3A_281 = tpu.vector_load %arg11[%get3A_279, %get3A_280] {strides = array<i32>} : memref<80x128xf32, #tpu.memory_space<vmem>>, vector<1x16xf32>,
        %get3A_282 = vector.shape_cast %get3A_281 : vector<1x16xf32> to vector<16xf32>
        %mul3A_283 = arith.mulf %get3A_278, %get3A_282 : vector<16xf32>
        %get3A_284 = arith.index_cast %add3A_274 : i32 to index
        %get3A_285 = arith.constant 16 : index
        %get3A_286 = tpu.vector_load %arg10[%get3A_284, %get3A_285] {strides = array<i32>} : memref<80x128xf32, #tpu.memory_space<vmem>>, vector<1x16xf32>,
        %get3A_287 = vector.shape_cast %get3A_286 : vector<1x16xf32> to vector<16xf32>
        %get3A_288 = arith.index_cast %add3A_274 : i32 to index
        %get3A_289 = arith.constant 16 : index
        %get3A_290 = tpu.vector_load %arg11[%get3A_288, %get3A_289] {strides = array<i32>} : memref<80x128xf32, #tpu.memory_space<vmem>>, vector<1x16xf32>,
        %get3A_291 = vector.shape_cast %get3A_290 : vector<1x16xf32> to vector<16xf32>
        %mul3A_292 = arith.mulf %get3A_287, %get3A_291 : vector<16xf32>
        %add3A_293 = arith.addf %mul3A_283, %mul3A_292 : vector<16xf32>
        %get3A_294 = arith.index_cast %add3A_274 : i32 to index
        %get3A_295 = arith.constant 32 : index
        %get3A_296 = tpu.vector_load %arg10[%get3A_294, %get3A_295] {strides = array<i32>} : memref<80x128xf32, #tpu.memory_space<vmem>>, vector<1x16xf32>,
        %get3A_297 = vector.shape_cast %get3A_296 : vector<1x16xf32> to vector<16xf32>
        %get3A_298 = arith.index_cast %add3A_274 : i32 to index
        %get3A_299 = arith.constant 32 : index
        %get3A_300 = tpu.vector_load %arg11[%get3A_298, %get3A_299] {strides = array<i32>} : memref<80x128xf32, #tpu.memory_space<vmem>>, vector<1x16xf32>,
        %get3A_301 = vector.shape_cast %get3A_300 : vector<1x16xf32> to vector<16xf32>
        %mul3A_302 = arith.mulf %get3A_297, %get3A_301 : vector<16xf32>
        %add3A_303 = arith.addf %add3A_293, %mul3A_302 : vector<16xf32>
        %get3A_304 = arith.index_cast %add3A_274 : i32 to index
        %get3A_305 = arith.constant 48 : index
        %get3A_306 = tpu.vector_load %arg10[%get3A_304, %get3A_305] {strides = array<i32>} : memref<80x128xf32, #tpu.memory_space<vmem>>, vector<1x16xf32>,
        %get3A_307 = vector.shape_cast %get3A_306 : vector<1x16xf32> to vector<16xf32>
        %get3A_308 = arith.index_cast %add3A_274 : i32 to index
        %get3A_309 = arith.constant 48 : index
        %get3A_310 = tpu.vector_load %arg11[%get3A_308, %get3A_309] {strides = array<i32>} : memref<80x128xf32, #tpu.memory_space<vmem>>, vector<1x16xf32>,
        %get3A_311 = vector.shape_cast %get3A_310 : vector<1x16xf32> to vector<16xf32>
        %mul3A_312 = arith.mulf %get3A_307, %get3A_311 : vector<16xf32>
        %add3A_313 = arith.addf %add3A_303, %mul3A_312 : vector<16xf32>
        %get3A_314 = arith.index_cast %add3A_274 : i32 to index
        %get3A_315 = arith.constant 64 : index
        %get3A_316 = tpu.vector_load %arg10[%get3A_314, %get3A_315] {strides = array<i32>} : memref<80x128xf32, #tpu.memory_space<vmem>>, vector<1x16xf32>,
        %get3A_317 = vector.shape_cast %get3A_316 : vector<1x16xf32> to vector<16xf32>
        %get3A_318 = arith.index_cast %add3A_274 : i32 to index
        %get3A_319 = arith.constant 64 : index
        %get3A_320 = tpu.vector_load %arg11[%get3A_318, %get3A_319] {strides = array<i32>} : memref<80x128xf32, #tpu.memory_space<vmem>>, vector<1x16xf32>,
        %get3A_321 = vector.shape_cast %get3A_320 : vector<1x16xf32> to vector<16xf32>
        %mul3A_322 = arith.mulf %get3A_317, %get3A_321 : vector<16xf32>
        %add3A_323 = arith.addf %add3A_313, %mul3A_322 : vector<16xf32>
        %get3A_324 = arith.index_cast %add3A_274 : i32 to index
        %get3A_325 = arith.constant 80 : index
        %get3A_326 = tpu.vector_load %arg10[%get3A_324, %get3A_325] {strides = array<i32>} : memref<80x128xf32, #tpu.memory_space<vmem>>, vector<1x16xf32>,
        %get3A_327 = vector.shape_cast %get3A_326 : vector<1x16xf32> to vector<16xf32>
        %get3A_328 = arith.index_cast %add3A_274 : i32 to index
        %get3A_329 = arith.constant 80 : index
        %get3A_330 = tpu.vector_load %arg11[%get3A_328, %get3A_329] {strides = array<i32>} : memref<80x128xf32, #tpu.memory_space<vmem>>, vector<1x16xf32>,
        %get3A_331 = vector.shape_cast %get3A_330 : vector<1x16xf32> to vector<16xf32>
        %mul3A_332 = arith.mulf %get3A_327, %get3A_331 : vector<16xf32>
        %add3A_333 = arith.addf %add3A_323, %mul3A_332 : vector<16xf32>
        %get3A_334 = arith.index_cast %add3A_274 : i32 to index
        %get3A_335 = arith.constant 96 : index
        %get3A_336 = tpu.vector_load %arg10[%get3A_334, %get3A_335] {strides = array<i32>} : memref<80x128xf32, #tpu.memory_space<vmem>>, vector<1x16xf32>,
        %get3A_337 = vector.shape_cast %get3A_336 : vector<1x16xf32> to vector<16xf32>
        %get3A_338 = arith.index_cast %add3A_274 : i32 to index
        %get3A_339 = arith.constant 96 : index
        %get3A_340 = tpu.vector_load %arg11[%get3A_338, %get3A_339] {strides = array<i32>} : memref<80x128xf32, #tpu.memory_space<vmem>>, vector<1x16xf32>,
        %get3A_341 = vector.shape_cast %get3A_340 : vector<1x16xf32> to vector<16xf32>
        %mul3A_342 = arith.mulf %get3A_337, %get3A_341 : vector<16xf32>
        %add3A_343 = arith.addf %add3A_333, %mul3A_342 : vector<16xf32>
        %get3A_344 = arith.index_cast %add3A_274 : i32 to index
        %get3A_345 = arith.constant 112 : index
        %get3A_346 = tpu.vector_load %arg10[%get3A_344, %get3A_345] {strides = array<i32>} : memref<80x128xf32, #tpu.memory_space<vmem>>, vector<1x16xf32>,
        %get3A_347 = vector.shape_cast %get3A_346 : vector<1x16xf32> to vector<16xf32>
        %get3A_348 = arith.index_cast %add3A_274 : i32 to index
        %get3A_349 = arith.constant 112 : index
        %get3A_350 = tpu.vector_load %arg11[%get3A_348, %get3A_349] {strides = array<i32>} : memref<80x128xf32, #tpu.memory_space<vmem>>, vector<1x16xf32>,
        %get3A_351 = vector.shape_cast %get3A_350 : vector<1x16xf32> to vector<16xf32>
        %mul3A_352 = arith.mulf %get3A_347, %get3A_351 : vector<16xf32>
        %add3A_353 = arith.addf %add3A_343, %mul3A_352 : vector<16xf32>
        %mul3A_354 = arith.constant 16 : i32
        %mul3A_355 = arith.muli %scan3A_105, %mul3A_354 : i32
        %add3A_356 = arith.constant 3 : i32
        %add3A_357 = arith.addi %mul3A_355, %add3A_356 : i32
        %get3A_358 = arith.index_cast %add3A_357 : i32 to index
        %get3A_359 = arith.constant 0 : index
        %get3A_360 = tpu.vector_load %arg10[%get3A_358, %get3A_359] {strides = array<i32>} : memref<80x128xf32, #tpu.memory_space<vmem>>, vector<1x16xf32>,
        %get3A_361 = vector.shape_cast %get3A_360 : vector<1x16xf32> to vector<16xf32>
        %get3A_362 = arith.index_cast %add3A_357 : i32 to index
        %get3A_363 = arith.constant 0 : index
        %get3A_364 = tpu.vector_load %arg11[%get3A_362, %get3A_363] {strides = array<i32>} : memref<80x128xf32, #tpu.memory_space<vmem>>, vector<1x16xf32>,
        %get3A_365 = vector.shape_cast %get3A_364 : vector<1x16xf32> to vector<16xf32>
        %mul3A_366 = arith.mulf %get3A_361, %get3A_365 : vector<16xf32>
        %get3A_367 = arith.index_cast %add3A_357 : i32 to index
        %get3A_368 = arith.constant 16 : index
        %get3A_369 = tpu.vector_load %arg10[%get3A_367, %get3A_368] {strides = array<i32>} : memref<80x128xf32, #tpu.memory_space<vmem>>, vector<1x16xf32>,
        %get3A_370 = vector.shape_cast %get3A_369 : vector<1x16xf32> to vector<16xf32>
        %get3A_371 = arith.index_cast %add3A_357 : i32 to index
        %get3A_372 = arith.constant 16 : index
        %get3A_373 = tpu.vector_load %arg11[%get3A_371, %get3A_372] {strides = array<i32>} : memref<80x128xf32, #tpu.memory_space<vmem>>, vector<1x16xf32>,
        %get3A_374 = vector.shape_cast %get3A_373 : vector<1x16xf32> to vector<16xf32>
        %mul3A_375 = arith.mulf %get3A_370, %get3A_374 : vector<16xf32>
        %add3A_376 = arith.addf %mul3A_366, %mul3A_375 : vector<16xf32>
        %get3A_377 = arith.index_cast %add3A_357 : i32 to index
        %get3A_378 = arith.constant 32 : index
        %get3A_379 = tpu.vector_load %arg10[%get3A_377, %get3A_378] {strides = array<i32>} : memref<80x128xf32, #tpu.memory_space<vmem>>, vector<1x16xf32>,
        %get3A_380 = vector.shape_cast %get3A_379 : vector<1x16xf32> to vector<16xf32>
        %get3A_381 = arith.index_cast %add3A_357 : i32 to index
        %get3A_382 = arith.constant 32 : index
        %get3A_383 = tpu.vector_load %arg11[%get3A_381, %get3A_382] {strides = array<i32>} : memref<80x128xf32, #tpu.memory_space<vmem>>, vector<1x16xf32>,
        %get3A_384 = vector.shape_cast %get3A_383 : vector<1x16xf32> to vector<16xf32>
        %mul3A_385 = arith.mulf %get3A_380, %get3A_384 : vector<16xf32>
        %add3A_386 = arith.addf %add3A_376, %mul3A_385 : vector<16xf32>
        %get3A_387 = arith.index_cast %add3A_357 : i32 to index
        %get3A_388 = arith.constant 48 : index
        %get3A_389 = tpu.vector_load %arg10[%get3A_387, %get3A_388] {strides = array<i32>} : memref<80x128xf32, #tpu.memory_space<vmem>>, vector<1x16xf32>,
        %get3A_390 = vector.shape_cast %get3A_389 : vector<1x16xf32> to vector<16xf32>
        %get3A_391 = arith.index_cast %add3A_357 : i32 to index
        %get3A_392 = arith.constant 48 : index
        %get3A_393 = tpu.vector_load %arg11[%get3A_391, %get3A_392] {strides = array<i32>} : memref<80x128xf32, #tpu.memory_space<vmem>>, vector<1x16xf32>,
        %get3A_394 = vector.shape_cast %get3A_393 : vector<1x16xf32> to vector<16xf32>
        %mul3A_395 = arith.mulf %get3A_390, %get3A_394 : vector<16xf32>
        %add3A_396 = arith.addf %add3A_386, %mul3A_395 : vector<16xf32>
        %get3A_397 = arith.index_cast %add3A_357 : i32 to index
        %get3A_398 = arith.constant 64 : index
        %get3A_399 = tpu.vector_load %arg10[%get3A_397, %get3A_398] {strides = array<i32>} : memref<80x128xf32, #tpu.memory_space<vmem>>, vector<1x16xf32>,
        %get3A_400 = vector.shape_cast %get3A_399 : vector<1x16xf32> to vector<16xf32>
        %get3A_401 = arith.index_cast %add3A_357 : i32 to index
        %get3A_402 = arith.constant 64 : index
        %get3A_403 = tpu.vector_load %arg11[%get3A_401, %get3A_402] {strides = array<i32>} : memref<80x128xf32, #tpu.memory_space<vmem>>, vector<1x16xf32>,
        %get3A_404 = vector.shape_cast %get3A_403 : vector<1x16xf32> to vector<16xf32>
        %mul3A_405 = arith.mulf %get3A_400, %get3A_404 : vector<16xf32>
        %add3A_406 = arith.addf %add3A_396, %mul3A_405 : vector<16xf32>
        %get3A_407 = arith.index_cast %add3A_357 : i32 to index
        %get3A_408 = arith.constant 80 : index
        %get3A_409 = tpu.vector_load %arg10[%get3A_407, %get3A_408] {strides = array<i32>} : memref<80x128xf32, #tpu.memory_space<vmem>>, vector<1x16xf32>,
        %get3A_410 = vector.shape_cast %get3A_409 : vector<1x16xf32> to vector<16xf32>
        %get3A_411 = arith.index_cast %add3A_357 : i32 to index
        %get3A_412 = arith.constant 80 : index
        %get3A_413 = tpu.vector_load %arg11[%get3A_411, %get3A_412] {strides = array<i32>} : memref<80x128xf32, #tpu.memory_space<vmem>>, vector<1x16xf32>,
        %get3A_414 = vector.shape_cast %get3A_413 : vector<1x16xf32> to vector<16xf32>
        %mul3A_415 = arith.mulf %get3A_410, %get3A_414 : vector<16xf32>
        %add3A_416 = arith.addf %add3A_406, %mul3A_415 : vector<16xf32>
        %get3A_417 = arith.index_cast %add3A_357 : i32 to index
        %get3A_418 = arith.constant 96 : index
        %get3A_419 = tpu.vector_load %arg10[%get3A_417, %get3A_418] {strides = array<i32>} : memref<80x128xf32, #tpu.memory_space<vmem>>, vector<1x16xf32>,
        %get3A_420 = vector.shape_cast %get3A_419 : vector<1x16xf32> to vector<16xf32>
        %get3A_421 = arith.index_cast %add3A_357 : i32 to index
        %get3A_422 = arith.constant 96 : index
        %get3A_423 = tpu.vector_load %arg11[%get3A_421, %get3A_422] {strides = array<i32>} : memref<80x128xf32, #tpu.memory_space<vmem>>, vector<1x16xf32>,
        %get3A_424 = vector.shape_cast %get3A_423 : vector<1x16xf32> to vector<16xf32>
        %mul3A_425 = arith.mulf %get3A_420, %get3A_424 : vector<16xf32>
        %add3A_426 = arith.addf %add3A_416, %mul3A_425 : vector<16xf32>
        %get3A_427 = arith.index_cast %add3A_357 : i32 to index
        %get3A_428 = arith.constant 112 : index
        %get3A_429 = tpu.vector_load %arg10[%get3A_427, %get3A_428] {strides = array<i32>} : memref<80x128xf32, #tpu.memory_space<vmem>>, vector<1x16xf32>,
        %get3A_430 = vector.shape_cast %get3A_429 : vector<1x16xf32> to vector<16xf32>
        %get3A_431 = arith.index_cast %add3A_357 : i32 to index
        %get3A_432 = arith.constant 112 : index
        %get3A_433 = tpu.vector_load %arg11[%get3A_431, %get3A_432] {strides = array<i32>} : memref<80x128xf32, #tpu.memory_space<vmem>>, vector<1x16xf32>,
        %get3A_434 = vector.shape_cast %get3A_433 : vector<1x16xf32> to vector<16xf32>
        %mul3A_435 = arith.mulf %get3A_430, %get3A_434 : vector<16xf32>
        %add3A_436 = arith.addf %add3A_426, %mul3A_435 : vector<16xf32>
        %mul3A_437 = arith.constant 16 : i32
        %mul3A_438 = arith.muli %scan3A_105, %mul3A_437 : i32
        %add3A_439 = arith.constant 4 : i32
        %add3A_440 = arith.addi %mul3A_438, %add3A_439 : i32
        %get3A_441 = arith.index_cast %add3A_440 : i32 to index
        %get3A_442 = arith.constant 0 : index
        %get3A_443 = tpu.vector_load %arg10[%get3A_441, %get3A_442] {strides = array<i32>} : memref<80x128xf32, #tpu.memory_space<vmem>>, vector<1x16xf32>,
        %get3A_444 = vector.shape_cast %get3A_443 : vector<1x16xf32> to vector<16xf32>
        %get3A_445 = arith.index_cast %add3A_440 : i32 to index
        %get3A_446 = arith.constant 0 : index
        %get3A_447 = tpu.vector_load %arg11[%get3A_445, %get3A_446] {strides = array<i32>} : memref<80x128xf32, #tpu.memory_space<vmem>>, vector<1x16xf32>,
        %get3A_448 = vector.shape_cast %get3A_447 : vector<1x16xf32> to vector<16xf32>
        %mul3A_449 = arith.mulf %get3A_444, %get3A_448 : vector<16xf32>
        %get3A_450 = arith.index_cast %add3A_440 : i32 to index
        %get3A_451 = arith.constant 16 : index
        %get3A_452 = tpu.vector_load %arg10[%get3A_450, %get3A_451] {strides = array<i32>} : memref<80x128xf32, #tpu.memory_space<vmem>>, vector<1x16xf32>,
        %get3A_453 = vector.shape_cast %get3A_452 : vector<1x16xf32> to vector<16xf32>
        %get3A_454 = arith.index_cast %add3A_440 : i32 to index
        %get3A_455 = arith.constant 16 : index
        %get3A_456 = tpu.vector_load %arg11[%get3A_454, %get3A_455] {strides = array<i32>} : memref<80x128xf32, #tpu.memory_space<vmem>>, vector<1x16xf32>,
        %get3A_457 = vector.shape_cast %get3A_456 : vector<1x16xf32> to vector<16xf32>
        %mul3A_458 = arith.mulf %get3A_453, %get3A_457 : vector<16xf32>
        %add3A_459 = arith.addf %mul3A_449, %mul3A_458 : vector<16xf32>
        %get3A_460 = arith.index_cast %add3A_440 : i32 to index
        %get3A_461 = arith.constant 32 : index
        %get3A_462 = tpu.vector_load %arg10[%get3A_460, %get3A_461] {strides = array<i32>} : memref<80x128xf32, #tpu.memory_space<vmem>>, vector<1x16xf32>,
        %get3A_463 = vector.shape_cast %get3A_462 : vector<1x16xf32> to vector<16xf32>
        %get3A_464 = arith.index_cast %add3A_440 : i32 to index
        %get3A_465 = arith.constant 32 : index
        %get3A_466 = tpu.vector_load %arg11[%get3A_464, %get3A_465] {strides = array<i32>} : memref<80x128xf32, #tpu.memory_space<vmem>>, vector<1x16xf32>,
        %get3A_467 = vector.shape_cast %get3A_466 : vector<1x16xf32> to vector<16xf32>
        %mul3A_468 = arith.mulf %get3A_463, %get3A_467 : vector<16xf32>
        %add3A_469 = arith.addf %add3A_459, %mul3A_468 : vector<16xf32>
        %get3A_470 = arith.index_cast %add3A_440 : i32 to index
        %get3A_471 = arith.constant 48 : index
        %get3A_472 = tpu.vector_load %arg10[%get3A_470, %get3A_471] {strides = array<i32>} : memref<80x128xf32, #tpu.memory_space<vmem>>, vector<1x16xf32>,
        %get3A_473 = vector.shape_cast %get3A_472 : vector<1x16xf32> to vector<16xf32>
        %get3A_474 = arith.index_cast %add3A_440 : i32 to index
        %get3A_475 = arith.constant 48 : index
        %get3A_476 = tpu.vector_load %arg11[%get3A_474, %get3A_475] {strides = array<i32>} : memref<80x128xf32, #tpu.memory_space<vmem>>, vector<1x16xf32>,
        %get3A_477 = vector.shape_cast %get3A_476 : vector<1x16xf32> to vector<16xf32>
        %mul3A_478 = arith.mulf %get3A_473, %get3A_477 : vector<16xf32>
        %add3A_479 = arith.addf %add3A_469, %mul3A_478 : vector<16xf32>
        %get3A_480 = arith.index_cast %add3A_440 : i32 to index
        %get3A_481 = arith.constant 64 : index
        %get3A_482 = tpu.vector_load %arg10[%get3A_480, %get3A_481] {strides = array<i32>} : memref<80x128xf32, #tpu.memory_space<vmem>>, vector<1x16xf32>,
        %get3A_483 = vector.shape_cast %get3A_482 : vector<1x16xf32> to vector<16xf32>
        %get3A_484 = arith.index_cast %add3A_440 : i32 to index
        %get3A_485 = arith.constant 64 : index
        %get3A_486 = tpu.vector_load %arg11[%get3A_484, %get3A_485] {strides = array<i32>} : memref<80x128xf32, #tpu.memory_space<vmem>>, vector<1x16xf32>,
        %get3A_487 = vector.shape_cast %get3A_486 : vector<1x16xf32> to vector<16xf32>
        %mul3A_488 = arith.mulf %get3A_483, %get3A_487 : vector<16xf32>
        %add3A_489 = arith.addf %add3A_479, %mul3A_488 : vector<16xf32>
        %get3A_490 = arith.index_cast %add3A_440 : i32 to index
        %get3A_491 = arith.constant 80 : index
        %get3A_492 = tpu.vector_load %arg10[%get3A_490, %get3A_491] {strides = array<i32>} : memref<80x128xf32, #tpu.memory_space<vmem>>, vector<1x16xf32>,
        %get3A_493 = vector.shape_cast %get3A_492 : vector<1x16xf32> to vector<16xf32>
        %get3A_494 = arith.index_cast %add3A_440 : i32 to index
        %get3A_495 = arith.constant 80 : index
        %get3A_496 = tpu.vector_load %arg11[%get3A_494, %get3A_495] {strides = array<i32>} : memref<80x128xf32, #tpu.memory_space<vmem>>, vector<1x16xf32>,
        %get3A_497 = vector.shape_cast %get3A_496 : vector<1x16xf32> to vector<16xf32>
        %mul3A_498 = arith.mulf %get3A_493, %get3A_497 : vector<16xf32>
        %add3A_499 = arith.addf %add3A_489, %mul3A_498 : vector<16xf32>
        %get3A_500 = arith.index_cast %add3A_440 : i32 to index
        %get3A_501 = arith.constant 96 : index
        %get3A_502 = tpu.vector_load %arg10[%get3A_500, %get3A_501] {strides = array<i32>} : memref<80x128xf32, #tpu.memory_space<vmem>>, vector<1x16xf32>,
        %get3A_503 = vector.shape_cast %get3A_502 : vector<1x16xf32> to vector<16xf32>
        %get3A_504 = arith.index_cast %add3A_440 : i32 to index
        %get3A_505 = arith.constant 96 : index
        %get3A_506 = tpu.vector_load %arg11[%get3A_504, %get3A_505] {strides = array<i32>} : memref<80x128xf32, #tpu.memory_space<vmem>>, vector<1x16xf32>,
        %get3A_507 = vector.shape_cast %get3A_506 : vector<1x16xf32> to vector<16xf32>
        %mul3A_508 = arith.mulf %get3A_503, %get3A_507 : vector<16xf32>
        %add3A_509 = arith.addf %add3A_499, %mul3A_508 : vector<16xf32>
        %get3A_510 = arith.index_cast %add3A_440 : i32 to index
        %get3A_511 = arith.constant 112 : index
        %get3A_512 = tpu.vector_load %arg10[%get3A_510, %get3A_511] {strides = array<i32>} : memref<80x128xf32, #tpu.memory_space<vmem>>, vector<1x16xf32>,
        %get3A_513 = vector.shape_cast %get3A_512 : vector<1x16xf32> to vector<16xf32>
        %get3A_514 = arith.index_cast %add3A_440 : i32 to index
        %get3A_515 = arith.constant 112 : index
        %get3A_516 = tpu.vector_load %arg11[%get3A_514, %get3A_515] {strides = array<i32>} : memref<80x128xf32, #tpu.memory_space<vmem>>, vector<1x16xf32>,
        %get3A_517 = vector.shape_cast %get3A_516 : vector<1x16xf32> to vector<16xf32>
        %mul3A_518 = arith.mulf %get3A_513, %get3A_517 : vector<16xf32>
        %add3A_519 = arith.addf %add3A_509, %mul3A_518 : vector<16xf32>
        %mul3A_520 = arith.constant 16 : i32
        %mul3A_521 = arith.muli %scan3A_105, %mul3A_520 : i32
        %add3A_522 = arith.constant 5 : i32
        %add3A_523 = arith.addi %mul3A_521, %add3A_522 : i32
        %get3A_524 = arith.index_cast %add3A_523 : i32 to index
        %get3A_525 = arith.constant 0 : index
        %get3A_526 = tpu.vector_load %arg10[%get3A_524, %get3A_525] {strides = array<i32>} : memref<80x128xf32, #tpu.memory_space<vmem>>, vector<1x16xf32>,
        %get3A_527 = vector.shape_cast %get3A_526 : vector<1x16xf32> to vector<16xf32>
        %get3A_528 = arith.index_cast %add3A_523 : i32 to index
        %get3A_529 = arith.constant 0 : index
        %get3A_530 = tpu.vector_load %arg11[%get3A_528, %get3A_529] {strides = array<i32>} : memref<80x128xf32, #tpu.memory_space<vmem>>, vector<1x16xf32>,
        %get3A_531 = vector.shape_cast %get3A_530 : vector<1x16xf32> to vector<16xf32>
        %mul3A_532 = arith.mulf %get3A_527, %get3A_531 : vector<16xf32>
        %get3A_533 = arith.index_cast %add3A_523 : i32 to index
        %get3A_534 = arith.constant 16 : index
        %get3A_535 = tpu.vector_load %arg10[%get3A_533, %get3A_534] {strides = array<i32>} : memref<80x128xf32, #tpu.memory_space<vmem>>, vector<1x16xf32>,
        %get3A_536 = vector.shape_cast %get3A_535 : vector<1x16xf32> to vector<16xf32>
        %get3A_537 = arith.index_cast %add3A_523 : i32 to index
        %get3A_538 = arith.constant 16 : index
        %get3A_539 = tpu.vector_load %arg11[%get3A_537, %get3A_538] {strides = array<i32>} : memref<80x128xf32, #tpu.memory_space<vmem>>, vector<1x16xf32>,
        %get3A_540 = vector.shape_cast %get3A_539 : vector<1x16xf32> to vector<16xf32>
        %mul3A_541 = arith.mulf %get3A_536, %get3A_540 : vector<16xf32>
        %add3A_542 = arith.addf %mul3A_532, %mul3A_541 : vector<16xf32>
        %get3A_543 = arith.index_cast %add3A_523 : i32 to index
        %get3A_544 = arith.constant 32 : index
        %get3A_545 = tpu.vector_load %arg10[%get3A_543, %get3A_544] {strides = array<i32>} : memref<80x128xf32, #tpu.memory_space<vmem>>, vector<1x16xf32>,
        %get3A_546 = vector.shape_cast %get3A_545 : vector<1x16xf32> to vector<16xf32>
        %get3A_547 = arith.index_cast %add3A_523 : i32 to index
        %get3A_548 = arith.constant 32 : index
        %get3A_549 = tpu.vector_load %arg11[%get3A_547, %get3A_548] {strides = array<i32>} : memref<80x128xf32, #tpu.memory_space<vmem>>, vector<1x16xf32>,
        %get3A_550 = vector.shape_cast %get3A_549 : vector<1x16xf32> to vector<16xf32>
        %mul3A_551 = arith.mulf %get3A_546, %get3A_550 : vector<16xf32>
        %add3A_552 = arith.addf %add3A_542, %mul3A_551 : vector<16xf32>
        %get3A_553 = arith.index_cast %add3A_523 : i32 to index
        %get3A_554 = arith.constant 48 : index
        %get3A_555 = tpu.vector_load %arg10[%get3A_553, %get3A_554] {strides = array<i32>} : memref<80x128xf32, #tpu.memory_space<vmem>>, vector<1x16xf32>,
        %get3A_556 = vector.shape_cast %get3A_555 : vector<1x16xf32> to vector<16xf32>
        %get3A_557 = arith.index_cast %add3A_523 : i32 to index
        %get3A_558 = arith.constant 48 : index
        %get3A_559 = tpu.vector_load %arg11[%get3A_557, %get3A_558] {strides = array<i32>} : memref<80x128xf32, #tpu.memory_space<vmem>>, vector<1x16xf32>,
        %get3A_560 = vector.shape_cast %get3A_559 : vector<1x16xf32> to vector<16xf32>
        %mul3A_561 = arith.mulf %get3A_556, %get3A_560 : vector<16xf32>
        %add3A_562 = arith.addf %add3A_552, %mul3A_561 : vector<16xf32>
        %get3A_563 = arith.index_cast %add3A_523 : i32 to index
        %get3A_564 = arith.constant 64 : index
        %get3A_565 = tpu.vector_load %arg10[%get3A_563, %get3A_564] {strides = array<i32>} : memref<80x128xf32, #tpu.memory_space<vmem>>, vector<1x16xf32>,
        %get3A_566 = vector.shape_cast %get3A_565 : vector<1x16xf32> to vector<16xf32>
        %get3A_567 = arith.index_cast %add3A_523 : i32 to index
        %get3A_568 = arith.constant 64 : index
        %get3A_569 = tpu.vector_load %arg11[%get3A_567, %get3A_568] {strides = array<i32>} : memref<80x128xf32, #tpu.memory_space<vmem>>, vector<1x16xf32>,
        %get3A_570 = vector.shape_cast %get3A_569 : vector<1x16xf32> to vector<16xf32>
        %mul3A_571 = arith.mulf %get3A_566, %get3A_570 : vector<16xf32>
        %add3A_572 = arith.addf %add3A_562, %mul3A_571 : vector<16xf32>
        %get3A_573 = arith.index_cast %add3A_523 : i32 to index
        %get3A_574 = arith.constant 80 : index
        %get3A_575 = tpu.vector_load %arg10[%get3A_573, %get3A_574] {strides = array<i32>} : memref<80x128xf32, #tpu.memory_space<vmem>>, vector<1x16xf32>,
        %get3A_576 = vector.shape_cast %get3A_575 : vector<1x16xf32> to vector<16xf32>
        %get3A_577 = arith.index_cast %add3A_523 : i32 to index
        %get3A_578 = arith.constant 80 : index
        %get3A_579 = tpu.vector_load %arg11[%get3A_577, %get3A_578] {strides = array<i32>} : memref<80x128xf32, #tpu.memory_space<vmem>>, vector<1x16xf32>,
        %get3A_580 = vector.shape_cast %get3A_579 : vector<1x16xf32> to vector<16xf32>
        %mul3A_581 = arith.mulf %get3A_576, %get3A_580 : vector<16xf32>
        %add3A_582 = arith.addf %add3A_572, %mul3A_581 : vector<16xf32>
        %get3A_583 = arith.index_cast %add3A_523 : i32 to index
        %get3A_584 = arith.constant 96 : index
        %get3A_585 = tpu.vector_load %arg10[%get3A_583, %get3A_584] {strides = array<i32>} : memref<80x128xf32, #tpu.memory_space<vmem>>, vector<1x16xf32>,
        %get3A_586 = vector.shape_cast %get3A_585 : vector<1x16xf32> to vector<16xf32>
        %get3A_587 = arith.index_cast %add3A_523 : i32 to index
        %get3A_588 = arith.constant 96 : index
        %get3A_589 = tpu.vector_load %arg11[%get3A_587, %get3A_588] {strides = array<i32>} : memref<80x128xf32, #tpu.memory_space<vmem>>, vector<1x16xf32>,
        %get3A_590 = vector.shape_cast %get3A_589 : vector<1x16xf32> to vector<16xf32>
        %mul3A_591 = arith.mulf %get3A_586, %get3A_590 : vector<16xf32>
        %add3A_592 = arith.addf %add3A_582, %mul3A_591 : vector<16xf32>
        %get3A_593 = arith.index_cast %add3A_523 : i32 to index
        %get3A_594 = arith.constant 112 : index
        %get3A_595 = tpu.vector_load %arg10[%get3A_593, %get3A_594] {strides = array<i32>} : memref<80x128xf32, #tpu.memory_space<vmem>>, vector<1x16xf32>,
        %get3A_596 = vector.shape_cast %get3A_595 : vector<1x16xf32> to vector<16xf32>
        %get3A_597 = arith.index_cast %add3A_523 : i32 to index
        %get3A_598 = arith.constant 112 : index
        %get3A_599 = tpu.vector_load %arg11[%get3A_597, %get3A_598] {strides = array<i32>} : memref<80x128xf32, #tpu.memory_space<vmem>>, vector<1x16xf32>,
        %get3A_600 = vector.shape_cast %get3A_599 : vector<1x16xf32> to vector<16xf32>
        %mul3A_601 = arith.mulf %get3A_596, %get3A_600 : vector<16xf32>
        %add3A_602 = arith.addf %add3A_592, %mul3A_601 : vector<16xf32>
        %mul3A_603 = arith.constant 16 : i32
        %mul3A_604 = arith.muli %scan3A_105, %mul3A_603 : i32
        %add3A_605 = arith.constant 6 : i32
        %add3A_606 = arith.addi %mul3A_604, %add3A_605 : i32
        %get3A_607 = arith.index_cast %add3A_606 : i32 to index
        %get3A_608 = arith.constant 0 : index
        %get3A_609 = tpu.vector_load %arg10[%get3A_607, %get3A_608] {strides = array<i32>} : memref<80x128xf32, #tpu.memory_space<vmem>>, vector<1x16xf32>,
        %get3A_610 = vector.shape_cast %get3A_609 : vector<1x16xf32> to vector<16xf32>
        %get3A_611 = arith.index_cast %add3A_606 : i32 to index
        %get3A_612 = arith.constant 0 : index
        %get3A_613 = tpu.vector_load %arg11[%get3A_611, %get3A_612] {strides = array<i32>} : memref<80x128xf32, #tpu.memory_space<vmem>>, vector<1x16xf32>,
        %get3A_614 = vector.shape_cast %get3A_613 : vector<1x16xf32> to vector<16xf32>
        %mul3A_615 = arith.mulf %get3A_610, %get3A_614 : vector<16xf32>
        %get3A_616 = arith.index_cast %add3A_606 : i32 to index
        %get3A_617 = arith.constant 16 : index
        %get3A_618 = tpu.vector_load %arg10[%get3A_616, %get3A_617] {strides = array<i32>} : memref<80x128xf32, #tpu.memory_space<vmem>>, vector<1x16xf32>,
        %get3A_619 = vector.shape_cast %get3A_618 : vector<1x16xf32> to vector<16xf32>
        %get3A_620 = arith.index_cast %add3A_606 : i32 to index
        %get3A_621 = arith.constant 16 : index
        %get3A_622 = tpu.vector_load %arg11[%get3A_620, %get3A_621] {strides = array<i32>} : memref<80x128xf32, #tpu.memory_space<vmem>>, vector<1x16xf32>,
        %get3A_623 = vector.shape_cast %get3A_622 : vector<1x16xf32> to vector<16xf32>
        %mul3A_624 = arith.mulf %get3A_619, %get3A_623 : vector<16xf32>
        %add3A_625 = arith.addf %mul3A_615, %mul3A_624 : vector<16xf32>
        %get3A_626 = arith.index_cast %add3A_606 : i32 to index
        %get3A_627 = arith.constant 32 : index
        %get3A_628 = tpu.vector_load %arg10[%get3A_626, %get3A_627] {strides = array<i32>} : memref<80x128xf32, #tpu.memory_space<vmem>>, vector<1x16xf32>,
        %get3A_629 = vector.shape_cast %get3A_628 : vector<1x16xf32> to vector<16xf32>
        %get3A_630 = arith.index_cast %add3A_606 : i32 to index
        %get3A_631 = arith.constant 32 : index
        %get3A_632 = tpu.vector_load %arg11[%get3A_630, %get3A_631] {strides = array<i32>} : memref<80x128xf32, #tpu.memory_space<vmem>>, vector<1x16xf32>,
        %get3A_633 = vector.shape_cast %get3A_632 : vector<1x16xf32> to vector<16xf32>
        %mul3A_634 = arith.mulf %get3A_629, %get3A_633 : vector<16xf32>
        %add3A_635 = arith.addf %add3A_625, %mul3A_634 : vector<16xf32>
        %get3A_636 = arith.index_cast %add3A_606 : i32 to index
        %get3A_637 = arith.constant 48 : index
        %get3A_638 = tpu.vector_load %arg10[%get3A_636, %get3A_637] {strides = array<i32>} : memref<80x128xf32, #tpu.memory_space<vmem>>, vector<1x16xf32>,
        %get3A_639 = vector.shape_cast %get3A_638 : vector<1x16xf32> to vector<16xf32>
        %get3A_640 = arith.index_cast %add3A_606 : i32 to index
        %get3A_641 = arith.constant 48 : index
        %get3A_642 = tpu.vector_load %arg11[%get3A_640, %get3A_641] {strides = array<i32>} : memref<80x128xf32, #tpu.memory_space<vmem>>, vector<1x16xf32>,
        %get3A_643 = vector.shape_cast %get3A_642 : vector<1x16xf32> to vector<16xf32>
        %mul3A_644 = arith.mulf %get3A_639, %get3A_643 : vector<16xf32>
        %add3A_645 = arith.addf %add3A_635, %mul3A_644 : vector<16xf32>
        %get3A_646 = arith.index_cast %add3A_606 : i32 to index
        %get3A_647 = arith.constant 64 : index
        %get3A_648 = tpu.vector_load %arg10[%get3A_646, %get3A_647] {strides = array<i32>} : memref<80x128xf32, #tpu.memory_space<vmem>>, vector<1x16xf32>,
        %get3A_649 = vector.shape_cast %get3A_648 : vector<1x16xf32> to vector<16xf32>
        %get3A_650 = arith.index_cast %add3A_606 : i32 to index
        %get3A_651 = arith.constant 64 : index
        %get3A_652 = tpu.vector_load %arg11[%get3A_650, %get3A_651] {strides = array<i32>} : memref<80x128xf32, #tpu.memory_space<vmem>>, vector<1x16xf32>,
        %get3A_653 = vector.shape_cast %get3A_652 : vector<1x16xf32> to vector<16xf32>
        %mul3A_654 = arith.mulf %get3A_649, %get3A_653 : vector<16xf32>
        %add3A_655 = arith.addf %add3A_645, %mul3A_654 : vector<16xf32>
        %get3A_656 = arith.index_cast %add3A_606 : i32 to index
        %get3A_657 = arith.constant 80 : index
        %get3A_658 = tpu.vector_load %arg10[%get3A_656, %get3A_657] {strides = array<i32>} : memref<80x128xf32, #tpu.memory_space<vmem>>, vector<1x16xf32>,
        %get3A_659 = vector.shape_cast %get3A_658 : vector<1x16xf32> to vector<16xf32>
        %get3A_660 = arith.index_cast %add3A_606 : i32 to index
        %get3A_661 = arith.constant 80 : index
        %get3A_662 = tpu.vector_load %arg11[%get3A_660, %get3A_661] {strides = array<i32>} : memref<80x128xf32, #tpu.memory_space<vmem>>, vector<1x16xf32>,
        %get3A_663 = vector.shape_cast %get3A_662 : vector<1x16xf32> to vector<16xf32>
        %mul3A_664 = arith.mulf %get3A_659, %get3A_663 : vector<16xf32>
        %add3A_665 = arith.addf %add3A_655, %mul3A_664 : vector<16xf32>
        %get3A_666 = arith.index_cast %add3A_606 : i32 to index
        %get3A_667 = arith.constant 96 : index
        %get3A_668 = tpu.vector_load %arg10[%get3A_666, %get3A_667] {strides = array<i32>} : memref<80x128xf32, #tpu.memory_space<vmem>>, vector<1x16xf32>,
        %get3A_669 = vector.shape_cast %get3A_668 : vector<1x16xf32> to vector<16xf32>
        %get3A_670 = arith.index_cast %add3A_606 : i32 to index
        %get3A_671 = arith.constant 96 : index
        %get3A_672 = tpu.vector_load %arg11[%get3A_670, %get3A_671] {strides = array<i32>} : memref<80x128xf32, #tpu.memory_space<vmem>>, vector<1x16xf32>,
        %get3A_673 = vector.shape_cast %get3A_672 : vector<1x16xf32> to vector<16xf32>
        %mul3A_674 = arith.mulf %get3A_669, %get3A_673 : vector<16xf32>
        %add3A_675 = arith.addf %add3A_665, %mul3A_674 : vector<16xf32>
        %get3A_676 = arith.index_cast %add3A_606 : i32 to index
        %get3A_677 = arith.constant 112 : index
        %get3A_678 = tpu.vector_load %arg10[%get3A_676, %get3A_677] {strides = array<i32>} : memref<80x128xf32, #tpu.memory_space<vmem>>, vector<1x16xf32>,
        %get3A_679 = vector.shape_cast %get3A_678 : vector<1x16xf32> to vector<16xf32>
        %get3A_680 = arith.index_cast %add3A_606 : i32 to index
        %get3A_681 = arith.constant 112 : index
        %get3A_682 = tpu.vector_load %arg11[%get3A_680, %get3A_681] {strides = array<i32>} : memref<80x128xf32, #tpu.memory_space<vmem>>, vector<1x16xf32>,
        %get3A_683 = vector.shape_cast %get3A_682 : vector<1x16xf32> to vector<16xf32>
        %mul3A_684 = arith.mulf %get3A_679, %get3A_683 : vector<16xf32>
        %add3A_685 = arith.addf %add3A_675, %mul3A_684 : vector<16xf32>
        %mul3A_686 = arith.constant 16 : i32
        %mul3A_687 = arith.muli %scan3A_105, %mul3A_686 : i32
        %add3A_688 = arith.constant 7 : i32
        %add3A_689 = arith.addi %mul3A_687, %add3A_688 : i32
        %get3A_690 = arith.index_cast %add3A_689 : i32 to index
        %get3A_691 = arith.constant 0 : index
        %get3A_692 = tpu.vector_load %arg10[%get3A_690, %get3A_691] {strides = array<i32>} : memref<80x128xf32, #tpu.memory_space<vmem>>, vector<1x16xf32>,
        %get3A_693 = vector.shape_cast %get3A_692 : vector<1x16xf32> to vector<16xf32>
        %get3A_694 = arith.index_cast %add3A_689 : i32 to index
        %get3A_695 = arith.constant 0 : index
        %get3A_696 = tpu.vector_load %arg11[%get3A_694, %get3A_695] {strides = array<i32>} : memref<80x128xf32, #tpu.memory_space<vmem>>, vector<1x16xf32>,
        %get3A_697 = vector.shape_cast %get3A_696 : vector<1x16xf32> to vector<16xf32>
        %mul3A_698 = arith.mulf %get3A_693, %get3A_697 : vector<16xf32>
        %get3A_699 = arith.index_cast %add3A_689 : i32 to index
        %get3A_700 = arith.constant 16 : index
        %get3A_701 = tpu.vector_load %arg10[%get3A_699, %get3A_700] {strides = array<i32>} : memref<80x128xf32, #tpu.memory_space<vmem>>, vector<1x16xf32>,
        %get3A_702 = vector.shape_cast %get3A_701 : vector<1x16xf32> to vector<16xf32>
        %get3A_703 = arith.index_cast %add3A_689 : i32 to index
        %get3A_704 = arith.constant 16 : index
        %get3A_705 = tpu.vector_load %arg11[%get3A_703, %get3A_704] {strides = array<i32>} : memref<80x128xf32, #tpu.memory_space<vmem>>, vector<1x16xf32>,
        %get3A_706 = vector.shape_cast %get3A_705 : vector<1x16xf32> to vector<16xf32>
        %mul3A_707 = arith.mulf %get3A_702, %get3A_706 : vector<16xf32>
        %add3A_708 = arith.addf %mul3A_698, %mul3A_707 : vector<16xf32>
        %get3A_709 = arith.index_cast %add3A_689 : i32 to index
        %get3A_710 = arith.constant 32 : index
        %get3A_711 = tpu.vector_load %arg10[%get3A_709, %get3A_710] {strides = array<i32>} : memref<80x128xf32, #tpu.memory_space<vmem>>, vector<1x16xf32>,
        %get3A_712 = vector.shape_cast %get3A_711 : vector<1x16xf32> to vector<16xf32>
        %get3A_713 = arith.index_cast %add3A_689 : i32 to index
        %get3A_714 = arith.constant 32 : index
        %get3A_715 = tpu.vector_load %arg11[%get3A_713, %get3A_714] {strides = array<i32>} : memref<80x128xf32, #tpu.memory_space<vmem>>, vector<1x16xf32>,
        %get3A_716 = vector.shape_cast %get3A_715 : vector<1x16xf32> to vector<16xf32>
        %mul3A_717 = arith.mulf %get3A_712, %get3A_716 : vector<16xf32>
        %add3A_718 = arith.addf %add3A_708, %mul3A_717 : vector<16xf32>
        %get3A_719 = arith.index_cast %add3A_689 : i32 to index
        %get3A_720 = arith.constant 48 : index
        %get3A_721 = tpu.vector_load %arg10[%get3A_719, %get3A_720] {strides = array<i32>} : memref<80x128xf32, #tpu.memory_space<vmem>>, vector<1x16xf32>,
        %get3A_722 = vector.shape_cast %get3A_721 : vector<1x16xf32> to vector<16xf32>
        %get3A_723 = arith.index_cast %add3A_689 : i32 to index
        %get3A_724 = arith.constant 48 : index
        %get3A_725 = tpu.vector_load %arg11[%get3A_723, %get3A_724] {strides = array<i32>} : memref<80x128xf32, #tpu.memory_space<vmem>>, vector<1x16xf32>,
        %get3A_726 = vector.shape_cast %get3A_725 : vector<1x16xf32> to vector<16xf32>
        %mul3A_727 = arith.mulf %get3A_722, %get3A_726 : vector<16xf32>
        %add3A_728 = arith.addf %add3A_718, %mul3A_727 : vector<16xf32>
        %get3A_729 = arith.index_cast %add3A_689 : i32 to index
        %get3A_730 = arith.constant 64 : index
        %get3A_731 = tpu.vector_load %arg10[%get3A_729, %get3A_730] {strides = array<i32>} : memref<80x128xf32, #tpu.memory_space<vmem>>, vector<1x16xf32>,
        %get3A_732 = vector.shape_cast %get3A_731 : vector<1x16xf32> to vector<16xf32>
        %get3A_733 = arith.index_cast %add3A_689 : i32 to index
        %get3A_734 = arith.constant 64 : index
        %get3A_735 = tpu.vector_load %arg11[%get3A_733, %get3A_734] {strides = array<i32>} : memref<80x128xf32, #tpu.memory_space<vmem>>, vector<1x16xf32>,
        %get3A_736 = vector.shape_cast %get3A_735 : vector<1x16xf32> to vector<16xf32>
        %mul3A_737 = arith.mulf %get3A_732, %get3A_736 : vector<16xf32>
        %add3A_738 = arith.addf %add3A_728, %mul3A_737 : vector<16xf32>
        %get3A_739 = arith.index_cast %add3A_689 : i32 to index
        %get3A_740 = arith.constant 80 : index
        %get3A_741 = tpu.vector_load %arg10[%get3A_739, %get3A_740] {strides = array<i32>} : memref<80x128xf32, #tpu.memory_space<vmem>>, vector<1x16xf32>,
        %get3A_742 = vector.shape_cast %get3A_741 : vector<1x16xf32> to vector<16xf32>
        %get3A_743 = arith.index_cast %add3A_689 : i32 to index
        %get3A_744 = arith.constant 80 : index
        %get3A_745 = tpu.vector_load %arg11[%get3A_743, %get3A_744] {strides = array<i32>} : memref<80x128xf32, #tpu.memory_space<vmem>>, vector<1x16xf32>,
        %get3A_746 = vector.shape_cast %get3A_745 : vector<1x16xf32> to vector<16xf32>
        %mul3A_747 = arith.mulf %get3A_742, %get3A_746 : vector<16xf32>
        %add3A_748 = arith.addf %add3A_738, %mul3A_747 : vector<16xf32>
        %get3A_749 = arith.index_cast %add3A_689 : i32 to index
        %get3A_750 = arith.constant 96 : index
        %get3A_751 = tpu.vector_load %arg10[%get3A_749, %get3A_750] {strides = array<i32>} : memref<80x128xf32, #tpu.memory_space<vmem>>, vector<1x16xf32>,
        %get3A_752 = vector.shape_cast %get3A_751 : vector<1x16xf32> to vector<16xf32>
        %get3A_753 = arith.index_cast %add3A_689 : i32 to index
        %get3A_754 = arith.constant 96 : index
        %get3A_755 = tpu.vector_load %arg11[%get3A_753, %get3A_754] {strides = array<i32>} : memref<80x128xf32, #tpu.memory_space<vmem>>, vector<1x16xf32>,
        %get3A_756 = vector.shape_cast %get3A_755 : vector<1x16xf32> to vector<16xf32>
        %mul3A_757 = arith.mulf %get3A_752, %get3A_756 : vector<16xf32>
        %add3A_758 = arith.addf %add3A_748, %mul3A_757 : vector<16xf32>
        %get3A_759 = arith.index_cast %add3A_689 : i32 to index
        %get3A_760 = arith.constant 112 : index
        %get3A_761 = tpu.vector_load %arg10[%get3A_759, %get3A_760] {strides = array<i32>} : memref<80x128xf32, #tpu.memory_space<vmem>>, vector<1x16xf32>,
        %get3A_762 = vector.shape_cast %get3A_761 : vector<1x16xf32> to vector<16xf32>
        %get3A_763 = arith.index_cast %add3A_689 : i32 to index
        %get3A_764 = arith.constant 112 : index
        %get3A_765 = tpu.vector_load %arg11[%get3A_763, %get3A_764] {strides = array<i32>} : memref<80x128xf32, #tpu.memory_space<vmem>>, vector<1x16xf32>,
        %get3A_766 = vector.shape_cast %get3A_765 : vector<1x16xf32> to vector<16xf32>
        %mul3A_767 = arith.mulf %get3A_762, %get3A_766 : vector<16xf32>
        %add3A_768 = arith.addf %add3A_758, %mul3A_767 : vector<16xf32>
        %mul3A_769 = arith.constant 16 : i32
        %mul3A_770 = arith.muli %scan3A_105, %mul3A_769 : i32
        %add3A_771 = arith.constant 8 : i32
        %add3A_772 = arith.addi %mul3A_770, %add3A_771 : i32
        %get3A_773 = arith.index_cast %add3A_772 : i32 to index
        %get3A_774 = arith.constant 0 : index
        %get3A_775 = tpu.vector_load %arg10[%get3A_773, %get3A_774] {strides = array<i32>} : memref<80x128xf32, #tpu.memory_space<vmem>>, vector<1x16xf32>,
        %get3A_776 = vector.shape_cast %get3A_775 : vector<1x16xf32> to vector<16xf32>
        %get3A_777 = arith.index_cast %add3A_772 : i32 to index
        %get3A_778 = arith.constant 0 : index
        %get3A_779 = tpu.vector_load %arg11[%get3A_777, %get3A_778] {strides = array<i32>} : memref<80x128xf32, #tpu.memory_space<vmem>>, vector<1x16xf32>,
        %get3A_780 = vector.shape_cast %get3A_779 : vector<1x16xf32> to vector<16xf32>
        %mul3A_781 = arith.mulf %get3A_776, %get3A_780 : vector<16xf32>
        %get3A_782 = arith.index_cast %add3A_772 : i32 to index
        %get3A_783 = arith.constant 16 : index
        %get3A_784 = tpu.vector_load %arg10[%get3A_782, %get3A_783] {strides = array<i32>} : memref<80x128xf32, #tpu.memory_space<vmem>>, vector<1x16xf32>,
        %get3A_785 = vector.shape_cast %get3A_784 : vector<1x16xf32> to vector<16xf32>
        %get3A_786 = arith.index_cast %add3A_772 : i32 to index
        %get3A_787 = arith.constant 16 : index
        %get3A_788 = tpu.vector_load %arg11[%get3A_786, %get3A_787] {strides = array<i32>} : memref<80x128xf32, #tpu.memory_space<vmem>>, vector<1x16xf32>,
        %get3A_789 = vector.shape_cast %get3A_788 : vector<1x16xf32> to vector<16xf32>
        %mul3A_790 = arith.mulf %get3A_785, %get3A_789 : vector<16xf32>
        %add3A_791 = arith.addf %mul3A_781, %mul3A_790 : vector<16xf32>
        %get3A_792 = arith.index_cast %add3A_772 : i32 to index
        %get3A_793 = arith.constant 32 : index
        %get3A_794 = tpu.vector_load %arg10[%get3A_792, %get3A_793] {strides = array<i32>} : memref<80x128xf32, #tpu.memory_space<vmem>>, vector<1x16xf32>,
        %get3A_795 = vector.shape_cast %get3A_794 : vector<1x16xf32> to vector<16xf32>
        %get3A_796 = arith.index_cast %add3A_772 : i32 to index
        %get3A_797 = arith.constant 32 : index
        %get3A_798 = tpu.vector_load %arg11[%get3A_796, %get3A_797] {strides = array<i32>} : memref<80x128xf32, #tpu.memory_space<vmem>>, vector<1x16xf32>,
        %get3A_799 = vector.shape_cast %get3A_798 : vector<1x16xf32> to vector<16xf32>
        %mul3A_800 = arith.mulf %get3A_795, %get3A_799 : vector<16xf32>
        %add3A_801 = arith.addf %add3A_791, %mul3A_800 : vector<16xf32>
        %get3A_802 = arith.index_cast %add3A_772 : i32 to index
        %get3A_803 = arith.constant 48 : index
        %get3A_804 = tpu.vector_load %arg10[%get3A_802, %get3A_803] {strides = array<i32>} : memref<80x128xf32, #tpu.memory_space<vmem>>, vector<1x16xf32>,
        %get3A_805 = vector.shape_cast %get3A_804 : vector<1x16xf32> to vector<16xf32>
        %get3A_806 = arith.index_cast %add3A_772 : i32 to index
        %get3A_807 = arith.constant 48 : index
        %get3A_808 = tpu.vector_load %arg11[%get3A_806, %get3A_807] {strides = array<i32>} : memref<80x128xf32, #tpu.memory_space<vmem>>, vector<1x16xf32>,
        %get3A_809 = vector.shape_cast %get3A_808 : vector<1x16xf32> to vector<16xf32>
        %mul3A_810 = arith.mulf %get3A_805, %get3A_809 : vector<16xf32>
        %add3A_811 = arith.addf %add3A_801, %mul3A_810 : vector<16xf32>
        %get3A_812 = arith.index_cast %add3A_772 : i32 to index
        %get3A_813 = arith.constant 64 : index
        %get3A_814 = tpu.vector_load %arg10[%get3A_812, %get3A_813] {strides = array<i32>} : memref<80x128xf32, #tpu.memory_space<vmem>>, vector<1x16xf32>,
        %get3A_815 = vector.shape_cast %get3A_814 : vector<1x16xf32> to vector<16xf32>
        %get3A_816 = arith.index_cast %add3A_772 : i32 to index
        %get3A_817 = arith.constant 64 : index
        %get3A_818 = tpu.vector_load %arg11[%get3A_816, %get3A_817] {strides = array<i32>} : memref<80x128xf32, #tpu.memory_space<vmem>>, vector<1x16xf32>,
        %get3A_819 = vector.shape_cast %get3A_818 : vector<1x16xf32> to vector<16xf32>
        %mul3A_820 = arith.mulf %get3A_815, %get3A_819 : vector<16xf32>
        %add3A_821 = arith.addf %add3A_811, %mul3A_820 : vector<16xf32>
        %get3A_822 = arith.index_cast %add3A_772 : i32 to index
        %get3A_823 = arith.constant 80 : index
        %get3A_824 = tpu.vector_load %arg10[%get3A_822, %get3A_823] {strides = array<i32>} : memref<80x128xf32, #tpu.memory_space<vmem>>, vector<1x16xf32>,
        %get3A_825 = vector.shape_cast %get3A_824 : vector<1x16xf32> to vector<16xf32>
        %get3A_826 = arith.index_cast %add3A_772 : i32 to index
        %get3A_827 = arith.constant 80 : index
        %get3A_828 = tpu.vector_load %arg11[%get3A_826, %get3A_827] {strides = array<i32>} : memref<80x128xf32, #tpu.memory_space<vmem>>, vector<1x16xf32>,
        %get3A_829 = vector.shape_cast %get3A_828 : vector<1x16xf32> to vector<16xf32>
        %mul3A_830 = arith.mulf %get3A_825, %get3A_829 : vector<16xf32>
        %add3A_831 = arith.addf %add3A_821, %mul3A_830 : vector<16xf32>
        %get3A_832 = arith.index_cast %add3A_772 : i32 to index
        %get3A_833 = arith.constant 96 : index
        %get3A_834 = tpu.vector_load %arg10[%get3A_832, %get3A_833] {strides = array<i32>} : memref<80x128xf32, #tpu.memory_space<vmem>>, vector<1x16xf32>,
        %get3A_835 = vector.shape_cast %get3A_834 : vector<1x16xf32> to vector<16xf32>
        %get3A_836 = arith.index_cast %add3A_772 : i32 to index
        %get3A_837 = arith.constant 96 : index
        %get3A_838 = tpu.vector_load %arg11[%get3A_836, %get3A_837] {strides = array<i32>} : memref<80x128xf32, #tpu.memory_space<vmem>>, vector<1x16xf32>,
        %get3A_839 = vector.shape_cast %get3A_838 : vector<1x16xf32> to vector<16xf32>
        %mul3A_840 = arith.mulf %get3A_835, %get3A_839 : vector<16xf32>
        %add3A_841 = arith.addf %add3A_831, %mul3A_840 : vector<16xf32>
        %get3A_842 = arith.index_cast %add3A_772 : i32 to index
        %get3A_843 = arith.constant 112 : index
        %get3A_844 = tpu.vector_load %arg10[%get3A_842, %get3A_843] {strides = array<i32>} : memref<80x128xf32, #tpu.memory_space<vmem>>, vector<1x16xf32>,
        %get3A_845 = vector.shape_cast %get3A_844 : vector<1x16xf32> to vector<16xf32>
        %get3A_846 = arith.index_cast %add3A_772 : i32 to index
        %get3A_847 = arith.constant 112 : index
        %get3A_848 = tpu.vector_load %arg11[%get3A_846, %get3A_847] {strides = array<i32>} : memref<80x128xf32, #tpu.memory_space<vmem>>, vector<1x16xf32>,
        %get3A_849 = vector.shape_cast %get3A_848 : vector<1x16xf32> to vector<16xf32>
        %mul3A_850 = arith.mulf %get3A_845, %get3A_849 : vector<16xf32>
        %add3A_851 = arith.addf %add3A_841, %mul3A_850 : vector<16xf32>
        %mul3A_852 = arith.constant 16 : i32
        %mul3A_853 = arith.muli %scan3A_105, %mul3A_852 : i32
        %add3A_854 = arith.constant 9 : i32
        %add3A_855 = arith.addi %mul3A_853, %add3A_854 : i32
        %get3A_856 = arith.index_cast %add3A_855 : i32 to index
        %get3A_857 = arith.constant 0 : index
        %get3A_858 = tpu.vector_load %arg10[%get3A_856, %get3A_857] {strides = array<i32>} : memref<80x128xf32, #tpu.memory_space<vmem>>, vector<1x16xf32>,
        %get3A_859 = vector.shape_cast %get3A_858 : vector<1x16xf32> to vector<16xf32>
        %get3A_860 = arith.index_cast %add3A_855 : i32 to index
        %get3A_861 = arith.constant 0 : index
        %get3A_862 = tpu.vector_load %arg11[%get3A_860, %get3A_861] {strides = array<i32>} : memref<80x128xf32, #tpu.memory_space<vmem>>, vector<1x16xf32>,
        %get3A_863 = vector.shape_cast %get3A_862 : vector<1x16xf32> to vector<16xf32>
        %mul3A_864 = arith.mulf %get3A_859, %get3A_863 : vector<16xf32>
        %get3A_865 = arith.index_cast %add3A_855 : i32 to index
        %get3A_866 = arith.constant 16 : index
        %get3A_867 = tpu.vector_load %arg10[%get3A_865, %get3A_866] {strides = array<i32>} : memref<80x128xf32, #tpu.memory_space<vmem>>, vector<1x16xf32>,
        %get3A_868 = vector.shape_cast %get3A_867 : vector<1x16xf32> to vector<16xf32>
        %get3A_869 = arith.index_cast %add3A_855 : i32 to index
        %get3A_870 = arith.constant 16 : index
        %get3A_871 = tpu.vector_load %arg11[%get3A_869, %get3A_870] {strides = array<i32>} : memref<80x128xf32, #tpu.memory_space<vmem>>, vector<1x16xf32>,
        %get3A_872 = vector.shape_cast %get3A_871 : vector<1x16xf32> to vector<16xf32>
        %mul3A_873 = arith.mulf %get3A_868, %get3A_872 : vector<16xf32>
        %add3A_874 = arith.addf %mul3A_864, %mul3A_873 : vector<16xf32>
        %get3A_875 = arith.index_cast %add3A_855 : i32 to index
        %get3A_876 = arith.constant 32 : index
        %get3A_877 = tpu.vector_load %arg10[%get3A_875, %get3A_876] {strides = array<i32>} : memref<80x128xf32, #tpu.memory_space<vmem>>, vector<1x16xf32>,
        %get3A_878 = vector.shape_cast %get3A_877 : vector<1x16xf32> to vector<16xf32>
        %get3A_879 = arith.index_cast %add3A_855 : i32 to index
        %get3A_880 = arith.constant 32 : index
        %get3A_881 = tpu.vector_load %arg11[%get3A_879, %get3A_880] {strides = array<i32>} : memref<80x128xf32, #tpu.memory_space<vmem>>, vector<1x16xf32>,
        %get3A_882 = vector.shape_cast %get3A_881 : vector<1x16xf32> to vector<16xf32>
        %mul3A_883 = arith.mulf %get3A_878, %get3A_882 : vector<16xf32>
        %add3A_884 = arith.addf %add3A_874, %mul3A_883 : vector<16xf32>
        %get3A_885 = arith.index_cast %add3A_855 : i32 to index
        %get3A_886 = arith.constant 48 : index
        %get3A_887 = tpu.vector_load %arg10[%get3A_885, %get3A_886] {strides = array<i32>} : memref<80x128xf32, #tpu.memory_space<vmem>>, vector<1x16xf32>,
        %get3A_888 = vector.shape_cast %get3A_887 : vector<1x16xf32> to vector<16xf32>
        %get3A_889 = arith.index_cast %add3A_855 : i32 to index
        %get3A_890 = arith.constant 48 : index
        %get3A_891 = tpu.vector_load %arg11[%get3A_889, %get3A_890] {strides = array<i32>} : memref<80x128xf32, #tpu.memory_space<vmem>>, vector<1x16xf32>,
        %get3A_892 = vector.shape_cast %get3A_891 : vector<1x16xf32> to vector<16xf32>
        %mul3A_893 = arith.mulf %get3A_888, %get3A_892 : vector<16xf32>
        %add3A_894 = arith.addf %add3A_884, %mul3A_893 : vector<16xf32>
        %get3A_895 = arith.index_cast %add3A_855 : i32 to index
        %get3A_896 = arith.constant 64 : index
        %get3A_897 = tpu.vector_load %arg10[%get3A_895, %get3A_896] {strides = array<i32>} : memref<80x128xf32, #tpu.memory_space<vmem>>, vector<1x16xf32>,
        %get3A_898 = vector.shape_cast %get3A_897 : vector<1x16xf32> to vector<16xf32>
        %get3A_899 = arith.index_cast %add3A_855 : i32 to index
        %get3A_900 = arith.constant 64 : index
        %get3A_901 = tpu.vector_load %arg11[%get3A_899, %get3A_900] {strides = array<i32>} : memref<80x128xf32, #tpu.memory_space<vmem>>, vector<1x16xf32>,
        %get3A_902 = vector.shape_cast %get3A_901 : vector<1x16xf32> to vector<16xf32>
        %mul3A_903 = arith.mulf %get3A_898, %get3A_902 : vector<16xf32>
        %add3A_904 = arith.addf %add3A_894, %mul3A_903 : vector<16xf32>
        %get3A_905 = arith.index_cast %add3A_855 : i32 to index
        %get3A_906 = arith.constant 80 : index
        %get3A_907 = tpu.vector_load %arg10[%get3A_905, %get3A_906] {strides = array<i32>} : memref<80x128xf32, #tpu.memory_space<vmem>>, vector<1x16xf32>,
        %get3A_908 = vector.shape_cast %get3A_907 : vector<1x16xf32> to vector<16xf32>
        %get3A_909 = arith.index_cast %add3A_855 : i32 to index
        %get3A_910 = arith.constant 80 : index
        %get3A_911 = tpu.vector_load %arg11[%get3A_909, %get3A_910] {strides = array<i32>} : memref<80x128xf32, #tpu.memory_space<vmem>>, vector<1x16xf32>,
        %get3A_912 = vector.shape_cast %get3A_911 : vector<1x16xf32> to vector<16xf32>
        %mul3A_913 = arith.mulf %get3A_908, %get3A_912 : vector<16xf32>
        %add3A_914 = arith.addf %add3A_904, %mul3A_913 : vector<16xf32>
        %get3A_915 = arith.index_cast %add3A_855 : i32 to index
        %get3A_916 = arith.constant 96 : index
        %get3A_917 = tpu.vector_load %arg10[%get3A_915, %get3A_916] {strides = array<i32>} : memref<80x128xf32, #tpu.memory_space<vmem>>, vector<1x16xf32>,
        %get3A_918 = vector.shape_cast %get3A_917 : vector<1x16xf32> to vector<16xf32>
        %get3A_919 = arith.index_cast %add3A_855 : i32 to index
        %get3A_920 = arith.constant 96 : index
        %get3A_921 = tpu.vector_load %arg11[%get3A_919, %get3A_920] {strides = array<i32>} : memref<80x128xf32, #tpu.memory_space<vmem>>, vector<1x16xf32>,
        %get3A_922 = vector.shape_cast %get3A_921 : vector<1x16xf32> to vector<16xf32>
        %mul3A_923 = arith.mulf %get3A_918, %get3A_922 : vector<16xf32>
        %add3A_924 = arith.addf %add3A_914, %mul3A_923 : vector<16xf32>
        %get3A_925 = arith.index_cast %add3A_855 : i32 to index
        %get3A_926 = arith.constant 112 : index
        %get3A_927 = tpu.vector_load %arg10[%get3A_925, %get3A_926] {strides = array<i32>} : memref<80x128xf32, #tpu.memory_space<vmem>>, vector<1x16xf32>,
        %get3A_928 = vector.shape_cast %get3A_927 : vector<1x16xf32> to vector<16xf32>
        %get3A_929 = arith.index_cast %add3A_855 : i32 to index
        %get3A_930 = arith.constant 112 : index
        %get3A_931 = tpu.vector_load %arg11[%get3A_929, %get3A_930] {strides = array<i32>} : memref<80x128xf32, #tpu.memory_space<vmem>>, vector<1x16xf32>,
        %get3A_932 = vector.shape_cast %get3A_931 : vector<1x16xf32> to vector<16xf32>
        %mul3A_933 = arith.mulf %get3A_928, %get3A_932 : vector<16xf32>
        %add3A_934 = arith.addf %add3A_924, %mul3A_933 : vector<16xf32>
        %mul3A_935 = arith.constant 16 : i32
        %mul3A_936 = arith.muli %scan3A_105, %mul3A_935 : i32
        %add3A_937 = arith.constant 10 : i32
        %add3A_938 = arith.addi %mul3A_936, %add3A_937 : i32
        %get3A_939 = arith.index_cast %add3A_938 : i32 to index
        %get3A_940 = arith.constant 0 : index
        %get3A_941 = tpu.vector_load %arg10[%get3A_939, %get3A_940] {strides = array<i32>} : memref<80x128xf32, #tpu.memory_space<vmem>>, vector<1x16xf32>,
        %get3A_942 = vector.shape_cast %get3A_941 : vector<1x16xf32> to vector<16xf32>
        %get3A_943 = arith.index_cast %add3A_938 : i32 to index
        %get3A_944 = arith.constant 0 : index
        %get3A_945 = tpu.vector_load %arg11[%get3A_943, %get3A_944] {strides = array<i32>} : memref<80x128xf32, #tpu.memory_space<vmem>>, vector<1x16xf32>,
        %get3A_946 = vector.shape_cast %get3A_945 : vector<1x16xf32> to vector<16xf32>
        %mul3A_947 = arith.mulf %get3A_942, %get3A_946 : vector<16xf32>
        %get3A_948 = arith.index_cast %add3A_938 : i32 to index
        %get3A_949 = arith.constant 16 : index
        %get3A_950 = tpu.vector_load %arg10[%get3A_948, %get3A_949] {strides = array<i32>} : memref<80x128xf32, #tpu.memory_space<vmem>>, vector<1x16xf32>,
        %get3A_951 = vector.shape_cast %get3A_950 : vector<1x16xf32> to vector<16xf32>
        %get3A_952 = arith.index_cast %add3A_938 : i32 to index
        %get3A_953 = arith.constant 16 : index
        %get3A_954 = tpu.vector_load %arg11[%get3A_952, %get3A_953] {strides = array<i32>} : memref<80x128xf32, #tpu.memory_space<vmem>>, vector<1x16xf32>,
        %get3A_955 = vector.shape_cast %get3A_954 : vector<1x16xf32> to vector<16xf32>
        %mul3A_956 = arith.mulf %get3A_951, %get3A_955 : vector<16xf32>
        %add3A_957 = arith.addf %mul3A_947, %mul3A_956 : vector<16xf32>
        %get3A_958 = arith.index_cast %add3A_938 : i32 to index
        %get3A_959 = arith.constant 32 : index
        %get3A_960 = tpu.vector_load %arg10[%get3A_958, %get3A_959] {strides = array<i32>} : memref<80x128xf32, #tpu.memory_space<vmem>>, vector<1x16xf32>,
        %get3A_961 = vector.shape_cast %get3A_960 : vector<1x16xf32> to vector<16xf32>
        %get3A_962 = arith.index_cast %add3A_938 : i32 to index
        %get3A_963 = arith.constant 32 : index
        %get3A_964 = tpu.vector_load %arg11[%get3A_962, %get3A_963] {strides = array<i32>} : memref<80x128xf32, #tpu.memory_space<vmem>>, vector<1x16xf32>,
        %get3A_965 = vector.shape_cast %get3A_964 : vector<1x16xf32> to vector<16xf32>
        %mul3A_966 = arith.mulf %get3A_961, %get3A_965 : vector<16xf32>
        %add3A_967 = arith.addf %add3A_957, %mul3A_966 : vector<16xf32>
        %get3A_968 = arith.index_cast %add3A_938 : i32 to index
        %get3A_969 = arith.constant 48 : index
        %get3A_970 = tpu.vector_load %arg10[%get3A_968, %get3A_969] {strides = array<i32>} : memref<80x128xf32, #tpu.memory_space<vmem>>, vector<1x16xf32>,
        %get3A_971 = vector.shape_cast %get3A_970 : vector<1x16xf32> to vector<16xf32>
        %get3A_972 = arith.index_cast %add3A_938 : i32 to index
        %get3A_973 = arith.constant 48 : index
        %get3A_974 = tpu.vector_load %arg11[%get3A_972, %get3A_973] {strides = array<i32>} : memref<80x128xf32, #tpu.memory_space<vmem>>, vector<1x16xf32>,
        %get3A_975 = vector.shape_cast %get3A_974 : vector<1x16xf32> to vector<16xf32>
        %mul3A_976 = arith.mulf %get3A_971, %get3A_975 : vector<16xf32>
        %add3A_977 = arith.addf %add3A_967, %mul3A_976 : vector<16xf32>
        %get3A_978 = arith.index_cast %add3A_938 : i32 to index
        %get3A_979 = arith.constant 64 : index
        %get3A_980 = tpu.vector_load %arg10[%get3A_978, %get3A_979] {strides = array<i32>} : memref<80x128xf32, #tpu.memory_space<vmem>>, vector<1x16xf32>,
        %get3A_981 = vector.shape_cast %get3A_980 : vector<1x16xf32> to vector<16xf32>
        %get3A_982 = arith.index_cast %add3A_938 : i32 to index
        %get3A_983 = arith.constant 64 : index
        %get3A_984 = tpu.vector_load %arg11[%get3A_982, %get3A_983] {strides = array<i32>} : memref<80x128xf32, #tpu.memory_space<vmem>>, vector<1x16xf32>,
        %get3A_985 = vector.shape_cast %get3A_984 : vector<1x16xf32> to vector<16xf32>
        %mul3A_986 = arith.mulf %get3A_981, %get3A_985 : vector<16xf32>
        %add3A_987 = arith.addf %add3A_977, %mul3A_986 : vector<16xf32>
        %get3A_988 = arith.index_cast %add3A_938 : i32 to index
        %get3A_989 = arith.constant 80 : index
        %get3A_990 = tpu.vector_load %arg10[%get3A_988, %get3A_989] {strides = array<i32>} : memref<80x128xf32, #tpu.memory_space<vmem>>, vector<1x16xf32>,
        %get3A_991 = vector.shape_cast %get3A_990 : vector<1x16xf32> to vector<16xf32>
        %get3A_992 = arith.index_cast %add3A_938 : i32 to index
        %get3A_993 = arith.constant 80 : index
        %get3A_994 = tpu.vector_load %arg11[%get3A_992, %get3A_993] {strides = array<i32>} : memref<80x128xf32, #tpu.memory_space<vmem>>, vector<1x16xf32>,
        %get3A_995 = vector.shape_cast %get3A_994 : vector<1x16xf32> to vector<16xf32>
        %mul3A_996 = arith.mulf %get3A_991, %get3A_995 : vector<16xf32>
        %add3A_997 = arith.addf %add3A_987, %mul3A_996 : vector<16xf32>
        %get3A_998 = arith.index_cast %add3A_938 : i32 to index
        %get3A_999 = arith.constant 96 : index
        %get3A_1000 = tpu.vector_load %arg10[%get3A_998, %get3A_999] {strides = array<i32>} : memref<80x128xf32, #tpu.memory_space<vmem>>, vector<1x16xf32>,
        %get3A_1001 = vector.shape_cast %get3A_1000 : vector<1x16xf32> to vector<16xf32>
        %get3A_1002 = arith.index_cast %add3A_938 : i32 to index
        %get3A_1003 = arith.constant 96 : index
        %get3A_1004 = tpu.vector_load %arg11[%get3A_1002, %get3A_1003] {strides = array<i32>} : memref<80x128xf32, #tpu.memory_space<vmem>>, vector<1x16xf32>,
        %get3A_1005 = vector.shape_cast %get3A_1004 : vector<1x16xf32> to vector<16xf32>
        %mul3A_1006 = arith.mulf %get3A_1001, %get3A_1005 : vector<16xf32>
        %add3A_1007 = arith.addf %add3A_997, %mul3A_1006 : vector<16xf32>
        %get3A_1008 = arith.index_cast %add3A_938 : i32 to index
        %get3A_1009 = arith.constant 112 : index
        %get3A_1010 = tpu.vector_load %arg10[%get3A_1008, %get3A_1009] {strides = array<i32>} : memref<80x128xf32, #tpu.memory_space<vmem>>, vector<1x16xf32>,
        %get3A_1011 = vector.shape_cast %get3A_1010 : vector<1x16xf32> to vector<16xf32>
        %get3A_1012 = arith.index_cast %add3A_938 : i32 to index
        %get3A_1013 = arith.constant 112 : index
        %get3A_1014 = tpu.vector_load %arg11[%get3A_1012, %get3A_1013] {strides = array<i32>} : memref<80x128xf32, #tpu.memory_space<vmem>>, vector<1x16xf32>,
        %get3A_1015 = vector.shape_cast %get3A_1014 : vector<1x16xf32> to vector<16xf32>
        %mul3A_1016 = arith.mulf %get3A_1011, %get3A_1015 : vector<16xf32>
        %add3A_1017 = arith.addf %add3A_1007, %mul3A_1016 : vector<16xf32>
        %mul3A_1018 = arith.constant 16 : i32
        %mul3A_1019 = arith.muli %scan3A_105, %mul3A_1018 : i32
        %add3A_1020 = arith.constant 11 : i32
        %add3A_1021 = arith.addi %mul3A_1019, %add3A_1020 : i32
        %get3A_1022 = arith.index_cast %add3A_1021 : i32 to index
        %get3A_1023 = arith.constant 0 : index
        %get3A_1024 = tpu.vector_load %arg10[%get3A_1022, %get3A_1023] {strides = array<i32>} : memref<80x128xf32, #tpu.memory_space<vmem>>, vector<1x16xf32>,
        %get3A_1025 = vector.shape_cast %get3A_1024 : vector<1x16xf32> to vector<16xf32>
        %get3A_1026 = arith.index_cast %add3A_1021 : i32 to index
        %get3A_1027 = arith.constant 0 : index
        %get3A_1028 = tpu.vector_load %arg11[%get3A_1026, %get3A_1027] {strides = array<i32>} : memref<80x128xf32, #tpu.memory_space<vmem>>, vector<1x16xf32>,
        %get3A_1029 = vector.shape_cast %get3A_1028 : vector<1x16xf32> to vector<16xf32>
        %mul3A_1030 = arith.mulf %get3A_1025, %get3A_1029 : vector<16xf32>
        %get3A_1031 = arith.index_cast %add3A_1021 : i32 to index
        %get3A_1032 = arith.constant 16 : index
        %get3A_1033 = tpu.vector_load %arg10[%get3A_1031, %get3A_1032] {strides = array<i32>} : memref<80x128xf32, #tpu.memory_space<vmem>>, vector<1x16xf32>,
        %get3A_1034 = vector.shape_cast %get3A_1033 : vector<1x16xf32> to vector<16xf32>
        %get3A_1035 = arith.index_cast %add3A_1021 : i32 to index
        %get3A_1036 = arith.constant 16 : index
        %get3A_1037 = tpu.vector_load %arg11[%get3A_1035, %get3A_1036] {strides = array<i32>} : memref<80x128xf32, #tpu.memory_space<vmem>>, vector<1x16xf32>,
        %get3A_1038 = vector.shape_cast %get3A_1037 : vector<1x16xf32> to vector<16xf32>
        %mul3A_1039 = arith.mulf %get3A_1034, %get3A_1038 : vector<16xf32>
        %add3A_1040 = arith.addf %mul3A_1030, %mul3A_1039 : vector<16xf32>
        %get3A_1041 = arith.index_cast %add3A_1021 : i32 to index
        %get3A_1042 = arith.constant 32 : index
        %get3A_1043 = tpu.vector_load %arg10[%get3A_1041, %get3A_1042] {strides = array<i32>} : memref<80x128xf32, #tpu.memory_space<vmem>>, vector<1x16xf32>,
        %get3A_1044 = vector.shape_cast %get3A_1043 : vector<1x16xf32> to vector<16xf32>
        %get3A_1045 = arith.index_cast %add3A_1021 : i32 to index
        %get3A_1046 = arith.constant 32 : index
        %get3A_1047 = tpu.vector_load %arg11[%get3A_1045, %get3A_1046] {strides = array<i32>} : memref<80x128xf32, #tpu.memory_space<vmem>>, vector<1x16xf32>,
        %get3A_1048 = vector.shape_cast %get3A_1047 : vector<1x16xf32> to vector<16xf32>
        %mul3A_1049 = arith.mulf %get3A_1044, %get3A_1048 : vector<16xf32>
        %add3A_1050 = arith.addf %add3A_1040, %mul3A_1049 : vector<16xf32>
        %get3A_1051 = arith.index_cast %add3A_1021 : i32 to index
        %get3A_1052 = arith.constant 48 : index
        %get3A_1053 = tpu.vector_load %arg10[%get3A_1051, %get3A_1052] {strides = array<i32>} : memref<80x128xf32, #tpu.memory_space<vmem>>, vector<1x16xf32>,
        %get3A_1054 = vector.shape_cast %get3A_1053 : vector<1x16xf32> to vector<16xf32>
        %get3A_1055 = arith.index_cast %add3A_1021 : i32 to index
        %get3A_1056 = arith.constant 48 : index
        %get3A_1057 = tpu.vector_load %arg11[%get3A_1055, %get3A_1056] {strides = array<i32>} : memref<80x128xf32, #tpu.memory_space<vmem>>, vector<1x16xf32>,
        %get3A_1058 = vector.shape_cast %get3A_1057 : vector<1x16xf32> to vector<16xf32>
        %mul3A_1059 = arith.mulf %get3A_1054, %get3A_1058 : vector<16xf32>
        %add3A_1060 = arith.addf %add3A_1050, %mul3A_1059 : vector<16xf32>
        %get3A_1061 = arith.index_cast %add3A_1021 : i32 to index
        %get3A_1062 = arith.constant 64 : index
        %get3A_1063 = tpu.vector_load %arg10[%get3A_1061, %get3A_1062] {strides = array<i32>} : memref<80x128xf32, #tpu.memory_space<vmem>>, vector<1x16xf32>,
        %get3A_1064 = vector.shape_cast %get3A_1063 : vector<1x16xf32> to vector<16xf32>
        %get3A_1065 = arith.index_cast %add3A_1021 : i32 to index
        %get3A_1066 = arith.constant 64 : index
        %get3A_1067 = tpu.vector_load %arg11[%get3A_1065, %get3A_1066] {strides = array<i32>} : memref<80x128xf32, #tpu.memory_space<vmem>>, vector<1x16xf32>,
        %get3A_1068 = vector.shape_cast %get3A_1067 : vector<1x16xf32> to vector<16xf32>
        %mul3A_1069 = arith.mulf %get3A_1064, %get3A_1068 : vector<16xf32>
        %add3A_1070 = arith.addf %add3A_1060, %mul3A_1069 : vector<16xf32>
        %get3A_1071 = arith.index_cast %add3A_1021 : i32 to index
        %get3A_1072 = arith.constant 80 : index
        %get3A_1073 = tpu.vector_load %arg10[%get3A_1071, %get3A_1072] {strides = array<i32>} : memref<80x128xf32, #tpu.memory_space<vmem>>, vector<1x16xf32>,
        %get3A_1074 = vector.shape_cast %get3A_1073 : vector<1x16xf32> to vector<16xf32>
        %get3A_1075 = arith.index_cast %add3A_1021 : i32 to index
        %get3A_1076 = arith.constant 80 : index
        %get3A_1077 = tpu.vector_load %arg11[%get3A_1075, %get3A_1076] {strides = array<i32>} : memref<80x128xf32, #tpu.memory_space<vmem>>, vector<1x16xf32>,
        %get3A_1078 = vector.shape_cast %get3A_1077 : vector<1x16xf32> to vector<16xf32>
        %mul3A_1079 = arith.mulf %get3A_1074, %get3A_1078 : vector<16xf32>
        %add3A_1080 = arith.addf %add3A_1070, %mul3A_1079 : vector<16xf32>
        %get3A_1081 = arith.index_cast %add3A_1021 : i32 to index
        %get3A_1082 = arith.constant 96 : index
        %get3A_1083 = tpu.vector_load %arg10[%get3A_1081, %get3A_1082] {strides = array<i32>} : memref<80x128xf32, #tpu.memory_space<vmem>>, vector<1x16xf32>,
        %get3A_1084 = vector.shape_cast %get3A_1083 : vector<1x16xf32> to vector<16xf32>
        %get3A_1085 = arith.index_cast %add3A_1021 : i32 to index
        %get3A_1086 = arith.constant 96 : index
        %get3A_1087 = tpu.vector_load %arg11[%get3A_1085, %get3A_1086] {strides = array<i32>} : memref<80x128xf32, #tpu.memory_space<vmem>>, vector<1x16xf32>,
        %get3A_1088 = vector.shape_cast %get3A_1087 : vector<1x16xf32> to vector<16xf32>
        %mul3A_1089 = arith.mulf %get3A_1084, %get3A_1088 : vector<16xf32>
        %add3A_1090 = arith.addf %add3A_1080, %mul3A_1089 : vector<16xf32>
        %get3A_1091 = arith.index_cast %add3A_1021 : i32 to index
        %get3A_1092 = arith.constant 112 : index
        %get3A_1093 = tpu.vector_load %arg10[%get3A_1091, %get3A_1092] {strides = array<i32>} : memref<80x128xf32, #tpu.memory_space<vmem>>, vector<1x16xf32>,
        %get3A_1094 = vector.shape_cast %get3A_1093 : vector<1x16xf32> to vector<16xf32>
        %get3A_1095 = arith.index_cast %add3A_1021 : i32 to index
        %get3A_1096 = arith.constant 112 : index
        %get3A_1097 = tpu.vector_load %arg11[%get3A_1095, %get3A_1096] {strides = array<i32>} : memref<80x128xf32, #tpu.memory_space<vmem>>, vector<1x16xf32>,
        %get3A_1098 = vector.shape_cast %get3A_1097 : vector<1x16xf32> to vector<16xf32>
        %mul3A_1099 = arith.mulf %get3A_1094, %get3A_1098 : vector<16xf32>
        %add3A_1100 = arith.addf %add3A_1090, %mul3A_1099 : vector<16xf32>
        %mul3A_1101 = arith.constant 16 : i32
        %mul3A_1102 = arith.muli %scan3A_105, %mul3A_1101 : i32
        %add3A_1103 = arith.constant 12 : i32
        %add3A_1104 = arith.addi %mul3A_1102, %add3A_1103 : i32
        %get3A_1105 = arith.index_cast %add3A_1104 : i32 to index
        %get3A_1106 = arith.constant 0 : index
        %get3A_1107 = tpu.vector_load %arg10[%get3A_1105, %get3A_1106] {strides = array<i32>} : memref<80x128xf32, #tpu.memory_space<vmem>>, vector<1x16xf32>,
        %get3A_1108 = vector.shape_cast %get3A_1107 : vector<1x16xf32> to vector<16xf32>
        %get3A_1109 = arith.index_cast %add3A_1104 : i32 to index
        %get3A_1110 = arith.constant 0 : index
        %get3A_1111 = tpu.vector_load %arg11[%get3A_1109, %get3A_1110] {strides = array<i32>} : memref<80x128xf32, #tpu.memory_space<vmem>>, vector<1x16xf32>,
        %get3A_1112 = vector.shape_cast %get3A_1111 : vector<1x16xf32> to vector<16xf32>
        %mul3A_1113 = arith.mulf %get3A_1108, %get3A_1112 : vector<16xf32>
        %get3A_1114 = arith.index_cast %add3A_1104 : i32 to index
        %get3A_1115 = arith.constant 16 : index
        %get3A_1116 = tpu.vector_load %arg10[%get3A_1114, %get3A_1115] {strides = array<i32>} : memref<80x128xf32, #tpu.memory_space<vmem>>, vector<1x16xf32>,
        %get3A_1117 = vector.shape_cast %get3A_1116 : vector<1x16xf32> to vector<16xf32>
        %get3A_1118 = arith.index_cast %add3A_1104 : i32 to index
        %get3A_1119 = arith.constant 16 : index
        %get3A_1120 = tpu.vector_load %arg11[%get3A_1118, %get3A_1119] {strides = array<i32>} : memref<80x128xf32, #tpu.memory_space<vmem>>, vector<1x16xf32>,
        %get3A_1121 = vector.shape_cast %get3A_1120 : vector<1x16xf32> to vector<16xf32>
        %mul3A_1122 = arith.mulf %get3A_1117, %get3A_1121 : vector<16xf32>
        %add3A_1123 = arith.addf %mul3A_1113, %mul3A_1122 : vector<16xf32>
        %get3A_1124 = arith.index_cast %add3A_1104 : i32 to index
        %get3A_1125 = arith.constant 32 : index
        %get3A_1126 = tpu.vector_load %arg10[%get3A_1124, %get3A_1125] {strides = array<i32>} : memref<80x128xf32, #tpu.memory_space<vmem>>, vector<1x16xf32>,
        %get3A_1127 = vector.shape_cast %get3A_1126 : vector<1x16xf32> to vector<16xf32>
        %get3A_1128 = arith.index_cast %add3A_1104 : i32 to index
        %get3A_1129 = arith.constant 32 : index
        %get3A_1130 = tpu.vector_load %arg11[%get3A_1128, %get3A_1129] {strides = array<i32>} : memref<80x128xf32, #tpu.memory_space<vmem>>, vector<1x16xf32>,
        %get3A_1131 = vector.shape_cast %get3A_1130 : vector<1x16xf32> to vector<16xf32>
        %mul3A_1132 = arith.mulf %get3A_1127, %get3A_1131 : vector<16xf32>
        %add3A_1133 = arith.addf %add3A_1123, %mul3A_1132 : vector<16xf32>
        %get3A_1134 = arith.index_cast %add3A_1104 : i32 to index
        %get3A_1135 = arith.constant 48 : index
        %get3A_1136 = tpu.vector_load %arg10[%get3A_1134, %get3A_1135] {strides = array<i32>} : memref<80x128xf32, #tpu.memory_space<vmem>>, vector<1x16xf32>,
        %get3A_1137 = vector.shape_cast %get3A_1136 : vector<1x16xf32> to vector<16xf32>
        %get3A_1138 = arith.index_cast %add3A_1104 : i32 to index
        %get3A_1139 = arith.constant 48 : index
        %get3A_1140 = tpu.vector_load %arg11[%get3A_1138, %get3A_1139] {strides = array<i32>} : memref<80x128xf32, #tpu.memory_space<vmem>>, vector<1x16xf32>,
        %get3A_1141 = vector.shape_cast %get3A_1140 : vector<1x16xf32> to vector<16xf32>
        %mul3A_1142 = arith.mulf %get3A_1137, %get3A_1141 : vector<16xf32>
        %add3A_1143 = arith.addf %add3A_1133, %mul3A_1142 : vector<16xf32>
        %get3A_1144 = arith.index_cast %add3A_1104 : i32 to index
        %get3A_1145 = arith.constant 64 : index
        %get3A_1146 = tpu.vector_load %arg10[%get3A_1144, %get3A_1145] {strides = array<i32>} : memref<80x128xf32, #tpu.memory_space<vmem>>, vector<1x16xf32>,
        %get3A_1147 = vector.shape_cast %get3A_1146 : vector<1x16xf32> to vector<16xf32>
        %get3A_1148 = arith.index_cast %add3A_1104 : i32 to index
        %get3A_1149 = arith.constant 64 : index
        %get3A_1150 = tpu.vector_load %arg11[%get3A_1148, %get3A_1149] {strides = array<i32>} : memref<80x128xf32, #tpu.memory_space<vmem>>, vector<1x16xf32>,
        %get3A_1151 = vector.shape_cast %get3A_1150 : vector<1x16xf32> to vector<16xf32>
        %mul3A_1152 = arith.mulf %get3A_1147, %get3A_1151 : vector<16xf32>
        %add3A_1153 = arith.addf %add3A_1143, %mul3A_1152 : vector<16xf32>
        %get3A_1154 = arith.index_cast %add3A_1104 : i32 to index
        %get3A_1155 = arith.constant 80 : index
        %get3A_1156 = tpu.vector_load %arg10[%get3A_1154, %get3A_1155] {strides = array<i32>} : memref<80x128xf32, #tpu.memory_space<vmem>>, vector<1x16xf32>,
        %get3A_1157 = vector.shape_cast %get3A_1156 : vector<1x16xf32> to vector<16xf32>
        %get3A_1158 = arith.index_cast %add3A_1104 : i32 to index
        %get3A_1159 = arith.constant 80 : index
        %get3A_1160 = tpu.vector_load %arg11[%get3A_1158, %get3A_1159] {strides = array<i32>} : memref<80x128xf32, #tpu.memory_space<vmem>>, vector<1x16xf32>,
        %get3A_1161 = vector.shape_cast %get3A_1160 : vector<1x16xf32> to vector<16xf32>
        %mul3A_1162 = arith.mulf %get3A_1157, %get3A_1161 : vector<16xf32>
        %add3A_1163 = arith.addf %add3A_1153, %mul3A_1162 : vector<16xf32>
        %get3A_1164 = arith.index_cast %add3A_1104 : i32 to index
        %get3A_1165 = arith.constant 96 : index
        %get3A_1166 = tpu.vector_load %arg10[%get3A_1164, %get3A_1165] {strides = array<i32>} : memref<80x128xf32, #tpu.memory_space<vmem>>, vector<1x16xf32>,
        %get3A_1167 = vector.shape_cast %get3A_1166 : vector<1x16xf32> to vector<16xf32>
        %get3A_1168 = arith.index_cast %add3A_1104 : i32 to index
        %get3A_1169 = arith.constant 96 : index
        %get3A_1170 = tpu.vector_load %arg11[%get3A_1168, %get3A_1169] {strides = array<i32>} : memref<80x128xf32, #tpu.memory_space<vmem>>, vector<1x16xf32>,
        %get3A_1171 = vector.shape_cast %get3A_1170 : vector<1x16xf32> to vector<16xf32>
        %mul3A_1172 = arith.mulf %get3A_1167, %get3A_1171 : vector<16xf32>
        %add3A_1173 = arith.addf %add3A_1163, %mul3A_1172 : vector<16xf32>
        %get3A_1174 = arith.index_cast %add3A_1104 : i32 to index
        %get3A_1175 = arith.constant 112 : index
        %get3A_1176 = tpu.vector_load %arg10[%get3A_1174, %get3A_1175] {strides = array<i32>} : memref<80x128xf32, #tpu.memory_space<vmem>>, vector<1x16xf32>,
        %get3A_1177 = vector.shape_cast %get3A_1176 : vector<1x16xf32> to vector<16xf32>
        %get3A_1178 = arith.index_cast %add3A_1104 : i32 to index
        %get3A_1179 = arith.constant 112 : index
        %get3A_1180 = tpu.vector_load %arg11[%get3A_1178, %get3A_1179] {strides = array<i32>} : memref<80x128xf32, #tpu.memory_space<vmem>>, vector<1x16xf32>,
        %get3A_1181 = vector.shape_cast %get3A_1180 : vector<1x16xf32> to vector<16xf32>
        %mul3A_1182 = arith.mulf %get3A_1177, %get3A_1181 : vector<16xf32>
        %add3A_1183 = arith.addf %add3A_1173, %mul3A_1182 : vector<16xf32>
        %mul3A_1184 = arith.constant 16 : i32
        %mul3A_1185 = arith.muli %scan3A_105, %mul3A_1184 : i32
        %add3A_1186 = arith.constant 13 : i32
        %add3A_1187 = arith.addi %mul3A_1185, %add3A_1186 : i32
        %get3A_1188 = arith.index_cast %add3A_1187 : i32 to index
        %get3A_1189 = arith.constant 0 : index
        %get3A_1190 = tpu.vector_load %arg10[%get3A_1188, %get3A_1189] {strides = array<i32>} : memref<80x128xf32, #tpu.memory_space<vmem>>, vector<1x16xf32>,
        %get3A_1191 = vector.shape_cast %get3A_1190 : vector<1x16xf32> to vector<16xf32>
        %get3A_1192 = arith.index_cast %add3A_1187 : i32 to index
        %get3A_1193 = arith.constant 0 : index
        %get3A_1194 = tpu.vector_load %arg11[%get3A_1192, %get3A_1193] {strides = array<i32>} : memref<80x128xf32, #tpu.memory_space<vmem>>, vector<1x16xf32>,
        %get3A_1195 = vector.shape_cast %get3A_1194 : vector<1x16xf32> to vector<16xf32>
        %mul3A_1196 = arith.mulf %get3A_1191, %get3A_1195 : vector<16xf32>
        %get3A_1197 = arith.index_cast %add3A_1187 : i32 to index
        %get3A_1198 = arith.constant 16 : index
        %get3A_1199 = tpu.vector_load %arg10[%get3A_1197, %get3A_1198] {strides = array<i32>} : memref<80x128xf32, #tpu.memory_space<vmem>>, vector<1x16xf32>,
        %get3A_1200 = vector.shape_cast %get3A_1199 : vector<1x16xf32> to vector<16xf32>
        %get3A_1201 = arith.index_cast %add3A_1187 : i32 to index
        %get3A_1202 = arith.constant 16 : index
        %get3A_1203 = tpu.vector_load %arg11[%get3A_1201, %get3A_1202] {strides = array<i32>} : memref<80x128xf32, #tpu.memory_space<vmem>>, vector<1x16xf32>,
        %get3A_1204 = vector.shape_cast %get3A_1203 : vector<1x16xf32> to vector<16xf32>
        %mul3A_1205 = arith.mulf %get3A_1200, %get3A_1204 : vector<16xf32>
        %add3A_1206 = arith.addf %mul3A_1196, %mul3A_1205 : vector<16xf32>
        %get3A_1207 = arith.index_cast %add3A_1187 : i32 to index
        %get3A_1208 = arith.constant 32 : index
        %get3A_1209 = tpu.vector_load %arg10[%get3A_1207, %get3A_1208] {strides = array<i32>} : memref<80x128xf32, #tpu.memory_space<vmem>>, vector<1x16xf32>,
        %get3A_1210 = vector.shape_cast %get3A_1209 : vector<1x16xf32> to vector<16xf32>
        %get3A_1211 = arith.index_cast %add3A_1187 : i32 to index
        %get3A_1212 = arith.constant 32 : index
        %get3A_1213 = tpu.vector_load %arg11[%get3A_1211, %get3A_1212] {strides = array<i32>} : memref<80x128xf32, #tpu.memory_space<vmem>>, vector<1x16xf32>,
        %get3A_1214 = vector.shape_cast %get3A_1213 : vector<1x16xf32> to vector<16xf32>
        %mul3A_1215 = arith.mulf %get3A_1210, %get3A_1214 : vector<16xf32>
        %add3A_1216 = arith.addf %add3A_1206, %mul3A_1215 : vector<16xf32>
        %get3A_1217 = arith.index_cast %add3A_1187 : i32 to index
        %get3A_1218 = arith.constant 48 : index
        %get3A_1219 = tpu.vector_load %arg10[%get3A_1217, %get3A_1218] {strides = array<i32>} : memref<80x128xf32, #tpu.memory_space<vmem>>, vector<1x16xf32>,
        %get3A_1220 = vector.shape_cast %get3A_1219 : vector<1x16xf32> to vector<16xf32>
        %get3A_1221 = arith.index_cast %add3A_1187 : i32 to index
        %get3A_1222 = arith.constant 48 : index
        %get3A_1223 = tpu.vector_load %arg11[%get3A_1221, %get3A_1222] {strides = array<i32>} : memref<80x128xf32, #tpu.memory_space<vmem>>, vector<1x16xf32>,
        %get3A_1224 = vector.shape_cast %get3A_1223 : vector<1x16xf32> to vector<16xf32>
        %mul3A_1225 = arith.mulf %get3A_1220, %get3A_1224 : vector<16xf32>
        %add3A_1226 = arith.addf %add3A_1216, %mul3A_1225 : vector<16xf32>
        %get3A_1227 = arith.index_cast %add3A_1187 : i32 to index
        %get3A_1228 = arith.constant 64 : index
        %get3A_1229 = tpu.vector_load %arg10[%get3A_1227, %get3A_1228] {strides = array<i32>} : memref<80x128xf32, #tpu.memory_space<vmem>>, vector<1x16xf32>,
        %get3A_1230 = vector.shape_cast %get3A_1229 : vector<1x16xf32> to vector<16xf32>
        %get3A_1231 = arith.index_cast %add3A_1187 : i32 to index
        %get3A_1232 = arith.constant 64 : index
        %get3A_1233 = tpu.vector_load %arg11[%get3A_1231, %get3A_1232] {strides = array<i32>} : memref<80x128xf32, #tpu.memory_space<vmem>>, vector<1x16xf32>,
        %get3A_1234 = vector.shape_cast %get3A_1233 : vector<1x16xf32> to vector<16xf32>
        %mul3A_1235 = arith.mulf %get3A_1230, %get3A_1234 : vector<16xf32>
        %add3A_1236 = arith.addf %add3A_1226, %mul3A_1235 : vector<16xf32>
        %get3A_1237 = arith.index_cast %add3A_1187 : i32 to index
        %get3A_1238 = arith.constant 80 : index
        %get3A_1239 = tpu.vector_load %arg10[%get3A_1237, %get3A_1238] {strides = array<i32>} : memref<80x128xf32, #tpu.memory_space<vmem>>, vector<1x16xf32>,
        %get3A_1240 = vector.shape_cast %get3A_1239 : vector<1x16xf32> to vector<16xf32>
        %get3A_1241 = arith.index_cast %add3A_1187 : i32 to index
        %get3A_1242 = arith.constant 80 : index
        %get3A_1243 = tpu.vector_load %arg11[%get3A_1241, %get3A_1242] {strides = array<i32>} : memref<80x128xf32, #tpu.memory_space<vmem>>, vector<1x16xf32>,
        %get3A_1244 = vector.shape_cast %get3A_1243 : vector<1x16xf32> to vector<16xf32>
        %mul3A_1245 = arith.mulf %get3A_1240, %get3A_1244 : vector<16xf32>
        %add3A_1246 = arith.addf %add3A_1236, %mul3A_1245 : vector<16xf32>
        %get3A_1247 = arith.index_cast %add3A_1187 : i32 to index
        %get3A_1248 = arith.constant 96 : index
        %get3A_1249 = tpu.vector_load %arg10[%get3A_1247, %get3A_1248] {strides = array<i32>} : memref<80x128xf32, #tpu.memory_space<vmem>>, vector<1x16xf32>,
        %get3A_1250 = vector.shape_cast %get3A_1249 : vector<1x16xf32> to vector<16xf32>
        %get3A_1251 = arith.index_cast %add3A_1187 : i32 to index
        %get3A_1252 = arith.constant 96 : index
        %get3A_1253 = tpu.vector_load %arg11[%get3A_1251, %get3A_1252] {strides = array<i32>} : memref<80x128xf32, #tpu.memory_space<vmem>>, vector<1x16xf32>,
        %get3A_1254 = vector.shape_cast %get3A_1253 : vector<1x16xf32> to vector<16xf32>
        %mul3A_1255 = arith.mulf %get3A_1250, %get3A_1254 : vector<16xf32>
        %add3A_1256 = arith.addf %add3A_1246, %mul3A_1255 : vector<16xf32>
        %get3A_1257 = arith.index_cast %add3A_1187 : i32 to index
        %get3A_1258 = arith.constant 112 : index
        %get3A_1259 = tpu.vector_load %arg10[%get3A_1257, %get3A_1258] {strides = array<i32>} : memref<80x128xf32, #tpu.memory_space<vmem>>, vector<1x16xf32>,
        %get3A_1260 = vector.shape_cast %get3A_1259 : vector<1x16xf32> to vector<16xf32>
        %get3A_1261 = arith.index_cast %add3A_1187 : i32 to index
        %get3A_1262 = arith.constant 112 : index
        %get3A_1263 = tpu.vector_load %arg11[%get3A_1261, %get3A_1262] {strides = array<i32>} : memref<80x128xf32, #tpu.memory_space<vmem>>, vector<1x16xf32>,
        %get3A_1264 = vector.shape_cast %get3A_1263 : vector<1x16xf32> to vector<16xf32>
        %mul3A_1265 = arith.mulf %get3A_1260, %get3A_1264 : vector<16xf32>
        %add3A_1266 = arith.addf %add3A_1256, %mul3A_1265 : vector<16xf32>
        %mul3A_1267 = arith.constant 16 : i32
        %mul3A_1268 = arith.muli %scan3A_105, %mul3A_1267 : i32
        %add3A_1269 = arith.constant 14 : i32
        %add3A_1270 = arith.addi %mul3A_1268, %add3A_1269 : i32
        %get3A_1271 = arith.index_cast %add3A_1270 : i32 to index
        %get3A_1272 = arith.constant 0 : index
        %get3A_1273 = tpu.vector_load %arg10[%get3A_1271, %get3A_1272] {strides = array<i32>} : memref<80x128xf32, #tpu.memory_space<vmem>>, vector<1x16xf32>,
        %get3A_1274 = vector.shape_cast %get3A_1273 : vector<1x16xf32> to vector<16xf32>
        %get3A_1275 = arith.index_cast %add3A_1270 : i32 to index
        %get3A_1276 = arith.constant 0 : index
        %get3A_1277 = tpu.vector_load %arg11[%get3A_1275, %get3A_1276] {strides = array<i32>} : memref<80x128xf32, #tpu.memory_space<vmem>>, vector<1x16xf32>,
        %get3A_1278 = vector.shape_cast %get3A_1277 : vector<1x16xf32> to vector<16xf32>
        %mul3A_1279 = arith.mulf %get3A_1274, %get3A_1278 : vector<16xf32>
        %get3A_1280 = arith.index_cast %add3A_1270 : i32 to index
        %get3A_1281 = arith.constant 16 : index
        %get3A_1282 = tpu.vector_load %arg10[%get3A_1280, %get3A_1281] {strides = array<i32>} : memref<80x128xf32, #tpu.memory_space<vmem>>, vector<1x16xf32>,
        %get3A_1283 = vector.shape_cast %get3A_1282 : vector<1x16xf32> to vector<16xf32>
        %get3A_1284 = arith.index_cast %add3A_1270 : i32 to index
        %get3A_1285 = arith.constant 16 : index
        %get3A_1286 = tpu.vector_load %arg11[%get3A_1284, %get3A_1285] {strides = array<i32>} : memref<80x128xf32, #tpu.memory_space<vmem>>, vector<1x16xf32>,
        %get3A_1287 = vector.shape_cast %get3A_1286 : vector<1x16xf32> to vector<16xf32>
        %mul3A_1288 = arith.mulf %get3A_1283, %get3A_1287 : vector<16xf32>
        %add3A_1289 = arith.addf %mul3A_1279, %mul3A_1288 : vector<16xf32>
        %get3A_1290 = arith.index_cast %add3A_1270 : i32 to index
        %get3A_1291 = arith.constant 32 : index
        %get3A_1292 = tpu.vector_load %arg10[%get3A_1290, %get3A_1291] {strides = array<i32>} : memref<80x128xf32, #tpu.memory_space<vmem>>, vector<1x16xf32>,
        %get3A_1293 = vector.shape_cast %get3A_1292 : vector<1x16xf32> to vector<16xf32>
        %get3A_1294 = arith.index_cast %add3A_1270 : i32 to index
        %get3A_1295 = arith.constant 32 : index
        %get3A_1296 = tpu.vector_load %arg11[%get3A_1294, %get3A_1295] {strides = array<i32>} : memref<80x128xf32, #tpu.memory_space<vmem>>, vector<1x16xf32>,
        %get3A_1297 = vector.shape_cast %get3A_1296 : vector<1x16xf32> to vector<16xf32>
        %mul3A_1298 = arith.mulf %get3A_1293, %get3A_1297 : vector<16xf32>
        %add3A_1299 = arith.addf %add3A_1289, %mul3A_1298 : vector<16xf32>
        %get3A_1300 = arith.index_cast %add3A_1270 : i32 to index
        %get3A_1301 = arith.constant 48 : index
        %get3A_1302 = tpu.vector_load %arg10[%get3A_1300, %get3A_1301] {strides = array<i32>} : memref<80x128xf32, #tpu.memory_space<vmem>>, vector<1x16xf32>,
        %get3A_1303 = vector.shape_cast %get3A_1302 : vector<1x16xf32> to vector<16xf32>
        %get3A_1304 = arith.index_cast %add3A_1270 : i32 to index
        %get3A_1305 = arith.constant 48 : index
        %get3A_1306 = tpu.vector_load %arg11[%get3A_1304, %get3A_1305] {strides = array<i32>} : memref<80x128xf32, #tpu.memory_space<vmem>>, vector<1x16xf32>,
        %get3A_1307 = vector.shape_cast %get3A_1306 : vector<1x16xf32> to vector<16xf32>
        %mul3A_1308 = arith.mulf %get3A_1303, %get3A_1307 : vector<16xf32>
        %add3A_1309 = arith.addf %add3A_1299, %mul3A_1308 : vector<16xf32>
        %get3A_1310 = arith.index_cast %add3A_1270 : i32 to index
        %get3A_1311 = arith.constant 64 : index
        %get3A_1312 = tpu.vector_load %arg10[%get3A_1310, %get3A_1311] {strides = array<i32>} : memref<80x128xf32, #tpu.memory_space<vmem>>, vector<1x16xf32>,
        %get3A_1313 = vector.shape_cast %get3A_1312 : vector<1x16xf32> to vector<16xf32>
        %get3A_1314 = arith.index_cast %add3A_1270 : i32 to index
        %get3A_1315 = arith.constant 64 : index
        %get3A_1316 = tpu.vector_load %arg11[%get3A_1314, %get3A_1315] {strides = array<i32>} : memref<80x128xf32, #tpu.memory_space<vmem>>, vector<1x16xf32>,
        %get3A_1317 = vector.shape_cast %get3A_1316 : vector<1x16xf32> to vector<16xf32>
        %mul3A_1318 = arith.mulf %get3A_1313, %get3A_1317 : vector<16xf32>
        %add3A_1319 = arith.addf %add3A_1309, %mul3A_1318 : vector<16xf32>
        %get3A_1320 = arith.index_cast %add3A_1270 : i32 to index
        %get3A_1321 = arith.constant 80 : index
        %get3A_1322 = tpu.vector_load %arg10[%get3A_1320, %get3A_1321] {strides = array<i32>} : memref<80x128xf32, #tpu.memory_space<vmem>>, vector<1x16xf32>,
        %get3A_1323 = vector.shape_cast %get3A_1322 : vector<1x16xf32> to vector<16xf32>
        %get3A_1324 = arith.index_cast %add3A_1270 : i32 to index
        %get3A_1325 = arith.constant 80 : index
        %get3A_1326 = tpu.vector_load %arg11[%get3A_1324, %get3A_1325] {strides = array<i32>} : memref<80x128xf32, #tpu.memory_space<vmem>>, vector<1x16xf32>,
        %get3A_1327 = vector.shape_cast %get3A_1326 : vector<1x16xf32> to vector<16xf32>
        %mul3A_1328 = arith.mulf %get3A_1323, %get3A_1327 : vector<16xf32>
        %add3A_1329 = arith.addf %add3A_1319, %mul3A_1328 : vector<16xf32>
        %get3A_1330 = arith.index_cast %add3A_1270 : i32 to index
        %get3A_1331 = arith.constant 96 : index
        %get3A_1332 = tpu.vector_load %arg10[%get3A_1330, %get3A_1331] {strides = array<i32>} : memref<80x128xf32, #tpu.memory_space<vmem>>, vector<1x16xf32>,
        %get3A_1333 = vector.shape_cast %get3A_1332 : vector<1x16xf32> to vector<16xf32>
        %get3A_1334 = arith.index_cast %add3A_1270 : i32 to index
        %get3A_1335 = arith.constant 96 : index
        %get3A_1336 = tpu.vector_load %arg11[%get3A_1334, %get3A_1335] {strides = array<i32>} : memref<80x128xf32, #tpu.memory_space<vmem>>, vector<1x16xf32>,
        %get3A_1337 = vector.shape_cast %get3A_1336 : vector<1x16xf32> to vector<16xf32>
        %mul3A_1338 = arith.mulf %get3A_1333, %get3A_1337 : vector<16xf32>
        %add3A_1339 = arith.addf %add3A_1329, %mul3A_1338 : vector<16xf32>
        %get3A_1340 = arith.index_cast %add3A_1270 : i32 to index
        %get3A_1341 = arith.constant 112 : index
        %get3A_1342 = tpu.vector_load %arg10[%get3A_1340, %get3A_1341] {strides = array<i32>} : memref<80x128xf32, #tpu.memory_space<vmem>>, vector<1x16xf32>,
        %get3A_1343 = vector.shape_cast %get3A_1342 : vector<1x16xf32> to vector<16xf32>
        %get3A_1344 = arith.index_cast %add3A_1270 : i32 to index
        %get3A_1345 = arith.constant 112 : index
        %get3A_1346 = tpu.vector_load %arg11[%get3A_1344, %get3A_1345] {strides = array<i32>} : memref<80x128xf32, #tpu.memory_space<vmem>>, vector<1x16xf32>,
        %get3A_1347 = vector.shape_cast %get3A_1346 : vector<1x16xf32> to vector<16xf32>
        %mul3A_1348 = arith.mulf %get3A_1343, %get3A_1347 : vector<16xf32>
        %add3A_1349 = arith.addf %add3A_1339, %mul3A_1348 : vector<16xf32>
        %mul3A_1350 = arith.constant 16 : i32
        %mul3A_1351 = arith.muli %scan3A_105, %mul3A_1350 : i32
        %add3A_1352 = arith.constant 15 : i32
        %add3A_1353 = arith.addi %mul3A_1351, %add3A_1352 : i32
        %get3A_1354 = arith.index_cast %add3A_1353 : i32 to index
        %get3A_1355 = arith.constant 0 : index
        %get3A_1356 = tpu.vector_load %arg10[%get3A_1354, %get3A_1355] {strides = array<i32>} : memref<80x128xf32, #tpu.memory_space<vmem>>, vector<1x16xf32>,
        %get3A_1357 = vector.shape_cast %get3A_1356 : vector<1x16xf32> to vector<16xf32>
        %get3A_1358 = arith.index_cast %add3A_1353 : i32 to index
        %get3A_1359 = arith.constant 0 : index
        %get3A_1360 = tpu.vector_load %arg11[%get3A_1358, %get3A_1359] {strides = array<i32>} : memref<80x128xf32, #tpu.memory_space<vmem>>, vector<1x16xf32>,
        %get3A_1361 = vector.shape_cast %get3A_1360 : vector<1x16xf32> to vector<16xf32>
        %mul3A_1362 = arith.mulf %get3A_1357, %get3A_1361 : vector<16xf32>
        %get3A_1363 = arith.index_cast %add3A_1353 : i32 to index
        %get3A_1364 = arith.constant 16 : index
        %get3A_1365 = tpu.vector_load %arg10[%get3A_1363, %get3A_1364] {strides = array<i32>} : memref<80x128xf32, #tpu.memory_space<vmem>>, vector<1x16xf32>,
        %get3A_1366 = vector.shape_cast %get3A_1365 : vector<1x16xf32> to vector<16xf32>
        %get3A_1367 = arith.index_cast %add3A_1353 : i32 to index
        %get3A_1368 = arith.constant 16 : index
        %get3A_1369 = tpu.vector_load %arg11[%get3A_1367, %get3A_1368] {strides = array<i32>} : memref<80x128xf32, #tpu.memory_space<vmem>>, vector<1x16xf32>,
        %get3A_1370 = vector.shape_cast %get3A_1369 : vector<1x16xf32> to vector<16xf32>
        %mul3A_1371 = arith.mulf %get3A_1366, %get3A_1370 : vector<16xf32>
        %add3A_1372 = arith.addf %mul3A_1362, %mul3A_1371 : vector<16xf32>
        %get3A_1373 = arith.index_cast %add3A_1353 : i32 to index
        %get3A_1374 = arith.constant 32 : index
        %get3A_1375 = tpu.vector_load %arg10[%get3A_1373, %get3A_1374] {strides = array<i32>} : memref<80x128xf32, #tpu.memory_space<vmem>>, vector<1x16xf32>,
        %get3A_1376 = vector.shape_cast %get3A_1375 : vector<1x16xf32> to vector<16xf32>
        %get3A_1377 = arith.index_cast %add3A_1353 : i32 to index
        %get3A_1378 = arith.constant 32 : index
        %get3A_1379 = tpu.vector_load %arg11[%get3A_1377, %get3A_1378] {strides = array<i32>} : memref<80x128xf32, #tpu.memory_space<vmem>>, vector<1x16xf32>,
        %get3A_1380 = vector.shape_cast %get3A_1379 : vector<1x16xf32> to vector<16xf32>
        %mul3A_1381 = arith.mulf %get3A_1376, %get3A_1380 : vector<16xf32>
        %add3A_1382 = arith.addf %add3A_1372, %mul3A_1381 : vector<16xf32>
        %get3A_1383 = arith.index_cast %add3A_1353 : i32 to index
        %get3A_1384 = arith.constant 48 : index
        %get3A_1385 = tpu.vector_load %arg10[%get3A_1383, %get3A_1384] {strides = array<i32>} : memref<80x128xf32, #tpu.memory_space<vmem>>, vector<1x16xf32>,
        %get3A_1386 = vector.shape_cast %get3A_1385 : vector<1x16xf32> to vector<16xf32>
        %get3A_1387 = arith.index_cast %add3A_1353 : i32 to index
        %get3A_1388 = arith.constant 48 : index
        %get3A_1389 = tpu.vector_load %arg11[%get3A_1387, %get3A_1388] {strides = array<i32>} : memref<80x128xf32, #tpu.memory_space<vmem>>, vector<1x16xf32>,
        %get3A_1390 = vector.shape_cast %get3A_1389 : vector<1x16xf32> to vector<16xf32>
        %mul3A_1391 = arith.mulf %get3A_1386, %get3A_1390 : vector<16xf32>
        %add3A_1392 = arith.addf %add3A_1382, %mul3A_1391 : vector<16xf32>
        %get3A_1393 = arith.index_cast %add3A_1353 : i32 to index
        %get3A_1394 = arith.constant 64 : index
        %get3A_1395 = tpu.vector_load %arg10[%get3A_1393, %get3A_1394] {strides = array<i32>} : memref<80x128xf32, #tpu.memory_space<vmem>>, vector<1x16xf32>,
        %get3A_1396 = vector.shape_cast %get3A_1395 : vector<1x16xf32> to vector<16xf32>
        %get3A_1397 = arith.index_cast %add3A_1353 : i32 to index
        %get3A_1398 = arith.constant 64 : index
        %get3A_1399 = tpu.vector_load %arg11[%get3A_1397, %get3A_1398] {strides = array<i32>} : memref<80x128xf32, #tpu.memory_space<vmem>>, vector<1x16xf32>,
        %get3A_1400 = vector.shape_cast %get3A_1399 : vector<1x16xf32> to vector<16xf32>
        %mul3A_1401 = arith.mulf %get3A_1396, %get3A_1400 : vector<16xf32>
        %add3A_1402 = arith.addf %add3A_1392, %mul3A_1401 : vector<16xf32>
        %get3A_1403 = arith.index_cast %add3A_1353 : i32 to index
        %get3A_1404 = arith.constant 80 : index
        %get3A_1405 = tpu.vector_load %arg10[%get3A_1403, %get3A_1404] {strides = array<i32>} : memref<80x128xf32, #tpu.memory_space<vmem>>, vector<1x16xf32>,
        %get3A_1406 = vector.shape_cast %get3A_1405 : vector<1x16xf32> to vector<16xf32>
        %get3A_1407 = arith.index_cast %add3A_1353 : i32 to index
        %get3A_1408 = arith.constant 80 : index
        %get3A_1409 = tpu.vector_load %arg11[%get3A_1407, %get3A_1408] {strides = array<i32>} : memref<80x128xf32, #tpu.memory_space<vmem>>, vector<1x16xf32>,
        %get3A_1410 = vector.shape_cast %get3A_1409 : vector<1x16xf32> to vector<16xf32>
        %mul3A_1411 = arith.mulf %get3A_1406, %get3A_1410 : vector<16xf32>
        %add3A_1412 = arith.addf %add3A_1402, %mul3A_1411 : vector<16xf32>
        %get3A_1413 = arith.index_cast %add3A_1353 : i32 to index
        %get3A_1414 = arith.constant 96 : index
        %get3A_1415 = tpu.vector_load %arg10[%get3A_1413, %get3A_1414] {strides = array<i32>} : memref<80x128xf32, #tpu.memory_space<vmem>>, vector<1x16xf32>,
        %get3A_1416 = vector.shape_cast %get3A_1415 : vector<1x16xf32> to vector<16xf32>
        %get3A_1417 = arith.index_cast %add3A_1353 : i32 to index
        %get3A_1418 = arith.constant 96 : index
        %get3A_1419 = tpu.vector_load %arg11[%get3A_1417, %get3A_1418] {strides = array<i32>} : memref<80x128xf32, #tpu.memory_space<vmem>>, vector<1x16xf32>,
        %get3A_1420 = vector.shape_cast %get3A_1419 : vector<1x16xf32> to vector<16xf32>
        %mul3A_1421 = arith.mulf %get3A_1416, %get3A_1420 : vector<16xf32>
        %add3A_1422 = arith.addf %add3A_1412, %mul3A_1421 : vector<16xf32>
        %get3A_1423 = arith.index_cast %add3A_1353 : i32 to index
        %get3A_1424 = arith.constant 112 : index
        %get3A_1425 = tpu.vector_load %arg10[%get3A_1423, %get3A_1424] {strides = array<i32>} : memref<80x128xf32, #tpu.memory_space<vmem>>, vector<1x16xf32>,
        %get3A_1426 = vector.shape_cast %get3A_1425 : vector<1x16xf32> to vector<16xf32>
        %get3A_1427 = arith.index_cast %add3A_1353 : i32 to index
        %get3A_1428 = arith.constant 112 : index
        %get3A_1429 = tpu.vector_load %arg11[%get3A_1427, %get3A_1428] {strides = array<i32>} : memref<80x128xf32, #tpu.memory_space<vmem>>, vector<1x16xf32>,
        %get3A_1430 = vector.shape_cast %get3A_1429 : vector<1x16xf32> to vector<16xf32>
        %mul3A_1431 = arith.mulf %get3A_1426, %get3A_1430 : vector<16xf32>
        %add3A_1432 = arith.addf %add3A_1422, %mul3A_1431 : vector<16xf32>
        %lt3A_1433 = arith.constant 0 : i32
        %lt3A_1434 = vector.broadcast %lt3A_1433 : i32 to vector<16xi32>
        %lt3A_1435 = arith.cmpi slt, %and3A_32, %lt3A_1434 : vector<16xi32>
        %add3A_1436 = arith.constant 16 : i32
        %add3A_1437 = vector.broadcast %add3A_1436 : i32 to vector<16xi32>
        %add3A_1438 = arith.addi %and3A_32, %add3A_1437 : vector<16xi32>
        %select_n3A = arith.select %lt3A_1435, %add3A_1438, %and3A_32 : vector<16xi1>, vector<16xi32>
        %broadcast_in_dim3A = vector.shape_cast %select_n3A : vector<16xi32> to vector<16x1xi32>
        %gather3A = vector.shape_cast %broadcast_in_dim3A : vector<16x1xi32> to vector<16xi32>
        %gather3A_1439 = tpu.dynamic_gather %add3A_187[%gather3A] in [0] : vector<16xf32>, vector<16xi32> -> vector<16xf32>
        %lt3A_1440 = arith.constant 0 : i32
        %lt3A_1441 = vector.broadcast %lt3A_1440 : i32 to vector<16xi32>
        %lt3A_1442 = arith.cmpi slt, %and3A_41, %lt3A_1441 : vector<16xi32>
        %add3A_1443 = arith.constant 16 : i32
        %add3A_1444 = vector.broadcast %add3A_1443 : i32 to vector<16xi32>
        %add3A_1445 = arith.addi %and3A_41, %add3A_1444 : vector<16xi32>
        %select_n3A_1446 = arith.select %lt3A_1442, %add3A_1445, %and3A_41 : vector<16xi1>, vector<16xi32>
        %broadcast_in_dim3A_1447 = vector.shape_cast %select_n3A_1446 : vector<16xi32> to vector<16x1xi32>
        %gather3A_1448 = vector.shape_cast %broadcast_in_dim3A_1447 : vector<16x1xi32> to vector<16xi32>
        %gather3A_1449 = tpu.dynamic_gather %add3A_187[%gather3A_1448] in [0] : vector<16xf32>, vector<16xi32> -> vector<16xf32>
        %add3A_1450 = arith.addf %gather3A_1439, %gather3A_1449 : vector<16xf32>
        %lt3A_1451 = arith.constant 0 : i32
        %lt3A_1452 = vector.broadcast %lt3A_1451 : i32 to vector<16xi32>
        %lt3A_1453 = arith.cmpi slt, %and3A_32, %lt3A_1452 : vector<16xi32>
        %add3A_1454 = arith.constant 16 : i32
        %add3A_1455 = vector.broadcast %add3A_1454 : i32 to vector<16xi32>
        %add3A_1456 = arith.addi %and3A_32, %add3A_1455 : vector<16xi32>
        %select_n3A_1457 = arith.select %lt3A_1453, %add3A_1456, %and3A_32 : vector<16xi1>, vector<16xi32>
        %broadcast_in_dim3A_1458 = vector.shape_cast %select_n3A_1457 : vector<16xi32> to vector<16x1xi32>
        %gather3A_1459 = vector.shape_cast %broadcast_in_dim3A_1458 : vector<16x1xi32> to vector<16xi32>
        %gather3A_1460 = tpu.dynamic_gather %add3A_270[%gather3A_1459] in [0] : vector<16xf32>, vector<16xi32> -> vector<16xf32>
        %lt3A_1461 = arith.constant 0 : i32
        %lt3A_1462 = vector.broadcast %lt3A_1461 : i32 to vector<16xi32>
        %lt3A_1463 = arith.cmpi slt, %and3A_41, %lt3A_1462 : vector<16xi32>
        %add3A_1464 = arith.constant 16 : i32
        %add3A_1465 = vector.broadcast %add3A_1464 : i32 to vector<16xi32>
        %add3A_1466 = arith.addi %and3A_41, %add3A_1465 : vector<16xi32>
        %select_n3A_1467 = arith.select %lt3A_1463, %add3A_1466, %and3A_41 : vector<16xi1>, vector<16xi32>
        %broadcast_in_dim3A_1468 = vector.shape_cast %select_n3A_1467 : vector<16xi32> to vector<16x1xi32>
        %gather3A_1469 = vector.shape_cast %broadcast_in_dim3A_1468 : vector<16x1xi32> to vector<16xi32>
        %gather3A_1470 = tpu.dynamic_gather %add3A_270[%gather3A_1469] in [0] : vector<16xf32>, vector<16xi32> -> vector<16xf32>
        %add3A_1471 = arith.addf %gather3A_1460, %gather3A_1470 : vector<16xf32>
        %select_n3A_1472 = arith.select %lt3A_43, %add3A_1450, %add3A_1471 : vector<16xi1>, vector<16xf32>
        %lt3A_1473 = arith.constant 0 : i32
        %lt3A_1474 = vector.broadcast %lt3A_1473 : i32 to vector<16xi32>
        %lt3A_1475 = arith.cmpi slt, %and3A_32, %lt3A_1474 : vector<16xi32>
        %add3A_1476 = arith.constant 16 : i32
        %add3A_1477 = vector.broadcast %add3A_1476 : i32 to vector<16xi32>
        %add3A_1478 = arith.addi %and3A_32, %add3A_1477 : vector<16xi32>
        %select_n3A_1479 = arith.select %lt3A_1475, %add3A_1478, %and3A_32 : vector<16xi1>, vector<16xi32>
        %broadcast_in_dim3A_1480 = vector.shape_cast %select_n3A_1479 : vector<16xi32> to vector<16x1xi32>
        %gather3A_1481 = vector.shape_cast %broadcast_in_dim3A_1480 : vector<16x1xi32> to vector<16xi32>
        %gather3A_1482 = tpu.dynamic_gather %add3A_353[%gather3A_1481] in [0] : vector<16xf32>, vector<16xi32> -> vector<16xf32>
        %lt3A_1483 = arith.constant 0 : i32
        %lt3A_1484 = vector.broadcast %lt3A_1483 : i32 to vector<16xi32>
        %lt3A_1485 = arith.cmpi slt, %and3A_41, %lt3A_1484 : vector<16xi32>
        %add3A_1486 = arith.constant 16 : i32
        %add3A_1487 = vector.broadcast %add3A_1486 : i32 to vector<16xi32>
        %add3A_1488 = arith.addi %and3A_41, %add3A_1487 : vector<16xi32>
        %select_n3A_1489 = arith.select %lt3A_1485, %add3A_1488, %and3A_41 : vector<16xi1>, vector<16xi32>
        %broadcast_in_dim3A_1490 = vector.shape_cast %select_n3A_1489 : vector<16xi32> to vector<16x1xi32>
        %gather3A_1491 = vector.shape_cast %broadcast_in_dim3A_1490 : vector<16x1xi32> to vector<16xi32>
        %gather3A_1492 = tpu.dynamic_gather %add3A_353[%gather3A_1491] in [0] : vector<16xf32>, vector<16xi32> -> vector<16xf32>
        %add3A_1493 = arith.addf %gather3A_1482, %gather3A_1492 : vector<16xf32>
        %lt3A_1494 = arith.constant 0 : i32
        %lt3A_1495 = vector.broadcast %lt3A_1494 : i32 to vector<16xi32>
        %lt3A_1496 = arith.cmpi slt, %and3A_32, %lt3A_1495 : vector<16xi32>
        %add3A_1497 = arith.constant 16 : i32
        %add3A_1498 = vector.broadcast %add3A_1497 : i32 to vector<16xi32>
        %add3A_1499 = arith.addi %and3A_32, %add3A_1498 : vector<16xi32>
        %select_n3A_1500 = arith.select %lt3A_1496, %add3A_1499, %and3A_32 : vector<16xi1>, vector<16xi32>
        %broadcast_in_dim3A_1501 = vector.shape_cast %select_n3A_1500 : vector<16xi32> to vector<16x1xi32>
        %gather3A_1502 = vector.shape_cast %broadcast_in_dim3A_1501 : vector<16x1xi32> to vector<16xi32>
        %gather3A_1503 = tpu.dynamic_gather %add3A_436[%gather3A_1502] in [0] : vector<16xf32>, vector<16xi32> -> vector<16xf32>
        %lt3A_1504 = arith.constant 0 : i32
        %lt3A_1505 = vector.broadcast %lt3A_1504 : i32 to vector<16xi32>
        %lt3A_1506 = arith.cmpi slt, %and3A_41, %lt3A_1505 : vector<16xi32>
        %add3A_1507 = arith.constant 16 : i32
        %add3A_1508 = vector.broadcast %add3A_1507 : i32 to vector<16xi32>
        %add3A_1509 = arith.addi %and3A_41, %add3A_1508 : vector<16xi32>
        %select_n3A_1510 = arith.select %lt3A_1506, %add3A_1509, %and3A_41 : vector<16xi1>, vector<16xi32>
        %broadcast_in_dim3A_1511 = vector.shape_cast %select_n3A_1510 : vector<16xi32> to vector<16x1xi32>
        %gather3A_1512 = vector.shape_cast %broadcast_in_dim3A_1511 : vector<16x1xi32> to vector<16xi32>
        %gather3A_1513 = tpu.dynamic_gather %add3A_436[%gather3A_1512] in [0] : vector<16xf32>, vector<16xi32> -> vector<16xf32>
        %add3A_1514 = arith.addf %gather3A_1503, %gather3A_1513 : vector<16xf32>
        %select_n3A_1515 = arith.select %lt3A_43, %add3A_1493, %add3A_1514 : vector<16xi1>, vector<16xf32>
        %lt3A_1516 = arith.constant 0 : i32
        %lt3A_1517 = vector.broadcast %lt3A_1516 : i32 to vector<16xi32>
        %lt3A_1518 = arith.cmpi slt, %and3A_32, %lt3A_1517 : vector<16xi32>
        %add3A_1519 = arith.constant 16 : i32
        %add3A_1520 = vector.broadcast %add3A_1519 : i32 to vector<16xi32>
        %add3A_1521 = arith.addi %and3A_32, %add3A_1520 : vector<16xi32>
        %select_n3A_1522 = arith.select %lt3A_1518, %add3A_1521, %and3A_32 : vector<16xi1>, vector<16xi32>
        %broadcast_in_dim3A_1523 = vector.shape_cast %select_n3A_1522 : vector<16xi32> to vector<16x1xi32>
        %gather3A_1524 = vector.shape_cast %broadcast_in_dim3A_1523 : vector<16x1xi32> to vector<16xi32>
        %gather3A_1525 = tpu.dynamic_gather %add3A_519[%gather3A_1524] in [0] : vector<16xf32>, vector<16xi32> -> vector<16xf32>
        %lt3A_1526 = arith.constant 0 : i32
        %lt3A_1527 = vector.broadcast %lt3A_1526 : i32 to vector<16xi32>
        %lt3A_1528 = arith.cmpi slt, %and3A_41, %lt3A_1527 : vector<16xi32>
        %add3A_1529 = arith.constant 16 : i32
        %add3A_1530 = vector.broadcast %add3A_1529 : i32 to vector<16xi32>
        %add3A_1531 = arith.addi %and3A_41, %add3A_1530 : vector<16xi32>
        %select_n3A_1532 = arith.select %lt3A_1528, %add3A_1531, %and3A_41 : vector<16xi1>, vector<16xi32>
        %broadcast_in_dim3A_1533 = vector.shape_cast %select_n3A_1532 : vector<16xi32> to vector<16x1xi32>
        %gather3A_1534 = vector.shape_cast %broadcast_in_dim3A_1533 : vector<16x1xi32> to vector<16xi32>
        %gather3A_1535 = tpu.dynamic_gather %add3A_519[%gather3A_1534] in [0] : vector<16xf32>, vector<16xi32> -> vector<16xf32>
        %add3A_1536 = arith.addf %gather3A_1525, %gather3A_1535 : vector<16xf32>
        %lt3A_1537 = arith.constant 0 : i32
        %lt3A_1538 = vector.broadcast %lt3A_1537 : i32 to vector<16xi32>
        %lt3A_1539 = arith.cmpi slt, %and3A_32, %lt3A_1538 : vector<16xi32>
        %add3A_1540 = arith.constant 16 : i32
        %add3A_1541 = vector.broadcast %add3A_1540 : i32 to vector<16xi32>
        %add3A_1542 = arith.addi %and3A_32, %add3A_1541 : vector<16xi32>
        %select_n3A_1543 = arith.select %lt3A_1539, %add3A_1542, %and3A_32 : vector<16xi1>, vector<16xi32>
        %broadcast_in_dim3A_1544 = vector.shape_cast %select_n3A_1543 : vector<16xi32> to vector<16x1xi32>
        %gather3A_1545 = vector.shape_cast %broadcast_in_dim3A_1544 : vector<16x1xi32> to vector<16xi32>
        %gather3A_1546 = tpu.dynamic_gather %add3A_602[%gather3A_1545] in [0] : vector<16xf32>, vector<16xi32> -> vector<16xf32>
        %lt3A_1547 = arith.constant 0 : i32
        %lt3A_1548 = vector.broadcast %lt3A_1547 : i32 to vector<16xi32>
        %lt3A_1549 = arith.cmpi slt, %and3A_41, %lt3A_1548 : vector<16xi32>
        %add3A_1550 = arith.constant 16 : i32
        %add3A_1551 = vector.broadcast %add3A_1550 : i32 to vector<16xi32>
        %add3A_1552 = arith.addi %and3A_41, %add3A_1551 : vector<16xi32>
        %select_n3A_1553 = arith.select %lt3A_1549, %add3A_1552, %and3A_41 : vector<16xi1>, vector<16xi32>
        %broadcast_in_dim3A_1554 = vector.shape_cast %select_n3A_1553 : vector<16xi32> to vector<16x1xi32>
        %gather3A_1555 = vector.shape_cast %broadcast_in_dim3A_1554 : vector<16x1xi32> to vector<16xi32>
        %gather3A_1556 = tpu.dynamic_gather %add3A_602[%gather3A_1555] in [0] : vector<16xf32>, vector<16xi32> -> vector<16xf32>
        %add3A_1557 = arith.addf %gather3A_1546, %gather3A_1556 : vector<16xf32>
        %select_n3A_1558 = arith.select %lt3A_43, %add3A_1536, %add3A_1557 : vector<16xi1>, vector<16xf32>
        %lt3A_1559 = arith.constant 0 : i32
        %lt3A_1560 = vector.broadcast %lt3A_1559 : i32 to vector<16xi32>
        %lt3A_1561 = arith.cmpi slt, %and3A_32, %lt3A_1560 : vector<16xi32>
        %add3A_1562 = arith.constant 16 : i32
        %add3A_1563 = vector.broadcast %add3A_1562 : i32 to vector<16xi32>
        %add3A_1564 = arith.addi %and3A_32, %add3A_1563 : vector<16xi32>
        %select_n3A_1565 = arith.select %lt3A_1561, %add3A_1564, %and3A_32 : vector<16xi1>, vector<16xi32>
        %broadcast_in_dim3A_1566 = vector.shape_cast %select_n3A_1565 : vector<16xi32> to vector<16x1xi32>
        %gather3A_1567 = vector.shape_cast %broadcast_in_dim3A_1566 : vector<16x1xi32> to vector<16xi32>
        %gather3A_1568 = tpu.dynamic_gather %add3A_685[%gather3A_1567] in [0] : vector<16xf32>, vector<16xi32> -> vector<16xf32>
        %lt3A_1569 = arith.constant 0 : i32
        %lt3A_1570 = vector.broadcast %lt3A_1569 : i32 to vector<16xi32>
        %lt3A_1571 = arith.cmpi slt, %and3A_41, %lt3A_1570 : vector<16xi32>
        %add3A_1572 = arith.constant 16 : i32
        %add3A_1573 = vector.broadcast %add3A_1572 : i32 to vector<16xi32>
        %add3A_1574 = arith.addi %and3A_41, %add3A_1573 : vector<16xi32>
        %select_n3A_1575 = arith.select %lt3A_1571, %add3A_1574, %and3A_41 : vector<16xi1>, vector<16xi32>
        %broadcast_in_dim3A_1576 = vector.shape_cast %select_n3A_1575 : vector<16xi32> to vector<16x1xi32>
        %gather3A_1577 = vector.shape_cast %broadcast_in_dim3A_1576 : vector<16x1xi32> to vector<16xi32>
        %gather3A_1578 = tpu.dynamic_gather %add3A_685[%gather3A_1577] in [0] : vector<16xf32>, vector<16xi32> -> vector<16xf32>
        %add3A_1579 = arith.addf %gather3A_1568, %gather3A_1578 : vector<16xf32>
        %lt3A_1580 = arith.constant 0 : i32
        %lt3A_1581 = vector.broadcast %lt3A_1580 : i32 to vector<16xi32>
        %lt3A_1582 = arith.cmpi slt, %and3A_32, %lt3A_1581 : vector<16xi32>
        %add3A_1583 = arith.constant 16 : i32
        %add3A_1584 = vector.broadcast %add3A_1583 : i32 to vector<16xi32>
        %add3A_1585 = arith.addi %and3A_32, %add3A_1584 : vector<16xi32>
        %select_n3A_1586 = arith.select %lt3A_1582, %add3A_1585, %and3A_32 : vector<16xi1>, vector<16xi32>
        %broadcast_in_dim3A_1587 = vector.shape_cast %select_n3A_1586 : vector<16xi32> to vector<16x1xi32>
        %gather3A_1588 = vector.shape_cast %broadcast_in_dim3A_1587 : vector<16x1xi32> to vector<16xi32>
        %gather3A_1589 = tpu.dynamic_gather %add3A_768[%gather3A_1588] in [0] : vector<16xf32>, vector<16xi32> -> vector<16xf32>
        %lt3A_1590 = arith.constant 0 : i32
        %lt3A_1591 = vector.broadcast %lt3A_1590 : i32 to vector<16xi32>
        %lt3A_1592 = arith.cmpi slt, %and3A_41, %lt3A_1591 : vector<16xi32>
        %add3A_1593 = arith.constant 16 : i32
        %add3A_1594 = vector.broadcast %add3A_1593 : i32 to vector<16xi32>
        %add3A_1595 = arith.addi %and3A_41, %add3A_1594 : vector<16xi32>
        %select_n3A_1596 = arith.select %lt3A_1592, %add3A_1595, %and3A_41 : vector<16xi1>, vector<16xi32>
        %broadcast_in_dim3A_1597 = vector.shape_cast %select_n3A_1596 : vector<16xi32> to vector<16x1xi32>
        %gather3A_1598 = vector.shape_cast %broadcast_in_dim3A_1597 : vector<16x1xi32> to vector<16xi32>
        %gather3A_1599 = tpu.dynamic_gather %add3A_768[%gather3A_1598] in [0] : vector<16xf32>, vector<16xi32> -> vector<16xf32>
        %add3A_1600 = arith.addf %gather3A_1589, %gather3A_1599 : vector<16xf32>
        %select_n3A_1601 = arith.select %lt3A_43, %add3A_1579, %add3A_1600 : vector<16xi1>, vector<16xf32>
        %lt3A_1602 = arith.constant 0 : i32
        %lt3A_1603 = vector.broadcast %lt3A_1602 : i32 to vector<16xi32>
        %lt3A_1604 = arith.cmpi slt, %and3A_32, %lt3A_1603 : vector<16xi32>
        %add3A_1605 = arith.constant 16 : i32
        %add3A_1606 = vector.broadcast %add3A_1605 : i32 to vector<16xi32>
        %add3A_1607 = arith.addi %and3A_32, %add3A_1606 : vector<16xi32>
        %select_n3A_1608 = arith.select %lt3A_1604, %add3A_1607, %and3A_32 : vector<16xi1>, vector<16xi32>
        %broadcast_in_dim3A_1609 = vector.shape_cast %select_n3A_1608 : vector<16xi32> to vector<16x1xi32>
        %gather3A_1610 = vector.shape_cast %broadcast_in_dim3A_1609 : vector<16x1xi32> to vector<16xi32>
        %gather3A_1611 = tpu.dynamic_gather %add3A_851[%gather3A_1610] in [0] : vector<16xf32>, vector<16xi32> -> vector<16xf32>
        %lt3A_1612 = arith.constant 0 : i32
        %lt3A_1613 = vector.broadcast %lt3A_1612 : i32 to vector<16xi32>
        %lt3A_1614 = arith.cmpi slt, %and3A_41, %lt3A_1613 : vector<16xi32>
        %add3A_1615 = arith.constant 16 : i32
        %add3A_1616 = vector.broadcast %add3A_1615 : i32 to vector<16xi32>
        %add3A_1617 = arith.addi %and3A_41, %add3A_1616 : vector<16xi32>
        %select_n3A_1618 = arith.select %lt3A_1614, %add3A_1617, %and3A_41 : vector<16xi1>, vector<16xi32>
        %broadcast_in_dim3A_1619 = vector.shape_cast %select_n3A_1618 : vector<16xi32> to vector<16x1xi32>
        %gather3A_1620 = vector.shape_cast %broadcast_in_dim3A_1619 : vector<16x1xi32> to vector<16xi32>
        %gather3A_1621 = tpu.dynamic_gather %add3A_851[%gather3A_1620] in [0] : vector<16xf32>, vector<16xi32> -> vector<16xf32>
        %add3A_1622 = arith.addf %gather3A_1611, %gather3A_1621 : vector<16xf32>
        %lt3A_1623 = arith.constant 0 : i32
        %lt3A_1624 = vector.broadcast %lt3A_1623 : i32 to vector<16xi32>
        %lt3A_1625 = arith.cmpi slt, %and3A_32, %lt3A_1624 : vector<16xi32>
        %add3A_1626 = arith.constant 16 : i32
        %add3A_1627 = vector.broadcast %add3A_1626 : i32 to vector<16xi32>
        %add3A_1628 = arith.addi %and3A_32, %add3A_1627 : vector<16xi32>
        %select_n3A_1629 = arith.select %lt3A_1625, %add3A_1628, %and3A_32 : vector<16xi1>, vector<16xi32>
        %broadcast_in_dim3A_1630 = vector.shape_cast %select_n3A_1629 : vector<16xi32> to vector<16x1xi32>
        %gather3A_1631 = vector.shape_cast %broadcast_in_dim3A_1630 : vector<16x1xi32> to vector<16xi32>
        %gather3A_1632 = tpu.dynamic_gather %add3A_934[%gather3A_1631] in [0] : vector<16xf32>, vector<16xi32> -> vector<16xf32>
        %lt3A_1633 = arith.constant 0 : i32
        %lt3A_1634 = vector.broadcast %lt3A_1633 : i32 to vector<16xi32>
        %lt3A_1635 = arith.cmpi slt, %and3A_41, %lt3A_1634 : vector<16xi32>
        %add3A_1636 = arith.constant 16 : i32
        %add3A_1637 = vector.broadcast %add3A_1636 : i32 to vector<16xi32>
        %add3A_1638 = arith.addi %and3A_41, %add3A_1637 : vector<16xi32>
        %select_n3A_1639 = arith.select %lt3A_1635, %add3A_1638, %and3A_41 : vector<16xi1>, vector<16xi32>
        %broadcast_in_dim3A_1640 = vector.shape_cast %select_n3A_1639 : vector<16xi32> to vector<16x1xi32>
        %gather3A_1641 = vector.shape_cast %broadcast_in_dim3A_1640 : vector<16x1xi32> to vector<16xi32>
        %gather3A_1642 = tpu.dynamic_gather %add3A_934[%gather3A_1641] in [0] : vector<16xf32>, vector<16xi32> -> vector<16xf32>
        %add3A_1643 = arith.addf %gather3A_1632, %gather3A_1642 : vector<16xf32>
        %select_n3A_1644 = arith.select %lt3A_43, %add3A_1622, %add3A_1643 : vector<16xi1>, vector<16xf32>
        %lt3A_1645 = arith.constant 0 : i32
        %lt3A_1646 = vector.broadcast %lt3A_1645 : i32 to vector<16xi32>
        %lt3A_1647 = arith.cmpi slt, %and3A_32, %lt3A_1646 : vector<16xi32>
        %add3A_1648 = arith.constant 16 : i32
        %add3A_1649 = vector.broadcast %add3A_1648 : i32 to vector<16xi32>
        %add3A_1650 = arith.addi %and3A_32, %add3A_1649 : vector<16xi32>
        %select_n3A_1651 = arith.select %lt3A_1647, %add3A_1650, %and3A_32 : vector<16xi1>, vector<16xi32>
        %broadcast_in_dim3A_1652 = vector.shape_cast %select_n3A_1651 : vector<16xi32> to vector<16x1xi32>
        %gather3A_1653 = vector.shape_cast %broadcast_in_dim3A_1652 : vector<16x1xi32> to vector<16xi32>
        %gather3A_1654 = tpu.dynamic_gather %add3A_1017[%gather3A_1653] in [0] : vector<16xf32>, vector<16xi32> -> vector<16xf32>
        %lt3A_1655 = arith.constant 0 : i32
        %lt3A_1656 = vector.broadcast %lt3A_1655 : i32 to vector<16xi32>
        %lt3A_1657 = arith.cmpi slt, %and3A_41, %lt3A_1656 : vector<16xi32>
        %add3A_1658 = arith.constant 16 : i32
        %add3A_1659 = vector.broadcast %add3A_1658 : i32 to vector<16xi32>
        %add3A_1660 = arith.addi %and3A_41, %add3A_1659 : vector<16xi32>
        %select_n3A_1661 = arith.select %lt3A_1657, %add3A_1660, %and3A_41 : vector<16xi1>, vector<16xi32>
        %broadcast_in_dim3A_1662 = vector.shape_cast %select_n3A_1661 : vector<16xi32> to vector<16x1xi32>
        %gather3A_1663 = vector.shape_cast %broadcast_in_dim3A_1662 : vector<16x1xi32> to vector<16xi32>
        %gather3A_1664 = tpu.dynamic_gather %add3A_1017[%gather3A_1663] in [0] : vector<16xf32>, vector<16xi32> -> vector<16xf32>
        %add3A_1665 = arith.addf %gather3A_1654, %gather3A_1664 : vector<16xf32>
        %lt3A_1666 = arith.constant 0 : i32
        %lt3A_1667 = vector.broadcast %lt3A_1666 : i32 to vector<16xi32>
        %lt3A_1668 = arith.cmpi slt, %and3A_32, %lt3A_1667 : vector<16xi32>
        %add3A_1669 = arith.constant 16 : i32
        %add3A_1670 = vector.broadcast %add3A_1669 : i32 to vector<16xi32>
        %add3A_1671 = arith.addi %and3A_32, %add3A_1670 : vector<16xi32>
        %select_n3A_1672 = arith.select %lt3A_1668, %add3A_1671, %and3A_32 : vector<16xi1>, vector<16xi32>
        %broadcast_in_dim3A_1673 = vector.shape_cast %select_n3A_1672 : vector<16xi32> to vector<16x1xi32>
        %gather3A_1674 = vector.shape_cast %broadcast_in_dim3A_1673 : vector<16x1xi32> to vector<16xi32>
        %gather3A_1675 = tpu.dynamic_gather %add3A_1100[%gather3A_1674] in [0] : vector<16xf32>, vector<16xi32> -> vector<16xf32>
        %lt3A_1676 = arith.constant 0 : i32
        %lt3A_1677 = vector.broadcast %lt3A_1676 : i32 to vector<16xi32>
        %lt3A_1678 = arith.cmpi slt, %and3A_41, %lt3A_1677 : vector<16xi32>
        %add3A_1679 = arith.constant 16 : i32
        %add3A_1680 = vector.broadcast %add3A_1679 : i32 to vector<16xi32>
        %add3A_1681 = arith.addi %and3A_41, %add3A_1680 : vector<16xi32>
        %select_n3A_1682 = arith.select %lt3A_1678, %add3A_1681, %and3A_41 : vector<16xi1>, vector<16xi32>
        %broadcast_in_dim3A_1683 = vector.shape_cast %select_n3A_1682 : vector<16xi32> to vector<16x1xi32>
        %gather3A_1684 = vector.shape_cast %broadcast_in_dim3A_1683 : vector<16x1xi32> to vector<16xi32>
        %gather3A_1685 = tpu.dynamic_gather %add3A_1100[%gather3A_1684] in [0] : vector<16xf32>, vector<16xi32> -> vector<16xf32>
        %add3A_1686 = arith.addf %gather3A_1675, %gather3A_1685 : vector<16xf32>
        %select_n3A_1687 = arith.select %lt3A_43, %add3A_1665, %add3A_1686 : vector<16xi1>, vector<16xf32>
        %lt3A_1688 = arith.constant 0 : i32
        %lt3A_1689 = vector.broadcast %lt3A_1688 : i32 to vector<16xi32>
        %lt3A_1690 = arith.cmpi slt, %and3A_32, %lt3A_1689 : vector<16xi32>
        %add3A_1691 = arith.constant 16 : i32
        %add3A_1692 = vector.broadcast %add3A_1691 : i32 to vector<16xi32>
        %add3A_1693 = arith.addi %and3A_32, %add3A_1692 : vector<16xi32>
        %select_n3A_1694 = arith.select %lt3A_1690, %add3A_1693, %and3A_32 : vector<16xi1>, vector<16xi32>
        %broadcast_in_dim3A_1695 = vector.shape_cast %select_n3A_1694 : vector<16xi32> to vector<16x1xi32>
        %gather3A_1696 = vector.shape_cast %broadcast_in_dim3A_1695 : vector<16x1xi32> to vector<16xi32>
        %gather3A_1697 = tpu.dynamic_gather %add3A_1183[%gather3A_1696] in [0] : vector<16xf32>, vector<16xi32> -> vector<16xf32>
        %lt3A_1698 = arith.constant 0 : i32
        %lt3A_1699 = vector.broadcast %lt3A_1698 : i32 to vector<16xi32>
        %lt3A_1700 = arith.cmpi slt, %and3A_41, %lt3A_1699 : vector<16xi32>
        %add3A_1701 = arith.constant 16 : i32
        %add3A_1702 = vector.broadcast %add3A_1701 : i32 to vector<16xi32>
        %add3A_1703 = arith.addi %and3A_41, %add3A_1702 : vector<16xi32>
        %select_n3A_1704 = arith.select %lt3A_1700, %add3A_1703, %and3A_41 : vector<16xi1>, vector<16xi32>
        %broadcast_in_dim3A_1705 = vector.shape_cast %select_n3A_1704 : vector<16xi32> to vector<16x1xi32>
        %gather3A_1706 = vector.shape_cast %broadcast_in_dim3A_1705 : vector<16x1xi32> to vector<16xi32>
        %gather3A_1707 = tpu.dynamic_gather %add3A_1183[%gather3A_1706] in [0] : vector<16xf32>, vector<16xi32> -> vector<16xf32>
        %add3A_1708 = arith.addf %gather3A_1697, %gather3A_1707 : vector<16xf32>
        %lt3A_1709 = arith.constant 0 : i32
        %lt3A_1710 = vector.broadcast %lt3A_1709 : i32 to vector<16xi32>
        %lt3A_1711 = arith.cmpi slt, %and3A_32, %lt3A_1710 : vector<16xi32>
        %add3A_1712 = arith.constant 16 : i32
        %add3A_1713 = vector.broadcast %add3A_1712 : i32 to vector<16xi32>
        %add3A_1714 = arith.addi %and3A_32, %add3A_1713 : vector<16xi32>
        %select_n3A_1715 = arith.select %lt3A_1711, %add3A_1714, %and3A_32 : vector<16xi1>, vector<16xi32>
        %broadcast_in_dim3A_1716 = vector.shape_cast %select_n3A_1715 : vector<16xi32> to vector<16x1xi32>
        %gather3A_1717 = vector.shape_cast %broadcast_in_dim3A_1716 : vector<16x1xi32> to vector<16xi32>
        %gather3A_1718 = tpu.dynamic_gather %add3A_1266[%gather3A_1717] in [0] : vector<16xf32>, vector<16xi32> -> vector<16xf32>
        %lt3A_1719 = arith.constant 0 : i32
        %lt3A_1720 = vector.broadcast %lt3A_1719 : i32 to vector<16xi32>
        %lt3A_1721 = arith.cmpi slt, %and3A_41, %lt3A_1720 : vector<16xi32>
        %add3A_1722 = arith.constant 16 : i32
        %add3A_1723 = vector.broadcast %add3A_1722 : i32 to vector<16xi32>
        %add3A_1724 = arith.addi %and3A_41, %add3A_1723 : vector<16xi32>
        %select_n3A_1725 = arith.select %lt3A_1721, %add3A_1724, %and3A_41 : vector<16xi1>, vector<16xi32>
        %broadcast_in_dim3A_1726 = vector.shape_cast %select_n3A_1725 : vector<16xi32> to vector<16x1xi32>
        %gather3A_1727 = vector.shape_cast %broadcast_in_dim3A_1726 : vector<16x1xi32> to vector<16xi32>
        %gather3A_1728 = tpu.dynamic_gather %add3A_1266[%gather3A_1727] in [0] : vector<16xf32>, vector<16xi32> -> vector<16xf32>
        %add3A_1729 = arith.addf %gather3A_1718, %gather3A_1728 : vector<16xf32>
        %select_n3A_1730 = arith.select %lt3A_43, %add3A_1708, %add3A_1729 : vector<16xi1>, vector<16xf32>
        %lt3A_1731 = arith.constant 0 : i32
        %lt3A_1732 = vector.broadcast %lt3A_1731 : i32 to vector<16xi32>
        %lt3A_1733 = arith.cmpi slt, %and3A_32, %lt3A_1732 : vector<16xi32>
        %add3A_1734 = arith.constant 16 : i32
        %add3A_1735 = vector.broadcast %add3A_1734 : i32 to vector<16xi32>
        %add3A_1736 = arith.addi %and3A_32, %add3A_1735 : vector<16xi32>
        %select_n3A_1737 = arith.select %lt3A_1733, %add3A_1736, %and3A_32 : vector<16xi1>, vector<16xi32>
        %broadcast_in_dim3A_1738 = vector.shape_cast %select_n3A_1737 : vector<16xi32> to vector<16x1xi32>
        %gather3A_1739 = vector.shape_cast %broadcast_in_dim3A_1738 : vector<16x1xi32> to vector<16xi32>
        %gather3A_1740 = tpu.dynamic_gather %add3A_1349[%gather3A_1739] in [0] : vector<16xf32>, vector<16xi32> -> vector<16xf32>
        %lt3A_1741 = arith.constant 0 : i32
        %lt3A_1742 = vector.broadcast %lt3A_1741 : i32 to vector<16xi32>
        %lt3A_1743 = arith.cmpi slt, %and3A_41, %lt3A_1742 : vector<16xi32>
        %add3A_1744 = arith.constant 16 : i32
        %add3A_1745 = vector.broadcast %add3A_1744 : i32 to vector<16xi32>
        %add3A_1746 = arith.addi %and3A_41, %add3A_1745 : vector<16xi32>
        %select_n3A_1747 = arith.select %lt3A_1743, %add3A_1746, %and3A_41 : vector<16xi1>, vector<16xi32>
        %broadcast_in_dim3A_1748 = vector.shape_cast %select_n3A_1747 : vector<16xi32> to vector<16x1xi32>
        %gather3A_1749 = vector.shape_cast %broadcast_in_dim3A_1748 : vector<16x1xi32> to vector<16xi32>
        %gather3A_1750 = tpu.dynamic_gather %add3A_1349[%gather3A_1749] in [0] : vector<16xf32>, vector<16xi32> -> vector<16xf32>
        %add3A_1751 = arith.addf %gather3A_1740, %gather3A_1750 : vector<16xf32>
        %lt3A_1752 = arith.constant 0 : i32
        %lt3A_1753 = vector.broadcast %lt3A_1752 : i32 to vector<16xi32>
        %lt3A_1754 = arith.cmpi slt, %and3A_32, %lt3A_1753 : vector<16xi32>
        %add3A_1755 = arith.constant 16 : i32
        %add3A_1756 = vector.broadcast %add3A_1755 : i32 to vector<16xi32>
        %add3A_1757 = arith.addi %and3A_32, %add3A_1756 : vector<16xi32>
        %select_n3A_1758 = arith.select %lt3A_1754, %add3A_1757, %and3A_32 : vector<16xi1>, vector<16xi32>
        %broadcast_in_dim3A_1759 = vector.shape_cast %select_n3A_1758 : vector<16xi32> to vector<16x1xi32>
        %gather3A_1760 = vector.shape_cast %broadcast_in_dim3A_1759 : vector<16x1xi32> to vector<16xi32>
        %gather3A_1761 = tpu.dynamic_gather %add3A_1432[%gather3A_1760] in [0] : vector<16xf32>, vector<16xi32> -> vector<16xf32>
        %lt3A_1762 = arith.constant 0 : i32
        %lt3A_1763 = vector.broadcast %lt3A_1762 : i32 to vector<16xi32>
        %lt3A_1764 = arith.cmpi slt, %and3A_41, %lt3A_1763 : vector<16xi32>
        %add3A_1765 = arith.constant 16 : i32
        %add3A_1766 = vector.broadcast %add3A_1765 : i32 to vector<16xi32>
        %add3A_1767 = arith.addi %and3A_41, %add3A_1766 : vector<16xi32>
        %select_n3A_1768 = arith.select %lt3A_1764, %add3A_1767, %and3A_41 : vector<16xi1>, vector<16xi32>
        %broadcast_in_dim3A_1769 = vector.shape_cast %select_n3A_1768 : vector<16xi32> to vector<16x1xi32>
        %gather3A_1770 = vector.shape_cast %broadcast_in_dim3A_1769 : vector<16x1xi32> to vector<16xi32>
        %gather3A_1771 = tpu.dynamic_gather %add3A_1432[%gather3A_1770] in [0] : vector<16xf32>, vector<16xi32> -> vector<16xf32>
        %add3A_1772 = arith.addf %gather3A_1761, %gather3A_1771 : vector<16xf32>
        %select_n3A_1773 = arith.select %lt3A_43, %add3A_1751, %add3A_1772 : vector<16xi1>, vector<16xf32>
        %lt3A_1774 = arith.constant 0 : i32
        %lt3A_1775 = vector.broadcast %lt3A_1774 : i32 to vector<16xi32>
        %lt3A_1776 = arith.cmpi slt, %and3A_32, %lt3A_1775 : vector<16xi32>
        %add3A_1777 = arith.constant 16 : i32
        %add3A_1778 = vector.broadcast %add3A_1777 : i32 to vector<16xi32>
        %add3A_1779 = arith.addi %and3A_32, %add3A_1778 : vector<16xi32>
        %select_n3A_1780 = arith.select %lt3A_1776, %add3A_1779, %and3A_32 : vector<16xi1>, vector<16xi32>
        %broadcast_in_dim3A_1781 = vector.shape_cast %select_n3A_1780 : vector<16xi32> to vector<16x1xi32>
        %gather3A_1782 = vector.shape_cast %broadcast_in_dim3A_1781 : vector<16x1xi32> to vector<16xi32>
        %gather3A_1783 = tpu.dynamic_gather %select_n3A_1472[%gather3A_1782] in [0] : vector<16xf32>, vector<16xi32> -> vector<16xf32>
        %lt3A_1784 = arith.constant 0 : i32
        %lt3A_1785 = vector.broadcast %lt3A_1784 : i32 to vector<16xi32>
        %lt3A_1786 = arith.cmpi slt, %and3A_41, %lt3A_1785 : vector<16xi32>
        %add3A_1787 = arith.constant 16 : i32
        %add3A_1788 = vector.broadcast %add3A_1787 : i32 to vector<16xi32>
        %add3A_1789 = arith.addi %and3A_41, %add3A_1788 : vector<16xi32>
        %select_n3A_1790 = arith.select %lt3A_1786, %add3A_1789, %and3A_41 : vector<16xi1>, vector<16xi32>
        %broadcast_in_dim3A_1791 = vector.shape_cast %select_n3A_1790 : vector<16xi32> to vector<16x1xi32>
        %gather3A_1792 = vector.shape_cast %broadcast_in_dim3A_1791 : vector<16x1xi32> to vector<16xi32>
        %gather3A_1793 = tpu.dynamic_gather %select_n3A_1472[%gather3A_1792] in [0] : vector<16xf32>, vector<16xi32> -> vector<16xf32>
        %add3A_1794 = arith.addf %gather3A_1783, %gather3A_1793 : vector<16xf32>
        %lt3A_1795 = arith.constant 0 : i32
        %lt3A_1796 = vector.broadcast %lt3A_1795 : i32 to vector<16xi32>
        %lt3A_1797 = arith.cmpi slt, %and3A_32, %lt3A_1796 : vector<16xi32>
        %add3A_1798 = arith.constant 16 : i32
        %add3A_1799 = vector.broadcast %add3A_1798 : i32 to vector<16xi32>
        %add3A_1800 = arith.addi %and3A_32, %add3A_1799 : vector<16xi32>
        %select_n3A_1801 = arith.select %lt3A_1797, %add3A_1800, %and3A_32 : vector<16xi1>, vector<16xi32>
        %broadcast_in_dim3A_1802 = vector.shape_cast %select_n3A_1801 : vector<16xi32> to vector<16x1xi32>
        %gather3A_1803 = vector.shape_cast %broadcast_in_dim3A_1802 : vector<16x1xi32> to vector<16xi32>
        %gather3A_1804 = tpu.dynamic_gather %select_n3A_1515[%gather3A_1803] in [0] : vector<16xf32>, vector<16xi32> -> vector<16xf32>
        %lt3A_1805 = arith.constant 0 : i32
        %lt3A_1806 = vector.broadcast %lt3A_1805 : i32 to vector<16xi32>
        %lt3A_1807 = arith.cmpi slt, %and3A_41, %lt3A_1806 : vector<16xi32>
        %add3A_1808 = arith.constant 16 : i32
        %add3A_1809 = vector.broadcast %add3A_1808 : i32 to vector<16xi32>
        %add3A_1810 = arith.addi %and3A_41, %add3A_1809 : vector<16xi32>
        %select_n3A_1811 = arith.select %lt3A_1807, %add3A_1810, %and3A_41 : vector<16xi1>, vector<16xi32>
        %broadcast_in_dim3A_1812 = vector.shape_cast %select_n3A_1811 : vector<16xi32> to vector<16x1xi32>
        %gather3A_1813 = vector.shape_cast %broadcast_in_dim3A_1812 : vector<16x1xi32> to vector<16xi32>
        %gather3A_1814 = tpu.dynamic_gather %select_n3A_1515[%gather3A_1813] in [0] : vector<16xf32>, vector<16xi32> -> vector<16xf32>
        %add3A_1815 = arith.addf %gather3A_1804, %gather3A_1814 : vector<16xf32>
        %select_n3A_1816 = arith.select %lt3A_43, %add3A_1794, %add3A_1815 : vector<16xi1>, vector<16xf32>
        %lt3A_1817 = arith.constant 0 : i32
        %lt3A_1818 = vector.broadcast %lt3A_1817 : i32 to vector<16xi32>
        %lt3A_1819 = arith.cmpi slt, %and3A_32, %lt3A_1818 : vector<16xi32>
        %add3A_1820 = arith.constant 16 : i32
        %add3A_1821 = vector.broadcast %add3A_1820 : i32 to vector<16xi32>
        %add3A_1822 = arith.addi %and3A_32, %add3A_1821 : vector<16xi32>
        %select_n3A_1823 = arith.select %lt3A_1819, %add3A_1822, %and3A_32 : vector<16xi1>, vector<16xi32>
        %broadcast_in_dim3A_1824 = vector.shape_cast %select_n3A_1823 : vector<16xi32> to vector<16x1xi32>
        %gather3A_1825 = vector.shape_cast %broadcast_in_dim3A_1824 : vector<16x1xi32> to vector<16xi32>
        %gather3A_1826 = tpu.dynamic_gather %select_n3A_1558[%gather3A_1825] in [0] : vector<16xf32>, vector<16xi32> -> vector<16xf32>
        %lt3A_1827 = arith.constant 0 : i32
        %lt3A_1828 = vector.broadcast %lt3A_1827 : i32 to vector<16xi32>
        %lt3A_1829 = arith.cmpi slt, %and3A_41, %lt3A_1828 : vector<16xi32>
        %add3A_1830 = arith.constant 16 : i32
        %add3A_1831 = vector.broadcast %add3A_1830 : i32 to vector<16xi32>
        %add3A_1832 = arith.addi %and3A_41, %add3A_1831 : vector<16xi32>
        %select_n3A_1833 = arith.select %lt3A_1829, %add3A_1832, %and3A_41 : vector<16xi1>, vector<16xi32>
        %broadcast_in_dim3A_1834 = vector.shape_cast %select_n3A_1833 : vector<16xi32> to vector<16x1xi32>
        %gather3A_1835 = vector.shape_cast %broadcast_in_dim3A_1834 : vector<16x1xi32> to vector<16xi32>
        %gather3A_1836 = tpu.dynamic_gather %select_n3A_1558[%gather3A_1835] in [0] : vector<16xf32>, vector<16xi32> -> vector<16xf32>
        %add3A_1837 = arith.addf %gather3A_1826, %gather3A_1836 : vector<16xf32>
        %lt3A_1838 = arith.constant 0 : i32
        %lt3A_1839 = vector.broadcast %lt3A_1838 : i32 to vector<16xi32>
        %lt3A_1840 = arith.cmpi slt, %and3A_32, %lt3A_1839 : vector<16xi32>
        %add3A_1841 = arith.constant 16 : i32
        %add3A_1842 = vector.broadcast %add3A_1841 : i32 to vector<16xi32>
        %add3A_1843 = arith.addi %and3A_32, %add3A_1842 : vector<16xi32>
        %select_n3A_1844 = arith.select %lt3A_1840, %add3A_1843, %and3A_32 : vector<16xi1>, vector<16xi32>
        %broadcast_in_dim3A_1845 = vector.shape_cast %select_n3A_1844 : vector<16xi32> to vector<16x1xi32>
        %gather3A_1846 = vector.shape_cast %broadcast_in_dim3A_1845 : vector<16x1xi32> to vector<16xi32>
        %gather3A_1847 = tpu.dynamic_gather %select_n3A_1601[%gather3A_1846] in [0] : vector<16xf32>, vector<16xi32> -> vector<16xf32>
        %lt3A_1848 = arith.constant 0 : i32
        %lt3A_1849 = vector.broadcast %lt3A_1848 : i32 to vector<16xi32>
        %lt3A_1850 = arith.cmpi slt, %and3A_41, %lt3A_1849 : vector<16xi32>
        %add3A_1851 = arith.constant 16 : i32
        %add3A_1852 = vector.broadcast %add3A_1851 : i32 to vector<16xi32>
        %add3A_1853 = arith.addi %and3A_41, %add3A_1852 : vector<16xi32>
        %select_n3A_1854 = arith.select %lt3A_1850, %add3A_1853, %and3A_41 : vector<16xi1>, vector<16xi32>
        %broadcast_in_dim3A_1855 = vector.shape_cast %select_n3A_1854 : vector<16xi32> to vector<16x1xi32>
        %gather3A_1856 = vector.shape_cast %broadcast_in_dim3A_1855 : vector<16x1xi32> to vector<16xi32>
        %gather3A_1857 = tpu.dynamic_gather %select_n3A_1601[%gather3A_1856] in [0] : vector<16xf32>, vector<16xi32> -> vector<16xf32>
        %add3A_1858 = arith.addf %gather3A_1847, %gather3A_1857 : vector<16xf32>
        %select_n3A_1859 = arith.select %lt3A_43, %add3A_1837, %add3A_1858 : vector<16xi1>, vector<16xf32>
        %lt3A_1860 = arith.constant 0 : i32
        %lt3A_1861 = vector.broadcast %lt3A_1860 : i32 to vector<16xi32>
        %lt3A_1862 = arith.cmpi slt, %and3A_32, %lt3A_1861 : vector<16xi32>
        %add3A_1863 = arith.constant 16 : i32
        %add3A_1864 = vector.broadcast %add3A_1863 : i32 to vector<16xi32>
        %add3A_1865 = arith.addi %and3A_32, %add3A_1864 : vector<16xi32>
        %select_n3A_1866 = arith.select %lt3A_1862, %add3A_1865, %and3A_32 : vector<16xi1>, vector<16xi32>
        %broadcast_in_dim3A_1867 = vector.shape_cast %select_n3A_1866 : vector<16xi32> to vector<16x1xi32>
        %gather3A_1868 = vector.shape_cast %broadcast_in_dim3A_1867 : vector<16x1xi32> to vector<16xi32>
        %gather3A_1869 = tpu.dynamic_gather %select_n3A_1644[%gather3A_1868] in [0] : vector<16xf32>, vector<16xi32> -> vector<16xf32>
        %lt3A_1870 = arith.constant 0 : i32
        %lt3A_1871 = vector.broadcast %lt3A_1870 : i32 to vector<16xi32>
        %lt3A_1872 = arith.cmpi slt, %and3A_41, %lt3A_1871 : vector<16xi32>
        %add3A_1873 = arith.constant 16 : i32
        %add3A_1874 = vector.broadcast %add3A_1873 : i32 to vector<16xi32>
        %add3A_1875 = arith.addi %and3A_41, %add3A_1874 : vector<16xi32>
        %select_n3A_1876 = arith.select %lt3A_1872, %add3A_1875, %and3A_41 : vector<16xi1>, vector<16xi32>
        %broadcast_in_dim3A_1877 = vector.shape_cast %select_n3A_1876 : vector<16xi32> to vector<16x1xi32>
        %gather3A_1878 = vector.shape_cast %broadcast_in_dim3A_1877 : vector<16x1xi32> to vector<16xi32>
        %gather3A_1879 = tpu.dynamic_gather %select_n3A_1644[%gather3A_1878] in [0] : vector<16xf32>, vector<16xi32> -> vector<16xf32>
        %add3A_1880 = arith.addf %gather3A_1869, %gather3A_1879 : vector<16xf32>
        %lt3A_1881 = arith.constant 0 : i32
        %lt3A_1882 = vector.broadcast %lt3A_1881 : i32 to vector<16xi32>
        %lt3A_1883 = arith.cmpi slt, %and3A_32, %lt3A_1882 : vector<16xi32>
        %add3A_1884 = arith.constant 16 : i32
        %add3A_1885 = vector.broadcast %add3A_1884 : i32 to vector<16xi32>
        %add3A_1886 = arith.addi %and3A_32, %add3A_1885 : vector<16xi32>
        %select_n3A_1887 = arith.select %lt3A_1883, %add3A_1886, %and3A_32 : vector<16xi1>, vector<16xi32>
        %broadcast_in_dim3A_1888 = vector.shape_cast %select_n3A_1887 : vector<16xi32> to vector<16x1xi32>
        %gather3A_1889 = vector.shape_cast %broadcast_in_dim3A_1888 : vector<16x1xi32> to vector<16xi32>
        %gather3A_1890 = tpu.dynamic_gather %select_n3A_1687[%gather3A_1889] in [0] : vector<16xf32>, vector<16xi32> -> vector<16xf32>
        %lt3A_1891 = arith.constant 0 : i32
        %lt3A_1892 = vector.broadcast %lt3A_1891 : i32 to vector<16xi32>
        %lt3A_1893 = arith.cmpi slt, %and3A_41, %lt3A_1892 : vector<16xi32>
        %add3A_1894 = arith.constant 16 : i32
        %add3A_1895 = vector.broadcast %add3A_1894 : i32 to vector<16xi32>
        %add3A_1896 = arith.addi %and3A_41, %add3A_1895 : vector<16xi32>
        %select_n3A_1897 = arith.select %lt3A_1893, %add3A_1896, %and3A_41 : vector<16xi1>, vector<16xi32>
        %broadcast_in_dim3A_1898 = vector.shape_cast %select_n3A_1897 : vector<16xi32> to vector<16x1xi32>
        %gather3A_1899 = vector.shape_cast %broadcast_in_dim3A_1898 : vector<16x1xi32> to vector<16xi32>
        %gather3A_1900 = tpu.dynamic_gather %select_n3A_1687[%gather3A_1899] in [0] : vector<16xf32>, vector<16xi32> -> vector<16xf32>
        %add3A_1901 = arith.addf %gather3A_1890, %gather3A_1900 : vector<16xf32>
        %select_n3A_1902 = arith.select %lt3A_43, %add3A_1880, %add3A_1901 : vector<16xi1>, vector<16xf32>
        %lt3A_1903 = arith.constant 0 : i32
        %lt3A_1904 = vector.broadcast %lt3A_1903 : i32 to vector<16xi32>
        %lt3A_1905 = arith.cmpi slt, %and3A_32, %lt3A_1904 : vector<16xi32>
        %add3A_1906 = arith.constant 16 : i32
        %add3A_1907 = vector.broadcast %add3A_1906 : i32 to vector<16xi32>
        %add3A_1908 = arith.addi %and3A_32, %add3A_1907 : vector<16xi32>
        %select_n3A_1909 = arith.select %lt3A_1905, %add3A_1908, %and3A_32 : vector<16xi1>, vector<16xi32>
        %broadcast_in_dim3A_1910 = vector.shape_cast %select_n3A_1909 : vector<16xi32> to vector<16x1xi32>
        %gather3A_1911 = vector.shape_cast %broadcast_in_dim3A_1910 : vector<16x1xi32> to vector<16xi32>
        %gather3A_1912 = tpu.dynamic_gather %select_n3A_1730[%gather3A_1911] in [0] : vector<16xf32>, vector<16xi32> -> vector<16xf32>
        %lt3A_1913 = arith.constant 0 : i32
        %lt3A_1914 = vector.broadcast %lt3A_1913 : i32 to vector<16xi32>
        %lt3A_1915 = arith.cmpi slt, %and3A_41, %lt3A_1914 : vector<16xi32>
        %add3A_1916 = arith.constant 16 : i32
        %add3A_1917 = vector.broadcast %add3A_1916 : i32 to vector<16xi32>
        %add3A_1918 = arith.addi %and3A_41, %add3A_1917 : vector<16xi32>
        %select_n3A_1919 = arith.select %lt3A_1915, %add3A_1918, %and3A_41 : vector<16xi1>, vector<16xi32>
        %broadcast_in_dim3A_1920 = vector.shape_cast %select_n3A_1919 : vector<16xi32> to vector<16x1xi32>
        %gather3A_1921 = vector.shape_cast %broadcast_in_dim3A_1920 : vector<16x1xi32> to vector<16xi32>
        %gather3A_1922 = tpu.dynamic_gather %select_n3A_1730[%gather3A_1921] in [0] : vector<16xf32>, vector<16xi32> -> vector<16xf32>
        %add3A_1923 = arith.addf %gather3A_1912, %gather3A_1922 : vector<16xf32>
        %lt3A_1924 = arith.constant 0 : i32
        %lt3A_1925 = vector.broadcast %lt3A_1924 : i32 to vector<16xi32>
        %lt3A_1926 = arith.cmpi slt, %and3A_32, %lt3A_1925 : vector<16xi32>
        %add3A_1927 = arith.constant 16 : i32
        %add3A_1928 = vector.broadcast %add3A_1927 : i32 to vector<16xi32>
        %add3A_1929 = arith.addi %and3A_32, %add3A_1928 : vector<16xi32>
        %select_n3A_1930 = arith.select %lt3A_1926, %add3A_1929, %and3A_32 : vector<16xi1>, vector<16xi32>
        %broadcast_in_dim3A_1931 = vector.shape_cast %select_n3A_1930 : vector<16xi32> to vector<16x1xi32>
        %gather3A_1932 = vector.shape_cast %broadcast_in_dim3A_1931 : vector<16x1xi32> to vector<16xi32>
        %gather3A_1933 = tpu.dynamic_gather %select_n3A_1773[%gather3A_1932] in [0] : vector<16xf32>, vector<16xi32> -> vector<16xf32>
        %lt3A_1934 = arith.constant 0 : i32
        %lt3A_1935 = vector.broadcast %lt3A_1934 : i32 to vector<16xi32>
        %lt3A_1936 = arith.cmpi slt, %and3A_41, %lt3A_1935 : vector<16xi32>
        %add3A_1937 = arith.constant 16 : i32
        %add3A_1938 = vector.broadcast %add3A_1937 : i32 to vector<16xi32>
        %add3A_1939 = arith.addi %and3A_41, %add3A_1938 : vector<16xi32>
        %select_n3A_1940 = arith.select %lt3A_1936, %add3A_1939, %and3A_41 : vector<16xi1>, vector<16xi32>
        %broadcast_in_dim3A_1941 = vector.shape_cast %select_n3A_1940 : vector<16xi32> to vector<16x1xi32>
        %gather3A_1942 = vector.shape_cast %broadcast_in_dim3A_1941 : vector<16x1xi32> to vector<16xi32>
        %gather3A_1943 = tpu.dynamic_gather %select_n3A_1773[%gather3A_1942] in [0] : vector<16xf32>, vector<16xi32> -> vector<16xf32>
        %add3A_1944 = arith.addf %gather3A_1933, %gather3A_1943 : vector<16xf32>
        %select_n3A_1945 = arith.select %lt3A_43, %add3A_1923, %add3A_1944 : vector<16xi1>, vector<16xf32>
        %lt3A_1946 = arith.constant 0 : i32
        %lt3A_1947 = vector.broadcast %lt3A_1946 : i32 to vector<16xi32>
        %lt3A_1948 = arith.cmpi slt, %and3A_32, %lt3A_1947 : vector<16xi32>
        %add3A_1949 = arith.constant 16 : i32
        %add3A_1950 = vector.broadcast %add3A_1949 : i32 to vector<16xi32>
        %add3A_1951 = arith.addi %and3A_32, %add3A_1950 : vector<16xi32>
        %select_n3A_1952 = arith.select %lt3A_1948, %add3A_1951, %and3A_32 : vector<16xi1>, vector<16xi32>
        %broadcast_in_dim3A_1953 = vector.shape_cast %select_n3A_1952 : vector<16xi32> to vector<16x1xi32>
        %gather3A_1954 = vector.shape_cast %broadcast_in_dim3A_1953 : vector<16x1xi32> to vector<16xi32>
        %gather3A_1955 = tpu.dynamic_gather %select_n3A_1816[%gather3A_1954] in [0] : vector<16xf32>, vector<16xi32> -> vector<16xf32>
        %lt3A_1956 = arith.constant 0 : i32
        %lt3A_1957 = vector.broadcast %lt3A_1956 : i32 to vector<16xi32>
        %lt3A_1958 = arith.cmpi slt, %and3A_41, %lt3A_1957 : vector<16xi32>
        %add3A_1959 = arith.constant 16 : i32
        %add3A_1960 = vector.broadcast %add3A_1959 : i32 to vector<16xi32>
        %add3A_1961 = arith.addi %and3A_41, %add3A_1960 : vector<16xi32>
        %select_n3A_1962 = arith.select %lt3A_1958, %add3A_1961, %and3A_41 : vector<16xi1>, vector<16xi32>
        %broadcast_in_dim3A_1963 = vector.shape_cast %select_n3A_1962 : vector<16xi32> to vector<16x1xi32>
        %gather3A_1964 = vector.shape_cast %broadcast_in_dim3A_1963 : vector<16x1xi32> to vector<16xi32>
        %gather3A_1965 = tpu.dynamic_gather %select_n3A_1816[%gather3A_1964] in [0] : vector<16xf32>, vector<16xi32> -> vector<16xf32>
        %add3A_1966 = arith.addf %gather3A_1955, %gather3A_1965 : vector<16xf32>
        %lt3A_1967 = arith.constant 0 : i32
        %lt3A_1968 = vector.broadcast %lt3A_1967 : i32 to vector<16xi32>
        %lt3A_1969 = arith.cmpi slt, %and3A_32, %lt3A_1968 : vector<16xi32>
        %add3A_1970 = arith.constant 16 : i32
        %add3A_1971 = vector.broadcast %add3A_1970 : i32 to vector<16xi32>
        %add3A_1972 = arith.addi %and3A_32, %add3A_1971 : vector<16xi32>
        %select_n3A_1973 = arith.select %lt3A_1969, %add3A_1972, %and3A_32 : vector<16xi1>, vector<16xi32>
        %broadcast_in_dim3A_1974 = vector.shape_cast %select_n3A_1973 : vector<16xi32> to vector<16x1xi32>
        %gather3A_1975 = vector.shape_cast %broadcast_in_dim3A_1974 : vector<16x1xi32> to vector<16xi32>
        %gather3A_1976 = tpu.dynamic_gather %select_n3A_1859[%gather3A_1975] in [0] : vector<16xf32>, vector<16xi32> -> vector<16xf32>
        %lt3A_1977 = arith.constant 0 : i32
        %lt3A_1978 = vector.broadcast %lt3A_1977 : i32 to vector<16xi32>
        %lt3A_1979 = arith.cmpi slt, %and3A_41, %lt3A_1978 : vector<16xi32>
        %add3A_1980 = arith.constant 16 : i32
        %add3A_1981 = vector.broadcast %add3A_1980 : i32 to vector<16xi32>
        %add3A_1982 = arith.addi %and3A_41, %add3A_1981 : vector<16xi32>
        %select_n3A_1983 = arith.select %lt3A_1979, %add3A_1982, %and3A_41 : vector<16xi1>, vector<16xi32>
        %broadcast_in_dim3A_1984 = vector.shape_cast %select_n3A_1983 : vector<16xi32> to vector<16x1xi32>
        %gather3A_1985 = vector.shape_cast %broadcast_in_dim3A_1984 : vector<16x1xi32> to vector<16xi32>
        %gather3A_1986 = tpu.dynamic_gather %select_n3A_1859[%gather3A_1985] in [0] : vector<16xf32>, vector<16xi32> -> vector<16xf32>
        %add3A_1987 = arith.addf %gather3A_1976, %gather3A_1986 : vector<16xf32>
        %select_n3A_1988 = arith.select %lt3A_43, %add3A_1966, %add3A_1987 : vector<16xi1>, vector<16xf32>
        %lt3A_1989 = arith.constant 0 : i32
        %lt3A_1990 = vector.broadcast %lt3A_1989 : i32 to vector<16xi32>
        %lt3A_1991 = arith.cmpi slt, %and3A_32, %lt3A_1990 : vector<16xi32>
        %add3A_1992 = arith.constant 16 : i32
        %add3A_1993 = vector.broadcast %add3A_1992 : i32 to vector<16xi32>
        %add3A_1994 = arith.addi %and3A_32, %add3A_1993 : vector<16xi32>
        %select_n3A_1995 = arith.select %lt3A_1991, %add3A_1994, %and3A_32 : vector<16xi1>, vector<16xi32>
        %broadcast_in_dim3A_1996 = vector.shape_cast %select_n3A_1995 : vector<16xi32> to vector<16x1xi32>
        %gather3A_1997 = vector.shape_cast %broadcast_in_dim3A_1996 : vector<16x1xi32> to vector<16xi32>
        %gather3A_1998 = tpu.dynamic_gather %select_n3A_1902[%gather3A_1997] in [0] : vector<16xf32>, vector<16xi32> -> vector<16xf32>
        %lt3A_1999 = arith.constant 0 : i32
        %lt3A_2000 = vector.broadcast %lt3A_1999 : i32 to vector<16xi32>
        %lt3A_2001 = arith.cmpi slt, %and3A_41, %lt3A_2000 : vector<16xi32>
        %add3A_2002 = arith.constant 16 : i32
        %add3A_2003 = vector.broadcast %add3A_2002 : i32 to vector<16xi32>
        %add3A_2004 = arith.addi %and3A_41, %add3A_2003 : vector<16xi32>
        %select_n3A_2005 = arith.select %lt3A_2001, %add3A_2004, %and3A_41 : vector<16xi1>, vector<16xi32>
        %broadcast_in_dim3A_2006 = vector.shape_cast %select_n3A_2005 : vector<16xi32> to vector<16x1xi32>
        %gather3A_2007 = vector.shape_cast %broadcast_in_dim3A_2006 : vector<16x1xi32> to vector<16xi32>
        %gather3A_2008 = tpu.dynamic_gather %select_n3A_1902[%gather3A_2007] in [0] : vector<16xf32>, vector<16xi32> -> vector<16xf32>
        %add3A_2009 = arith.addf %gather3A_1998, %gather3A_2008 : vector<16xf32>
        %lt3A_2010 = arith.constant 0 : i32
        %lt3A_2011 = vector.broadcast %lt3A_2010 : i32 to vector<16xi32>
        %lt3A_2012 = arith.cmpi slt, %and3A_32, %lt3A_2011 : vector<16xi32>
        %add3A_2013 = arith.constant 16 : i32
        %add3A_2014 = vector.broadcast %add3A_2013 : i32 to vector<16xi32>
        %add3A_2015 = arith.addi %and3A_32, %add3A_2014 : vector<16xi32>
        %select_n3A_2016 = arith.select %lt3A_2012, %add3A_2015, %and3A_32 : vector<16xi1>, vector<16xi32>
        %broadcast_in_dim3A_2017 = vector.shape_cast %select_n3A_2016 : vector<16xi32> to vector<16x1xi32>
        %gather3A_2018 = vector.shape_cast %broadcast_in_dim3A_2017 : vector<16x1xi32> to vector<16xi32>
        %gather3A_2019 = tpu.dynamic_gather %select_n3A_1945[%gather3A_2018] in [0] : vector<16xf32>, vector<16xi32> -> vector<16xf32>
        %lt3A_2020 = arith.constant 0 : i32
        %lt3A_2021 = vector.broadcast %lt3A_2020 : i32 to vector<16xi32>
        %lt3A_2022 = arith.cmpi slt, %and3A_41, %lt3A_2021 : vector<16xi32>
        %add3A_2023 = arith.constant 16 : i32
        %add3A_2024 = vector.broadcast %add3A_2023 : i32 to vector<16xi32>
        %add3A_2025 = arith.addi %and3A_41, %add3A_2024 : vector<16xi32>
        %select_n3A_2026 = arith.select %lt3A_2022, %add3A_2025, %and3A_41 : vector<16xi1>, vector<16xi32>
        %broadcast_in_dim3A_2027 = vector.shape_cast %select_n3A_2026 : vector<16xi32> to vector<16x1xi32>
        %gather3A_2028 = vector.shape_cast %broadcast_in_dim3A_2027 : vector<16x1xi32> to vector<16xi32>
        %gather3A_2029 = tpu.dynamic_gather %select_n3A_1945[%gather3A_2028] in [0] : vector<16xf32>, vector<16xi32> -> vector<16xf32>
        %add3A_2030 = arith.addf %gather3A_2019, %gather3A_2029 : vector<16xf32>
        %select_n3A_2031 = arith.select %lt3A_43, %add3A_2009, %add3A_2030 : vector<16xi1>, vector<16xf32>
        %lt3A_2032 = arith.constant 0 : i32
        %lt3A_2033 = vector.broadcast %lt3A_2032 : i32 to vector<16xi32>
        %lt3A_2034 = arith.cmpi slt, %and3A_32, %lt3A_2033 : vector<16xi32>
        %add3A_2035 = arith.constant 16 : i32
        %add3A_2036 = vector.broadcast %add3A_2035 : i32 to vector<16xi32>
        %add3A_2037 = arith.addi %and3A_32, %add3A_2036 : vector<16xi32>
        %select_n3A_2038 = arith.select %lt3A_2034, %add3A_2037, %and3A_32 : vector<16xi1>, vector<16xi32>
        %broadcast_in_dim3A_2039 = vector.shape_cast %select_n3A_2038 : vector<16xi32> to vector<16x1xi32>
        %gather3A_2040 = vector.shape_cast %broadcast_in_dim3A_2039 : vector<16x1xi32> to vector<16xi32>
        %gather3A_2041 = tpu.dynamic_gather %select_n3A_1988[%gather3A_2040] in [0] : vector<16xf32>, vector<16xi32> -> vector<16xf32>
        %lt3A_2042 = arith.constant 0 : i32
        %lt3A_2043 = vector.broadcast %lt3A_2042 : i32 to vector<16xi32>
        %lt3A_2044 = arith.cmpi slt, %and3A_41, %lt3A_2043 : vector<16xi32>
        %add3A_2045 = arith.constant 16 : i32
        %add3A_2046 = vector.broadcast %add3A_2045 : i32 to vector<16xi32>
        %add3A_2047 = arith.addi %and3A_41, %add3A_2046 : vector<16xi32>
        %select_n3A_2048 = arith.select %lt3A_2044, %add3A_2047, %and3A_41 : vector<16xi1>, vector<16xi32>
        %broadcast_in_dim3A_2049 = vector.shape_cast %select_n3A_2048 : vector<16xi32> to vector<16x1xi32>
        %gather3A_2050 = vector.shape_cast %broadcast_in_dim3A_2049 : vector<16x1xi32> to vector<16xi32>
        %gather3A_2051 = tpu.dynamic_gather %select_n3A_1988[%gather3A_2050] in [0] : vector<16xf32>, vector<16xi32> -> vector<16xf32>
        %add3A_2052 = arith.addf %gather3A_2041, %gather3A_2051 : vector<16xf32>
        %lt3A_2053 = arith.constant 0 : i32
        %lt3A_2054 = vector.broadcast %lt3A_2053 : i32 to vector<16xi32>
        %lt3A_2055 = arith.cmpi slt, %and3A_32, %lt3A_2054 : vector<16xi32>
        %add3A_2056 = arith.constant 16 : i32
        %add3A_2057 = vector.broadcast %add3A_2056 : i32 to vector<16xi32>
        %add3A_2058 = arith.addi %and3A_32, %add3A_2057 : vector<16xi32>
        %select_n3A_2059 = arith.select %lt3A_2055, %add3A_2058, %and3A_32 : vector<16xi1>, vector<16xi32>
        %broadcast_in_dim3A_2060 = vector.shape_cast %select_n3A_2059 : vector<16xi32> to vector<16x1xi32>
        %gather3A_2061 = vector.shape_cast %broadcast_in_dim3A_2060 : vector<16x1xi32> to vector<16xi32>
        %gather3A_2062 = tpu.dynamic_gather %select_n3A_2031[%gather3A_2061] in [0] : vector<16xf32>, vector<16xi32> -> vector<16xf32>
        %lt3A_2063 = arith.constant 0 : i32
        %lt3A_2064 = vector.broadcast %lt3A_2063 : i32 to vector<16xi32>
        %lt3A_2065 = arith.cmpi slt, %and3A_41, %lt3A_2064 : vector<16xi32>
        %add3A_2066 = arith.constant 16 : i32
        %add3A_2067 = vector.broadcast %add3A_2066 : i32 to vector<16xi32>
        %add3A_2068 = arith.addi %and3A_41, %add3A_2067 : vector<16xi32>
        %select_n3A_2069 = arith.select %lt3A_2065, %add3A_2068, %and3A_41 : vector<16xi1>, vector<16xi32>
        %broadcast_in_dim3A_2070 = vector.shape_cast %select_n3A_2069 : vector<16xi32> to vector<16x1xi32>
        %gather3A_2071 = vector.shape_cast %broadcast_in_dim3A_2070 : vector<16x1xi32> to vector<16xi32>
        %gather3A_2072 = tpu.dynamic_gather %select_n3A_2031[%gather3A_2071] in [0] : vector<16xf32>, vector<16xi32> -> vector<16xf32>
        %add3A_2073 = arith.addf %gather3A_2062, %gather3A_2072 : vector<16xf32>
        %select_n3A_2074 = arith.select %lt3A_43, %add3A_2052, %add3A_2073 : vector<16xi1>, vector<16xf32>
        %mul3A_2075 = arith.constant 80 : i32
        %mul3A_2076 = arith.muli %add3A_79, %mul3A_2075 : i32
        %mul3A_2077 = arith.constant 16 : i32
        %mul3A_2078 = arith.muli %scan3A_105, %mul3A_2077 : i32
        %add3A_2079 = arith.addi %mul3A_2076, %mul3A_2078 : i32
        %swap3A = arith.index_cast %add3A_2079 : i32 to index
        %swap3A_2080 = tpu.vector_load %arg12[%swap3A] {strides = array<i32>} : memref<20000xf32, #tpu.memory_space<vmem>>, vector<16xf32>,
        %swap3A_2081 = vector.shape_cast %swap3A_2080 : vector<16xf32> to vector<16xf32>
        %swap3A_2082 = vector.shape_cast %select_n3A_2074 : vector<16xf32> to vector<16xf32>
        tpu.vector_store %arg12[%swap3A], %swap3A_2082 {strides = array<i32>} : memref<20000xf32, #tpu.memory_space<vmem>>, vector<16xf32>,
      }
      %scan3A_97 = arith.constant 5 : i32
      %add3A_98 = arith.constant 2 : i32
      %add3A_99 = arith.addi %add3A_79, %add3A_98 : i32
      %lt3A_100 = arith.constant 250 : i32
      %lt3A_101 = arith.cmpi slt, %add3A_99, %lt3A_100 : i32
      %convert_element_type3A_102 = arith.extui %lt3A_101 : i1 to i32
      %cond3A_103 = arith.constant 0 : i32
      %cond3A_104 = arith.cmpi ne, %convert_element_type3A_102, %cond3A_103 : i32
      scf.if %cond3A_104 {
        %add3A_105 = arith.constant 2 : i32
        %add3A_106 = arith.addi %add3A_79, %add3A_105 : i32
        %dma_start3A_107 = arith.constant 0 : i32
        %dma_start3A_108 = tpu.memref_slice %arg6[%add3A_106, %dma_start3A_107] : memref<250x80xi32, #tpu.memory_space<vmem>> -> memref<1x80xi32, #tpu.memory_space<vmem>>
        %dma_start3A_109 = tpu.memref_squeeze %dma_start3A_108 : memref<1x80xi32, #tpu.memory_space<vmem>> -> memref<80xi32, #tpu.memory_space<vmem>>
        %dma_start3A_110 = arith.constant 0 : i32
        %dma_start3A_111 = arith.constant 0 : i32
        %dma_start3A_112 = tpu.memref_slice %arg2[%dma_start3A_110, %dma_start3A_111] : memref<10000x128xf32, #tpu.memory_space<hbm>> -> memref<10000x128xf32, #tpu.memory_space<hbm>>
        tpu.enqueue_indirect_dma source(%dma_start3A_112 : memref<10000x128xf32, #tpu.memory_space<hbm>>) target(%arg10 : memref<80x128xf32, #tpu.memory_space<vmem>>) offsets(%dma_start3A_109 : memref<80xi32, #tpu.memory_space<vmem>>) semaphore(%arg15 : memref<!tpu.dma_semaphore, #tpu.memory_space<semaphore_mem>>)
        %dma_start3A_113 = arith.constant 0 : i32
        %dma_start3A_114 = tpu.memref_slice %arg7[%add3A_106, %dma_start3A_113] : memref<250x80xi32, #tpu.memory_space<vmem>> -> memref<1x80xi32, #tpu.memory_space<vmem>>
        %dma_start3A_115 = tpu.memref_squeeze %dma_start3A_114 : memref<1x80xi32, #tpu.memory_space<vmem>> -> memref<80xi32, #tpu.memory_space<vmem>>
        %dma_start3A_116 = arith.constant 0 : i32
        %dma_start3A_117 = arith.constant 0 : i32
        %dma_start3A_118 = tpu.memref_slice %arg2[%dma_start3A_116, %dma_start3A_117] : memref<10000x128xf32, #tpu.memory_space<hbm>> -> memref<10000x128xf32, #tpu.memory_space<hbm>>
        tpu.enqueue_indirect_dma source(%dma_start3A_118 : memref<10000x128xf32, #tpu.memory_space<hbm>>) target(%arg11 : memref<80x128xf32, #tpu.memory_space<vmem>>) offsets(%dma_start3A_115 : memref<80xi32, #tpu.memory_space<vmem>>) semaphore(%arg16 : memref<!tpu.dma_semaphore, #tpu.memory_space<semaphore_mem>>)
      } else {
      }
    }
    %scan3A_48 = arith.constant 125 : i32
    %mul3A_49 = arith.constant 20000 : i32
    %mul3A_50 = arith.muli %add3A, %mul3A_49 : i32
    "tpu.region"() ({
      %run_scoped3A = tpu.sem_alloc : memref<!tpu.dma_semaphore, #tpu.memory_space<semaphore_mem>>
      %dma_start3A_51 = tpu.memref_slice %arg5[%mul3A_50] : memref<640000xf32, #tpu.memory_space<hbm>> -> memref<20000xf32, #tpu.memory_space<hbm>>
      %dma_start3A_52 = tpu.memref_slice %arg5[%mul3A_50] : memref<640000xf32, #tpu.memory_space<hbm>> -> memref<20000xf32, #tpu.memory_space<hbm>>
      tpu.enqueue_dma source(%arg12 : memref<20000xf32, #tpu.memory_space<vmem>>) target(%dma_start3A_52 : memref<20000xf32, #tpu.memory_space<hbm>>) target_semaphore(%run_scoped3A : memref<!tpu.dma_semaphore, #tpu.memory_space<semaphore_mem>>)
      %dma_wait3A = tpu.memref_slice %arg5[%mul3A_50] : memref<640000xf32, #tpu.memory_space<hbm>> -> memref<20000xf32, #tpu.memory_space<hbm>>
      %dma_wait3A_53 = tpu.memref_slice %arg5[%mul3A_50] : memref<640000xf32, #tpu.memory_space<hbm>> -> memref<20000xf32, #tpu.memory_space<hbm>>
      tpu.wait_dma2 semaphore(%run_scoped3A : memref<!tpu.dma_semaphore, #tpu.memory_space<semaphore_mem>>) src(%arg12 : memref<20000xf32, #tpu.memory_space<vmem>>) dst(%dma_wait3A_53 : memref<20000xf32, #tpu.memory_space<hbm>>)
      tpu.yield
    }) : () -> ()
    return
  }
}

module attributes {stable_mosaic.version = 14 : i64} {
  func.func @body(%arg0: memref<5000x128xf32, #tpu.memory_space<vmem>>, %arg1: memref<3xf32, #tpu.memory_space<smem>>) attributes {dimension_semantics = [], scalar_prefetch = 0 : i64, scratch_operands = 0 : i64, tpu.core_type = #tpu.core_type<tc>} {
    %get3A = arith.constant 0 : index
    %get3A_0 = arith.constant 0 : index
    %get3A_1 = vector.load %arg0[%get3A, %get3A_0] : memref<5000x128xf32, #tpu.memory_space<vmem>>, vector<5000x128xf32>
    %iota3A = tpu.iota {dimensions = array<i32: 0>} : vector<5000x128xi32>
    %lt3A = arith.constant 2500 : i32
    %lt3A_2 = vector.broadcast %lt3A : i32 to vector<5000x128xi32>
    %lt3A_3 = arith.cmpi slt, %iota3A, %lt3A_2 : vector<5000x128xi32>
    %neg3A = arith.constant 0.000000e+00 : f32
    %neg3A_4 = vector.broadcast %neg3A : f32 to vector<5000x128xf32>
    %neg3A_5 = arith.subf %neg3A_4, %get3A_1 : vector<5000x128xf32>
    %select_n3A = arith.select %lt3A_3, %get3A_1, %neg3A_5 : vector<5000x128xi1>, vector<5000x128xf32>
    %min3A = arith.constant 0.000000e+00 : f32
    %min3A_6 = vector.broadcast %min3A : f32 to vector<5000x128xf32>
    %min3A_7 = arith.minimumf %select_n3A, %min3A_6 : vector<5000x128xf32>
    %abs3A = math.absf %select_n3A : vector<5000x128xf32>
    %neg3A_8 = arith.constant 0.000000e+00 : f32
    %neg3A_9 = vector.broadcast %neg3A_8 : f32 to vector<5000x128xf32>
    %neg3A_10 = arith.subf %neg3A_9, %abs3A : vector<5000x128xf32>
    %exp3A = math.exp %neg3A_10 : vector<5000x128xf32>
    %log1p3A = math.log1p %exp3A : vector<5000x128xf32>
    %sub3A = arith.subf %min3A_7, %log1p3A : vector<5000x128xf32>
    %jit3A = arith.constant 0.000000e+00 : f32
    %broadcast_in_dim3A = vector.broadcast %jit3A : f32 to vector<5000x128xf32>
    %select_n3A_11 = arith.select %lt3A_3, %sub3A, %broadcast_in_dim3A : vector<5000x128xi1>, vector<5000x128xf32>
    %reduce_sum3A = vector.shape_cast %select_n3A_11 : vector<5000x128xf32> to vector<1x5000x128xf32>
    %reduce_sum3A_12 = arith.constant dense<0.000000e+00> : vector<1xf32>
    %reduce_sum3A_13 = vector.multi_reduction <add>, %reduce_sum3A, %reduce_sum3A_12 [1, 2] : vector<1x5000x128xf32> to vector<1xf32>
    %reduce_sum3A_14 = vector.shape_cast %reduce_sum3A_13 : vector<1xf32> to vector<1x1x1xf32>
    %reduce_sum3A_15 = vector.extract %reduce_sum3A_14[0, 0, 0] : f32 from vector<1x1x1xf32>
    %neg3A_16 = arith.constant 0.000000e+00 : f32
    %neg3A_17 = arith.subf %neg3A_16, %reduce_sum3A_15 : f32
    %div3A = arith.constant 3.200000e+05 : f32
    %div3A_18 = arith.divf %neg3A_17, %div3A : f32
    %jit3A_19 = arith.constant 0.000000e+00 : f32
    %broadcast_in_dim3A_20 = vector.broadcast %jit3A_19 : f32 to vector<5000x128xf32>
    %select_n3A_21 = arith.select %lt3A_3, %broadcast_in_dim3A_20, %sub3A : vector<5000x128xi1>, vector<5000x128xf32>
    %reduce_sum3A_22 = vector.shape_cast %select_n3A_21 : vector<5000x128xf32> to vector<1x5000x128xf32>
    %reduce_sum3A_23 = arith.constant dense<0.000000e+00> : vector<1xf32>
    %reduce_sum3A_24 = vector.multi_reduction <add>, %reduce_sum3A_22, %reduce_sum3A_23 [1, 2] : vector<1x5000x128xf32> to vector<1xf32>
    %reduce_sum3A_25 = vector.shape_cast %reduce_sum3A_24 : vector<1xf32> to vector<1x1x1xf32>
    %reduce_sum3A_26 = vector.extract %reduce_sum3A_25[0, 0, 0] : f32 from vector<1x1x1xf32>
    %neg3A_27 = arith.constant 0.000000e+00 : f32
    %neg3A_28 = arith.subf %neg3A_27, %reduce_sum3A_26 : f32
    %div3A_29 = arith.constant 3.200000e+05 : f32
    %div3A_30 = arith.divf %neg3A_28, %div3A_29 : f32
    %add3A = arith.addf %div3A_18, %div3A_30 : f32
    %swap3A = arith.constant 0 : index
    %swap3A_31 = memref.load %arg1[%swap3A] : memref<3xf32, #tpu.memory_space<smem>>
    memref.store %add3A, %arg1[%swap3A] : memref<3xf32, #tpu.memory_space<smem>>
    %swap3A_32 = arith.constant 1 : index
    %swap3A_33 = memref.load %arg1[%swap3A_32] : memref<3xf32, #tpu.memory_space<smem>>
    memref.store %div3A_18, %arg1[%swap3A_32] : memref<3xf32, #tpu.memory_space<smem>>
    %swap3A_34 = arith.constant 2 : index
    %swap3A_35 = memref.load %arg1[%swap3A_34] : memref<3xf32, #tpu.memory_space<smem>>
    memref.store %div3A_30, %arg1[%swap3A_34] : memref<3xf32, #tpu.memory_space<smem>>
    return
  }
}

</mosaic_0001>

<sc_bundles>
// kernel: kernel.4.cloned.1.call-start
scs
__scs_entry_jumppad:
0x0: {  	(pc) =	sbr.rel $0x88, $3  }
0x1: {  	(tag) =	ssettag $0x0;
	lr =	simm.s32 $0x1  }
0x2: {  	[smem:$0x3F9E] =	sst lr;
	_ =	strace $0xD0000000  }
0x3: {  	_ = 	snop  }
0x4: {  	_ = 	snop  }
0x5: {  	_ = 	snop  }
0x6: {  	_ = 	snop  }
0x7: {  	_ = 	snop  }
__scs_overlays_trampoline_lowered:
0x8: {  	[smem:$0x3FAD] =	sst s0  }
0x9: {  	[smem:$0x3FAE] =	sst s1  }
0xa: {  	[smem:$0x3FAF] =	sst s2  }
0xb: {  	[smem:$0x3FB0] =	sst s3  }
0xc: {  	[smem:$0x3FB1] =	sst s4  }
0xd: {  	[smem:$0x3FB2] =	sst s5  }
0xe: {  	[smem:$0x3FB3] =	sst s6  }
0xf: {  	[smem:$0x3FB4] =	sst s7  }
0x10: {  	[smem:$0x3FB5] =	sst s8  }
0x11: {  	[smem:$0x3FB6] =	sst s9;
	s0 =	simm.s32 @!p0 $0x0  }
0x12: {  	s1 =	sld [smem:$0x3F9C];
	s0 =	simm.s32 @p0 $0x1  }
0x13: {  	[smem:$0x3FB7] =	sst s0;
	s0 =	simm.s32 @!p1 $0x0  }
0x14: {  	s2 =	sld [smem:$0x3F9B];
	s0 =	simm.s32 @p1 $0x1  }
0x15: {  	[smem:$0x3FB8] =	sst s0;
	s0 =	simm.s32 @!p2 $0x0  }
0x16: {  	s3 =	sld [smem:$0x3FDB];
	s0 =	simm.s32 @p2 $0x1  }
0x17: {  	s4 =	simm.s32 $0x1BF5;
	[smem:$0x3FBA] =	sst s0  }
0x18: {  	s0 =	sld [smem:$0x3F9D];
	_ =	swait.ge [sflag:s4], $0x0  }
0x19: {  	s7 =	sld [smem:$0x3F9E]  }
0x1a: {  	s8 =	sadd.s32 $0xFFFFE003, lr  }
0x1b: {  	s9 =	sadd.s32 $0xFFFFFEF7, lr;
	s5 =	simm.s32 $0xFFFFFFFF;
	p2 =	slt.u32 s8, $0xFFFFF086  }
0x1c: {  	p1 =	slt.u32 s9, $0xF7A;
	s5 =	simm.s32 @!p2 $0x0  }
0x1d: {  	s5 =	simm.s32 @p1 $0x1;
	p0 =	seq.s32 s7, s2  }
0x1e: {  	s7 =	smul.u32 @!p0 $0xF7A, s2;
	p2 =	seq.s32 @!p0 s5, $0x0  }
0x1f: {  	s9 =	smul.u32 $0xF7A, s1;
	s8 =	simm.s32 @!p0 $0x1BF5;
	p2 =	por !p2, p0  }
0x20: {  	[sflag:s8] =	ssyncset.s32 @!p0 $0xFFFFF086;
	s6 =	sadd.s32 @!p0 s3, s7;
	s7 =	simm.s32 @!p0 $0x108  }
0x21: {  	s3 =	sadd.s32 s3, s9;
	s6 =	sadd.s32 @!p0 $0x88, s6;
	s7 =	simm.s32 @p2 $0x1082  }
0x22: {  	[simem:s7], [sflag:s8] =	dma.local @!p0 [hbm:s6], $0xF7A  }
0x23: {  	s9 =	sor.u32 $0xD0000000, s2;
	s6 =	simm.s32 $0x108;
	_ =	swait.ge @!p0 [sflag:s8], $0x0  }
0x24: {  	s3 =	sadd.s32 $0x88, s3;
	s6 =	simm.s32 @!p1 $0x1082;
	[sflag:s4] =	ssyncset.s32 $0xFFFFF086  }
0x25: {  	[simem:s6], [sflag:s4] =	dma.local [hbm:s3], $0xF7A  }
0x26: {  	[smem:$0x3F9E] =	sst s1;
	(tag) =	ssettag s2;
	_ =	strace s9  }
0x27: {  	s1 =	sld [smem:$0x3FAE]  }
0x28: {  	s2 =	sld [smem:$0x3FAF]  }
0x29: {  	s4 =	sld [smem:$0x3FB1]  }
0x2a: {  	p0 =	seq.s32 s5, $0x0;
	s5 =	sld [smem:$0x3FB2]  }
0x2b: {  	s6 =	sld [smem:$0x3FB3]  }
0x2c: {  	s7 =	sld [smem:$0x3FB4]  }
0x2d: {  	s3 =	simm.s32 $0x108;
	s8 =	sld [smem:$0x3FB5]  }
0x2e: {  	s3 =	simm.s32 @!p0 $0x1082;
	s9 =	sld [smem:$0x3FB6]  }
0x2f: {  	lr =	sadd.s32 s0, s3;
	s0 =	sld [smem:$0x3FAD]  }
0x30: {  	s3 =	sld [smem:$0x3FB0]  }
0x31: {  	[smem:$0x3FB9] =	sst s10  }
0x32: {  	s10 =	sld [smem:$0x3FB7];
	_ =	sdelay $0x3  }
0x33: {  	p0 =	seq.s32 s10, $0x1;
	s10 =	sld [smem:$0x3FB9];
	_ =	sdelay $0x3  }
0x34: {  	[smem:$0x3FB9] =	sst s10  }
0x35: {  	s10 =	sld [smem:$0x3FB8];
	_ =	sdelay $0x3  }
0x36: {  	p1 =	seq.s32 s10, $0x1;
	s10 =	sld [smem:$0x3FB9];
	_ =	sdelay $0x3  }
0x37: {  	[smem:$0x3FB9] =	sst s10  }
0x38: {  	s10 =	sld [smem:$0x3FBA]  }
0x39: {  	_ = 	snop;
	(pc) =	sbr.ind lr, $3  }
0x3a: {  	_ = 	snop  }
0x3b: {  	_ = 	snop  }
0x3c: {  	p2 =	seq.s32 s10, $0x1;
	s10 =	sld [smem:$0x3FB9]  }
0x3d: {  	_ =	shalt  }
0x3e: {  	_ =	shalt  }
0x3f: {  	_ =	shalt  }
0x40: {  	_ =	shalt  }
0x41: {  	_ =	shalt  }
0x42: {  	_ =	shalt  }
0x43: {  	_ =	shalt  }
0x44: {  	_ =	shalt  }
0x45: {  	_ =	shalt  }
0x46: {  	_ =	shalt  }
0x47: {  	_ =	shalt  }
0x48: {  	_ =	shalt  }
0x49: {  	_ =	shalt  }
0x4a: {  	_ =	shalt  }
0x4b: {  	_ =	shalt  }
0x4c: {  	_ =	shalt  }
0x4d: {  	_ =	shalt  }
0x4e: {  	_ =	shalt  }
0x4f: {  	_ =	shalt  }
0x50: {  	_ =	shalt  }
0x51: {  	_ =	shalt  }
0x52: {  	_ =	shalt  }
0x53: {  	_ =	shalt  }
0x54: {  	_ =	shalt  }
0x55: {  	_ =	shalt  }
0x56: {  	_ =	shalt  }
0x57: {  	_ =	shalt  }
0x58: {  	_ =	shalt  }
0x59: {  	_ =	shalt  }
0x5a: {  	_ =	shalt  }
0x5b: {  	_ =	shalt  }
0x5c: {  	_ =	shalt  }
0x5d: {  	_ =	shalt  }
0x5e: {  	_ =	shalt  }
0x5f: {  	_ =	shalt  }
0x60: {  	_ =	shalt  }
0x61: {  	_ =	shalt  }
0x62: {  	_ =	shalt  }
0x63: {  	_ =	shalt  }
0x64: {  	_ =	shalt  }
0x65: {  	_ =	shalt  }
0x66: {  	_ =	shalt  }
0x67: {  	_ =	shalt  }
0x68: {  	_ =	shalt  }
0x69: {  	_ =	shalt  }
0x6a: {  	_ =	shalt  }
0x6b: {  	_ =	shalt  }
0x6c: {  	_ =	shalt  }
0x6d: {  	_ =	shalt  }
0x6e: {  	_ =	shalt  }
0x6f: {  	_ =	shalt  }
0x70: {  	_ =	shalt  }
0x71: {  	_ =	shalt  }
0x72: {  	_ =	shalt  }
0x73: {  	_ =	shalt  }
0x74: {  	_ =	shalt  }
0x75: {  	_ =	shalt  }
0x76: {  	_ =	shalt  }
0x77: {  	_ =	shalt  }
0x78: {  	_ =	shalt  }
0x79: {  	_ =	shalt  }
0x7a: {  	_ =	shalt  }
0x7b: {  	_ =	shalt  }
0x7c: {  	_ =	shalt  }
0x7d: {  	_ =	shalt  }
0x7e: {  	_ =	shalt  }
0x7f: {  	_ =	shalt  }
0x80: {  	_ =	shalt  }
0x81: {  	_ =	shalt  }
0x82: {  	_ =	shalt  }
0x83: {  	_ =	shalt  }
0x84: {  	_ =	shalt  }
0x85: {  	_ =	shalt  }
0x86: {  	_ =	shalt  }
0x87: {  	_ =	shalt  }
.Lfunc_end0:
.L_simem_size_0:
called_computation_lowered:
.L_overlay_start_0:
0x88: {  	s2 =	sld [smem:$0x3FD9]  }
0x89: {  	s3 =	sld [smem:$0x3FFE];
	_ =	sdelay $0x1  }
0x8a: {  	s1 =	srdreg.scid  }
0x8b: {  	s0 =	sand.u32 $0x1, s1  }
0x8c: {  	s17 =	sshll.u32 s0, $0xA;
	s2 =	sadd.s32 s3, s2  }
0x8d: {  	s2 =	sadd.s32 s2, s17  }
0x8e: {  	[smem:$0x3FC5] =	sst s2  }
0x8f: {  	_ = 	snop  }
0x90: {  	s2 =	sld [smem:$0x3FC9];
	(tm) =	ssettm $0x1  }
0x91: {  	s18 =	sld [smem:$0x3FFB];
	_ =	sdelay $0x3  }
0x92: {  	_ =	strace s18  }
0x93: {  	s3 =	sld [smem:$0x3FFC];
	_ =	sdelay $0x3  }
0x94: {  	_ =	strace s3  }
0x95: {  	s3 =	sld [smem:$0x3FFD];
	_ =	sdelay $0x3  }
0x96: {  	_ =	strace s3  }
0x97: {  	_ =	strace $0x8FFFFFFF  }
0x98: {  	s19 =	sld [smem:$0x3FDB];
	_ =	sdelay $0x1  }
0x99: {  	s4 =	simm.s32 $_scs_section_size  }
0x9a: {  	s5 =	simm.s32 $_size__tile_overlayer_lowered;
	s6 =	simm.s32 $_tile_overlayer_lowered  }
0x9b: {  	s22 =	simm.s32 $0x1BFF;
	s21 =	sshll.u32 s6, $0x1;
	s3 =	sadd.s32 s4, s19  }
0x9c: {  	s7 =	simm.s32 $0x0;
	s20 =	sshll.u32 s5, $0x1;
	s5 =	sadd.s32 s21, s3  }
0x9d: {  	[timem:s7], [sflag:s22] =	dma.local [hbm:s5], s20  }
0x9e: {  	_ =	swait.ge [sflag:s22], s20  }
0x9f: {  	s4 =	ssub.s32 $0x0, s20;
	[sflag:s22] =	ssyncset.done $0x0  }
0xa0: {  	[sflag:s22] =	ssyncadd.s32 s4;
	_ =	sdelay $0x1  }
0xa1: {  	s23 =	simm.s32 $0x1B8B  }
0xa2: {  	_ =	swait.ge [sflag:s23], $0x1  }
0xa3: {  	[sflag:s23] =	ssyncset.done $0x0  }
0xa4: {  	s25 =	simm.s32 $0x1B8E;
	s24 =	sld [smem:$0x3FFE];
	[sflag:s23] =	ssyncadd.s32 $0xFFFFFFFF  }
0xa5: {  	s26 =	simm.s32 $execute0_lowered;
	[smem:$0x3FD2] =	sst s25  }
0xa6: {  	s5 =	sshll.u32 s26, $0x1;
	_ =	strace $0x80000046;
	[dreg:$0x1] =	wrdreg $0xFFFFFFFF  }
0xa7: {  	s28 =	simm.s32 $_size_execute0_lowered;
	s3 =	sadd.s32 s3, s5;
	[dreg:$0x0] =	wrdreg $0x0  }
0xa8: {  	s5 =	sshll.u32 s28, $0x1;
	[dreg:$0x2] =	wrdreg s3  }
0xa9: {  	[dreg:$0x3] =	wrdreg s5  }
0xaa: {  	[dreg:$0x4] =	wrdreg $0xC0  }
0xab: {  	_ =	task [dreg:s7], $0x5FFFF  }
0xac: {  	[dreg:$0x1] =	wrdreg $0xFFFFFFFF  }
0xad: {  	[dreg:$0x0] =	wrdreg $0x60  }
0xae: {  	[dreg:$0x2] =	wrdreg s2  }
0xaf: {  	[dreg:$0x3] =	wrdreg s24  }
0xb0: {  	[dreg:$0x4] =	wrdreg $0x9  }
0xb1: {  	_ =	task.clear_ibuf [dreg:s7], $0x5FFFF;
	_ =	strace $0x90000046  }
0xb2: {  	s29 =	simm.s32 $0x9;
	_ =	strace $0x80000048  }
0xb3: {  	_ =	swait.ge [sflag:s29], $0x1  }
0xb4: {  	[sflag:s29] =	ssyncadd.s32 $0xFFFFFFFF  }
0xb5: {  	_ =	strace $0x90000048  }
0xb6: {  	_ =	sfence  }
0xb7: {  	s30 =	sld [smem:$0x0];
	_ =	sdelay $0x2  }
0xb8: {  	s31 =	sshll.u32 s1, $0xD;
	s1 =	sshrl.u32 s1, $0x2  }
0xb9: {  	s3 =	sand.u32 $0x4000, s31;
	s1 =	sadd.s32 s1, s30  }
0xba: {  	s0 =	sor.u32 s3, s0;
	s1 =	sshll.u32 s1, $0x11  }
0xbb: {  	s0 =	sor.u32 s1, s0  }
0xbc: {  	s0 =	sadd.s32 $0x8F2B, s0  }
0xbd: {  	[sflag:s0] =	ssyncadd.remote.s32 $0x1  }
0xbe: {  	_ =	sfence.sel $0xFFFF  }
0xbf: {  	[dreg:$0x0] =	wrdreg $0xFFFFFFFF;
	(pc) =	sbr.abs _section_cstart, $3  }
0xc0: {  	[dreg:$0x1] =	wrdreg $0xFFFFFFFF  }
0xc1: {  	_ =	task.clear_ibuf [dreg:s7], $0x2FFFF;
	_ =	strace $0x9FFFFFFF  }
0xc2: {  	(tm) =	ssettm $0x7FFFFFFF  }
0xc3: {  	_ =	shalt  }
tec
execute0_lowered:
.L_overlay_start_1:
0x0: {  	(tag) =	ssettag $0x1  }
0x1: {  	s2 =	rddreg [dreg:$0x0];
	s1 =	srdreg.scid  }
0x2: {  	s0 =	stileid.u32;
	s4 =	rddreg [dreg:$0x1]  }
0x3: {  	s3 =	simm.s32 $0x0;
	s9 =	simm.s32 $0x8000;
	s10 =	simm.s32 $0x50  }
0x4: {  	s11 =	simm.s32 $0x10000;
	s12 =	simm.s32 $0x12800;
	s13 =	simm.s32 $0x80  }
0x5: {  	s14 =	simm.s32 $0x15000;
	s15 =	simm.s32 $0x8080;
	s16 =	simm.s32 $0x17800  }
0x6: {  	s17 =	simm.s32 $0x1;
	s5 =	sand.u32 $0x1, s1;
	s6 =	sshll.u32 s0, $0x1  }
0x7: {  	s18 =	simm.s32 $0x2;
	s19 =	simm.s32 $0x3;
	s6 =	sor.u32 s5, s6  }
0x8: {  	s20 =	simm.s32 $0x4;
	s21 =	simm.s32 $0x1A000;
	s7 =	smul.u32 $0x9C4, s6  }
.Ltmp0:
0x9: {  	v0 =	vlaneseq.u32;
	s22 =	simm.s32 $0x0;
	s1 =	rddreg [dreg:$0x2];
	(pc) =	sbr.rel .LBB2_1-.Ltmp0, $4  }
0xa: {  	[smem:$0x7FF] =	sst s3;
	v0 =	vand.u32 $0x7, v0;
	s5 =	ssub.s32 $0x2, s5;
	s6 =	sshll.u32 s6, $0xC  }
0xb: {  	v0 =	vmul.u32 $0x2, v0;
	s8 =	sshrl.u32 s5, $0x1;
	s7 =	sadd.s32 s7, s4;
	s4 =	sadd.s32 s4, s6  }
0xc: {  	_ =	strace $0x80000047;
	s8 =	ssub.s32 s5, s8;
	s5 =	sadd.s32 $0x20000, s4  }
0xd: {  	vm0 =	vmmov $0xff;
	v1 =	vor.u32 $0x1, v0;
	s6 =	sadd.s32 $0x40000, s7;
	s7 =	smax.u32 s8, $0x1;
	s8 =	simm.s32 $0x5  }
.LBB2_8:
0xe: {  	s22 =	sadd.s32 $0x1, s22  }
0xf: {  	p0 =	sne.s32 s22, s7  }
.Ltmp1:
0x10: {  	_ = 	snop;
	(pc) =	sbr.rel @!p0 .LBB2_9-.Ltmp1, $4  }
0x11: {  	[hbm4b:s6+s3] =	stream.linear.scatter [tilespmem:s21], [sflag:$0x5], $0x4E20, $0x38;
	[tilespmem:$0x1EE80] =	vst v63  }
0x12: {  	_ =	swait.ge [sflag:s8], $0x4E20  }
0x13: {  	[sflag:s8] =	ssyncset.done $0x0  }
0x14: {  	[sflag:s8] =	ssyncadd.s32 $0xFFFFB1E0  }
.LBB2_1:
0x15: {  	[tilespmem:s3], [sflag:$0x5] =	stream.linear.gather [hbm4b:s4+s3], $0x7D00, $0x38;
	[tilespmem:$0x1EE80] =	vst v63  }
0x16: {  	_ =	swait.ge [sflag:s8], $0x7D00  }
0x17: {  	[sflag:s8] =	ssyncset.done $0x0  }
0x18: {  	[sflag:s8] =	ssyncadd.s32 $0xFFFF8300  }
0x19: {  	[tilespmem:s9], [sflag:$0x5] =	stream.linear.gather [hbm4b:s5+s3], $0x7D00, $0x38;
	[tilespmem:$0x1EE80] =	vst v63  }
0x1a: {  	_ =	swait.ge [sflag:s8], $0x7D00  }
0x1b: {  	[sflag:s8] =	ssyncset.done $0x0  }
0x1c: {  	[sflag:s8] =	ssyncadd.s32 $0xFFFF8300  }
0x1d: {  	[tilespmem:s11], [sflag:$0x1] =	stream.indirect.gather [hbm4b:s2+s10], $0x80, s3, s10, $0xb8;
	[tilespmem:$0x1EE80] =	vst v63  }
0x1e: {  	_ = 	snop  }
0x1f: {  	[tilespmem:s12], [sflag:$0x2] =	stream.indirect.gather [hbm4b:s2+s10], $0x80, s9, s10, $0xb8;
	[tilespmem:$0x1EE80] =	vst v63  }
0x20: {  	_ = 	snop  }
0x21: {  	[tilespmem:s14], [sflag:$0x3] =	stream.indirect.gather [hbm4b:s2+s10], $0x80, s13, s10, $0xb8;
	[tilespmem:$0x1EE80] =	vst v63  }
0x22: {  	s23 =	simm.s32 $0x0  }
0x23: {  	[tilespmem:s16], [sflag:$0x4] =	stream.indirect.gather [hbm4b:s2+s10], $0x80, s15, s10, $0xb8;
	[tilespmem:$0x1EE80] =	vst v63  }
.LBB2_2:
0x24: {  	_ =	swait.ge [sflag:s17], $0x2800;
	s24 =	smul.u32 $0x280, s23  }
0x25: {  	[sflag:s17] =	ssyncset.done $0x0  }
0x26: {  	[sflag:s17] =	ssyncadd.s32 $0xFFFFD800;
	s25 =	sshra.s32 s24, $0x2  }
0x27: {  	_ =	swait.ge [sflag:s18], $0x2800;
	s26 =	sadd.s32 $0x1A000, s25  }
0x28: {  	[sflag:s18] =	ssyncset.done $0x0;
	v2 =	vmov s26  }
0x29: {  	s24 =	simm.s32 $0x0;
	[sflag:s18] =	ssyncadd.s32 $0xFFFFD800;
	[tilespmem:$0x1FFF0] =	vst v2  }
.LBB2_3:
0x2a: {  	s26 =	sshll.u32 s24, $0xB  }
0x2b: {  	v60 =	vld [tilespmem:s26+$0x10000]  }
0x2c: {  	v20 =	vld [tilespmem:s26+$0x12800]  }
0x2d: {  	v18 =	vld [tilespmem:s26+$0x10010]  }
0x2e: {  	v14 =	vld [tilespmem:s26+$0x12810]  }
0x2f: {  	v43 =	vld [tilespmem:s26+$0x10020]  }
0x30: {  	v22 =	vld [tilespmem:s26+$0x12820]  }
0x31: {  	v58 =	vld [tilespmem:s26+$0x10030]  }
0x32: {  	v27 =	vld [tilespmem:s26+$0x12830]  }
0x33: {  	v57 =	vld [tilespmem:s26+$0x10040]  }
0x34: {  	v38 =	vld [tilespmem:s26+$0x12840]  }
0x35: {  	v53 =	vld [tilespmem:s26+$0x10050]  }
0x36: {  	v61 =	vld [tilespmem:s26+$0x12A50];
	_ =	sdelay $0x4  }
0x37: {  	[tilespmem:$0x1F990] =	vst v61;
	v61 =	vld [tilespmem:s26+$0x102D0];
	_ =	sdelay $0x4  }
0x38: {  	[tilespmem:$0x1FA40] =	vst v61;
	v61 =	vld [tilespmem:s26+$0x12B20];
	_ =	sdelay $0x4  }
0x39: {  	[tilespmem:$0x1FA30] =	vst v61;
	v61 =	vld [tilespmem:s26+$0x12B30];
	_ =	sdelay $0x4  }
0x3a: {  	[tilespmem:$0x1FA90] =	vst v61;
	v61 =	vld [tilespmem:s26+$0x12B40];
	_ =	sdelay $0x4  }
0x3b: {  	[tilespmem:$0x1FAF0] =	vst v61;
	v61 =	vld [tilespmem:s26+$0x12B50];
	_ =	sdelay $0x4  }
0x3c: {  	[tilespmem:$0x1FB30] =	vst v61;
	v61 =	vld [tilespmem:s26+$0x12B60];
	_ =	sdelay $0x4  }
0x3d: {  	[tilespmem:$0x1FBD0] =	vst v61;
	v61 =	vld [tilespmem:s26+$0x12B70];
	_ =	sdelay $0x4  }
0x3e: {  	[tilespmem:$0x1FC50] =	vst v61;
	v61 =	vld [tilespmem:s26+$0x10390];
	_ =	sdelay $0x4  }
0x3f: {  	[tilespmem:$0x1FAB0] =	vst v61;
	v61 =	vld [tilespmem:s26+$0x103A0];
	_ =	sdelay $0x4  }
0x40: {  	[tilespmem:$0x1FB00] =	vst v61;
	v61 =	vld [tilespmem:s26+$0x12BA0];
	_ =	sdelay $0x4  }
0x41: {  	[tilespmem:$0x1FB10] =	vst v61;
	v61 =	vld [tilespmem:s26+$0x103B0];
	_ =	sdelay $0x4  }
0x42: {  	[tilespmem:$0x1FB60] =	vst v61;
	v61 =	vld [tilespmem:s26+$0x12BB0];
	_ =	sdelay $0x4  }
0x43: {  	[tilespmem:$0x1FB70] =	vst v61;
	v61 =	vld [tilespmem:s26+$0x103C0];
	_ =	sdelay $0x4  }
0x44: {  	[tilespmem:$0x1FBE0] =	vst v61;
	v61 =	vld [tilespmem:s26+$0x12BC0];
	_ =	sdelay $0x4  }
0x45: {  	[tilespmem:$0x1FBF0] =	vst v61;
	v61 =	vld [tilespmem:s26+$0x103D0];
	_ =	sdelay $0x4  }
0x46: {  	[tilespmem:$0x1FC20] =	vst v61;
	v61 =	vld [tilespmem:s26+$0x12BD0];
	_ =	sdelay $0x4  }
0x47: {  	[tilespmem:$0x1FC30] =	vst v61;
	v61 =	vld [tilespmem:s26+$0x103E0];
	_ =	sdelay $0x4  }
0x48: {  	[tilespmem:$0x1FCC0] =	vst v61;
	v61 =	vld [tilespmem:s26+$0x12BE0];
	_ =	sdelay $0x4  }
0x49: {  	[tilespmem:$0x1FCD0] =	vst v61;
	v61 =	vld [tilespmem:s26+$0x103F0];
	_ =	sdelay $0x4  }
0x4a: {  	[tilespmem:$0x1FD20] =	vst v61;
	v61 =	vld [tilespmem:s26+$0x12BF0];
	_ =	sdelay $0x4  }
0x4b: {  	[tilespmem:$0x1FD30] =	vst v61;
	v61 =	vld [tilespmem:s26+$0x10400];
	_ =	sdelay $0x4  }
0x4c: {  	[tilespmem:$0x1FB80] =	vst v61;
	v61 =	vld [tilespmem:s26+$0x12C00];
	_ =	sdelay $0x4  }
0x4d: {  	[tilespmem:$0x1FB90] =	vst v61;
	v61 =	vld [tilespmem:s26+$0x10410];
	_ =	sdelay $0x4  }
0x4e: {  	[tilespmem:$0x1FBA0] =	vst v61;
	v61 =	vld [tilespmem:s26+$0x12C10];
	_ =	sdelay $0x4  }
0x4f: {  	[tilespmem:$0x1FBB0] =	vst v61;
	v61 =	vld [tilespmem:s26+$0x10420];
	_ =	sdelay $0x4  }
0x50: {  	[tilespmem:$0x1FC00] =	vst v61;
	v61 =	vld [tilespmem:s26+$0x12C20];
	_ =	sdelay $0x4  }
0x51: {  	[tilespmem:$0x1FC10] =	vst v61;
	v61 =	vld [tilespmem:s26+$0x10430];
	_ =	sdelay $0x4  }
0x52: {  	[tilespmem:$0x1FC60] =	vst v61;
	v61 =	vld [tilespmem:s26+$0x12C30];
	_ =	sdelay $0x4  }
0x53: {  	[tilespmem:$0x1FC70] =	vst v61;
	v61 =	vld [tilespmem:s26+$0x10440];
	_ =	sdelay $0x4  }
0x54: {  	[tilespmem:$0x1FCE0] =	vst v61;
	v61 =	vld [tilespmem:s26+$0x12C40];
	_ =	sdelay $0x4  }
0x55: {  	[tilespmem:$0x1FCF0] =	vst v61;
	v61 =	vld [tilespmem:s26+$0x10450];
	_ =	sdelay $0x4  }
0x56: {  	[tilespmem:$0x1FD40] =	vst v61;
	v61 =	vld [tilespmem:s26+$0x12C50];
	_ =	sdelay $0x4  }
0x57: {  	[tilespmem:$0x1FD50] =	vst v61;
	v61 =	vld [tilespmem:s26+$0x10460];
	_ =	sdelay $0x4  }
0x58: {  	[tilespmem:$0x1FDC0] =	vst v61;
	v61 =	vld [tilespmem:s26+$0x12C60];
	_ =	sdelay $0x4  }
0x59: {  	[tilespmem:$0x1FDD0] =	vst v61;
	v61 =	vld [tilespmem:s26+$0x10470];
	_ =	sdelay $0x4  }
0x5a: {  	[tilespmem:$0x1FE90] =	vst v61;
	v61 =	vld [tilespmem:s26+$0x12C70];
	_ =	sdelay $0x4  }
0x5b: {  	[tilespmem:$0x1FEA0] =	vst v61;
	v61 =	vld [tilespmem:s26+$0x10480];
	_ =	sdelay $0x4  }
0x5c: {  	[tilespmem:$0x1FC80] =	vst v61;
	v61 =	vld [tilespmem:s26+$0x12C80];
	_ =	sdelay $0x4  }
0x5d: {  	[tilespmem:$0x1FC90] =	vst v61;
	v61 =	vld [tilespmem:s26+$0x10490];
	_ =	sdelay $0x4  }
0x5e: {  	[tilespmem:$0x1FCA0] =	vst v61;
	v61 =	vld [tilespmem:s26+$0x12C90];
	_ =	sdelay $0x4  }
0x5f: {  	[tilespmem:$0x1FCB0] =	vst v61;
	v61 =	vld [tilespmem:s26+$0x104A0];
	_ =	sdelay $0x4  }
0x60: {  	[tilespmem:$0x1FD00] =	vst v61;
	v61 =	vld [tilespmem:s26+$0x12CA0];
	_ =	sdelay $0x4  }
0x61: {  	[tilespmem:$0x1FD10] =	vst v61;
	v61 =	vld [tilespmem:s26+$0x104B0];
	_ =	sdelay $0x4  }
0x62: {  	[tilespmem:$0x1FD60] =	vst v61;
	v61 =	vld [tilespmem:s26+$0x12CB0];
	_ =	sdelay $0x4  }
0x63: {  	[tilespmem:$0x1FD70] =	vst v61;
	v61 =	vld [tilespmem:s26+$0x104C0];
	_ =	sdelay $0x4  }
0x64: {  	[tilespmem:$0x1FDE0] =	vst v61;
	v61 =	vld [tilespmem:s26+$0x12CC0];
	_ =	sdelay $0x4  }
0x65: {  	[tilespmem:$0x1FDF0] =	vst v61;
	v61 =	vld [tilespmem:s26+$0x104D0];
	_ =	sdelay $0x4  }
0x66: {  	[tilespmem:$0x1FE60] =	vst v61;
	v61 =	vld [tilespmem:s26+$0x12CD0];
	_ =	sdelay $0x4  }
0x67: {  	[tilespmem:$0x1FE70] =	vst v61;
	v61 =	vld [tilespmem:s26+$0x104E0];
	_ =	sdelay $0x4  }
0x68: {  	[tilespmem:$0x1FEE0] =	vst v61;
	v61 =	vld [tilespmem:s26+$0x12CE0];
	_ =	sdelay $0x4  }
0x69: {  	[tilespmem:$0x1FEF0] =	vst v61;
	v61 =	vld [tilespmem:s26+$0x104F0];
	_ =	sdelay $0x4  }
0x6a: {  	[tilespmem:$0x1FF30] =	vst v61;
	v61 =	vld [tilespmem:s26+$0x12CF0];
	_ =	sdelay $0x4  }
0x6b: {  	[tilespmem:$0x1FF40] =	vst v61;
	v61 =	vld [tilespmem:s26+$0x10500];
	_ =	sdelay $0x4  }
0x6c: {  	[tilespmem:$0x1FD80] =	vst v61;
	v61 =	vld [tilespmem:s26+$0x12D00];
	_ =	sdelay $0x4  }
0x6d: {  	[tilespmem:$0x1FD90] =	vst v61;
	v61 =	vld [tilespmem:s26+$0x10510];
	_ =	sdelay $0x4  }
0x6e: {  	[tilespmem:$0x1FDA0] =	vst v61;
	v61 =	vld [tilespmem:s26+$0x12D10];
	_ =	sdelay $0x4  }
0x6f: {  	[tilespmem:$0x1FDB0] =	vst v61;
	v61 =	vld [tilespmem:s26+$0x10520]  }
0x70: {  	v59 =	vld [tilespmem:s26+$0x12850]  }
0x71: {  	v2 =	vld [tilespmem:s26+$0x10060]  }
0x72: {  	v8 =	vld [tilespmem:s26+$0x10080]  }
0x73: {  	v6 =	vld [tilespmem:s26+$0x12880]  }
0x74: {  	[tilespmem:$0x1FE00] =	vst v61;
	v61 =	vld [tilespmem:s26+$0x12D20]  }
0x75: {  	v7 =	vld [tilespmem:s26+$0x10090]  }
0x76: {  	v15 =	vld [tilespmem:s26+$0x100A0]  }
0x77: {  	v11 =	vld [tilespmem:s26+$0x128A0]  }
0x78: {  	v29 =	vld [tilespmem:s26+$0x100B0]  }
0x79: {  	[tilespmem:$0x1FE10] =	vst v61;
	v61 =	vld [tilespmem:s26+$0x10530]  }
0x7a: {  	v25 =	vld [tilespmem:s26+$0x128B0]  }
0x7b: {  	v44 =	vld [tilespmem:s26+$0x100C0]  }
0x7c: {  	v39 =	vld [tilespmem:s26+$0x128C0]  }
0x7d: {  	v3 =	vld [tilespmem:s26+$0x100D0]  }
0x7e: {  	[tilespmem:$0x1FE40] =	vst v61;
	v61 =	vld [tilespmem:s26+$0x12D30]  }
0x7f: {  	v56 =	vld [tilespmem:s26+$0x128D0]  }
0x80: {  	v9 =	vld [tilespmem:s26+$0x10100]  }
0x81: {  	v4 =	vld [tilespmem:s26+$0x12900]  }
0x82: {  	v5 =	vld [tilespmem:s26+$0x10110]  }
0x83: {  	[tilespmem:$0x1FE50] =	vst v61;
	v61 =	vld [tilespmem:s26+$0x10540]  }
0x84: {  	v19 =	vld [tilespmem:s26+$0x10120]  }
0x85: {  	v16 =	vld [tilespmem:s26+$0x12920]  }
0x86: {  	v34 =	vld [tilespmem:s26+$0x10130]  }
0x87: {  	v31 =	vld [tilespmem:s26+$0x12930]  }
0x88: {  	[tilespmem:$0x1FEB0] =	vst v61;
	v61 =	vld [tilespmem:s26+$0x12D40]  }
0x89: {  	v52 =	vld [tilespmem:s26+$0x10140]  }
0x8a: {  	v50 =	vld [tilespmem:s26+$0x12940]  }
0x8b: {  	v10 =	vld [tilespmem:s26+$0x10150]  }
0x8c: {  	v30 =	vld [tilespmem:s26+$0x12950]  }
0x8d: {  	[tilespmem:$0x1FEC0] =	vst v61;
	v61 =	vld [tilespmem:s26+$0x10550]  }
0x8e: {  	v32 =	vld [tilespmem:s26+$0x10160]  }
0x8f: {  	v33 =	vld [tilespmem:s26+$0x12960]  }
0x90: {  	v35 =	vld [tilespmem:s26+$0x10170]  }
0x91: {  	v36 =	vld [tilespmem:s26+$0x12970]  }
0x92: {  	[tilespmem:$0x1FF00] =	vst v61;
	v61 =	vld [tilespmem:s26+$0x12D50]  }
0x93: {  	v17 =	vld [tilespmem:s26+$0x10180]  }
0x94: {  	v12 =	vld [tilespmem:s26+$0x12980]  }
0x95: {  	v13 =	vld [tilespmem:s26+$0x10190]  }
0x96: {  	v26 =	vld [tilespmem:s26+$0x129A0]  }
0x97: {  	[tilespmem:$0x1FF10] =	vst v61;
	v61 =	vld [tilespmem:s26+$0x10560]  }
0x98: {  	v46 =	vld [tilespmem:s26+$0x101B0]  }
0x99: {  	v41 =	vld [tilespmem:s26+$0x129B0]  }
0x9a: {  	v21 =	vld [tilespmem:s26+$0x101C0]  }
0x9b: {  	v37 =	vld [tilespmem:s26+$0x129C0]  }
0x9c: {  	[tilespmem:$0x1FF50] =	vst v61;
	v61 =	vld [tilespmem:s26+$0x12D60]  }
0x9d: {  	v40 =	vld [tilespmem:s26+$0x101D0]  }
0x9e: {  	v42 =	vld [tilespmem:s26+$0x129D0]  }
0x9f: {  	v45 =	vld [tilespmem:s26+$0x101E0]  }
0xa0: {  	[tilespmem:$0x1F830] =	vst v3;
	v3 =	vld [tilespmem:s26+$0x100E0]  }
0xa1: {  	[tilespmem:$0x1FF60] =	vst v61;
	v61 =	vld [tilespmem:s26+$0x10570]  }
0xa2: {  	v47 =	vld [tilespmem:s26+$0x129E0]  }
0xa3: {  	[tilespmem:$0x1F810] =	vst v2;
	v2 =	vld [tilespmem:s26+$0x12860]  }
0xa4: {  	v48 =	vld [tilespmem:s26+$0x101F0]  }
0xa5: {  	[tilespmem:$0x1F860] =	vst v3;
	v3 =	vld [tilespmem:s26+$0x128E0]  }
0xa6: {  	[tilespmem:$0x1FFB0] =	vst v61;
	v61 =	vld [tilespmem:s26+$0x12D70]  }
0xa7: {  	v49 =	vld [tilespmem:s26+$0x129F0]  }
0xa8: {  	[tilespmem:$0x1F820] =	vst v2;
	v2 =	vld [tilespmem:s26+$0x10070]  }
0xa9: {  	v28 =	vld [tilespmem:s26+$0x10200]  }
0xaa: {  	[tilespmem:$0x1F870] =	vst v3;
	v3 =	vld [tilespmem:s26+$0x100F0]  }
0xab: {  	[tilespmem:$0x1FFC0] =	vst v61;
	v61 =	vld [tilespmem:s26+$0x10580]  }
0xac: {  	v24 =	vld [tilespmem:s26+$0x12A00]  }
0xad: {  	[tilespmem:$0x1F840] =	vst v2;
	v2 =	vld [tilespmem:s26+$0x12870]  }
0xae: {  	v23 =	vld [tilespmem:s26+$0x10210]  }
0xaf: {  	[tilespmem:$0x1F8A0] =	vst v3;
	v3 =	vld [tilespmem:s26+$0x128F0]  }
0xb0: {  	[tilespmem:$0x1FE20] =	vst v61;
	v61 =	vld [tilespmem:s26+$0x10590]  }
0xb1: {  	v63 =	vld [tilespmem:s26+$0x10230]  }
0xb2: {  	[tilespmem:$0x1F850] =	vst v2;
	v2 =	vld [tilespmem:s26+$0x12890]  }
0xb3: {  	v54 =	vld [tilespmem:s26+$0x12A30]  }
0xb4: {  	v20 =	vmul.f32 v20, v60;
	v14 =	vmul.f32 v14, v18;
	[tilespmem:$0x1F8B0] =	vst v3;
	v3 =	vld [tilespmem:s26+$0x12910]  }
0xb5: {  	[tilespmem:$0x1FE30] =	vst v61;
	v61 =	vld [tilespmem:s26+$0x105A0]  }
0xb6: {  	v51 =	vld [tilespmem:s26+$0x12A40];
	v18 =	vmul.f32 v22, v43;
	v14 =	vadd.f32 v14, v20  }
0xb7: {  	v55 =	vld [tilespmem:s26+$0x10250];
	v6 =	vmul.f32 v6, v8;
	v2 =	vmul.f32 v2, v7  }
0xb8: {  	v62 =	vld [tilespmem:s26+$0x10260];
	v22 =	vmul.f32 v27, v58;
	v4 =	vmul.f32 v4, v9;
	v14 =	vadd.f32 v18, v14  }
0xb9: {  	v16 =	vmul.f32 v16, v19;
	v19 =	vld [tilespmem:$0x1F830];
	v18 =	vmul.f32 v11, v15;
	v2 =	vadd.f32 v2, v6  }
0xba: {  	v20 =	vld [tilespmem:s26+$0x105C0];
	v3 =	vmul.f32 v3, v5;
	[tilespmem:$0x1FE80] =	vst v61;
	v61 =	vadd.f32 v22, v14;
	v14 =	vmul.f32 v38, v57  }
0xbb: {  	v29 =	vmul.f32 v25, v29;
	v2 =	vadd.f32 v18, v2;
	v22 =	vmul.f32 v59, v53;
	v59 =	vld [tilespmem:$0x1F810]  }
0xbc: {  	v3 =	vadd.f32 v3, v4;
	v7 =	vadd.f32 v14, v61;
	v61 =	vld [tilespmem:$0x1F820]  }
0xbd: {  	v25 =	vld [tilespmem:$0x1F850];
	v2 =	vadd.f32 v29, v2  }
0xbe: {  	[tilespmem:$0x1F890] =	vst v30;
	v29 =	vmul.f32 v31, v34;
	v3 =	vadd.f32 v16, v3;
	v7 =	vadd.f32 v22, v7;
	v22 =	vld [tilespmem:$0x1F840]  }
0xbf: {  	[tilespmem:$0x1F880] =	vst v10;
	v6 =	vmul.f32 v56, v19;
	v56 =	vld [tilespmem:$0x1F890]  }
0xc0: {  	v4 =	vadd.f32 v29, v3;
	v3 =	vld [tilespmem:$0x1F880]  }
0xc1: {  	v10 =	vld [tilespmem:s26+$0x12990];
	v5 =	vmul.f32 v61, v59  }
0xc2: {  	v30 =	vld [tilespmem:s26+$0x101A0]  }
0xc3: {  	[tilespmem:$0x1FF20] =	vst v20;
	v20 =	vld [tilespmem:s26+$0x105F0];
	v5 =	vadd.f32 v5, v7;
	v7 =	vmul.f32 v25, v22  }
0xc4: {  	v59 =	vld [tilespmem:$0x1F8B0]  }
0xc5: {  	[tilespmem:$0x1F8D0] =	vst v33;
	v9 =	vadd.f32 v7, v5;
	v7 =	vmul.f32 v56, v3;
	v3 =	vld [tilespmem:$0x1F8A0]  }
0xc6: {  	[tilespmem:$0x1F8E0] =	vst v21;
	v21 =	vld [tilespmem:s26+$0x12A10]  }
0xc7: {  	[tilespmem:$0x1F900] =	vst v40;
	v40 =	vld [tilespmem:s26+$0x10220]  }
0xc8: {  	[tilespmem:$0x1FFD0] =	vst v20;
	v20 =	vmul.f32 v24, v28;
	v24 =	vld [tilespmem:$0x1F8D0]  }
0xc9: {  	[tilespmem:$0x1F8C0] =	vst v32;
	v53 =	vld [tilespmem:s26+$0x12DD0]  }
0xca: {  	v8 =	vmul.f32 v59, v3;
	v3 =	vld [tilespmem:$0x1F8C0]  }
0xcb: {  	[tilespmem:$0x1F930] =	vst v36;
	v36 =	vld [tilespmem:s26+$0x12A20]  }
0xcc: {  	[tilespmem:$0x1F8F0] =	vst v37;
	v32 =	vld [tilespmem:s26+$0x10240]  }
0xcd: {  	v28 =	vld [tilespmem:$0x1F8F0]  }
0xce: {  	v31 =	vld [tilespmem:s26+$0x12DF0]  }
0xcf: {  	[tilespmem:$0x1FF80] =	vst v53;
	v53 =	vmul.f32 v26, v30;
	v26 =	vmul.f32 v24, v3;
	v3 =	vld [tilespmem:$0x1F8E0]  }
0xd0: {  	v37 =	vld [tilespmem:s26+$0x12A60]  }
0xd1: {  	[tilespmem:$0x1F910] =	vst v42;
	v42 =	vld [tilespmem:s26+$0x10270]  }
0xd2: {  	v38 =	vld [tilespmem:s26+$0x105D0]  }
0xd3: {  	[tilespmem:$0x1FFE0] =	vst v31;
	v31 =	vld [tilespmem:$0x1F910]  }
0xd4: {  	v29 =	vmul.f32 v28, v3;
	v3 =	vld [tilespmem:$0x1F900]  }
0xd5: {  	[tilespmem:$0x1F940] =	vst v45;
	v45 =	vld [tilespmem:s26+$0x12A70]  }
0xd6: {  	v14 =	vmul.f32 v39, v44;
	v39 =	vld [tilespmem:$0x1F860]  }
0xd7: {  	v34 =	vmul.f32 v12, v17;
	v44 =	vld [tilespmem:$0x1F870];
	[tilespmem:$0x1FF70] =	vst v38;
	v38 =	vmul.f32 v10, v13  }
0xd8: {  	[tilespmem:$0x1F920] =	vst v35;
	v30 =	vmul.f32 v36, v40;
	v36 =	vld [tilespmem:$0x1F930]  }
0xd9: {  	v50 =	vmul.f32 v50, v52;
	v52 =	vadd.f32 v38, v34;
	v34 =	vmul.f32 v31, v3;
	v3 =	vld [tilespmem:$0x1F920]  }
0xda: {  	v35 =	vld [tilespmem:s26+$0x12A80]  }
0xdb: {  	v33 =	vld [tilespmem:s26+$0x10290]  }
0xdc: {  	[tilespmem:$0x1F950] =	vst v47;
	v47 =	vld [tilespmem:s26+$0x12AB0]  }
0xdd: {  	v10 =	vmul.f32 v44, v39;
	v44 =	vld [tilespmem:$0x1F950]  }
0xde: {  	[tilespmem:$0x1F9A0] =	vst v48;
	v38 =	vmul.f32 v36, v3;
	v3 =	vld [tilespmem:$0x1F940]  }
0xdf: {  	[tilespmem:$0x1F970] =	vst v51;
	v48 =	vld [tilespmem:s26+$0x102C0]  }
0xe0: {  	[tilespmem:$0x1F980] =	vst v55;
	v55 =	vld [tilespmem:s26+$0x12AC0]  }
0xe1: {  	[tilespmem:$0x1F9E0] =	vst v62;
	v62 =	vld [tilespmem:s26+$0x12AD0]  }
0xe2: {  	[tilespmem:$0x1F960] =	vst v32;
	v4 =	vadd.f32 v50, v4;
	v50 =	vld [tilespmem:$0x1F970]  }
0xe3: {  	v61 =	vmul.f32 v41, v46;
	v46 =	vmul.f32 v44, v3;
	v3 =	vld [tilespmem:$0x1F960]  }
0xe4: {  	v15 =	vld [tilespmem:s26+$0x105E0]  }
0xe5: {  	[tilespmem:$0x1F9F0] =	vst v37;
	v37 =	vld [tilespmem:s26+$0x10280]  }
0xe6: {  	[tilespmem:$0x1FA60] =	vst v42;
	v42 =	vld [tilespmem:s26+$0x102B0]  }
0xe7: {  	v56 =	vld [tilespmem:$0x1F990]  }
0xe8: {  	[tilespmem:$0x1F9B0] =	vst v49;
	v5 =	vadd.f32 v53, v52;
	v52 =	vmul.f32 v50, v3;
	v3 =	vld [tilespmem:$0x1F980]  }
0xe9: {  	[tilespmem:$0x1FA70] =	vst v45;
	v45 =	vld [tilespmem:s26+$0x102E0]  }
0xea: {  	[tilespmem:$0x1F9D0] =	vst v47;
	v47 =	vld [tilespmem:s26+$0x12AE0]  }
0xeb: {  	[tilespmem:$0x1FA00] =	vst v48;
	v48 =	vld [tilespmem:s26+$0x102F0]  }
0xec: {  	v5 =	vadd.f32 v61, v5;
	v61 =	vld [tilespmem:$0x1F9B0]  }
0xed: {  	v59 =	vmul.f32 v56, v3;
	v3 =	vld [tilespmem:$0x1F9A0]  }
0xee: {  	[tilespmem:$0x1FA10] =	vst v55;
	v55 =	vld [tilespmem:s26+$0x12AF0]  }
0xef: {  	[tilespmem:$0x1FAC0] =	vst v45;
	v45 =	vld [tilespmem:s26+$0x10310]  }
0xf0: {  	[tilespmem:$0x1F9C0] =	vst v42;
	v42 =	vld [tilespmem:s26+$0x12B10]  }
0xf1: {  	v36 =	vld [tilespmem:$0x1F9D0]  }
0xf2: {  	v39 =	vmul.f32 v54, v63;
	v63 =	vmul.f32 v61, v3;
	v3 =	vld [tilespmem:$0x1F9C0]  }
0xf3: {  	[tilespmem:$0x1FA50] =	vst v62;
	v62 =	vld [tilespmem:s26+$0x10330]  }
0xf4: {  	[tilespmem:$0x1FB40] =	vst v48;
	v48 =	vld [tilespmem:s26+$0x10300]  }
0xf5: {  	[tilespmem:$0x1FAD0] =	vst v47;
	v47 =	vld [tilespmem:s26+$0x12B00]  }
0xf6: {  	v44 =	vmul.f32 v42, v45;
	v45 =	vld [tilespmem:$0x1F9F0]  }
0xf7: {  	v40 =	vmul.f32 v35, v37;
	v7 =	vadd.f32 v7, v4;
	v37 =	vmul.f32 v36, v3;
	v3 =	vld [tilespmem:$0x1F9E0]  }
0xf8: {  	v51 =	vld [tilespmem:s26+$0x102A0];
	v5 =	vadd.f32 v29, v5  }
0xf9: {  	[tilespmem:$0x1FB50] =	vst v55;
	v55 =	vld [tilespmem:s26+$0x10320];
	v2 =	vadd.f32 v14, v2;
	v7 =	vadd.f32 v26, v7  }
0xfa: {  	[tilespmem:$0x1FA80] =	vst v62;
	v62 =	vld [tilespmem:s26+$0x10340];
	v5 =	vadd.f32 v34, v5  }
0xfb: {  	[tilespmem:$0x1FF90] =	vst v15;
	v2 =	vadd.f32 v6, v2;
	v15 =	vadd.f32 v38, v7;
	v38 =	vmul.f32 v47, v48;
	v47 =	vld [tilespmem:$0x1FA10]  }
0xfc: {  	v5 =	vadd.f32 v46, v5;
	v46 =	vmul.f32 v45, v3;
	v3 =	vld [tilespmem:$0x1FA00]  }
0xfd: {  	v49 =	vld [tilespmem:s26+$0x12AA0];
	v23 =	vmul.f32 v21, v23;
	v2 =	vadd.f32 v10, v2  }
0xfe: {  	v32 =	vld [tilespmem:s26+$0x12A90]  }
0xff: {  	[tilespmem:$0x1FAE0] =	vst v62;
	v62 =	vld [tilespmem:s26+$0x10350];
	v6 =	vadd.f32 v8, v2;
	v2 =	vadd.f32 v23, v20  }
0x100: {  	[tilespmem:$0x1FA20] =	vst v55;
	v50 =	vld [tilespmem:$0x1FA30]  }
0x101: {  	v2 =	vadd.f32 v30, v2;
	v48 =	vmul.f32 v47, v3;
	v3 =	vld [tilespmem:$0x1FA20];
	_ =	sdelay $0x1  }
0x102: {  	v2 =	vadd.f32 v39, v2  }
0x103: {  	[tilespmem:$0x1FB20] =	vst v62;
	v62 =	vld [tilespmem:s26+$0x10360]  }
0x104: {  	v41 =	vmul.f32 v32, v33;
	v2 =	vadd.f32 v52, v2;
	v52 =	vld [tilespmem:$0x1FA50]  }
0x105: {  	v54 =	vmul.f32 v49, v51;
	v51 =	vmul.f32 v50, v3;
	v3 =	vld [tilespmem:$0x1FA40];
	_ =	sdelay $0x1  }
0x106: {  	v53 =	vadd.f32 v41, v40  }
0x107: {  	[tilespmem:$0x1FBC0] =	vst v62;
	v62 =	vld [tilespmem:s26+$0x10370]  }
0x108: {  	v23 =	vadd.f32 v54, v53;
	v54 =	vld [tilespmem:$0x1FA70]  }
0x109: {  	v53 =	vmul.f32 v52, v3;
	v3 =	vld [tilespmem:$0x1FA60];
	_ =	sdelay $0x2  }
0x10a: {  	[tilespmem:$0x1FC40] =	vst v62;
	v62 =	vld [tilespmem:s26+$0x10380]  }
0x10b: {  	v2 =	vadd.f32 v59, v2;
	v59 =	vld [tilespmem:$0x1FA90]  }
0x10c: {  	v56 =	vmul.f32 v54, v3;
	v3 =	vld [tilespmem:$0x1FA80];
	_ =	sdelay $0x3  }
0x10d: {  	[tilespmem:$0x1FAA0] =	vst v62;
	v62 =	vld [tilespmem:s26+$0x12B80]  }
0x10e: {  	v61 =	vmul.f32 v59, v3;
	v3 =	vld [tilespmem:$0x1FAA0];
	_ =	sdelay $0x3  }
0x10f: {  	v55 =	vld [tilespmem:s26+$0x12B90]  }
0x110: {  	v62 =	vmul.f32 v62, v3;
	v3 =	vld [tilespmem:$0x1FAB0];
	_ =	sdelay $0x3  }
0x111: {  	v41 =	vld [tilespmem:$0x1FAD0]  }
0x112: {  	v40 =	vadd.f32 v63, v5;
	v63 =	vmul.f32 v55, v3;
	v3 =	vld [tilespmem:$0x1FAC0];
	_ =	sdelay $0x3  }
0x113: {  	v49 =	vadd.f32 v44, v38;
	v44 =	vld [tilespmem:$0x1FAF0]  }
0x114: {  	v42 =	vmul.f32 v41, v3;
	v3 =	vld [tilespmem:$0x1FAE0];
	_ =	sdelay $0x1  }
0x115: {  	v2 =	vadd.f32 v46, v2;
	_ =	sdelay $0x1  }
0x116: {  	v4 =	vadd.f32 v56, v2;
	v2 =	vld [tilespmem:$0x1FB00]  }
0x117: {  	v45 =	vmul.f32 v44, v3;
	v3 =	vld [tilespmem:$0x1FB10];
	_ =	sdelay $0x4  }
0x118: {  	v46 =	vmul.f32 v3, v2;
	v2 =	vld [tilespmem:$0x1FB20]  }
0x119: {  	v3 =	vld [tilespmem:$0x1FB30];
	_ =	sdelay $0x4  }
0x11a: {  	v47 =	vmul.f32 v3, v2;
	v2 =	vld [tilespmem:$0x1FB40]  }
0x11b: {  	v3 =	vld [tilespmem:$0x1FB50];
	_ =	sdelay $0x2  }
0x11c: {  	v23 =	vadd.f32 v37, v23;
	_ =	sdelay $0x1  }
0x11d: {  	v23 =	vadd.f32 v48, v23;
	v48 =	vmul.f32 v3, v2;
	v2 =	vld [tilespmem:$0x1FB60]  }
0x11e: {  	v3 =	vld [tilespmem:$0x1FB70];
	_ =	sdelay $0x4  }
0x11f: {  	v5 =	vadd.f32 v51, v49;
	v49 =	vmul.f32 v3, v2;
	v2 =	vld [tilespmem:$0x1FB80]  }
0x120: {  	v3 =	vld [tilespmem:$0x1FB90];
	_ =	sdelay $0x4  }
0x121: {  	v50 =	vmul.f32 v3, v2;
	v2 =	vld [tilespmem:$0x1FBA0]  }
0x122: {  	v3 =	vld [tilespmem:$0x1FBB0];
	_ =	sdelay $0x4  }
0x123: {  	v51 =	vmul.f32 v3, v2;
	v2 =	vld [tilespmem:$0x1FBC0]  }
0x124: {  	v3 =	vld [tilespmem:$0x1FBD0];
	_ =	sdelay $0x4  }
0x125: {  	v52 =	vmul.f32 v3, v2;
	v2 =	vld [tilespmem:$0x1FBE0]  }
0x126: {  	v3 =	vld [tilespmem:$0x1FBF0];
	_ =	sdelay $0x4  }
0x127: {  	v23 =	vadd.f32 v53, v23;
	v53 =	vmul.f32 v3, v2;
	v2 =	vld [tilespmem:$0x1FC00]  }
0x128: {  	v3 =	vld [tilespmem:$0x1FC10];
	_ =	sdelay $0x4  }
0x129: {  	v55 =	vmul.f32 v3, v2;
	v2 =	vld [tilespmem:$0x1FC20]  }
0x12a: {  	v3 =	vld [tilespmem:$0x1FC30];
	_ =	sdelay $0x4  }
0x12b: {  	v56 =	vmul.f32 v3, v2;
	v2 =	vld [tilespmem:$0x1FC40]  }
0x12c: {  	v3 =	vld [tilespmem:$0x1FC50]  }
0x12d: {  	v5 =	vadd.f32 v61, v5;
	_ =	sdelay $0x1  }
0x12e: {  	v5 =	vadd.f32 v45, v5;
	_ =	sdelay $0x1  }
0x12f: {  	v26 =	vadd.f32 v47, v5;
	v47 =	vmul.f32 v3, v2;
	v2 =	vld [tilespmem:$0x1FC60]  }
0x130: {  	v3 =	vld [tilespmem:$0x1FC70];
	_ =	sdelay $0x4  }
0x131: {  	v59 =	vmul.f32 v3, v2;
	v2 =	vld [tilespmem:$0x1FC80]  }
0x132: {  	v3 =	vld [tilespmem:$0x1FC90];
	_ =	sdelay $0x4  }
0x133: {  	v61 =	vmul.f32 v3, v2;
	v2 =	vld [tilespmem:$0x1FCA0]  }
0x134: {  	v3 =	vld [tilespmem:$0x1FCB0];
	_ =	sdelay $0x4  }
0x135: {  	v28 =	vadd.f32 v63, v62;
	v62 =	vmul.f32 v3, v2;
	v2 =	vld [tilespmem:$0x1FCC0]  }
0x136: {  	v3 =	vld [tilespmem:$0x1FCD0];
	_ =	sdelay $0x4  }
0x137: {  	v28 =	vadd.f32 v46, v28;
	v63 =	vmul.f32 v3, v2;
	v2 =	vld [tilespmem:$0x1FCE0]  }
0x138: {  	v23 =	vadd.f32 v42, v23;
	v3 =	vld [tilespmem:$0x1FCF0]  }
0x139: {  	v28 =	vadd.f32 v49, v28;
	v54 =	vadd.f32 v51, v50  }
0x13a: {  	v5 =	vadd.f32 v48, v23  }
0x13b: {  	v28 =	vadd.f32 v53, v28;
	v23 =	vadd.f32 v55, v54;
	_ =	sdelay $0x1  }
0x13c: {  	v46 =	vadd.f32 v56, v28;
	v56 =	vadd.f32 v59, v23;
	v59 =	vmul.f32 v3, v2;
	v2 =	vld [tilespmem:$0x1FD00]  }
0x13d: {  	v3 =	vld [tilespmem:$0x1FD10];
	_ =	sdelay $0x4  }
0x13e: {  	v61 =	vadd.f32 v62, v61;
	v62 =	vmul.f32 v3, v2;
	v2 =	vld [tilespmem:$0x1FD20]  }
0x13f: {  	v3 =	vld [tilespmem:$0x1FD30];
	_ =	sdelay $0x4  }
0x140: {  	v46 =	vadd.f32 v63, v46;
	v63 =	vmul.f32 v3, v2;
	v2 =	vld [tilespmem:$0x1FD40]  }
0x141: {  	v3 =	vld [tilespmem:$0x1FD50];
	_ =	sdelay $0x4  }
0x142: {  	v50 =	vadd.f32 v59, v56;
	v59 =	vmul.f32 v3, v2;
	v2 =	vld [tilespmem:$0x1FD60]  }
0x143: {  	v3 =	vld [tilespmem:$0x1FD70];
	_ =	sdelay $0x2  }
0x144: {  	v26 =	vadd.f32 v52, v26;
	_ =	sdelay $0x1  }
0x145: {  	v23 =	vadd.f32 v47, v26;
	v47 =	vadd.f32 v62, v61;
	v61 =	vmul.f32 v3, v2;
	v2 =	vld [tilespmem:$0x1FD80]  }
0x146: {  	v3 =	vld [tilespmem:$0x1FD90];
	_ =	sdelay $0x4  }
0x147: {  	v62 =	vmul.f32 v3, v2;
	v2 =	vld [tilespmem:$0x1FDA0]  }
0x148: {  	v3 =	vld [tilespmem:$0x1FDB0];
	_ =	sdelay $0x4  }
0x149: {  	v26 =	vadd.f32 v63, v46;
	v63 =	vmul.f32 v3, v2;
	v2 =	vld [tilespmem:$0x1FDC0]  }
0x14a: {  	v3 =	vld [tilespmem:$0x1FDD0];
	_ =	sdelay $0x4  }
0x14b: {  	v52 =	vmul.f32 v3, v2;
	v2 =	vld [tilespmem:$0x1FDE0]  }
0x14c: {  	v3 =	vld [tilespmem:$0x1FDF0];
	_ =	sdelay $0x4  }
0x14d: {  	v56 =	vmul.f32 v3, v2;
	v2 =	vld [tilespmem:$0x1FE00]  }
0x14e: {  	v3 =	vld [tilespmem:$0x1FE10];
	_ =	sdelay $0x1  }
0x14f: {  	v60 =	vld [tilespmem:s26+$0x12D80]  }
0x150: {  	v27 =	vld [tilespmem:s26+$0x105B0]  }
0x151: {  	v43 =	vld [tilespmem:s26+$0x12D90]  }
0x152: {  	v50 =	vadd.f32 v59, v50;
	v59 =	vmul.f32 v3, v2;
	v2 =	vld [tilespmem:$0x1FE20]  }
0x153: {  	v58 =	vld [tilespmem:s26+$0x12DA0]  }
0x154: {  	v11 =	vld [tilespmem:s26+$0x12E30]  }
0x155: {  	[tilespmem:$0x1FED0] =	vst v27;
	v27 =	vld [tilespmem:s26+$0x12DC0]  }
0x156: {  	v21 =	vld [tilespmem:s26+$0x12E50]  }
0x157: {  	v50 =	vadd.f32 v52, v50;
	v52 =	vmul.f32 v60, v2;
	v2 =	vld [tilespmem:$0x1FE30]  }
0x158: {  	v19 =	vld [tilespmem:s26+$0x12E00]  }
0x159: {  	v18 =	vld [tilespmem:s26+$0x12DE0]  }
0x15a: {  	v16 =	vld [tilespmem:s26+$0x10630]  }
0x15b: {  	v3 =	vld [tilespmem:$0x1FE50]  }
0x15c: {  	v43 =	vmul.f32 v43, v2;
	v2 =	vld [tilespmem:$0x1FE40]  }
0x15d: {  	v12 =	vld [tilespmem:s26+$0x10640]  }
0x15e: {  	v17 =	vld [tilespmem:s26+$0x10660]  }
0x15f: {  	[tilespmem:$0x1FFA0] =	vst v18;
	v18 =	vld [tilespmem:s26+$0x12E10]  }
0x160: {  	v11 =	vmul.f32 v11, v16;
	v16 =	vld [tilespmem:s26+$0x12F90]  }
0x161: {  	v49 =	vmul.f32 v3, v2;
	v2 =	vld [tilespmem:$0x1FE60]  }
0x162: {  	v3 =	vld [tilespmem:$0x1FE70]  }
0x163: {  	v57 =	vld [tilespmem:s26+$0x12DB0]  }
0x164: {  	v14 =	vld [tilespmem:s26+$0x10650]  }
0x165: {  	v13 =	vld [tilespmem:s26+$0x10620]  }
0x166: {  	v35 =	vld [tilespmem:s26+$0x10690]  }
0x167: {  	v46 =	vadd.f32 v63, v62;
	v62 =	vmul.f32 v3, v2;
	v2 =	vld [tilespmem:$0x1FE80]  }
0x168: {  	v32 =	vld [tilespmem:s26+$0x12E80]  }
0x169: {  	v25 =	vld [tilespmem:s26+$0x10600]  }
0x16a: {  	v10 =	vld [tilespmem:s26+$0x12E20]  }
0x16b: {  	v3 =	vld [tilespmem:$0x1FEA0]  }
0x16c: {  	v43 =	vadd.f32 v43, v52;
	v52 =	vmul.f32 v58, v2;
	v2 =	vld [tilespmem:$0x1FE90]  }
0x16d: {  	v22 =	vld [tilespmem:s26+$0x10610]  }
0x16e: {  	v33 =	vld [tilespmem:s26+$0x106D0]  }
0x16f: {  	v10 =	vmul.f32 v10, v13;
	v13 =	vld [tilespmem:s26+$0x12F80]  }
0x170: {  	v20 =	vld [tilespmem:s26+$0x12E40]  }
0x171: {  	v63 =	vmul.f32 v3, v2;
	v2 =	vld [tilespmem:$0x1FEB0]  }
0x172: {  	v19 =	vmul.f32 v19, v25;
	v18 =	vmul.f32 v18, v22;
	v3 =	vld [tilespmem:$0x1FEC0]  }
0x173: {  	v24 =	vld [tilespmem:s26+$0x12E60]  }
0x174: {  	v18 =	vadd.f32 v18, v19;
	v8 =	vld [tilespmem:s26+$0x12E70]  }
0x175: {  	v30 =	vld [tilespmem:s26+$0x106E0];
	v46 =	vadd.f32 v59, v46  }
0x176: {  	v10 =	vadd.f32 v10, v18;
	v39 =	vld [tilespmem:s26+$0x106B0]  }
0x177: {  	v46 =	vadd.f32 v49, v46;
	v49 =	vmul.f32 v3, v2;
	v3 =	vld [tilespmem:$0x1FED0]  }
0x178: {  	v10 =	vadd.f32 v11, v10;
	v11 =	vmul.f32 v24, v17;
	v24 =	vld [tilespmem:s26+$0x12FB0]  }
0x179: {  	v29 =	vld [tilespmem:s26+$0x10680]  }
0x17a: {  	v31 =	vld [tilespmem:s26+$0x12EF0]  }
0x17b: {  	v59 =	vld [tilespmem:$0x1FEF0]  }
0x17c: {  	v43 =	vadd.f32 v52, v43;
	v52 =	vmul.f32 v57, v3;
	v3 =	vld [tilespmem:$0x1FEE0]  }
0x17d: {  	v34 =	vld [tilespmem:s26+$0x12EE0];
	v47 =	vadd.f32 v61, v47  }
0x17e: {  	v7 =	vld [tilespmem:s26+$0x10670]  }
0x17f: {  	v38 =	vld [tilespmem:s26+$0x12EA0];
	v47 =	vadd.f32 v56, v47  }
0x180: {  	v36 =	vld [tilespmem:s26+$0x12E90]  }
0x181: {  	v47 =	vadd.f32 v62, v47;
	v62 =	vmul.f32 v59, v3;
	v3 =	vld [tilespmem:$0x1FF00]  }
0x182: {  	v59 =	vld [tilespmem:$0x1FF10]  }
0x183: {  	v37 =	vld [tilespmem:s26+$0x106A0]  }
0x184: {  	v41 =	vld [tilespmem:s26+$0x12EB0]  }
0x185: {  	v50 =	vadd.f32 v63, v50;
	v63 =	vld [tilespmem:$0x1FF20]  }
0x186: {  	v47 =	vadd.f32 v62, v47;
	v62 =	vld [tilespmem:$0x1FF30]  }
0x187: {  	v46 =	vadd.f32 v49, v46;
	v49 =	vmul.f32 v59, v3;
	v59 =	vld [tilespmem:$0x1FF40]  }
0x188: {  	v42 =	vld [tilespmem:s26+$0x106C0]  }
0x189: {  	v44 =	vld [tilespmem:s26+$0x12ED0]  }
0x18a: {  	v45 =	vld [tilespmem:s26+$0x12EC0]  }
0x18b: {  	v27 =	vmul.f32 v27, v63;
	v63 =	vld [tilespmem:$0x1FF50]  }
0x18c: {  	v62 =	vmul.f32 v59, v62;
	v59 =	vld [tilespmem:$0x1FF60]  }
0x18d: {  	v48 =	vld [tilespmem:s26+$0x10700]  }
0x18e: {  	v51 =	vld [tilespmem:s26+$0x12F00];
	v43 =	vadd.f32 v52, v43  }
0x18f: {  	v53 =	vld [tilespmem:s26+$0x10720]  }
0x190: {  	v27 =	vadd.f32 v27, v43;
	v43 =	vld [tilespmem:$0x1FF70]  }
0x191: {  	v46 =	vadd.f32 v49, v46;
	v63 =	vmul.f32 v59, v63;
	v59 =	vld [tilespmem:$0x1FF80]  }
0x192: {  	v47 =	vadd.f32 v62, v47;
	v62 =	vld [tilespmem:$0x1FFA0]  }
0x193: {  	v25 =	vadd.f32 v63, v46;
	v63 =	vld [tilespmem:$0x1FF90]  }
0x194: {  	v54 =	vld [tilespmem:s26+$0x10710]  }
0x195: {  	v55 =	vld [tilespmem:s26+$0x12F10]  }
0x196: {  	v58 =	vld [tilespmem:s26+$0x10740];
	v43 =	vmul.f32 v59, v43  }
0x197: {  	v2 =	vld [tilespmem:s26+$0x12F40]  }
0x198: {  	v27 =	vadd.f32 v43, v27;
	v43 =	vmul.f32 v62, v63;
	v62 =	vld [tilespmem:$0x1FFB0]  }
0x199: {  	v63 =	vld [tilespmem:$0x1FFC0]  }
0x19a: {  	v57 =	vld [tilespmem:s26+$0x10750]  }
0x19b: {  	v14 =	vmul.f32 v21, v14;
	v7 =	vmul.f32 v8, v7;
	v3 =	vld [tilespmem:s26+$0x12F50]  }
0x19c: {  	v45 =	vmul.f32 v45, v42;
	v42 =	vmul.f32 v44, v33;
	v46 =	vld [tilespmem:s26+$0x10780]  }
0x19d: {  	v51 =	vmul.f32 v51, v48;
	v33 =	vperm.xlane v23, v1;
	v19 =	vadd.f32 v43, v27;
	v43 =	vld [tilespmem:$0x1FFE0]  }
0x19e: {  	v2 =	vmul.f32 v2, v58;
	v62 =	vmul.f32 v63, v62;
	v63 =	vld [tilespmem:$0x1FFD0]  }
0x19f: {  	v61 =	vld [tilespmem:s26+$0x12F20];
	v27 =	vmul.f32 v32, v29;
	v29 =	vmul.f32 v36, v35  }
0x1a0: {  	v28 =	vld [tilespmem:s26+$0x106F0];
	v36 =	vmul.f32 v38, v37;
	v37 =	vmul.f32 v20, v12  }
0x1a1: {  	v58 =	vld [tilespmem:s26+$0x12FF0];
	v3 =	vmul.f32 v3, v57;
	v13 =	vmul.f32 v13, v46  }
0x1a2: {  	v32 =	vld [tilespmem:s26+$0x10790];
	v10 =	vadd.f32 v37, v10;
	v18 =	vadd.f32 v62, v25;
	v62 =	vmul.f32 v55, v54  }
0x1a3: {  	v25 =	vld [tilespmem:s26+$0x107B0];
	v35 =	vmul.f32 v43, v63;
	v43 =	vmul.f32 v41, v39  }
0x1a4: {  	v10 =	vadd.f32 v14, v10;
	v54 =	vld [tilespmem:s26+$0x107F0];
	v39 =	vmul.f32 v61, v53;
	v53 =	vmul.f32 v34, v30  }
0x1a5: {  	v63 =	vadd.f32 v29, v27;
	v61 =	vmul.f32 v31, v28;
	v27 =	vperm.xlane v40, v0  }
0x1a6: {  	v56 =	vld [tilespmem:s26+$0x12F30];
	v28 =	vperm.xlane v40, v1;
	v30 =	vperm.xlane v5, v0  }
0x1a7: {  	v12 =	vld [tilespmem:s26+$0x12FA0];
	v10 =	vadd.f32 v11, v10;
	v5 =	vperm.xlane v5, v1;
	v34 =	vperm.xlane v26, v0  }
0x1a8: {  	v29 =	vld [tilespmem:s26+$0x107A0];
	v40 =	vperm.xlane v18, v0;
	v38 =	vadd.f32 v36, v63;
	v36 =	vmul.f32 v16, v32  }
0x1a9: {  	v60 =	vld [tilespmem:s26+$0x10730];
	v7 =	vadd.f32 v7, v10;
	v48 =	vmul.f32 v24, v25;
	v21 =	vmul.f32 v58, v54  }
0x1aa: {  	v37 =	vld [tilespmem:s26+$0x12FC0];
	v19 =	vadd.f32 v35, v19;
	v24 =	vperm.xlane v15, v0;
	v25 =	vperm.xlane v15, v1  }
0x1ab: {  	v63 =	vld [tilespmem:s26+$0x107C0];
	v31 =	vadd.f32 v28, v27;
	v5 =	vadd.f32 v5, v30;
	v32 =	vperm.xlane v23, v0  }
0x1ac: {  	v41 =	vld [tilespmem:s26+$0x107D0];
	v20 =	vadd.f32 v43, v38;
	v13 =	vadd.f32 v36, v13;
	v36 =	vperm.xlane v50, v0  }
0x1ad: {  	v38 =	vadd.f32 v62, v51;
	v43 =	vld [tilespmem:s26+$0x12FD0];
	v12 =	vmul.f32 v12, v29;
	v29 =	vperm.xlane v4, v0  }
0x1ae: {  	v4 =	vperm.xlane v4, v1;
	v17 =	vadd.f32 v45, v20;
	v45 =	vmul.f32 v56, v60  }
0x1af: {  	v46 =	vld [tilespmem:s26+$0x107E0];
	v44 =	vadd.f32 v39, v38;
	v38 =	vperm.xlane v47, v0;
	v39 =	vperm.xlane v47, v1  }
0x1b0: {  	v51 =	vld [tilespmem:s26+$0x12FE0];
	v12 =	vadd.f32 v12, v13;
	v56 =	vmul.f32 v37, v63;
	v4 =	vadd.f32 v4, v29  }
0x1b1: {  	v37 =	vperm.xlane v50, v1;
	v17 =	vadd.f32 v42, v17;
	v11 =	vadd.f32 v45, v44  }
0x1b2: {  	v52 =	vld [tilespmem:s26+$0x10760];
	v42 =	vperm.xlane v19, v0;
	v55 =	vadd.f32 v48, v12;
	v62 =	vmul.f32 v43, v41  }
0x1b3: {  	v49 =	vld [tilespmem:s26+$0x12F60];
	v12 =	vadd.f32 v25, v24;
	v4 =	vsel vm0, v4, v5;
	v41 =	vperm.xlane v18, v1  }
0x1b4: {  	v5 =	vadd.f32 v37, v36;
	v43 =	vperm.xlane v19, v1;
	v60 =	vadd.f32 v53, v17  }
0x1b5: {  	v22 =	vld [tilespmem:s26+$0x12F70];
	v2 =	vadd.f32 v2, v11;
	v17 =	vmul.f32 v51, v46;
	v11 =	vadd.f32 v39, v38  }
0x1b6: {  	v59 =	vld [tilespmem:s26+$0x10770];
	v46 =	vperm.xlane v7, v0;
	v8 =	vadd.f32 v56, v55;
	v44 =	vadd.f32 v41, v40  }
0x1b7: {  	v7 =	vperm.xlane v7, v1;
	v45 =	vadd.f32 v43, v42;
	v2 =	vadd.f32 v3, v2  }
0x1b8: {  	v3 =	vmul.f32 v49, v52;
	v63 =	vadd.f32 v61, v60;
	v5 =	vsel vm0, v5, v11  }
0x1b9: {  	v7 =	vadd.f32 v7, v46;
	v52 =	vperm.xlane v4, v0;
	v4 =	vperm.xlane v4, v1  }
0x1ba: {  	v8 =	vadd.f32 v62, v8;
	v54 =	vperm.xlane v5, v0;
	v5 =	vperm.xlane v5, v1  }
0x1bb: {  	v2 =	vadd.f32 v3, v2;
	v3 =	vmul.f32 v22, v59;
	v22 =	vperm.xlane v9, v0  }
0x1bc: {  	v9 =	vperm.xlane v9, v1;
	v47 =	vperm.xlane v63, v0;
	v4 =	vadd.f32 v4, v52  }
0x1bd: {  	v10 =	vperm.xlane v63, v1;
	v8 =	vadd.f32 v17, v8;
	v5 =	vadd.f32 v5, v54  }
0x1be: {  	v2 =	vadd.f32 v3, v2;
	v3 =	vperm.xlane v6, v0;
	v6 =	vperm.xlane v6, v1  }
0x1bf: {  	v35 =	vperm.xlane v26, v1;
	v10 =	vadd.f32 v10, v47;
	v8 =	vadd.f32 v21, v8  }
0x1c0: {  	v9 =	vadd.f32 v9, v22;
	v3 =	vadd.f32 v6, v3;
	v48 =	vperm.xlane v2, v0  }
0x1c1: {  	v2 =	vperm.xlane v2, v1;
	v7 =	vsel vm0, v7, v10;
	v49 =	vperm.xlane v8, v0  }
0x1c2: {  	v6 =	vadd.f32 v33, v32;
	v8 =	vperm.xlane v8, v1;
	v57 =	vperm.xlane v7, v0  }
0x1c3: {  	v7 =	vperm.xlane v7, v1;
	v3 =	vsel vm0, v9, v3;
	v9 =	vsel vm0, v12, v31  }
0x1c4: {  	v12 =	vadd.f32 v35, v34;
	v50 =	vperm.xlane v3, v0;
	v3 =	vperm.xlane v3, v1  }
0x1c5: {  	v2 =	vadd.f32 v2, v48;
	v51 =	vperm.xlane v9, v0;
	v9 =	vperm.xlane v9, v1  }
0x1c6: {  	v8 =	vadd.f32 v8, v49;
	v6 =	vsel vm0, v6, v12;
	v12 =	vsel vm0, v44, v45  }
0x1c7: {  	v3 =	vadd.f32 v3, v50;
	v53 =	vperm.xlane v6, v0;
	v6 =	vperm.xlane v6, v1  }
0x1c8: {  	v2 =	vsel vm0, v2, v8;
	v55 =	vperm.xlane v12, v0;
	v56 =	vperm.xlane v12, v1  }
0x1c9: {  	v9 =	vadd.f32 v9, v51;
	v58 =	vperm.xlane v2, v0;
	v2 =	vperm.xlane v2, v1  }
0x1ca: {  	v7 =	vadd.f32 v7, v57;
	v6 =	vadd.f32 v6, v53  }
0x1cb: {  	v3 =	vsel vm0, v3, v9;
	v59 =	vadd.f32 v56, v55;
	v2 =	vadd.f32 v2, v58  }
0x1cc: {  	v60 =	vperm.xlane v3, v0;
	v3 =	vperm.xlane v3, v1;
	v4 =	vsel vm0, v4, v6  }
0x1cd: {  	v5 =	vsel vm0, v5, v59;
	v61 =	vperm.xlane v4, v0;
	v4 =	vperm.xlane v4, v1  }
0x1ce: {  	v2 =	vsel vm0, v7, v2;
	v62 =	vperm.xlane v5, v0;
	v5 =	vperm.xlane v5, v1  }
0x1cf: {  	v63 =	vperm.xlane v2, v0;
	v2 =	vperm.xlane v2, v1  }
0x1d0: {  	v3 =	vadd.f32 v3, v60;
	v4 =	vadd.f32 v4, v61  }
0x1d1: {  	v5 =	vadd.f32 v5, v62;
	v2 =	vadd.f32 v2, v63  }
0x1d2: {  	v3 =	vsel vm0, v3, v4  }
0x1d3: {  	v2 =	vsel vm0, v5, v2;
	v4 =	vperm.xlane v3, v0;
	v3 =	vperm.xlane v3, v1  }
0x1d4: {  	v5 =	vperm.xlane v2, v0;
	v2 =	vperm.xlane v2, v1;
	_ =	sdelay $0x1  }
0x1d5: {  	v3 =	vadd.f32 v3, v4;
	v2 =	vadd.f32 v2, v5;
	_ =	sdelay $0x1  }
0x1d6: {  	v2 =	vsel vm0, v3, v2;
	v3 =	vld [tilespmem:$0x1FFF0];
	_ =	sdelay $0x2  }
0x1d7: {  	p0 =	sne.s32 s24, $0x4  }
.Ltmp2:
0x1d8: {  	_ = 	snop;
	(pc) =	sbr.rel @p0 .LBB2_3-.Ltmp2, $4  }
0x1d9: {  	_ = 	snop  }
0x1da: {  	s31 =	sshll.u32 s24, $0x4  }
0x1db: {  	s26 =	sand.u32 $0x3FFFFFF0, s31  }
0x1dc: {  	s24 =	sadd.s32 $0x1, s24;
	[tilespmem:v3+s26+$0x0 ss:$0x1] =	vst.idx.msk $0xffff, v2  }
0x1dd: {  	s24 =	sshll.u32 s23, $0x8;
	p0 =	seq.s32 s23, $0x7C  }
0x1de: {  	s26 =	sadd.s32 @!p0 $0x100, s24;
	s28 =	simm.s32 @!p0 $0x50;
	s29 =	simm.s32 @!p0 $0x10000  }
0x1df: {  	[tilespmem:s29], [sflag:$0x1] =	stream.indirect.gather @!p0 [hbm4b:s2+s28], $0x80, s26, s28, $0xb8;
	[tilespmem:$0x1EE80] =	vst v63  }
0x1e0: {  	s26 =	sadd.s32 @!p0 $0x8100, s24;
	s29 =	simm.s32 @!p0 $0x12800  }
0x1e1: {  	[tilespmem:s29], [sflag:$0x2] =	stream.indirect.gather @!p0 [hbm4b:s2+s28], $0x80, s26, s28, $0xb8;
	[tilespmem:$0x1EE80] =	vst v63  }
0x1e2: {  	_ =	swait.ge [sflag:s19], $0x2800  }
0x1e3: {  	[sflag:s19] =	ssyncset.done $0x0  }
0x1e4: {  	[sflag:s19] =	ssyncadd.s32 $0xFFFFD800  }
0x1e5: {  	s31 =	sadd.s32 $0x1A050, s25;
	_ =	swait.ge [sflag:s20], $0x2800  }
0x1e6: {  	v2 =	vmov s31;
	[sflag:s20] =	ssyncset.done $0x0  }
0x1e7: {  	s25 =	simm.s32 $0x0;
	[tilespmem:$0x1F800] =	vst v2;
	[sflag:s20] =	ssyncadd.s32 $0xFFFFD800  }
.LBB2_5:
0x1e8: {  	s26 =	sshll.u32 s25, $0xB  }
0x1e9: {  	v60 =	vld [tilespmem:s26+$0x15000]  }
0x1ea: {  	v20 =	vld [tilespmem:s26+$0x17800]  }
0x1eb: {  	v18 =	vld [tilespmem:s26+$0x15010]  }
0x1ec: {  	v14 =	vld [tilespmem:s26+$0x17810]  }
0x1ed: {  	v43 =	vld [tilespmem:s26+$0x15020]  }
0x1ee: {  	v22 =	vld [tilespmem:s26+$0x17820]  }
0x1ef: {  	v58 =	vld [tilespmem:s26+$0x15030]  }
0x1f0: {  	v27 =	vld [tilespmem:s26+$0x17830]  }
0x1f1: {  	v57 =	vld [tilespmem:s26+$0x15040]  }
0x1f2: {  	v38 =	vld [tilespmem:s26+$0x17840]  }
0x1f3: {  	v53 =	vld [tilespmem:s26+$0x15050]  }
0x1f4: {  	v61 =	vld [tilespmem:s26+$0x17A50];
	_ =	sdelay $0x4  }
0x1f5: {  	[tilespmem:$0x1F1A0] =	vst v61;
	v61 =	vld [tilespmem:s26+$0x152D0];
	_ =	sdelay $0x4  }
0x1f6: {  	[tilespmem:$0x1F250] =	vst v61;
	v61 =	vld [tilespmem:s26+$0x17B20];
	_ =	sdelay $0x4  }
0x1f7: {  	[tilespmem:$0x1F240] =	vst v61;
	v61 =	vld [tilespmem:s26+$0x17B30];
	_ =	sdelay $0x4  }
0x1f8: {  	[tilespmem:$0x1F2A0] =	vst v61;
	v61 =	vld [tilespmem:s26+$0x17B40];
	_ =	sdelay $0x4  }
0x1f9: {  	[tilespmem:$0x1F300] =	vst v61;
	v61 =	vld [tilespmem:s26+$0x17B50];
	_ =	sdelay $0x4  }
0x1fa: {  	[tilespmem:$0x1F340] =	vst v61;
	v61 =	vld [tilespmem:s26+$0x17B60];
	_ =	sdelay $0x4  }
0x1fb: {  	[tilespmem:$0x1F3E0] =	vst v61;
	v61 =	vld [tilespmem:s26+$0x17B70];
	_ =	sdelay $0x4  }
0x1fc: {  	[tilespmem:$0x1F460] =	vst v61;
	v61 =	vld [tilespmem:s26+$0x15390];
	_ =	sdelay $0x4  }
0x1fd: {  	[tilespmem:$0x1F2C0] =	vst v61;
	v61 =	vld [tilespmem:s26+$0x153A0];
	_ =	sdelay $0x4  }
0x1fe: {  	[tilespmem:$0x1F310] =	vst v61;
	v61 =	vld [tilespmem:s26+$0x17BA0];
	_ =	sdelay $0x4  }
0x1ff: {  	[tilespmem:$0x1F320] =	vst v61;
	v61 =	vld [tilespmem:s26+$0x153B0];
	_ =	sdelay $0x4  }
0x200: {  	[tilespmem:$0x1F370] =	vst v61;
	v61 =	vld [tilespmem:s26+$0x17BB0];
	_ =	sdelay $0x4  }
0x201: {  	[tilespmem:$0x1F380] =	vst v61;
	v61 =	vld [tilespmem:s26+$0x153C0];
	_ =	sdelay $0x4  }
0x202: {  	[tilespmem:$0x1F3F0] =	vst v61;
	v61 =	vld [tilespmem:s26+$0x17BC0];
	_ =	sdelay $0x4  }
0x203: {  	[tilespmem:$0x1F400] =	vst v61;
	v61 =	vld [tilespmem:s26+$0x153D0];
	_ =	sdelay $0x4  }
0x204: {  	[tilespmem:$0x1F430] =	vst v61;
	v61 =	vld [tilespmem:s26+$0x17BD0];
	_ =	sdelay $0x4  }
0x205: {  	[tilespmem:$0x1F440] =	vst v61;
	v61 =	vld [tilespmem:s26+$0x153E0];
	_ =	sdelay $0x4  }
0x206: {  	[tilespmem:$0x1F4D0] =	vst v61;
	v61 =	vld [tilespmem:s26+$0x17BE0];
	_ =	sdelay $0x4  }
0x207: {  	[tilespmem:$0x1F4E0] =	vst v61;
	v61 =	vld [tilespmem:s26+$0x153F0];
	_ =	sdelay $0x4  }
0x208: {  	[tilespmem:$0x1F530] =	vst v61;
	v61 =	vld [tilespmem:s26+$0x17BF0];
	_ =	sdelay $0x4  }
0x209: {  	[tilespmem:$0x1F540] =	vst v61;
	v61 =	vld [tilespmem:s26+$0x15400];
	_ =	sdelay $0x4  }
0x20a: {  	[tilespmem:$0x1F390] =	vst v61;
	v61 =	vld [tilespmem:s26+$0x17C00];
	_ =	sdelay $0x4  }
0x20b: {  	[tilespmem:$0x1F3A0] =	vst v61;
	v61 =	vld [tilespmem:s26+$0x15410];
	_ =	sdelay $0x4  }
0x20c: {  	[tilespmem:$0x1F3B0] =	vst v61;
	v61 =	vld [tilespmem:s26+$0x17C10];
	_ =	sdelay $0x4  }
0x20d: {  	[tilespmem:$0x1F3C0] =	vst v61;
	v61 =	vld [tilespmem:s26+$0x15420];
	_ =	sdelay $0x4  }
0x20e: {  	[tilespmem:$0x1F410] =	vst v61;
	v61 =	vld [tilespmem:s26+$0x17C20];
	_ =	sdelay $0x4  }
0x20f: {  	[tilespmem:$0x1F420] =	vst v61;
	v61 =	vld [tilespmem:s26+$0x15430];
	_ =	sdelay $0x4  }
0x210: {  	[tilespmem:$0x1F470] =	vst v61;
	v61 =	vld [tilespmem:s26+$0x17C30];
	_ =	sdelay $0x4  }
0x211: {  	[tilespmem:$0x1F480] =	vst v61;
	v61 =	vld [tilespmem:s26+$0x15440];
	_ =	sdelay $0x4  }
0x212: {  	[tilespmem:$0x1F4F0] =	vst v61;
	v61 =	vld [tilespmem:s26+$0x17C40];
	_ =	sdelay $0x4  }
0x213: {  	[tilespmem:$0x1F500] =	vst v61;
	v61 =	vld [tilespmem:s26+$0x15450];
	_ =	sdelay $0x4  }
0x214: {  	[tilespmem:$0x1F550] =	vst v61;
	v61 =	vld [tilespmem:s26+$0x17C50];
	_ =	sdelay $0x4  }
0x215: {  	[tilespmem:$0x1F560] =	vst v61;
	v61 =	vld [tilespmem:s26+$0x15460];
	_ =	sdelay $0x4  }
0x216: {  	[tilespmem:$0x1F5D0] =	vst v61;
	v61 =	vld [tilespmem:s26+$0x17C60];
	_ =	sdelay $0x4  }
0x217: {  	[tilespmem:$0x1F5E0] =	vst v61;
	v61 =	vld [tilespmem:s26+$0x15470];
	_ =	sdelay $0x4  }
0x218: {  	[tilespmem:$0x1F6A0] =	vst v61;
	v61 =	vld [tilespmem:s26+$0x17C70];
	_ =	sdelay $0x4  }
0x219: {  	[tilespmem:$0x1F6B0] =	vst v61;
	v61 =	vld [tilespmem:s26+$0x15480];
	_ =	sdelay $0x4  }
0x21a: {  	[tilespmem:$0x1F490] =	vst v61;
	v61 =	vld [tilespmem:s26+$0x17C80];
	_ =	sdelay $0x4  }
0x21b: {  	[tilespmem:$0x1F4A0] =	vst v61;
	v61 =	vld [tilespmem:s26+$0x15490];
	_ =	sdelay $0x4  }
0x21c: {  	[tilespmem:$0x1F4B0] =	vst v61;
	v61 =	vld [tilespmem:s26+$0x17C90];
	_ =	sdelay $0x4  }
0x21d: {  	[tilespmem:$0x1F4C0] =	vst v61;
	v61 =	vld [tilespmem:s26+$0x154A0];
	_ =	sdelay $0x4  }
0x21e: {  	[tilespmem:$0x1F510] =	vst v61;
	v61 =	vld [tilespmem:s26+$0x17CA0];
	_ =	sdelay $0x4  }
0x21f: {  	[tilespmem:$0x1F520] =	vst v61;
	v61 =	vld [tilespmem:s26+$0x154B0];
	_ =	sdelay $0x4  }
0x220: {  	[tilespmem:$0x1F570] =	vst v61;
	v61 =	vld [tilespmem:s26+$0x17CB0];
	_ =	sdelay $0x4  }
0x221: {  	[tilespmem:$0x1F580] =	vst v61;
	v61 =	vld [tilespmem:s26+$0x154C0];
	_ =	sdelay $0x4  }
0x222: {  	[tilespmem:$0x1F5F0] =	vst v61;
	v61 =	vld [tilespmem:s26+$0x17CC0];
	_ =	sdelay $0x4  }
0x223: {  	[tilespmem:$0x1F600] =	vst v61;
	v61 =	vld [tilespmem:s26+$0x154D0];
	_ =	sdelay $0x4  }
0x224: {  	[tilespmem:$0x1F670] =	vst v61;
	v61 =	vld [tilespmem:s26+$0x17CD0];
	_ =	sdelay $0x4  }
0x225: {  	[tilespmem:$0x1F680] =	vst v61;
	v61 =	vld [tilespmem:s26+$0x154E0];
	_ =	sdelay $0x4  }
0x226: {  	[tilespmem:$0x1F6F0] =	vst v61;
	v61 =	vld [tilespmem:s26+$0x17CE0];
	_ =	sdelay $0x4  }
0x227: {  	[tilespmem:$0x1F700] =	vst v61;
	v61 =	vld [tilespmem:s26+$0x154F0];
	_ =	sdelay $0x4  }
0x228: {  	[tilespmem:$0x1F740] =	vst v61;
	v61 =	vld [tilespmem:s26+$0x17CF0];
	_ =	sdelay $0x4  }
0x229: {  	[tilespmem:$0x1F750] =	vst v61;
	v61 =	vld [tilespmem:s26+$0x15500];
	_ =	sdelay $0x4  }
0x22a: {  	[tilespmem:$0x1F590] =	vst v61;
	v61 =	vld [tilespmem:s26+$0x17D00];
	_ =	sdelay $0x4  }
0x22b: {  	[tilespmem:$0x1F5A0] =	vst v61;
	v61 =	vld [tilespmem:s26+$0x15510];
	_ =	sdelay $0x4  }
0x22c: {  	[tilespmem:$0x1F5B0] =	vst v61;
	v61 =	vld [tilespmem:s26+$0x17D10];
	_ =	sdelay $0x4  }
0x22d: {  	[tilespmem:$0x1F5C0] =	vst v61;
	v61 =	vld [tilespmem:s26+$0x15520]  }
0x22e: {  	v59 =	vld [tilespmem:s26+$0x17850]  }
0x22f: {  	v2 =	vld [tilespmem:s26+$0x15060]  }
0x230: {  	v8 =	vld [tilespmem:s26+$0x15080]  }
0x231: {  	v6 =	vld [tilespmem:s26+$0x17880]  }
0x232: {  	[tilespmem:$0x1F610] =	vst v61;
	v61 =	vld [tilespmem:s26+$0x17D20]  }
0x233: {  	v7 =	vld [tilespmem:s26+$0x15090]  }
0x234: {  	v15 =	vld [tilespmem:s26+$0x150A0]  }
0x235: {  	v11 =	vld [tilespmem:s26+$0x178A0]  }
0x236: {  	v29 =	vld [tilespmem:s26+$0x150B0]  }
0x237: {  	[tilespmem:$0x1F620] =	vst v61;
	v61 =	vld [tilespmem:s26+$0x15530]  }
0x238: {  	v25 =	vld [tilespmem:s26+$0x178B0]  }
0x239: {  	v44 =	vld [tilespmem:s26+$0x150C0]  }
0x23a: {  	v39 =	vld [tilespmem:s26+$0x178C0]  }
0x23b: {  	v3 =	vld [tilespmem:s26+$0x150D0]  }
0x23c: {  	[tilespmem:$0x1F650] =	vst v61;
	v61 =	vld [tilespmem:s26+$0x17D30]  }
0x23d: {  	v56 =	vld [tilespmem:s26+$0x178D0]  }
0x23e: {  	v9 =	vld [tilespmem:s26+$0x15100]  }
0x23f: {  	v4 =	vld [tilespmem:s26+$0x17900]  }
0x240: {  	v5 =	vld [tilespmem:s26+$0x15110]  }
0x241: {  	[tilespmem:$0x1F660] =	vst v61;
	v61 =	vld [tilespmem:s26+$0x15540]  }
0x242: {  	v19 =	vld [tilespmem:s26+$0x15120]  }
0x243: {  	v16 =	vld [tilespmem:s26+$0x17920]  }
0x244: {  	v34 =	vld [tilespmem:s26+$0x15130]  }
0x245: {  	v31 =	vld [tilespmem:s26+$0x17930]  }
0x246: {  	[tilespmem:$0x1F6C0] =	vst v61;
	v61 =	vld [tilespmem:s26+$0x17D40]  }
0x247: {  	v52 =	vld [tilespmem:s26+$0x15140]  }
0x248: {  	v50 =	vld [tilespmem:s26+$0x17940]  }
0x249: {  	v10 =	vld [tilespmem:s26+$0x15150]  }
0x24a: {  	v30 =	vld [tilespmem:s26+$0x17950]  }
0x24b: {  	[tilespmem:$0x1F6D0] =	vst v61;
	v61 =	vld [tilespmem:s26+$0x15550]  }
0x24c: {  	v32 =	vld [tilespmem:s26+$0x15160]  }
0x24d: {  	v33 =	vld [tilespmem:s26+$0x17960]  }
0x24e: {  	v35 =	vld [tilespmem:s26+$0x15170]  }
0x24f: {  	v36 =	vld [tilespmem:s26+$0x17970]  }
0x250: {  	[tilespmem:$0x1F710] =	vst v61;
	v61 =	vld [tilespmem:s26+$0x17D50]  }
0x251: {  	v17 =	vld [tilespmem:s26+$0x15180]  }
0x252: {  	v12 =	vld [tilespmem:s26+$0x17980]  }
0x253: {  	v13 =	vld [tilespmem:s26+$0x15190]  }
0x254: {  	v26 =	vld [tilespmem:s26+$0x179A0]  }
0x255: {  	[tilespmem:$0x1F720] =	vst v61;
	v61 =	vld [tilespmem:s26+$0x15560]  }
0x256: {  	v46 =	vld [tilespmem:s26+$0x151B0]  }
0x257: {  	v41 =	vld [tilespmem:s26+$0x179B0]  }
0x258: {  	v21 =	vld [tilespmem:s26+$0x151C0]  }
0x259: {  	v37 =	vld [tilespmem:s26+$0x179C0]  }
0x25a: {  	[tilespmem:$0x1F760] =	vst v61;
	v61 =	vld [tilespmem:s26+$0x17D60]  }
0x25b: {  	v40 =	vld [tilespmem:s26+$0x151D0]  }
0x25c: {  	v42 =	vld [tilespmem:s26+$0x179D0]  }
0x25d: {  	v45 =	vld [tilespmem:s26+$0x151E0]  }
0x25e: {  	[tilespmem:$0x1F040] =	vst v3;
	v3 =	vld [tilespmem:s26+$0x150E0]  }
0x25f: {  	[tilespmem:$0x1F770] =	vst v61;
	v61 =	vld [tilespmem:s26+$0x15570]  }
0x260: {  	v47 =	vld [tilespmem:s26+$0x179E0]  }
0x261: {  	[tilespmem:$0x1F020] =	vst v2;
	v2 =	vld [tilespmem:s26+$0x17860]  }
0x262: {  	v48 =	vld [tilespmem:s26+$0x151F0]  }
0x263: {  	[tilespmem:$0x1F070] =	vst v3;
	v3 =	vld [tilespmem:s26+$0x178E0]  }
0x264: {  	[tilespmem:$0x1F7C0] =	vst v61;
	v61 =	vld [tilespmem:s26+$0x17D70]  }
0x265: {  	v49 =	vld [tilespmem:s26+$0x179F0]  }
0x266: {  	[tilespmem:$0x1F030] =	vst v2;
	v2 =	vld [tilespmem:s26+$0x15070]  }
0x267: {  	v28 =	vld [tilespmem:s26+$0x15200]  }
0x268: {  	[tilespmem:$0x1F080] =	vst v3;
	v3 =	vld [tilespmem:s26+$0x150F0]  }
0x269: {  	[tilespmem:$0x1F7D0] =	vst v61;
	v61 =	vld [tilespmem:s26+$0x15580]  }
0x26a: {  	v24 =	vld [tilespmem:s26+$0x17A00]  }
0x26b: {  	[tilespmem:$0x1F050] =	vst v2;
	v2 =	vld [tilespmem:s26+$0x17870]  }
0x26c: {  	v23 =	vld [tilespmem:s26+$0x15210]  }
0x26d: {  	[tilespmem:$0x1F0B0] =	vst v3;
	v3 =	vld [tilespmem:s26+$0x178F0]  }
0x26e: {  	[tilespmem:$0x1F630] =	vst v61;
	v61 =	vld [tilespmem:s26+$0x15590]  }
0x26f: {  	v63 =	vld [tilespmem:s26+$0x15230]  }
0x270: {  	[tilespmem:$0x1F060] =	vst v2;
	v2 =	vld [tilespmem:s26+$0x17890]  }
0x271: {  	v54 =	vld [tilespmem:s26+$0x17A30]  }
0x272: {  	v20 =	vmul.f32 v20, v60;
	v14 =	vmul.f32 v14, v18;
	[tilespmem:$0x1F0C0] =	vst v3;
	v3 =	vld [tilespmem:s26+$0x17910]  }
0x273: {  	[tilespmem:$0x1F640] =	vst v61;
	v61 =	vld [tilespmem:s26+$0x155A0]  }
0x274: {  	v51 =	vld [tilespmem:s26+$0x17A40];
	v18 =	vmul.f32 v22, v43;
	v14 =	vadd.f32 v14, v20  }
0x275: {  	v55 =	vld [tilespmem:s26+$0x15250];
	v6 =	vmul.f32 v6, v8;
	v2 =	vmul.f32 v2, v7  }
0x276: {  	v62 =	vld [tilespmem:s26+$0x15260];
	v22 =	vmul.f32 v27, v58;
	v4 =	vmul.f32 v4, v9;
	v14 =	vadd.f32 v18, v14  }
0x277: {  	v16 =	vmul.f32 v16, v19;
	v19 =	vld [tilespmem:$0x1F040];
	v18 =	vmul.f32 v11, v15;
	v2 =	vadd.f32 v2, v6  }
0x278: {  	v20 =	vld [tilespmem:s26+$0x155C0];
	v3 =	vmul.f32 v3, v5;
	[tilespmem:$0x1F690] =	vst v61;
	v61 =	vadd.f32 v22, v14;
	v14 =	vmul.f32 v38, v57  }
0x279: {  	v29 =	vmul.f32 v25, v29;
	v2 =	vadd.f32 v18, v2;
	v22 =	vmul.f32 v59, v53;
	v59 =	vld [tilespmem:$0x1F020]  }
0x27a: {  	v3 =	vadd.f32 v3, v4;
	v7 =	vadd.f32 v14, v61;
	v61 =	vld [tilespmem:$0x1F030]  }
0x27b: {  	v25 =	vld [tilespmem:$0x1F060];
	v2 =	vadd.f32 v29, v2  }
0x27c: {  	[tilespmem:$0x1F0A0] =	vst v30;
	v29 =	vmul.f32 v31, v34;
	v3 =	vadd.f32 v16, v3;
	v7 =	vadd.f32 v22, v7;
	v22 =	vld [tilespmem:$0x1F050]  }
0x27d: {  	[tilespmem:$0x1F090] =	vst v10;
	v6 =	vmul.f32 v56, v19;
	v56 =	vld [tilespmem:$0x1F0A0]  }
0x27e: {  	v4 =	vadd.f32 v29, v3;
	v3 =	vld [tilespmem:$0x1F090]  }
0x27f: {  	v10 =	vld [tilespmem:s26+$0x17990];
	v5 =	vmul.f32 v61, v59  }
0x280: {  	v30 =	vld [tilespmem:s26+$0x151A0]  }
0x281: {  	[tilespmem:$0x1F730] =	vst v20;
	v20 =	vld [tilespmem:s26+$0x155F0];
	v5 =	vadd.f32 v5, v7;
	v7 =	vmul.f32 v25, v22  }
0x282: {  	v59 =	vld [tilespmem:$0x1F0C0]  }
0x283: {  	[tilespmem:$0x1F0E0] =	vst v33;
	v9 =	vadd.f32 v7, v5;
	v7 =	vmul.f32 v56, v3;
	v3 =	vld [tilespmem:$0x1F0B0]  }
0x284: {  	[tilespmem:$0x1F0F0] =	vst v21;
	v21 =	vld [tilespmem:s26+$0x17A10]  }
0x285: {  	[tilespmem:$0x1F110] =	vst v40;
	v40 =	vld [tilespmem:s26+$0x15220]  }
0x286: {  	[tilespmem:$0x1F7E0] =	vst v20;
	v20 =	vmul.f32 v24, v28;
	v24 =	vld [tilespmem:$0x1F0E0]  }
0x287: {  	[tilespmem:$0x1F0D0] =	vst v32;
	v53 =	vld [tilespmem:s26+$0x17DD0]  }
0x288: {  	v8 =	vmul.f32 v59, v3;
	v3 =	vld [tilespmem:$0x1F0D0]  }
0x289: {  	[tilespmem:$0x1F140] =	vst v36;
	v36 =	vld [tilespmem:s26+$0x17A20]  }
0x28a: {  	[tilespmem:$0x1F100] =	vst v37;
	v32 =	vld [tilespmem:s26+$0x15240]  }
0x28b: {  	v28 =	vld [tilespmem:$0x1F100]  }
0x28c: {  	v31 =	vld [tilespmem:s26+$0x17DF0]  }
0x28d: {  	[tilespmem:$0x1F790] =	vst v53;
	v53 =	vmul.f32 v26, v30;
	v26 =	vmul.f32 v24, v3;
	v3 =	vld [tilespmem:$0x1F0F0]  }
0x28e: {  	v37 =	vld [tilespmem:s26+$0x17A60]  }
0x28f: {  	[tilespmem:$0x1F120] =	vst v42;
	v42 =	vld [tilespmem:s26+$0x15270]  }
0x290: {  	v38 =	vld [tilespmem:s26+$0x155D0]  }
0x291: {  	[tilespmem:$0x1F7F0] =	vst v31;
	v31 =	vld [tilespmem:$0x1F120]  }
0x292: {  	v29 =	vmul.f32 v28, v3;
	v3 =	vld [tilespmem:$0x1F110]  }
0x293: {  	[tilespmem:$0x1F150] =	vst v45;
	v45 =	vld [tilespmem:s26+$0x17A70]  }
0x294: {  	v14 =	vmul.f32 v39, v44;
	v39 =	vld [tilespmem:$0x1F070]  }
0x295: {  	v34 =	vmul.f32 v12, v17;
	v44 =	vld [tilespmem:$0x1F080];
	[tilespmem:$0x1F780] =	vst v38;
	v38 =	vmul.f32 v10, v13  }
0x296: {  	[tilespmem:$0x1F130] =	vst v35;
	v30 =	vmul.f32 v36, v40;
	v36 =	vld [tilespmem:$0x1F140]  }
0x297: {  	v50 =	vmul.f32 v50, v52;
	v52 =	vadd.f32 v38, v34;
	v34 =	vmul.f32 v31, v3;
	v3 =	vld [tilespmem:$0x1F130]  }
0x298: {  	v35 =	vld [tilespmem:s26+$0x17A80]  }
0x299: {  	v33 =	vld [tilespmem:s26+$0x15290]  }
0x29a: {  	[tilespmem:$0x1F160] =	vst v47;
	v47 =	vld [tilespmem:s26+$0x17AB0]  }
0x29b: {  	v10 =	vmul.f32 v44, v39;
	v44 =	vld [tilespmem:$0x1F160]  }
0x29c: {  	[tilespmem:$0x1F1B0] =	vst v48;
	v38 =	vmul.f32 v36, v3;
	v3 =	vld [tilespmem:$0x1F150]  }
0x29d: {  	[tilespmem:$0x1F180] =	vst v51;
	v48 =	vld [tilespmem:s26+$0x152C0]  }
0x29e: {  	[tilespmem:$0x1F190] =	vst v55;
	v55 =	vld [tilespmem:s26+$0x17AC0]  }
0x29f: {  	[tilespmem:$0x1F1F0] =	vst v62;
	v62 =	vld [tilespmem:s26+$0x17AD0]  }
0x2a0: {  	[tilespmem:$0x1F170] =	vst v32;
	v4 =	vadd.f32 v50, v4;
	v50 =	vld [tilespmem:$0x1F180]  }
0x2a1: {  	v61 =	vmul.f32 v41, v46;
	v46 =	vmul.f32 v44, v3;
	v3 =	vld [tilespmem:$0x1F170]  }
0x2a2: {  	v15 =	vld [tilespmem:s26+$0x155E0]  }
0x2a3: {  	[tilespmem:$0x1F200] =	vst v37;
	v37 =	vld [tilespmem:s26+$0x15280]  }
0x2a4: {  	[tilespmem:$0x1F270] =	vst v42;
	v42 =	vld [tilespmem:s26+$0x152B0]  }
0x2a5: {  	v56 =	vld [tilespmem:$0x1F1A0]  }
0x2a6: {  	[tilespmem:$0x1F1C0] =	vst v49;
	v5 =	vadd.f32 v53, v52;
	v52 =	vmul.f32 v50, v3;
	v3 =	vld [tilespmem:$0x1F190]  }
0x2a7: {  	[tilespmem:$0x1F280] =	vst v45;
	v45 =	vld [tilespmem:s26+$0x152E0]  }
0x2a8: {  	[tilespmem:$0x1F1E0] =	vst v47;
	v47 =	vld [tilespmem:s26+$0x17AE0]  }
0x2a9: {  	[tilespmem:$0x1F210] =	vst v48;
	v48 =	vld [tilespmem:s26+$0x152F0]  }
0x2aa: {  	v5 =	vadd.f32 v61, v5;
	v61 =	vld [tilespmem:$0x1F1C0]  }
0x2ab: {  	v59 =	vmul.f32 v56, v3;
	v3 =	vld [tilespmem:$0x1F1B0]  }
0x2ac: {  	[tilespmem:$0x1F220] =	vst v55;
	v55 =	vld [tilespmem:s26+$0x17AF0]  }
0x2ad: {  	[tilespmem:$0x1F2D0] =	vst v45;
	v45 =	vld [tilespmem:s26+$0x15310]  }
0x2ae: {  	[tilespmem:$0x1F1D0] =	vst v42;
	v42 =	vld [tilespmem:s26+$0x17B10]  }
0x2af: {  	v36 =	vld [tilespmem:$0x1F1E0]  }
0x2b0: {  	v39 =	vmul.f32 v54, v63;
	v63 =	vmul.f32 v61, v3;
	v3 =	vld [tilespmem:$0x1F1D0]  }
0x2b1: {  	[tilespmem:$0x1F260] =	vst v62;
	v62 =	vld [tilespmem:s26+$0x15330]  }
0x2b2: {  	[tilespmem:$0x1F350] =	vst v48;
	v48 =	vld [tilespmem:s26+$0x15300]  }
0x2b3: {  	[tilespmem:$0x1F2E0] =	vst v47;
	v47 =	vld [tilespmem:s26+$0x17B00]  }
0x2b4: {  	v44 =	vmul.f32 v42, v45;
	v45 =	vld [tilespmem:$0x1F200]  }
0x2b5: {  	v40 =	vmul.f32 v35, v37;
	v7 =	vadd.f32 v7, v4;
	v37 =	vmul.f32 v36, v3;
	v3 =	vld [tilespmem:$0x1F1F0]  }
0x2b6: {  	v51 =	vld [tilespmem:s26+$0x152A0];
	v5 =	vadd.f32 v29, v5  }
0x2b7: {  	[tilespmem:$0x1F360] =	vst v55;
	v55 =	vld [tilespmem:s26+$0x15320];
	v2 =	vadd.f32 v14, v2;
	v7 =	vadd.f32 v26, v7  }
0x2b8: {  	[tilespmem:$0x1F290] =	vst v62;
	v62 =	vld [tilespmem:s26+$0x15340];
	v5 =	vadd.f32 v34, v5  }
0x2b9: {  	[tilespmem:$0x1F7A0] =	vst v15;
	v2 =	vadd.f32 v6, v2;
	v15 =	vadd.f32 v38, v7;
	v38 =	vmul.f32 v47, v48;
	v47 =	vld [tilespmem:$0x1F220]  }
0x2ba: {  	v5 =	vadd.f32 v46, v5;
	v46 =	vmul.f32 v45, v3;
	v3 =	vld [tilespmem:$0x1F210]  }
0x2bb: {  	v49 =	vld [tilespmem:s26+$0x17AA0];
	v23 =	vmul.f32 v21, v23;
	v2 =	vadd.f32 v10, v2  }
0x2bc: {  	v32 =	vld [tilespmem:s26+$0x17A90]  }
0x2bd: {  	[tilespmem:$0x1F2F0] =	vst v62;
	v62 =	vld [tilespmem:s26+$0x15350];
	v6 =	vadd.f32 v8, v2;
	v2 =	vadd.f32 v23, v20  }
0x2be: {  	[tilespmem:$0x1F230] =	vst v55;
	v50 =	vld [tilespmem:$0x1F240]  }
0x2bf: {  	v2 =	vadd.f32 v30, v2;
	v48 =	vmul.f32 v47, v3;
	v3 =	vld [tilespmem:$0x1F230];
	_ =	sdelay $0x1  }
0x2c0: {  	v2 =	vadd.f32 v39, v2  }
0x2c1: {  	[tilespmem:$0x1F330] =	vst v62;
	v62 =	vld [tilespmem:s26+$0x15360]  }
0x2c2: {  	v41 =	vmul.f32 v32, v33;
	v2 =	vadd.f32 v52, v2;
	v52 =	vld [tilespmem:$0x1F260]  }
0x2c3: {  	v54 =	vmul.f32 v49, v51;
	v51 =	vmul.f32 v50, v3;
	v3 =	vld [tilespmem:$0x1F250];
	_ =	sdelay $0x1  }
0x2c4: {  	v53 =	vadd.f32 v41, v40  }
0x2c5: {  	[tilespmem:$0x1F3D0] =	vst v62;
	v62 =	vld [tilespmem:s26+$0x15370]  }
0x2c6: {  	v23 =	vadd.f32 v54, v53;
	v54 =	vld [tilespmem:$0x1F280]  }
0x2c7: {  	v53 =	vmul.f32 v52, v3;
	v3 =	vld [tilespmem:$0x1F270];
	_ =	sdelay $0x2  }
0x2c8: {  	[tilespmem:$0x1F450] =	vst v62;
	v62 =	vld [tilespmem:s26+$0x15380]  }
0x2c9: {  	v2 =	vadd.f32 v59, v2;
	v59 =	vld [tilespmem:$0x1F2A0]  }
0x2ca: {  	v56 =	vmul.f32 v54, v3;
	v3 =	vld [tilespmem:$0x1F290];
	_ =	sdelay $0x3  }
0x2cb: {  	[tilespmem:$0x1F2B0] =	vst v62;
	v62 =	vld [tilespmem:s26+$0x17B80]  }
0x2cc: {  	v61 =	vmul.f32 v59, v3;
	v3 =	vld [tilespmem:$0x1F2B0];
	_ =	sdelay $0x3  }
0x2cd: {  	v55 =	vld [tilespmem:s26+$0x17B90]  }
0x2ce: {  	v62 =	vmul.f32 v62, v3;
	v3 =	vld [tilespmem:$0x1F2C0];
	_ =	sdelay $0x3  }
0x2cf: {  	v41 =	vld [tilespmem:$0x1F2E0]  }
0x2d0: {  	v40 =	vadd.f32 v63, v5;
	v63 =	vmul.f32 v55, v3;
	v3 =	vld [tilespmem:$0x1F2D0];
	_ =	sdelay $0x3  }
0x2d1: {  	v49 =	vadd.f32 v44, v38;
	v44 =	vld [tilespmem:$0x1F300]  }
0x2d2: {  	v42 =	vmul.f32 v41, v3;
	v3 =	vld [tilespmem:$0x1F2F0];
	_ =	sdelay $0x1  }
0x2d3: {  	v2 =	vadd.f32 v46, v2;
	_ =	sdelay $0x1  }
0x2d4: {  	v4 =	vadd.f32 v56, v2;
	v2 =	vld [tilespmem:$0x1F310]  }
0x2d5: {  	v45 =	vmul.f32 v44, v3;
	v3 =	vld [tilespmem:$0x1F320];
	_ =	sdelay $0x4  }
0x2d6: {  	v46 =	vmul.f32 v3, v2;
	v2 =	vld [tilespmem:$0x1F330]  }
0x2d7: {  	v3 =	vld [tilespmem:$0x1F340];
	_ =	sdelay $0x4  }
0x2d8: {  	v47 =	vmul.f32 v3, v2;
	v2 =	vld [tilespmem:$0x1F350]  }
0x2d9: {  	v3 =	vld [tilespmem:$0x1F360];
	_ =	sdelay $0x2  }
0x2da: {  	v23 =	vadd.f32 v37, v23;
	_ =	sdelay $0x1  }
0x2db: {  	v23 =	vadd.f32 v48, v23;
	v48 =	vmul.f32 v3, v2;
	v2 =	vld [tilespmem:$0x1F370]  }
0x2dc: {  	v3 =	vld [tilespmem:$0x1F380];
	_ =	sdelay $0x4  }
0x2dd: {  	v5 =	vadd.f32 v51, v49;
	v49 =	vmul.f32 v3, v2;
	v2 =	vld [tilespmem:$0x1F390]  }
0x2de: {  	v3 =	vld [tilespmem:$0x1F3A0];
	_ =	sdelay $0x4  }
0x2df: {  	v50 =	vmul.f32 v3, v2;
	v2 =	vld [tilespmem:$0x1F3B0]  }
0x2e0: {  	v3 =	vld [tilespmem:$0x1F3C0];
	_ =	sdelay $0x4  }
0x2e1: {  	v51 =	vmul.f32 v3, v2;
	v2 =	vld [tilespmem:$0x1F3D0]  }
0x2e2: {  	v3 =	vld [tilespmem:$0x1F3E0];
	_ =	sdelay $0x4  }
0x2e3: {  	v52 =	vmul.f32 v3, v2;
	v2 =	vld [tilespmem:$0x1F3F0]  }
0x2e4: {  	v3 =	vld [tilespmem:$0x1F400];
	_ =	sdelay $0x4  }
0x2e5: {  	v23 =	vadd.f32 v53, v23;
	v53 =	vmul.f32 v3, v2;
	v2 =	vld [tilespmem:$0x1F410]  }
0x2e6: {  	v3 =	vld [tilespmem:$0x1F420];
	_ =	sdelay $0x4  }
0x2e7: {  	v55 =	vmul.f32 v3, v2;
	v2 =	vld [tilespmem:$0x1F430]  }
0x2e8: {  	v3 =	vld [tilespmem:$0x1F440];
	_ =	sdelay $0x4  }
0x2e9: {  	v56 =	vmul.f32 v3, v2;
	v2 =	vld [tilespmem:$0x1F450]  }
0x2ea: {  	v3 =	vld [tilespmem:$0x1F460]  }
0x2eb: {  	v5 =	vadd.f32 v61, v5;
	_ =	sdelay $0x1  }
0x2ec: {  	v5 =	vadd.f32 v45, v5;
	_ =	sdelay $0x1  }
0x2ed: {  	v26 =	vadd.f32 v47, v5;
	v47 =	vmul.f32 v3, v2;
	v2 =	vld [tilespmem:$0x1F470]  }
0x2ee: {  	v3 =	vld [tilespmem:$0x1F480];
	_ =	sdelay $0x4  }
0x2ef: {  	v59 =	vmul.f32 v3, v2;
	v2 =	vld [tilespmem:$0x1F490]  }
0x2f0: {  	v3 =	vld [tilespmem:$0x1F4A0];
	_ =	sdelay $0x4  }
0x2f1: {  	v61 =	vmul.f32 v3, v2;
	v2 =	vld [tilespmem:$0x1F4B0]  }
0x2f2: {  	v3 =	vld [tilespmem:$0x1F4C0];
	_ =	sdelay $0x4  }
0x2f3: {  	v28 =	vadd.f32 v63, v62;
	v62 =	vmul.f32 v3, v2;
	v2 =	vld [tilespmem:$0x1F4D0]  }
0x2f4: {  	v3 =	vld [tilespmem:$0x1F4E0];
	_ =	sdelay $0x4  }
0x2f5: {  	v28 =	vadd.f32 v46, v28;
	v63 =	vmul.f32 v3, v2;
	v2 =	vld [tilespmem:$0x1F4F0]  }
0x2f6: {  	v23 =	vadd.f32 v42, v23;
	v3 =	vld [tilespmem:$0x1F500]  }
0x2f7: {  	v28 =	vadd.f32 v49, v28;
	v54 =	vadd.f32 v51, v50  }
0x2f8: {  	v5 =	vadd.f32 v48, v23  }
0x2f9: {  	v28 =	vadd.f32 v53, v28;
	v23 =	vadd.f32 v55, v54;
	_ =	sdelay $0x1  }
0x2fa: {  	v46 =	vadd.f32 v56, v28;
	v56 =	vadd.f32 v59, v23;
	v59 =	vmul.f32 v3, v2;
	v2 =	vld [tilespmem:$0x1F510]  }
0x2fb: {  	v3 =	vld [tilespmem:$0x1F520];
	_ =	sdelay $0x4  }
0x2fc: {  	v61 =	vadd.f32 v62, v61;
	v62 =	vmul.f32 v3, v2;
	v2 =	vld [tilespmem:$0x1F530]  }
0x2fd: {  	v3 =	vld [tilespmem:$0x1F540];
	_ =	sdelay $0x4  }
0x2fe: {  	v46 =	vadd.f32 v63, v46;
	v63 =	vmul.f32 v3, v2;
	v2 =	vld [tilespmem:$0x1F550]  }
0x2ff: {  	v3 =	vld [tilespmem:$0x1F560];
	_ =	sdelay $0x4  }
0x300: {  	v50 =	vadd.f32 v59, v56;
	v59 =	vmul.f32 v3, v2;
	v2 =	vld [tilespmem:$0x1F570]  }
0x301: {  	v3 =	vld [tilespmem:$0x1F580];
	_ =	sdelay $0x2  }
0x302: {  	v26 =	vadd.f32 v52, v26;
	_ =	sdelay $0x1  }
0x303: {  	v23 =	vadd.f32 v47, v26;
	v47 =	vadd.f32 v62, v61;
	v61 =	vmul.f32 v3, v2;
	v2 =	vld [tilespmem:$0x1F590]  }
0x304: {  	v3 =	vld [tilespmem:$0x1F5A0];
	_ =	sdelay $0x4  }
0x305: {  	v62 =	vmul.f32 v3, v2;
	v2 =	vld [tilespmem:$0x1F5B0]  }
0x306: {  	v3 =	vld [tilespmem:$0x1F5C0];
	_ =	sdelay $0x4  }
0x307: {  	v26 =	vadd.f32 v63, v46;
	v63 =	vmul.f32 v3, v2;
	v2 =	vld [tilespmem:$0x1F5D0]  }
0x308: {  	v3 =	vld [tilespmem:$0x1F5E0];
	_ =	sdelay $0x4  }
0x309: {  	v52 =	vmul.f32 v3, v2;
	v2 =	vld [tilespmem:$0x1F5F0]  }
0x30a: {  	v3 =	vld [tilespmem:$0x1F600];
	_ =	sdelay $0x4  }
0x30b: {  	v56 =	vmul.f32 v3, v2;
	v2 =	vld [tilespmem:$0x1F610]  }
0x30c: {  	v3 =	vld [tilespmem:$0x1F620];
	_ =	sdelay $0x1  }
0x30d: {  	v60 =	vld [tilespmem:s26+$0x17D80]  }
0x30e: {  	v27 =	vld [tilespmem:s26+$0x155B0]  }
0x30f: {  	v43 =	vld [tilespmem:s26+$0x17D90]  }
0x310: {  	v50 =	vadd.f32 v59, v50;
	v59 =	vmul.f32 v3, v2;
	v2 =	vld [tilespmem:$0x1F630]  }
0x311: {  	v58 =	vld [tilespmem:s26+$0x17DA0]  }
0x312: {  	v11 =	vld [tilespmem:s26+$0x17E30]  }
0x313: {  	[tilespmem:$0x1F6E0] =	vst v27;
	v27 =	vld [tilespmem:s26+$0x17DC0]  }
0x314: {  	v21 =	vld [tilespmem:s26+$0x17E50]  }
0x315: {  	v50 =	vadd.f32 v52, v50;
	v52 =	vmul.f32 v60, v2;
	v2 =	vld [tilespmem:$0x1F640]  }
0x316: {  	v19 =	vld [tilespmem:s26+$0x17E00]  }
0x317: {  	v18 =	vld [tilespmem:s26+$0x17DE0]  }
0x318: {  	v16 =	vld [tilespmem:s26+$0x15630]  }
0x319: {  	v3 =	vld [tilespmem:$0x1F660]  }
0x31a: {  	v43 =	vmul.f32 v43, v2;
	v2 =	vld [tilespmem:$0x1F650]  }
0x31b: {  	v12 =	vld [tilespmem:s26+$0x15640]  }
0x31c: {  	v17 =	vld [tilespmem:s26+$0x15660]  }
0x31d: {  	[tilespmem:$0x1F7B0] =	vst v18;
	v18 =	vld [tilespmem:s26+$0x17E10]  }
0x31e: {  	v11 =	vmul.f32 v11, v16;
	v16 =	vld [tilespmem:s26+$0x17F90]  }
0x31f: {  	v49 =	vmul.f32 v3, v2;
	v2 =	vld [tilespmem:$0x1F670]  }
0x320: {  	v3 =	vld [tilespmem:$0x1F680]  }
0x321: {  	v57 =	vld [tilespmem:s26+$0x17DB0]  }
0x322: {  	v14 =	vld [tilespmem:s26+$0x15650]  }
0x323: {  	v13 =	vld [tilespmem:s26+$0x15620]  }
0x324: {  	v35 =	vld [tilespmem:s26+$0x15690]  }
0x325: {  	v46 =	vadd.f32 v63, v62;
	v62 =	vmul.f32 v3, v2;
	v2 =	vld [tilespmem:$0x1F690]  }
0x326: {  	v32 =	vld [tilespmem:s26+$0x17E80]  }
0x327: {  	v25 =	vld [tilespmem:s26+$0x15600]  }
0x328: {  	v10 =	vld [tilespmem:s26+$0x17E20]  }
0x329: {  	v3 =	vld [tilespmem:$0x1F6B0]  }
0x32a: {  	v43 =	vadd.f32 v43, v52;
	v52 =	vmul.f32 v58, v2;
	v2 =	vld [tilespmem:$0x1F6A0]  }
0x32b: {  	v22 =	vld [tilespmem:s26+$0x15610]  }
0x32c: {  	v33 =	vld [tilespmem:s26+$0x156D0]  }
0x32d: {  	v10 =	vmul.f32 v10, v13;
	v13 =	vld [tilespmem:s26+$0x17F80]  }
0x32e: {  	v20 =	vld [tilespmem:s26+$0x17E40]  }
0x32f: {  	v63 =	vmul.f32 v3, v2;
	v2 =	vld [tilespmem:$0x1F6C0]  }
0x330: {  	v19 =	vmul.f32 v19, v25;
	v18 =	vmul.f32 v18, v22;
	v3 =	vld [tilespmem:$0x1F6D0]  }
0x331: {  	v24 =	vld [tilespmem:s26+$0x17E60]  }
0x332: {  	v18 =	vadd.f32 v18, v19;
	v8 =	vld [tilespmem:s26+$0x17E70]  }
0x333: {  	v30 =	vld [tilespmem:s26+$0x156E0];
	v46 =	vadd.f32 v59, v46  }
0x334: {  	v10 =	vadd.f32 v10, v18;
	v39 =	vld [tilespmem:s26+$0x156B0]  }
0x335: {  	v46 =	vadd.f32 v49, v46;
	v49 =	vmul.f32 v3, v2;
	v3 =	vld [tilespmem:$0x1F6E0]  }
0x336: {  	v10 =	vadd.f32 v11, v10;
	v11 =	vmul.f32 v24, v17;
	v24 =	vld [tilespmem:s26+$0x17FB0]  }
0x337: {  	v29 =	vld [tilespmem:s26+$0x15680]  }
0x338: {  	v31 =	vld [tilespmem:s26+$0x17EF0]  }
0x339: {  	v59 =	vld [tilespmem:$0x1F700]  }
0x33a: {  	v43 =	vadd.f32 v52, v43;
	v52 =	vmul.f32 v57, v3;
	v3 =	vld [tilespmem:$0x1F6F0]  }
0x33b: {  	v34 =	vld [tilespmem:s26+$0x17EE0];
	v47 =	vadd.f32 v61, v47  }
0x33c: {  	v7 =	vld [tilespmem:s26+$0x15670]  }
0x33d: {  	v38 =	vld [tilespmem:s26+$0x17EA0];
	v47 =	vadd.f32 v56, v47  }
0x33e: {  	v36 =	vld [tilespmem:s26+$0x17E90]  }
0x33f: {  	v47 =	vadd.f32 v62, v47;
	v62 =	vmul.f32 v59, v3;
	v3 =	vld [tilespmem:$0x1F710]  }
0x340: {  	v59 =	vld [tilespmem:$0x1F720]  }
0x341: {  	v37 =	vld [tilespmem:s26+$0x156A0]  }
0x342: {  	v41 =	vld [tilespmem:s26+$0x17EB0]  }
0x343: {  	v50 =	vadd.f32 v63, v50;
	v63 =	vld [tilespmem:$0x1F730]  }
0x344: {  	v47 =	vadd.f32 v62, v47;
	v62 =	vld [tilespmem:$0x1F740]  }
0x345: {  	v46 =	vadd.f32 v49, v46;
	v49 =	vmul.f32 v59, v3;
	v59 =	vld [tilespmem:$0x1F750]  }
0x346: {  	v42 =	vld [tilespmem:s26+$0x156C0]  }
0x347: {  	v44 =	vld [tilespmem:s26+$0x17ED0]  }
0x348: {  	v45 =	vld [tilespmem:s26+$0x17EC0]  }
0x349: {  	v27 =	vmul.f32 v27, v63;
	v63 =	vld [tilespmem:$0x1F760]  }
0x34a: {  	v62 =	vmul.f32 v59, v62;
	v59 =	vld [tilespmem:$0x1F770]  }
0x34b: {  	v48 =	vld [tilespmem:s26+$0x15700]  }
0x34c: {  	v51 =	vld [tilespmem:s26+$0x17F00];
	v43 =	vadd.f32 v52, v43  }
0x34d: {  	v53 =	vld [tilespmem:s26+$0x15720]  }
0x34e: {  	v27 =	vadd.f32 v27, v43;
	v43 =	vld [tilespmem:$0x1F780]  }
0x34f: {  	v46 =	vadd.f32 v49, v46;
	v63 =	vmul.f32 v59, v63;
	v59 =	vld [tilespmem:$0x1F790]  }
0x350: {  	v47 =	vadd.f32 v62, v47;
	v62 =	vld [tilespmem:$0x1F7B0]  }
0x351: {  	v25 =	vadd.f32 v63, v46;
	v63 =	vld [tilespmem:$0x1F7A0]  }
0x352: {  	v54 =	vld [tilespmem:s26+$0x15710]  }
0x353: {  	v55 =	vld [tilespmem:s26+$0x17F10]  }
0x354: {  	v58 =	vld [tilespmem:s26+$0x15740];
	v43 =	vmul.f32 v59, v43  }
0x355: {  	v2 =	vld [tilespmem:s26+$0x17F40]  }
0x356: {  	v27 =	vadd.f32 v43, v27;
	v43 =	vmul.f32 v62, v63;
	v62 =	vld [tilespmem:$0x1F7C0]  }
0x357: {  	v63 =	vld [tilespmem:$0x1F7D0]  }
0x358: {  	v57 =	vld [tilespmem:s26+$0x15750]  }
0x359: {  	v14 =	vmul.f32 v21, v14;
	v7 =	vmul.f32 v8, v7;
	v3 =	vld [tilespmem:s26+$0x17F50]  }
0x35a: {  	v45 =	vmul.f32 v45, v42;
	v42 =	vmul.f32 v44, v33;
	v46 =	vld [tilespmem:s26+$0x15780]  }
0x35b: {  	v51 =	vmul.f32 v51, v48;
	v33 =	vperm.xlane v23, v1;
	v19 =	vadd.f32 v43, v27;
	v43 =	vld [tilespmem:$0x1F7F0]  }
0x35c: {  	v2 =	vmul.f32 v2, v58;
	v62 =	vmul.f32 v63, v62;
	v63 =	vld [tilespmem:$0x1F7E0]  }
0x35d: {  	v61 =	vld [tilespmem:s26+$0x17F20];
	v27 =	vmul.f32 v32, v29;
	v29 =	vmul.f32 v36, v35  }
0x35e: {  	v28 =	vld [tilespmem:s26+$0x156F0];
	v36 =	vmul.f32 v38, v37;
	v37 =	vmul.f32 v20, v12  }
0x35f: {  	v58 =	vld [tilespmem:s26+$0x17FF0];
	v3 =	vmul.f32 v3, v57;
	v13 =	vmul.f32 v13, v46  }
0x360: {  	v32 =	vld [tilespmem:s26+$0x15790];
	v10 =	vadd.f32 v37, v10;
	v18 =	vadd.f32 v62, v25;
	v62 =	vmul.f32 v55, v54  }
0x361: {  	v25 =	vld [tilespmem:s26+$0x157B0];
	v35 =	vmul.f32 v43, v63;
	v43 =	vmul.f32 v41, v39  }
0x362: {  	v10 =	vadd.f32 v14, v10;
	v54 =	vld [tilespmem:s26+$0x157F0];
	v39 =	vmul.f32 v61, v53;
	v53 =	vmul.f32 v34, v30  }
0x363: {  	v63 =	vadd.f32 v29, v27;
	v61 =	vmul.f32 v31, v28;
	v27 =	vperm.xlane v40, v0  }
0x364: {  	v56 =	vld [tilespmem:s26+$0x17F30];
	v28 =	vperm.xlane v40, v1;
	v30 =	vperm.xlane v5, v0  }
0x365: {  	v12 =	vld [tilespmem:s26+$0x17FA0];
	v10 =	vadd.f32 v11, v10;
	v5 =	vperm.xlane v5, v1;
	v34 =	vperm.xlane v26, v0  }
0x366: {  	v29 =	vld [tilespmem:s26+$0x157A0];
	v40 =	vperm.xlane v18, v0;
	v38 =	vadd.f32 v36, v63;
	v36 =	vmul.f32 v16, v32  }
0x367: {  	v60 =	vld [tilespmem:s26+$0x15730];
	v7 =	vadd.f32 v7, v10;
	v48 =	vmul.f32 v24, v25;
	v21 =	vmul.f32 v58, v54  }
0x368: {  	v37 =	vld [tilespmem:s26+$0x17FC0];
	v19 =	vadd.f32 v35, v19;
	v24 =	vperm.xlane v15, v0;
	v25 =	vperm.xlane v15, v1  }
0x369: {  	v63 =	vld [tilespmem:s26+$0x157C0];
	v31 =	vadd.f32 v28, v27;
	v5 =	vadd.f32 v5, v30;
	v32 =	vperm.xlane v23, v0  }
0x36a: {  	v41 =	vld [tilespmem:s26+$0x157D0];
	v20 =	vadd.f32 v43, v38;
	v13 =	vadd.f32 v36, v13;
	v36 =	vperm.xlane v50, v0  }
0x36b: {  	v38 =	vadd.f32 v62, v51;
	v43 =	vld [tilespmem:s26+$0x17FD0];
	v12 =	vmul.f32 v12, v29;
	v29 =	vperm.xlane v4, v0  }
0x36c: {  	v4 =	vperm.xlane v4, v1;
	v17 =	vadd.f32 v45, v20;
	v45 =	vmul.f32 v56, v60  }
0x36d: {  	v46 =	vld [tilespmem:s26+$0x157E0];
	v44 =	vadd.f32 v39, v38;
	v38 =	vperm.xlane v47, v0;
	v39 =	vperm.xlane v47, v1  }
0x36e: {  	v51 =	vld [tilespmem:s26+$0x17FE0];
	v12 =	vadd.f32 v12, v13;
	v56 =	vmul.f32 v37, v63;
	v4 =	vadd.f32 v4, v29  }
0x36f: {  	v37 =	vperm.xlane v50, v1;
	v17 =	vadd.f32 v42, v17;
	v11 =	vadd.f32 v45, v44  }
0x370: {  	v52 =	vld [tilespmem:s26+$0x15760];
	v42 =	vperm.xlane v19, v0;
	v55 =	vadd.f32 v48, v12;
	v62 =	vmul.f32 v43, v41  }
0x371: {  	v49 =	vld [tilespmem:s26+$0x17F60];
	v12 =	vadd.f32 v25, v24;
	v4 =	vsel vm0, v4, v5;
	v41 =	vperm.xlane v18, v1  }
0x372: {  	v5 =	vadd.f32 v37, v36;
	v43 =	vperm.xlane v19, v1;
	v60 =	vadd.f32 v53, v17  }
0x373: {  	v22 =	vld [tilespmem:s26+$0x17F70];
	v2 =	vadd.f32 v2, v11;
	v17 =	vmul.f32 v51, v46;
	v11 =	vadd.f32 v39, v38  }
0x374: {  	v59 =	vld [tilespmem:s26+$0x15770];
	v46 =	vperm.xlane v7, v0;
	v8 =	vadd.f32 v56, v55;
	v44 =	vadd.f32 v41, v40  }
0x375: {  	v7 =	vperm.xlane v7, v1;
	v45 =	vadd.f32 v43, v42;
	v2 =	vadd.f32 v3, v2  }
0x376: {  	v3 =	vmul.f32 v49, v52;
	v63 =	vadd.f32 v61, v60;
	v5 =	vsel vm0, v5, v11  }
0x377: {  	v7 =	vadd.f32 v7, v46;
	v52 =	vperm.xlane v4, v0;
	v4 =	vperm.xlane v4, v1  }
0x378: {  	v8 =	vadd.f32 v62, v8;
	v54 =	vperm.xlane v5, v0;
	v5 =	vperm.xlane v5, v1  }
0x379: {  	v2 =	vadd.f32 v3, v2;
	v3 =	vmul.f32 v22, v59;
	v22 =	vperm.xlane v9, v0  }
0x37a: {  	v9 =	vperm.xlane v9, v1;
	v47 =	vperm.xlane v63, v0;
	v4 =	vadd.f32 v4, v52  }
0x37b: {  	v10 =	vperm.xlane v63, v1;
	v8 =	vadd.f32 v17, v8;
	v5 =	vadd.f32 v5, v54  }
0x37c: {  	v2 =	vadd.f32 v3, v2;
	v3 =	vperm.xlane v6, v0;
	v6 =	vperm.xlane v6, v1  }
0x37d: {  	v35 =	vperm.xlane v26, v1;
	v10 =	vadd.f32 v10, v47;
	v8 =	vadd.f32 v21, v8  }
0x37e: {  	v9 =	vadd.f32 v9, v22;
	v3 =	vadd.f32 v6, v3;
	v48 =	vperm.xlane v2, v0  }
0x37f: {  	v2 =	vperm.xlane v2, v1;
	v7 =	vsel vm0, v7, v10;
	v49 =	vperm.xlane v8, v0  }
0x380: {  	v6 =	vadd.f32 v33, v32;
	v8 =	vperm.xlane v8, v1;
	v57 =	vperm.xlane v7, v0  }
0x381: {  	v7 =	vperm.xlane v7, v1;
	v3 =	vsel vm0, v9, v3;
	v9 =	vsel vm0, v12, v31  }
0x382: {  	v12 =	vadd.f32 v35, v34;
	v50 =	vperm.xlane v3, v0;
	v3 =	vperm.xlane v3, v1  }
0x383: {  	v2 =	vadd.f32 v2, v48;
	v51 =	vperm.xlane v9, v0;
	v9 =	vperm.xlane v9, v1  }
0x384: {  	v8 =	vadd.f32 v8, v49;
	v6 =	vsel vm0, v6, v12;
	v12 =	vsel vm0, v44, v45  }
0x385: {  	v3 =	vadd.f32 v3, v50;
	v53 =	vperm.xlane v6, v0;
	v6 =	vperm.xlane v6, v1  }
0x386: {  	v2 =	vsel vm0, v2, v8;
	v55 =	vperm.xlane v12, v0;
	v56 =	vperm.xlane v12, v1  }
0x387: {  	v9 =	vadd.f32 v9, v51;
	v58 =	vperm.xlane v2, v0;
	v2 =	vperm.xlane v2, v1  }
0x388: {  	v7 =	vadd.f32 v7, v57;
	v6 =	vadd.f32 v6, v53  }
0x389: {  	v3 =	vsel vm0, v3, v9;
	v59 =	vadd.f32 v56, v55;
	v2 =	vadd.f32 v2, v58  }
0x38a: {  	v60 =	vperm.xlane v3, v0;
	v3 =	vperm.xlane v3, v1;
	v4 =	vsel vm0, v4, v6  }
0x38b: {  	v5 =	vsel vm0, v5, v59;
	v61 =	vperm.xlane v4, v0;
	v4 =	vperm.xlane v4, v1  }
0x38c: {  	v2 =	vsel vm0, v7, v2;
	v62 =	vperm.xlane v5, v0;
	v5 =	vperm.xlane v5, v1  }
0x38d: {  	v63 =	vperm.xlane v2, v0;
	v2 =	vperm.xlane v2, v1  }
0x38e: {  	v3 =	vadd.f32 v3, v60;
	v4 =	vadd.f32 v4, v61  }
0x38f: {  	v5 =	vadd.f32 v5, v62;
	v2 =	vadd.f32 v2, v63  }
0x390: {  	v3 =	vsel vm0, v3, v4  }
0x391: {  	v2 =	vsel vm0, v5, v2;
	v4 =	vperm.xlane v3, v0;
	v3 =	vperm.xlane v3, v1  }
0x392: {  	v5 =	vperm.xlane v2, v0;
	v2 =	vperm.xlane v2, v1;
	_ =	sdelay $0x1  }
0x393: {  	v3 =	vadd.f32 v3, v4;
	v2 =	vadd.f32 v2, v5;
	_ =	sdelay $0x1  }
0x394: {  	v2 =	vsel vm0, v3, v2;
	v3 =	vld [tilespmem:$0x1F800];
	_ =	sdelay $0x2  }
0x395: {  	p1 =	sne.s32 s25, $0x4  }
.Ltmp3:
0x396: {  	_ = 	snop;
	(pc) =	sbr.rel @p1 .LBB2_5-.Ltmp3, $4  }
0x397: {  	_ = 	snop  }
0x398: {  	s31 =	sshll.u32 s25, $0x4  }
0x399: {  	s26 =	sand.u32 $0x3FFFFFF0, s31  }
0x39a: {  	s25 =	sadd.s32 $0x1, s25;
	[tilespmem:v3+s26+$0x0 ss:$0x1] =	vst.idx.msk $0xffff, v2  }
.Ltmp4:
0x39b: {  	(pc) =	sbr.rel @p0 .LBB2_8-.Ltmp4, $1  }
0x39c: {  	_ =	sdelay $0x3  }
.Ltmp5:
0x39d: {  	(pc) =	sbr.rel .LBB2_2-.Ltmp5, $4  }
0x39e: {  	s25 =	sadd.s32 $0x180, s24  }
0x39f: {  	[tilespmem:s14], [sflag:$0x3] =	stream.indirect.gather [hbm4b:s2+s10], $0x80, s25, s10, $0xb8;
	[tilespmem:$0x1EE80] =	vst v63  }
0x3a0: {  	s31 =	sadd.s32 $0x8180, s24;
	s23 =	sadd.s32 $0x1, s23  }
0x3a1: {  	[tilespmem:s16], [sflag:$0x4] =	stream.indirect.gather [hbm4b:s2+s10], $0x80, s31, s10, $0xb8;
	[tilespmem:$0x1EE80] =	vst v63  }
.LBB2_9:
0x3a2: {  	_ =	sfence.sel $0x180000  }
0x3a3: {  	[bflag:$0x0] =	sbarrier.arrive $0xFFFF  }
0x3a4: {  	p0 =	sne.s32 s0, $0x0;
	_ =	strace $0x90000047  }
0x3a5: {  	s0 =	sadd.s32 @!p0 $0x100000, s1;
	[bflag:$0x2] =	sbarrier.arrive $0xFFFF  }
0x3a6: {  	[sflag:s0] =	ssyncadd.tile.s32 @!p0 $0x1;
	_ =	shalt  }
.Lfunc_end2:
_tile_overlayer_lowered:
.L_overlay_start_2:
0x3a7: {  	(tag) =	ssettag $0x2  }
0x3a8: {  	s0 =	rddreg [dreg:$0x0];
	s2 =	stileid.u32  }
0x3a9: {  	s1 =	rddreg [dreg:$0x1];
	p0 =	sne.s32 s2, $0x0  }
0x3aa: {  	s3 =	rddreg [dreg:$0x2];
	[bflag:$0x3] =	sbarrier.arrive $0xFFFF;
	s2 =	simm.s32 @!p0 $0x1C05  }
0x3ab: {  	[timem:s3], [sflag:s2] =	dma.local @!p0 [hbm:s0], s1  }
0x3ac: {  	s0 =	simm.s32 @!p0 $0x5  }
0x3ad: {  	_ =	swait.ge @!p0 [sflag:s0], s1  }
0x3ae: {  	s1 =	ssub.s32 @!p0 $0x0, s1;
	[sflag:s0] =	ssyncset.done @!p0 $0x0  }
0x3af: {  	[sflag:s0] =	ssyncadd.s32 @!p0 s1  }
0x3b0: {  	[bflag:$0x3] =	sbarrier.arrive $0xFFFF  }
0x3b1: {  	_ =	shalt  }

</sc_bundles>
